<compile_context>
chip_gen: v7x
topology: tpu7x:2x2x1
jax: 0.10.2.dev20260603
libtpu: 0.0.44.dev20260713+nightly
codegen_flags: <defaults>
</compile_context>

<pallas_src>
import functools

import jax
import jax.numpy as jnp
from jax import lax
from jax.experimental import pallas as pl
from jax.experimental.pallas import tpu as pltpu
from jax.experimental.pallas import tpu_sc as plsc

_NUM_CORES = 2
_NUM_SUBCORES = 16
_NUM_WORKERS = _NUM_CORES * _NUM_SUBCORES
_LANES = 16


def _tc_matvec_body(tbl_ref, w_ref, b_ref, o_ref):
    r = jnp.dot(w_ref[...], tbl_ref[...], preferred_element_type=jnp.float32)
    o_ref[...] = r.reshape(o_ref.shape) + b_ref[0, 0]


def _tc_matvec(table, W, b, seq):
    vocab, emb = table.shape
    blkv = 32768
    grid = (vocab + blkv - 1) // blkv
    tT = table.T
    w_row = (W.astype(jnp.float32) / seq)
    b_scaled = jnp.reshape(b.astype(jnp.float32), (1, 1)) / seq
    return pl.pallas_call(
        _tc_matvec_body,
        grid=(grid,),
        in_specs=[
            pl.BlockSpec((emb, blkv), lambda i: (0, i)),
            pl.BlockSpec((1, emb), lambda i: (0, 0)),
            pl.BlockSpec(memory_space=pltpu.SMEM),
        ],
        out_specs=pl.BlockSpec((blkv,), lambda i: (i,)),
        out_shape=jax.ShapeDtypeStruct((vocab,), jnp.float32),
    )(tT, w_row, b_scaled)


def _sc_gather_sum(x, t):
    seq, batch = x.shape
    bpw = batch // _NUM_WORKERS
    rows = 4
    nch = seq // rows
    nidx = rows * bpw

    mesh = plsc.VectorSubcoreMesh(
        core_axis_name="c", subcore_axis_name="s",
        num_cores=_NUM_CORES, num_subcores=_NUM_SUBCORES,
    )

    @functools.partial(
        pl.kernel,
        out_type=jax.ShapeDtypeStruct((batch,), jnp.float32),
        mesh=mesh,
        scratch_types=[
            pltpu.VMEM((2, rows, bpw), jnp.int32),
            pltpu.VMEM((2, rows * bpw), jnp.float32),
            pltpu.VMEM((bpw,), jnp.float32),
            pltpu.SemaphoreType.DMA,
            pltpu.SemaphoreType.DMA,
            pltpu.SemaphoreType.DMA,
            pltpu.SemaphoreType.DMA,
        ],
    )
    def sc_kernel(x_hbm, t_hbm, out_hbm, idx_v, vals_v, acc_v,
                  sx0, sx1, sg0, sg1):
        wid = lax.axis_index("s") * _NUM_CORES + lax.axis_index("c")
        base = wid * bpw
        sx = (sx0, sx1)
        sg = (sg0, sg1)
        nacc = bpw // _LANES

        def fire_x(i, buf):
            pltpu.async_copy(
                x_hbm.at[pl.ds(i * rows, rows), pl.ds(base, bpw)],
                idx_v.at[buf], sx[buf])

        def wait_x(buf):
            pltpu.make_async_copy(
                x_hbm.at[pl.ds(0, rows), pl.ds(base, bpw)],
                idx_v.at[buf], sx[buf]).wait()

        def fire_g(buf):
            for r in range(rows):
                for k in range(bpw // 128):
                    pltpu.async_copy(
                        t_hbm.at[idx_v.at[buf, r, pl.ds(k * 128, 128)]],
                        vals_v.at[buf, pl.ds(r * bpw + k * 128, 128)],
                        sg[buf])

        def wait_g(buf):
            pltpu.make_async_copy(
                t_hbm.at[pl.ds(0, nidx)], vals_v.at[buf], sg[buf]).wait()

        def accumulate(buf):
            for l in range(nacc):
                v = acc_v[pl.ds(l * _LANES, _LANES)]
                for r in range(rows):
                    v = v + vals_v[buf, pl.ds(r * bpw + l * _LANES, _LANES)]
                acc_v[pl.ds(l * _LANES, _LANES)] = v

        zero = jnp.zeros((_LANES,), jnp.float32)
        for l in range(nacc):
            acc_v[pl.ds(l * _LANES, _LANES)] = zero

        fire_x(0, 0)
        wait_x(0)
        fire_g(0)
        if nch > 1:
            fire_x(1, 1)

        @pl.loop(0, nch // 2)
        def _pair(j):
            a = 2 * j
            wait_x(1)
            fire_g(1)
            wait_g(0)

            @pl.when(a + 2 < nch)
            def _pf_x0():
                fire_x(a + 2, 0)

            accumulate(0)

            @pl.when(a + 2 < nch)
            def _pf_g0():
                wait_x(0)
                fire_g(0)

            wait_g(1)

            @pl.when(a + 3 < nch)
            def _pf_x1():
                fire_x(a + 3, 1)

            accumulate(1)

        if nch % 2 == 1:
            wait_g(0)
            accumulate(0)

        pltpu.sync_copy(acc_v, out_hbm.at[pl.ds(base, bpw)])

    return sc_kernel(x, t)


def kernel(x, table, W, b):
    seq, _ = x.shape
    t = _tc_matvec(table, W, b, seq)
    return _sc_gather_sum(x, t)

# --- scband reference (transcript-rebuilt; emitter-appended) ---
"""Pipeline reference for scband-baseline-13194139533777 (READ-ONLY COPY).

The authoritative reference and input builder live on the scoring server;
editing this copy changes nothing except your own understanding.
"""

import jax, jax.numpy as jnp
import numpy as np

VOCAB = 1000000
EMB = 64
SEQ = 200
BATCH = 16384

def setup_inputs(seed: int = 0) -> dict:
    key = jax.random.key(seed)
    k1, k2, k3, k4 = jax.random.split(key, 4)
    x = jax.random.randint(k1, (SEQ, BATCH), 0, VOCAB, dtype=jnp.int64 if jax.config.jax_enable_x64 else jnp.int32).astype(jnp.int32)
    table = jax.random.normal(k2, (VOCAB, EMB), dtype=jnp.float32)
    # nn.Linear(EMB, 1): weight [1, EMB], bias [1]
    lim = 1.0 / np.sqrt(EMB)
    W = jax.random.uniform(k3, (1, EMB), dtype=jnp.float32, minval=-lim, maxval=lim)
    b = jax.random.uniform(k4, (1,), dtype=jnp.float32, minval=-lim, maxval=lim)
    return {"x": x, "table": table, "W": W, "b": b}

def reference(x, table, W, b):
    # x: int[SEQ, BATCH]
    emb = jnp.take(table, x, axis=0)                 # [SEQ, BATCH, EMB]
    pooled = jnp.mean(emb, axis=0, keepdims=True)    # [1, BATCH, EMB]
    out = pooled @ W.T + b                           # [1, BATCH, 1]
    return jnp.squeeze(out)                          # [BATCH]

if __name__ == "__main__":
    import jax
    _d = setup_inputs()
    print(jax.jit(kernel)(*tuple(_d.values())))

</pallas_src>

<mosaic_0001>
#map = affine_map<(d0, d1) -> (0, 0)>
#map1 = affine_map<(d0, d1) -> (0)>
module attributes {stable_mosaic.version = 14 : i64} {
  func.func @sc_kernel(%arg0: i32, %arg1: i32, %arg2: memref<200x16384xi32, #tpu.memory_space<hbm>>, %arg3: memref<1000000xf32, #tpu.memory_space<hbm>>, %arg4: memref<16384xf32, #tpu.memory_space<hbm>>, %arg5: memref<2x4x512xi32, #tpu.memory_space<vmem>>, %arg6: memref<2x2048xf32, #tpu.memory_space<vmem>>, %arg7: memref<512xf32, #tpu.memory_space<vmem>>, %arg8: memref<!tpu.dma_semaphore, #tpu.memory_space<semaphore_mem>>, %arg9: memref<!tpu.dma_semaphore, #tpu.memory_space<semaphore_mem>>, %arg10: memref<!tpu.dma_semaphore, #tpu.memory_space<semaphore_mem>>, %arg11: memref<!tpu.dma_semaphore, #tpu.memory_space<semaphore_mem>>) attributes {dimension_semantics = [#tpu.dimension_semantics<core_parallel>, #tpu.dimension_semantics<subcore_parallel>], iteration_bounds = array<i64: 2, 16>, scalar_prefetch = 0 : i64, scratch_operands = 7 : i64, tpu.core_type = #tpu.core_type<sc_vector_subcore>, window_params = [{transform_indices = #map}, {transform_indices = #map1}, {transform_indices = #map1}]} {
    %mul3A = arith.constant 2 : i32
    %mul3A_0 = arith.muli %arg1, %mul3A : i32
    %add3A = arith.addi %mul3A_0, %arg0 : i32
    %mul3A_1 = arith.constant 512 : i32
    %mul3A_2 = arith.muli %add3A, %mul3A_1 : i32
    %broadcast_in_dim3A = arith.constant 0.000000e+00 : f32
    %broadcast_in_dim3A_3 = vector.broadcast %broadcast_in_dim3A : f32 to vector<16xf32>
    %swap3A = arith.constant 0 : index
    %swap3A_4 = tpu.vector_load %arg7[%swap3A] {strides = array<i32>} : memref<512xf32, #tpu.memory_space<vmem>>, vector<16xf32>,
    %swap3A_5 = vector.shape_cast %swap3A_4 : vector<16xf32> to vector<16xf32>
    %swap3A_6 = vector.shape_cast %broadcast_in_dim3A_3 : vector<16xf32> to vector<16xf32>
    tpu.vector_store %arg7[%swap3A], %swap3A_6 {strides = array<i32>} : memref<512xf32, #tpu.memory_space<vmem>>, vector<16xf32>,
    %swap3A_7 = arith.constant 16 : index
    %swap3A_8 = tpu.vector_load %arg7[%swap3A_7] {strides = array<i32>} : memref<512xf32, #tpu.memory_space<vmem>>, vector<16xf32>,
    %swap3A_9 = vector.shape_cast %swap3A_8 : vector<16xf32> to vector<16xf32>
    %swap3A_10 = vector.shape_cast %broadcast_in_dim3A_3 : vector<16xf32> to vector<16xf32>
    tpu.vector_store %arg7[%swap3A_7], %swap3A_10 {strides = array<i32>} : memref<512xf32, #tpu.memory_space<vmem>>, vector<16xf32>,
    %swap3A_11 = arith.constant 32 : index
    %swap3A_12 = tpu.vector_load %arg7[%swap3A_11] {strides = array<i32>} : memref<512xf32, #tpu.memory_space<vmem>>, vector<16xf32>,
    %swap3A_13 = vector.shape_cast %swap3A_12 : vector<16xf32> to vector<16xf32>
    %swap3A_14 = vector.shape_cast %broadcast_in_dim3A_3 : vector<16xf32> to vector<16xf32>
    tpu.vector_store %arg7[%swap3A_11], %swap3A_14 {strides = array<i32>} : memref<512xf32, #tpu.memory_space<vmem>>, vector<16xf32>,
    %swap3A_15 = arith.constant 48 : index
    %swap3A_16 = tpu.vector_load %arg7[%swap3A_15] {strides = array<i32>} : memref<512xf32, #tpu.memory_space<vmem>>, vector<16xf32>,
    %swap3A_17 = vector.shape_cast %swap3A_16 : vector<16xf32> to vector<16xf32>
    %swap3A_18 = vector.shape_cast %broadcast_in_dim3A_3 : vector<16xf32> to vector<16xf32>
    tpu.vector_store %arg7[%swap3A_15], %swap3A_18 {strides = array<i32>} : memref<512xf32, #tpu.memory_space<vmem>>, vector<16xf32>,
    %swap3A_19 = arith.constant 64 : index
    %swap3A_20 = tpu.vector_load %arg7[%swap3A_19] {strides = array<i32>} : memref<512xf32, #tpu.memory_space<vmem>>, vector<16xf32>,
    %swap3A_21 = vector.shape_cast %swap3A_20 : vector<16xf32> to vector<16xf32>
    %swap3A_22 = vector.shape_cast %broadcast_in_dim3A_3 : vector<16xf32> to vector<16xf32>
    tpu.vector_store %arg7[%swap3A_19], %swap3A_22 {strides = array<i32>} : memref<512xf32, #tpu.memory_space<vmem>>, vector<16xf32>,
    %swap3A_23 = arith.constant 80 : index
    %swap3A_24 = tpu.vector_load %arg7[%swap3A_23] {strides = array<i32>} : memref<512xf32, #tpu.memory_space<vmem>>, vector<16xf32>,
    %swap3A_25 = vector.shape_cast %swap3A_24 : vector<16xf32> to vector<16xf32>
    %swap3A_26 = vector.shape_cast %broadcast_in_dim3A_3 : vector<16xf32> to vector<16xf32>
    tpu.vector_store %arg7[%swap3A_23], %swap3A_26 {strides = array<i32>} : memref<512xf32, #tpu.memory_space<vmem>>, vector<16xf32>,
    %swap3A_27 = arith.constant 96 : index
    %swap3A_28 = tpu.vector_load %arg7[%swap3A_27] {strides = array<i32>} : memref<512xf32, #tpu.memory_space<vmem>>, vector<16xf32>,
    %swap3A_29 = vector.shape_cast %swap3A_28 : vector<16xf32> to vector<16xf32>
    %swap3A_30 = vector.shape_cast %broadcast_in_dim3A_3 : vector<16xf32> to vector<16xf32>
    tpu.vector_store %arg7[%swap3A_27], %swap3A_30 {strides = array<i32>} : memref<512xf32, #tpu.memory_space<vmem>>, vector<16xf32>,
    %swap3A_31 = arith.constant 112 : index
    %swap3A_32 = tpu.vector_load %arg7[%swap3A_31] {strides = array<i32>} : memref<512xf32, #tpu.memory_space<vmem>>, vector<16xf32>,
    %swap3A_33 = vector.shape_cast %swap3A_32 : vector<16xf32> to vector<16xf32>
    %swap3A_34 = vector.shape_cast %broadcast_in_dim3A_3 : vector<16xf32> to vector<16xf32>
    tpu.vector_store %arg7[%swap3A_31], %swap3A_34 {strides = array<i32>} : memref<512xf32, #tpu.memory_space<vmem>>, vector<16xf32>,
    %swap3A_35 = arith.constant 128 : index
    %swap3A_36 = tpu.vector_load %arg7[%swap3A_35] {strides = array<i32>} : memref<512xf32, #tpu.memory_space<vmem>>, vector<16xf32>,
    %swap3A_37 = vector.shape_cast %swap3A_36 : vector<16xf32> to vector<16xf32>
    %swap3A_38 = vector.shape_cast %broadcast_in_dim3A_3 : vector<16xf32> to vector<16xf32>
    tpu.vector_store %arg7[%swap3A_35], %swap3A_38 {strides = array<i32>} : memref<512xf32, #tpu.memory_space<vmem>>, vector<16xf32>,
    %swap3A_39 = arith.constant 144 : index
    %swap3A_40 = tpu.vector_load %arg7[%swap3A_39] {strides = array<i32>} : memref<512xf32, #tpu.memory_space<vmem>>, vector<16xf32>,
    %swap3A_41 = vector.shape_cast %swap3A_40 : vector<16xf32> to vector<16xf32>
    %swap3A_42 = vector.shape_cast %broadcast_in_dim3A_3 : vector<16xf32> to vector<16xf32>
    tpu.vector_store %arg7[%swap3A_39], %swap3A_42 {strides = array<i32>} : memref<512xf32, #tpu.memory_space<vmem>>, vector<16xf32>,
    %swap3A_43 = arith.constant 160 : index
    %swap3A_44 = tpu.vector_load %arg7[%swap3A_43] {strides = array<i32>} : memref<512xf32, #tpu.memory_space<vmem>>, vector<16xf32>,
    %swap3A_45 = vector.shape_cast %swap3A_44 : vector<16xf32> to vector<16xf32>
    %swap3A_46 = vector.shape_cast %broadcast_in_dim3A_3 : vector<16xf32> to vector<16xf32>
    tpu.vector_store %arg7[%swap3A_43], %swap3A_46 {strides = array<i32>} : memref<512xf32, #tpu.memory_space<vmem>>, vector<16xf32>,
    %swap3A_47 = arith.constant 176 : index
    %swap3A_48 = tpu.vector_load %arg7[%swap3A_47] {strides = array<i32>} : memref<512xf32, #tpu.memory_space<vmem>>, vector<16xf32>,
    %swap3A_49 = vector.shape_cast %swap3A_48 : vector<16xf32> to vector<16xf32>
    %swap3A_50 = vector.shape_cast %broadcast_in_dim3A_3 : vector<16xf32> to vector<16xf32>
    tpu.vector_store %arg7[%swap3A_47], %swap3A_50 {strides = array<i32>} : memref<512xf32, #tpu.memory_space<vmem>>, vector<16xf32>,
    %swap3A_51 = arith.constant 192 : index
    %swap3A_52 = tpu.vector_load %arg7[%swap3A_51] {strides = array<i32>} : memref<512xf32, #tpu.memory_space<vmem>>, vector<16xf32>,
    %swap3A_53 = vector.shape_cast %swap3A_52 : vector<16xf32> to vector<16xf32>
    %swap3A_54 = vector.shape_cast %broadcast_in_dim3A_3 : vector<16xf32> to vector<16xf32>
    tpu.vector_store %arg7[%swap3A_51], %swap3A_54 {strides = array<i32>} : memref<512xf32, #tpu.memory_space<vmem>>, vector<16xf32>,
    %swap3A_55 = arith.constant 208 : index
    %swap3A_56 = tpu.vector_load %arg7[%swap3A_55] {strides = array<i32>} : memref<512xf32, #tpu.memory_space<vmem>>, vector<16xf32>,
    %swap3A_57 = vector.shape_cast %swap3A_56 : vector<16xf32> to vector<16xf32>
    %swap3A_58 = vector.shape_cast %broadcast_in_dim3A_3 : vector<16xf32> to vector<16xf32>
    tpu.vector_store %arg7[%swap3A_55], %swap3A_58 {strides = array<i32>} : memref<512xf32, #tpu.memory_space<vmem>>, vector<16xf32>,
    %swap3A_59 = arith.constant 224 : index
    %swap3A_60 = tpu.vector_load %arg7[%swap3A_59] {strides = array<i32>} : memref<512xf32, #tpu.memory_space<vmem>>, vector<16xf32>,
    %swap3A_61 = vector.shape_cast %swap3A_60 : vector<16xf32> to vector<16xf32>
    %swap3A_62 = vector.shape_cast %broadcast_in_dim3A_3 : vector<16xf32> to vector<16xf32>
    tpu.vector_store %arg7[%swap3A_59], %swap3A_62 {strides = array<i32>} : memref<512xf32, #tpu.memory_space<vmem>>, vector<16xf32>,
    %swap3A_63 = arith.constant 240 : index
    %swap3A_64 = tpu.vector_load %arg7[%swap3A_63] {strides = array<i32>} : memref<512xf32, #tpu.memory_space<vmem>>, vector<16xf32>,
    %swap3A_65 = vector.shape_cast %swap3A_64 : vector<16xf32> to vector<16xf32>
    %swap3A_66 = vector.shape_cast %broadcast_in_dim3A_3 : vector<16xf32> to vector<16xf32>
    tpu.vector_store %arg7[%swap3A_63], %swap3A_66 {strides = array<i32>} : memref<512xf32, #tpu.memory_space<vmem>>, vector<16xf32>,
    %swap3A_67 = arith.constant 256 : index
    %swap3A_68 = tpu.vector_load %arg7[%swap3A_67] {strides = array<i32>} : memref<512xf32, #tpu.memory_space<vmem>>, vector<16xf32>,
    %swap3A_69 = vector.shape_cast %swap3A_68 : vector<16xf32> to vector<16xf32>
    %swap3A_70 = vector.shape_cast %broadcast_in_dim3A_3 : vector<16xf32> to vector<16xf32>
    tpu.vector_store %arg7[%swap3A_67], %swap3A_70 {strides = array<i32>} : memref<512xf32, #tpu.memory_space<vmem>>, vector<16xf32>,
    %swap3A_71 = arith.constant 272 : index
    %swap3A_72 = tpu.vector_load %arg7[%swap3A_71] {strides = array<i32>} : memref<512xf32, #tpu.memory_space<vmem>>, vector<16xf32>,
    %swap3A_73 = vector.shape_cast %swap3A_72 : vector<16xf32> to vector<16xf32>
    %swap3A_74 = vector.shape_cast %broadcast_in_dim3A_3 : vector<16xf32> to vector<16xf32>
    tpu.vector_store %arg7[%swap3A_71], %swap3A_74 {strides = array<i32>} : memref<512xf32, #tpu.memory_space<vmem>>, vector<16xf32>,
    %swap3A_75 = arith.constant 288 : index
    %swap3A_76 = tpu.vector_load %arg7[%swap3A_75] {strides = array<i32>} : memref<512xf32, #tpu.memory_space<vmem>>, vector<16xf32>,
    %swap3A_77 = vector.shape_cast %swap3A_76 : vector<16xf32> to vector<16xf32>
    %swap3A_78 = vector.shape_cast %broadcast_in_dim3A_3 : vector<16xf32> to vector<16xf32>
    tpu.vector_store %arg7[%swap3A_75], %swap3A_78 {strides = array<i32>} : memref<512xf32, #tpu.memory_space<vmem>>, vector<16xf32>,
    %swap3A_79 = arith.constant 304 : index
    %swap3A_80 = tpu.vector_load %arg7[%swap3A_79] {strides = array<i32>} : memref<512xf32, #tpu.memory_space<vmem>>, vector<16xf32>,
    %swap3A_81 = vector.shape_cast %swap3A_80 : vector<16xf32> to vector<16xf32>
    %swap3A_82 = vector.shape_cast %broadcast_in_dim3A_3 : vector<16xf32> to vector<16xf32>
    tpu.vector_store %arg7[%swap3A_79], %swap3A_82 {strides = array<i32>} : memref<512xf32, #tpu.memory_space<vmem>>, vector<16xf32>,
    %swap3A_83 = arith.constant 320 : index
    %swap3A_84 = tpu.vector_load %arg7[%swap3A_83] {strides = array<i32>} : memref<512xf32, #tpu.memory_space<vmem>>, vector<16xf32>,
    %swap3A_85 = vector.shape_cast %swap3A_84 : vector<16xf32> to vector<16xf32>
    %swap3A_86 = vector.shape_cast %broadcast_in_dim3A_3 : vector<16xf32> to vector<16xf32>
    tpu.vector_store %arg7[%swap3A_83], %swap3A_86 {strides = array<i32>} : memref<512xf32, #tpu.memory_space<vmem>>, vector<16xf32>,
    %swap3A_87 = arith.constant 336 : index
    %swap3A_88 = tpu.vector_load %arg7[%swap3A_87] {strides = array<i32>} : memref<512xf32, #tpu.memory_space<vmem>>, vector<16xf32>,
    %swap3A_89 = vector.shape_cast %swap3A_88 : vector<16xf32> to vector<16xf32>
    %swap3A_90 = vector.shape_cast %broadcast_in_dim3A_3 : vector<16xf32> to vector<16xf32>
    tpu.vector_store %arg7[%swap3A_87], %swap3A_90 {strides = array<i32>} : memref<512xf32, #tpu.memory_space<vmem>>, vector<16xf32>,
    %swap3A_91 = arith.constant 352 : index
    %swap3A_92 = tpu.vector_load %arg7[%swap3A_91] {strides = array<i32>} : memref<512xf32, #tpu.memory_space<vmem>>, vector<16xf32>,
    %swap3A_93 = vector.shape_cast %swap3A_92 : vector<16xf32> to vector<16xf32>
    %swap3A_94 = vector.shape_cast %broadcast_in_dim3A_3 : vector<16xf32> to vector<16xf32>
    tpu.vector_store %arg7[%swap3A_91], %swap3A_94 {strides = array<i32>} : memref<512xf32, #tpu.memory_space<vmem>>, vector<16xf32>,
    %swap3A_95 = arith.constant 368 : index
    %swap3A_96 = tpu.vector_load %arg7[%swap3A_95] {strides = array<i32>} : memref<512xf32, #tpu.memory_space<vmem>>, vector<16xf32>,
    %swap3A_97 = vector.shape_cast %swap3A_96 : vector<16xf32> to vector<16xf32>
    %swap3A_98 = vector.shape_cast %broadcast_in_dim3A_3 : vector<16xf32> to vector<16xf32>
    tpu.vector_store %arg7[%swap3A_95], %swap3A_98 {strides = array<i32>} : memref<512xf32, #tpu.memory_space<vmem>>, vector<16xf32>,
    %swap3A_99 = arith.constant 384 : index
    %swap3A_100 = tpu.vector_load %arg7[%swap3A_99] {strides = array<i32>} : memref<512xf32, #tpu.memory_space<vmem>>, vector<16xf32>,
    %swap3A_101 = vector.shape_cast %swap3A_100 : vector<16xf32> to vector<16xf32>
    %swap3A_102 = vector.shape_cast %broadcast_in_dim3A_3 : vector<16xf32> to vector<16xf32>
    tpu.vector_store %arg7[%swap3A_99], %swap3A_102 {strides = array<i32>} : memref<512xf32, #tpu.memory_space<vmem>>, vector<16xf32>,
    %swap3A_103 = arith.constant 400 : index
    %swap3A_104 = tpu.vector_load %arg7[%swap3A_103] {strides = array<i32>} : memref<512xf32, #tpu.memory_space<vmem>>, vector<16xf32>,
    %swap3A_105 = vector.shape_cast %swap3A_104 : vector<16xf32> to vector<16xf32>
    %swap3A_106 = vector.shape_cast %broadcast_in_dim3A_3 : vector<16xf32> to vector<16xf32>
    tpu.vector_store %arg7[%swap3A_103], %swap3A_106 {strides = array<i32>} : memref<512xf32, #tpu.memory_space<vmem>>, vector<16xf32>,
    %swap3A_107 = arith.constant 416 : index
    %swap3A_108 = tpu.vector_load %arg7[%swap3A_107] {strides = array<i32>} : memref<512xf32, #tpu.memory_space<vmem>>, vector<16xf32>,
    %swap3A_109 = vector.shape_cast %swap3A_108 : vector<16xf32> to vector<16xf32>
    %swap3A_110 = vector.shape_cast %broadcast_in_dim3A_3 : vector<16xf32> to vector<16xf32>
    tpu.vector_store %arg7[%swap3A_107], %swap3A_110 {strides = array<i32>} : memref<512xf32, #tpu.memory_space<vmem>>, vector<16xf32>,
    %swap3A_111 = arith.constant 432 : index
    %swap3A_112 = tpu.vector_load %arg7[%swap3A_111] {strides = array<i32>} : memref<512xf32, #tpu.memory_space<vmem>>, vector<16xf32>,
    %swap3A_113 = vector.shape_cast %swap3A_112 : vector<16xf32> to vector<16xf32>
    %swap3A_114 = vector.shape_cast %broadcast_in_dim3A_3 : vector<16xf32> to vector<16xf32>
    tpu.vector_store %arg7[%swap3A_111], %swap3A_114 {strides = array<i32>} : memref<512xf32, #tpu.memory_space<vmem>>, vector<16xf32>,
    %swap3A_115 = arith.constant 448 : index
    %swap3A_116 = tpu.vector_load %arg7[%swap3A_115] {strides = array<i32>} : memref<512xf32, #tpu.memory_space<vmem>>, vector<16xf32>,
    %swap3A_117 = vector.shape_cast %swap3A_116 : vector<16xf32> to vector<16xf32>
    %swap3A_118 = vector.shape_cast %broadcast_in_dim3A_3 : vector<16xf32> to vector<16xf32>
    tpu.vector_store %arg7[%swap3A_115], %swap3A_118 {strides = array<i32>} : memref<512xf32, #tpu.memory_space<vmem>>, vector<16xf32>,
    %swap3A_119 = arith.constant 464 : index
    %swap3A_120 = tpu.vector_load %arg7[%swap3A_119] {strides = array<i32>} : memref<512xf32, #tpu.memory_space<vmem>>, vector<16xf32>,
    %swap3A_121 = vector.shape_cast %swap3A_120 : vector<16xf32> to vector<16xf32>
    %swap3A_122 = vector.shape_cast %broadcast_in_dim3A_3 : vector<16xf32> to vector<16xf32>
    tpu.vector_store %arg7[%swap3A_119], %swap3A_122 {strides = array<i32>} : memref<512xf32, #tpu.memory_space<vmem>>, vector<16xf32>,
    %swap3A_123 = arith.constant 480 : index
    %swap3A_124 = tpu.vector_load %arg7[%swap3A_123] {strides = array<i32>} : memref<512xf32, #tpu.memory_space<vmem>>, vector<16xf32>,
    %swap3A_125 = vector.shape_cast %swap3A_124 : vector<16xf32> to vector<16xf32>
    %swap3A_126 = vector.shape_cast %broadcast_in_dim3A_3 : vector<16xf32> to vector<16xf32>
    tpu.vector_store %arg7[%swap3A_123], %swap3A_126 {strides = array<i32>} : memref<512xf32, #tpu.memory_space<vmem>>, vector<16xf32>,
    %swap3A_127 = arith.constant 496 : index
    %swap3A_128 = tpu.vector_load %arg7[%swap3A_127] {strides = array<i32>} : memref<512xf32, #tpu.memory_space<vmem>>, vector<16xf32>,
    %swap3A_129 = vector.shape_cast %swap3A_128 : vector<16xf32> to vector<16xf32>
    %swap3A_130 = vector.shape_cast %broadcast_in_dim3A_3 : vector<16xf32> to vector<16xf32>
    tpu.vector_store %arg7[%swap3A_127], %swap3A_130 {strides = array<i32>} : memref<512xf32, #tpu.memory_space<vmem>>, vector<16xf32>,
    %dma_start3A = arith.constant 0 : i32
    %dma_start3A_131 = arith.constant 0 : i32
    %dma_start3A_132 = arith.constant 0 : i32
    %dma_start3A_133 = tpu.memref_slice %arg5[%dma_start3A, %dma_start3A_131, %dma_start3A_132] : memref<2x4x512xi32, #tpu.memory_space<vmem>> -> memref<1x4x512xi32, #tpu.memory_space<vmem>>
    %dma_start3A_134 = tpu.memref_squeeze %dma_start3A_133 : memref<1x4x512xi32, #tpu.memory_space<vmem>> -> memref<4x512xi32, #tpu.memory_space<vmem>>
    %dma_start3A_135 = arith.constant 0 : i32
    %dma_start3A_136 = tpu.memref_slice %arg2[%dma_start3A_135, %mul3A_2] : memref<200x16384xi32, #tpu.memory_space<hbm>> -> memref<4x512xi32, #tpu.memory_space<hbm>>
    %dma_start3A_137 = arith.constant 0 : i32
    %dma_start3A_138 = arith.constant 0 : i32
    %dma_start3A_139 = tpu.memref_slice %arg5[%dma_start3A, %dma_start3A_137, %dma_start3A_138] : memref<2x4x512xi32, #tpu.memory_space<vmem>> -> memref<1x4x512xi32, #tpu.memory_space<vmem>>
    %dma_start3A_140 = tpu.memref_squeeze %dma_start3A_139 : memref<1x4x512xi32, #tpu.memory_space<vmem>> -> memref<4x512xi32, #tpu.memory_space<vmem>>
    %dma_start3A_141 = arith.constant 0 : i32
    %dma_start3A_142 = tpu.memref_slice %arg2[%dma_start3A_141, %mul3A_2] : memref<200x16384xi32, #tpu.memory_space<hbm>> -> memref<4x512xi32, #tpu.memory_space<hbm>>
    tpu.enqueue_dma source(%dma_start3A_142 : memref<4x512xi32, #tpu.memory_space<hbm>>) target(%dma_start3A_140 : memref<4x512xi32, #tpu.memory_space<vmem>>) target_semaphore(%arg8 : memref<!tpu.dma_semaphore, #tpu.memory_space<semaphore_mem>>)
    %dma_wait3A = arith.constant 0 : i32
    %dma_wait3A_143 = arith.constant 0 : i32
    %dma_wait3A_144 = arith.constant 0 : i32
    %dma_wait3A_145 = tpu.memref_slice %arg5[%dma_wait3A, %dma_wait3A_143, %dma_wait3A_144] : memref<2x4x512xi32, #tpu.memory_space<vmem>> -> memref<1x4x512xi32, #tpu.memory_space<vmem>>
    %dma_wait3A_146 = tpu.memref_squeeze %dma_wait3A_145 : memref<1x4x512xi32, #tpu.memory_space<vmem>> -> memref<4x512xi32, #tpu.memory_space<vmem>>
    %dma_wait3A_147 = arith.constant 0 : i32
    %dma_wait3A_148 = tpu.memref_slice %arg2[%dma_wait3A_147, %mul3A_2] : memref<200x16384xi32, #tpu.memory_space<hbm>> -> memref<4x512xi32, #tpu.memory_space<hbm>>
    %dma_wait3A_149 = arith.constant 0 : i32
    %dma_wait3A_150 = arith.constant 0 : i32
    %dma_wait3A_151 = tpu.memref_slice %arg5[%dma_wait3A, %dma_wait3A_149, %dma_wait3A_150] : memref<2x4x512xi32, #tpu.memory_space<vmem>> -> memref<1x4x512xi32, #tpu.memory_space<vmem>>
    %dma_wait3A_152 = tpu.memref_squeeze %dma_wait3A_151 : memref<1x4x512xi32, #tpu.memory_space<vmem>> -> memref<4x512xi32, #tpu.memory_space<vmem>>
    %dma_wait3A_153 = arith.constant 0 : i32
    %dma_wait3A_154 = tpu.memref_slice %arg2[%dma_wait3A_153, %mul3A_2] : memref<200x16384xi32, #tpu.memory_space<hbm>> -> memref<4x512xi32, #tpu.memory_space<hbm>>
    tpu.wait_dma2 semaphore(%arg8 : memref<!tpu.dma_semaphore, #tpu.memory_space<semaphore_mem>>) src(%dma_wait3A_154 : memref<4x512xi32, #tpu.memory_space<hbm>>) dst(%dma_wait3A_152 : memref<4x512xi32, #tpu.memory_space<vmem>>)
    %dma_start3A_155 = arith.constant 0 : i32
    %dma_start3A_156 = arith.constant 0 : i32
    %dma_start3A_157 = arith.constant 0 : i32
    %dma_start3A_158 = arith.constant 0 : i32
    %dma_start3A_159 = tpu.memref_slice %arg6[%dma_start3A_157, %dma_start3A_158] : memref<2x2048xf32, #tpu.memory_space<vmem>> -> memref<1x128xf32, #tpu.memory_space<vmem>>
    %dma_start3A_160 = tpu.memref_squeeze %dma_start3A_159 : memref<1x128xf32, #tpu.memory_space<vmem>> -> memref<128xf32, #tpu.memory_space<vmem>>
    %dma_start3A_161 = arith.constant 0 : i32
    %dma_start3A_162 = tpu.memref_slice %arg5[%dma_start3A_155, %dma_start3A_156, %dma_start3A_161] : memref<2x4x512xi32, #tpu.memory_space<vmem>> -> memref<1x1x128xi32, #tpu.memory_space<vmem>>
    %dma_start3A_163 = tpu.memref_squeeze %dma_start3A_162 : memref<1x1x128xi32, #tpu.memory_space<vmem>> -> memref<128xi32, #tpu.memory_space<vmem>>
    %dma_start3A_164 = arith.constant 0 : i32
    %dma_start3A_165 = tpu.memref_slice %arg3[%dma_start3A_164] : memref<1000000xf32, #tpu.memory_space<hbm>> -> memref<1000000xf32, #tpu.memory_space<hbm>>
    tpu.enqueue_indirect_dma source(%dma_start3A_165 : memref<1000000xf32, #tpu.memory_space<hbm>>) target(%dma_start3A_160 : memref<128xf32, #tpu.memory_space<vmem>>) offsets(%dma_start3A_163 : memref<128xi32, #tpu.memory_space<vmem>>) semaphore(%arg10 : memref<!tpu.dma_semaphore, #tpu.memory_space<semaphore_mem>>)
    %dma_start3A_166 = arith.constant 0 : i32
    %dma_start3A_167 = arith.constant 0 : i32
    %dma_start3A_168 = arith.constant 0 : i32
    %dma_start3A_169 = arith.constant 128 : i32
    %dma_start3A_170 = tpu.memref_slice %arg6[%dma_start3A_168, %dma_start3A_169] : memref<2x2048xf32, #tpu.memory_space<vmem>> -> memref<1x128xf32, #tpu.memory_space<vmem>>
    %dma_start3A_171 = tpu.memref_squeeze %dma_start3A_170 : memref<1x128xf32, #tpu.memory_space<vmem>> -> memref<128xf32, #tpu.memory_space<vmem>>
    %dma_start3A_172 = arith.constant 128 : i32
    %dma_start3A_173 = tpu.memref_slice %arg5[%dma_start3A_166, %dma_start3A_167, %dma_start3A_172] : memref<2x4x512xi32, #tpu.memory_space<vmem>> -> memref<1x1x128xi32, #tpu.memory_space<vmem>>
    %dma_start3A_174 = tpu.memref_squeeze %dma_start3A_173 : memref<1x1x128xi32, #tpu.memory_space<vmem>> -> memref<128xi32, #tpu.memory_space<vmem>>
    %dma_start3A_175 = arith.constant 0 : i32
    %dma_start3A_176 = tpu.memref_slice %arg3[%dma_start3A_175] : memref<1000000xf32, #tpu.memory_space<hbm>> -> memref<1000000xf32, #tpu.memory_space<hbm>>
    tpu.enqueue_indirect_dma source(%dma_start3A_176 : memref<1000000xf32, #tpu.memory_space<hbm>>) target(%dma_start3A_171 : memref<128xf32, #tpu.memory_space<vmem>>) offsets(%dma_start3A_174 : memref<128xi32, #tpu.memory_space<vmem>>) semaphore(%arg10 : memref<!tpu.dma_semaphore, #tpu.memory_space<semaphore_mem>>)
    %dma_start3A_177 = arith.constant 0 : i32
    %dma_start3A_178 = arith.constant 0 : i32
    %dma_start3A_179 = arith.constant 0 : i32
    %dma_start3A_180 = arith.constant 256 : i32
    %dma_start3A_181 = tpu.memref_slice %arg6[%dma_start3A_179, %dma_start3A_180] : memref<2x2048xf32, #tpu.memory_space<vmem>> -> memref<1x128xf32, #tpu.memory_space<vmem>>
    %dma_start3A_182 = tpu.memref_squeeze %dma_start3A_181 : memref<1x128xf32, #tpu.memory_space<vmem>> -> memref<128xf32, #tpu.memory_space<vmem>>
    %dma_start3A_183 = arith.constant 256 : i32
    %dma_start3A_184 = tpu.memref_slice %arg5[%dma_start3A_177, %dma_start3A_178, %dma_start3A_183] : memref<2x4x512xi32, #tpu.memory_space<vmem>> -> memref<1x1x128xi32, #tpu.memory_space<vmem>>
    %dma_start3A_185 = tpu.memref_squeeze %dma_start3A_184 : memref<1x1x128xi32, #tpu.memory_space<vmem>> -> memref<128xi32, #tpu.memory_space<vmem>>
    %dma_start3A_186 = arith.constant 0 : i32
    %dma_start3A_187 = tpu.memref_slice %arg3[%dma_start3A_186] : memref<1000000xf32, #tpu.memory_space<hbm>> -> memref<1000000xf32, #tpu.memory_space<hbm>>
    tpu.enqueue_indirect_dma source(%dma_start3A_187 : memref<1000000xf32, #tpu.memory_space<hbm>>) target(%dma_start3A_182 : memref<128xf32, #tpu.memory_space<vmem>>) offsets(%dma_start3A_185 : memref<128xi32, #tpu.memory_space<vmem>>) semaphore(%arg10 : memref<!tpu.dma_semaphore, #tpu.memory_space<semaphore_mem>>)
    %dma_start3A_188 = arith.constant 0 : i32
    %dma_start3A_189 = arith.constant 0 : i32
    %dma_start3A_190 = arith.constant 0 : i32
    %dma_start3A_191 = arith.constant 384 : i32
    %dma_start3A_192 = tpu.memref_slice %arg6[%dma_start3A_190, %dma_start3A_191] : memref<2x2048xf32, #tpu.memory_space<vmem>> -> memref<1x128xf32, #tpu.memory_space<vmem>>
    %dma_start3A_193 = tpu.memref_squeeze %dma_start3A_192 : memref<1x128xf32, #tpu.memory_space<vmem>> -> memref<128xf32, #tpu.memory_space<vmem>>
    %dma_start3A_194 = arith.constant 384 : i32
    %dma_start3A_195 = tpu.memref_slice %arg5[%dma_start3A_188, %dma_start3A_189, %dma_start3A_194] : memref<2x4x512xi32, #tpu.memory_space<vmem>> -> memref<1x1x128xi32, #tpu.memory_space<vmem>>
    %dma_start3A_196 = tpu.memref_squeeze %dma_start3A_195 : memref<1x1x128xi32, #tpu.memory_space<vmem>> -> memref<128xi32, #tpu.memory_space<vmem>>
    %dma_start3A_197 = arith.constant 0 : i32
    %dma_start3A_198 = tpu.memref_slice %arg3[%dma_start3A_197] : memref<1000000xf32, #tpu.memory_space<hbm>> -> memref<1000000xf32, #tpu.memory_space<hbm>>
    tpu.enqueue_indirect_dma source(%dma_start3A_198 : memref<1000000xf32, #tpu.memory_space<hbm>>) target(%dma_start3A_193 : memref<128xf32, #tpu.memory_space<vmem>>) offsets(%dma_start3A_196 : memref<128xi32, #tpu.memory_space<vmem>>) semaphore(%arg10 : memref<!tpu.dma_semaphore, #tpu.memory_space<semaphore_mem>>)
    %dma_start3A_199 = arith.constant 0 : i32
    %dma_start3A_200 = arith.constant 1 : i32
    %dma_start3A_201 = arith.constant 0 : i32
    %dma_start3A_202 = arith.constant 512 : i32
    %dma_start3A_203 = tpu.memref_slice %arg6[%dma_start3A_201, %dma_start3A_202] : memref<2x2048xf32, #tpu.memory_space<vmem>> -> memref<1x128xf32, #tpu.memory_space<vmem>>
    %dma_start3A_204 = tpu.memref_squeeze %dma_start3A_203 : memref<1x128xf32, #tpu.memory_space<vmem>> -> memref<128xf32, #tpu.memory_space<vmem>>
    %dma_start3A_205 = arith.constant 0 : i32
    %dma_start3A_206 = tpu.memref_slice %arg5[%dma_start3A_199, %dma_start3A_200, %dma_start3A_205] : memref<2x4x512xi32, #tpu.memory_space<vmem>> -> memref<1x1x128xi32, #tpu.memory_space<vmem>>
    %dma_start3A_207 = tpu.memref_squeeze %dma_start3A_206 : memref<1x1x128xi32, #tpu.memory_space<vmem>> -> memref<128xi32, #tpu.memory_space<vmem>>
    %dma_start3A_208 = arith.constant 0 : i32
    %dma_start3A_209 = tpu.memref_slice %arg3[%dma_start3A_208] : memref<1000000xf32, #tpu.memory_space<hbm>> -> memref<1000000xf32, #tpu.memory_space<hbm>>
    tpu.enqueue_indirect_dma source(%dma_start3A_209 : memref<1000000xf32, #tpu.memory_space<hbm>>) target(%dma_start3A_204 : memref<128xf32, #tpu.memory_space<vmem>>) offsets(%dma_start3A_207 : memref<128xi32, #tpu.memory_space<vmem>>) semaphore(%arg10 : memref<!tpu.dma_semaphore, #tpu.memory_space<semaphore_mem>>)
    %dma_start3A_210 = arith.constant 0 : i32
    %dma_start3A_211 = arith.constant 1 : i32
    %dma_start3A_212 = arith.constant 0 : i32
    %dma_start3A_213 = arith.constant 640 : i32
    %dma_start3A_214 = tpu.memref_slice %arg6[%dma_start3A_212, %dma_start3A_213] : memref<2x2048xf32, #tpu.memory_space<vmem>> -> memref<1x128xf32, #tpu.memory_space<vmem>>
    %dma_start3A_215 = tpu.memref_squeeze %dma_start3A_214 : memref<1x128xf32, #tpu.memory_space<vmem>> -> memref<128xf32, #tpu.memory_space<vmem>>
    %dma_start3A_216 = arith.constant 128 : i32
    %dma_start3A_217 = tpu.memref_slice %arg5[%dma_start3A_210, %dma_start3A_211, %dma_start3A_216] : memref<2x4x512xi32, #tpu.memory_space<vmem>> -> memref<1x1x128xi32, #tpu.memory_space<vmem>>
    %dma_start3A_218 = tpu.memref_squeeze %dma_start3A_217 : memref<1x1x128xi32, #tpu.memory_space<vmem>> -> memref<128xi32, #tpu.memory_space<vmem>>
    %dma_start3A_219 = arith.constant 0 : i32
    %dma_start3A_220 = tpu.memref_slice %arg3[%dma_start3A_219] : memref<1000000xf32, #tpu.memory_space<hbm>> -> memref<1000000xf32, #tpu.memory_space<hbm>>
    tpu.enqueue_indirect_dma source(%dma_start3A_220 : memref<1000000xf32, #tpu.memory_space<hbm>>) target(%dma_start3A_215 : memref<128xf32, #tpu.memory_space<vmem>>) offsets(%dma_start3A_218 : memref<128xi32, #tpu.memory_space<vmem>>) semaphore(%arg10 : memref<!tpu.dma_semaphore, #tpu.memory_space<semaphore_mem>>)
    %dma_start3A_221 = arith.constant 0 : i32
    %dma_start3A_222 = arith.constant 1 : i32
    %dma_start3A_223 = arith.constant 0 : i32
    %dma_start3A_224 = arith.constant 768 : i32
    %dma_start3A_225 = tpu.memref_slice %arg6[%dma_start3A_223, %dma_start3A_224] : memref<2x2048xf32, #tpu.memory_space<vmem>> -> memref<1x128xf32, #tpu.memory_space<vmem>>
    %dma_start3A_226 = tpu.memref_squeeze %dma_start3A_225 : memref<1x128xf32, #tpu.memory_space<vmem>> -> memref<128xf32, #tpu.memory_space<vmem>>
    %dma_start3A_227 = arith.constant 256 : i32
    %dma_start3A_228 = tpu.memref_slice %arg5[%dma_start3A_221, %dma_start3A_222, %dma_start3A_227] : memref<2x4x512xi32, #tpu.memory_space<vmem>> -> memref<1x1x128xi32, #tpu.memory_space<vmem>>
    %dma_start3A_229 = tpu.memref_squeeze %dma_start3A_228 : memref<1x1x128xi32, #tpu.memory_space<vmem>> -> memref<128xi32, #tpu.memory_space<vmem>>
    %dma_start3A_230 = arith.constant 0 : i32
    %dma_start3A_231 = tpu.memref_slice %arg3[%dma_start3A_230] : memref<1000000xf32, #tpu.memory_space<hbm>> -> memref<1000000xf32, #tpu.memory_space<hbm>>
    tpu.enqueue_indirect_dma source(%dma_start3A_231 : memref<1000000xf32, #tpu.memory_space<hbm>>) target(%dma_start3A_226 : memref<128xf32, #tpu.memory_space<vmem>>) offsets(%dma_start3A_229 : memref<128xi32, #tpu.memory_space<vmem>>) semaphore(%arg10 : memref<!tpu.dma_semaphore, #tpu.memory_space<semaphore_mem>>)
    %dma_start3A_232 = arith.constant 0 : i32
    %dma_start3A_233 = arith.constant 1 : i32
    %dma_start3A_234 = arith.constant 0 : i32
    %dma_start3A_235 = arith.constant 896 : i32
    %dma_start3A_236 = tpu.memref_slice %arg6[%dma_start3A_234, %dma_start3A_235] : memref<2x2048xf32, #tpu.memory_space<vmem>> -> memref<1x128xf32, #tpu.memory_space<vmem>>
    %dma_start3A_237 = tpu.memref_squeeze %dma_start3A_236 : memref<1x128xf32, #tpu.memory_space<vmem>> -> memref<128xf32, #tpu.memory_space<vmem>>
    %dma_start3A_238 = arith.constant 384 : i32
    %dma_start3A_239 = tpu.memref_slice %arg5[%dma_start3A_232, %dma_start3A_233, %dma_start3A_238] : memref<2x4x512xi32, #tpu.memory_space<vmem>> -> memref<1x1x128xi32, #tpu.memory_space<vmem>>
    %dma_start3A_240 = tpu.memref_squeeze %dma_start3A_239 : memref<1x1x128xi32, #tpu.memory_space<vmem>> -> memref<128xi32, #tpu.memory_space<vmem>>
    %dma_start3A_241 = arith.constant 0 : i32
    %dma_start3A_242 = tpu.memref_slice %arg3[%dma_start3A_241] : memref<1000000xf32, #tpu.memory_space<hbm>> -> memref<1000000xf32, #tpu.memory_space<hbm>>
    tpu.enqueue_indirect_dma source(%dma_start3A_242 : memref<1000000xf32, #tpu.memory_space<hbm>>) target(%dma_start3A_237 : memref<128xf32, #tpu.memory_space<vmem>>) offsets(%dma_start3A_240 : memref<128xi32, #tpu.memory_space<vmem>>) semaphore(%arg10 : memref<!tpu.dma_semaphore, #tpu.memory_space<semaphore_mem>>)
    %dma_start3A_243 = arith.constant 0 : i32
    %dma_start3A_244 = arith.constant 2 : i32
    %dma_start3A_245 = arith.constant 0 : i32
    %dma_start3A_246 = arith.constant 1024 : i32
    %dma_start3A_247 = tpu.memref_slice %arg6[%dma_start3A_245, %dma_start3A_246] : memref<2x2048xf32, #tpu.memory_space<vmem>> -> memref<1x128xf32, #tpu.memory_space<vmem>>
    %dma_start3A_248 = tpu.memref_squeeze %dma_start3A_247 : memref<1x128xf32, #tpu.memory_space<vmem>> -> memref<128xf32, #tpu.memory_space<vmem>>
    %dma_start3A_249 = arith.constant 0 : i32
    %dma_start3A_250 = tpu.memref_slice %arg5[%dma_start3A_243, %dma_start3A_244, %dma_start3A_249] : memref<2x4x512xi32, #tpu.memory_space<vmem>> -> memref<1x1x128xi32, #tpu.memory_space<vmem>>
    %dma_start3A_251 = tpu.memref_squeeze %dma_start3A_250 : memref<1x1x128xi32, #tpu.memory_space<vmem>> -> memref<128xi32, #tpu.memory_space<vmem>>
    %dma_start3A_252 = arith.constant 0 : i32
    %dma_start3A_253 = tpu.memref_slice %arg3[%dma_start3A_252] : memref<1000000xf32, #tpu.memory_space<hbm>> -> memref<1000000xf32, #tpu.memory_space<hbm>>
    tpu.enqueue_indirect_dma source(%dma_start3A_253 : memref<1000000xf32, #tpu.memory_space<hbm>>) target(%dma_start3A_248 : memref<128xf32, #tpu.memory_space<vmem>>) offsets(%dma_start3A_251 : memref<128xi32, #tpu.memory_space<vmem>>) semaphore(%arg10 : memref<!tpu.dma_semaphore, #tpu.memory_space<semaphore_mem>>)
    %dma_start3A_254 = arith.constant 0 : i32
    %dma_start3A_255 = arith.constant 2 : i32
    %dma_start3A_256 = arith.constant 0 : i32
    %dma_start3A_257 = arith.constant 1152 : i32
    %dma_start3A_258 = tpu.memref_slice %arg6[%dma_start3A_256, %dma_start3A_257] : memref<2x2048xf32, #tpu.memory_space<vmem>> -> memref<1x128xf32, #tpu.memory_space<vmem>>
    %dma_start3A_259 = tpu.memref_squeeze %dma_start3A_258 : memref<1x128xf32, #tpu.memory_space<vmem>> -> memref<128xf32, #tpu.memory_space<vmem>>
    %dma_start3A_260 = arith.constant 128 : i32
    %dma_start3A_261 = tpu.memref_slice %arg5[%dma_start3A_254, %dma_start3A_255, %dma_start3A_260] : memref<2x4x512xi32, #tpu.memory_space<vmem>> -> memref<1x1x128xi32, #tpu.memory_space<vmem>>
    %dma_start3A_262 = tpu.memref_squeeze %dma_start3A_261 : memref<1x1x128xi32, #tpu.memory_space<vmem>> -> memref<128xi32, #tpu.memory_space<vmem>>
    %dma_start3A_263 = arith.constant 0 : i32
    %dma_start3A_264 = tpu.memref_slice %arg3[%dma_start3A_263] : memref<1000000xf32, #tpu.memory_space<hbm>> -> memref<1000000xf32, #tpu.memory_space<hbm>>
    tpu.enqueue_indirect_dma source(%dma_start3A_264 : memref<1000000xf32, #tpu.memory_space<hbm>>) target(%dma_start3A_259 : memref<128xf32, #tpu.memory_space<vmem>>) offsets(%dma_start3A_262 : memref<128xi32, #tpu.memory_space<vmem>>) semaphore(%arg10 : memref<!tpu.dma_semaphore, #tpu.memory_space<semaphore_mem>>)
    %dma_start3A_265 = arith.constant 0 : i32
    %dma_start3A_266 = arith.constant 2 : i32
    %dma_start3A_267 = arith.constant 0 : i32
    %dma_start3A_268 = arith.constant 1280 : i32
    %dma_start3A_269 = tpu.memref_slice %arg6[%dma_start3A_267, %dma_start3A_268] : memref<2x2048xf32, #tpu.memory_space<vmem>> -> memref<1x128xf32, #tpu.memory_space<vmem>>
    %dma_start3A_270 = tpu.memref_squeeze %dma_start3A_269 : memref<1x128xf32, #tpu.memory_space<vmem>> -> memref<128xf32, #tpu.memory_space<vmem>>
    %dma_start3A_271 = arith.constant 256 : i32
    %dma_start3A_272 = tpu.memref_slice %arg5[%dma_start3A_265, %dma_start3A_266, %dma_start3A_271] : memref<2x4x512xi32, #tpu.memory_space<vmem>> -> memref<1x1x128xi32, #tpu.memory_space<vmem>>
    %dma_start3A_273 = tpu.memref_squeeze %dma_start3A_272 : memref<1x1x128xi32, #tpu.memory_space<vmem>> -> memref<128xi32, #tpu.memory_space<vmem>>
    %dma_start3A_274 = arith.constant 0 : i32
    %dma_start3A_275 = tpu.memref_slice %arg3[%dma_start3A_274] : memref<1000000xf32, #tpu.memory_space<hbm>> -> memref<1000000xf32, #tpu.memory_space<hbm>>
    tpu.enqueue_indirect_dma source(%dma_start3A_275 : memref<1000000xf32, #tpu.memory_space<hbm>>) target(%dma_start3A_270 : memref<128xf32, #tpu.memory_space<vmem>>) offsets(%dma_start3A_273 : memref<128xi32, #tpu.memory_space<vmem>>) semaphore(%arg10 : memref<!tpu.dma_semaphore, #tpu.memory_space<semaphore_mem>>)
    %dma_start3A_276 = arith.constant 0 : i32
    %dma_start3A_277 = arith.constant 2 : i32
    %dma_start3A_278 = arith.constant 0 : i32
    %dma_start3A_279 = arith.constant 1408 : i32
    %dma_start3A_280 = tpu.memref_slice %arg6[%dma_start3A_278, %dma_start3A_279] : memref<2x2048xf32, #tpu.memory_space<vmem>> -> memref<1x128xf32, #tpu.memory_space<vmem>>
    %dma_start3A_281 = tpu.memref_squeeze %dma_start3A_280 : memref<1x128xf32, #tpu.memory_space<vmem>> -> memref<128xf32, #tpu.memory_space<vmem>>
    %dma_start3A_282 = arith.constant 384 : i32
    %dma_start3A_283 = tpu.memref_slice %arg5[%dma_start3A_276, %dma_start3A_277, %dma_start3A_282] : memref<2x4x512xi32, #tpu.memory_space<vmem>> -> memref<1x1x128xi32, #tpu.memory_space<vmem>>
    %dma_start3A_284 = tpu.memref_squeeze %dma_start3A_283 : memref<1x1x128xi32, #tpu.memory_space<vmem>> -> memref<128xi32, #tpu.memory_space<vmem>>
    %dma_start3A_285 = arith.constant 0 : i32
    %dma_start3A_286 = tpu.memref_slice %arg3[%dma_start3A_285] : memref<1000000xf32, #tpu.memory_space<hbm>> -> memref<1000000xf32, #tpu.memory_space<hbm>>
    tpu.enqueue_indirect_dma source(%dma_start3A_286 : memref<1000000xf32, #tpu.memory_space<hbm>>) target(%dma_start3A_281 : memref<128xf32, #tpu.memory_space<vmem>>) offsets(%dma_start3A_284 : memref<128xi32, #tpu.memory_space<vmem>>) semaphore(%arg10 : memref<!tpu.dma_semaphore, #tpu.memory_space<semaphore_mem>>)
    %dma_start3A_287 = arith.constant 0 : i32
    %dma_start3A_288 = arith.constant 3 : i32
    %dma_start3A_289 = arith.constant 0 : i32
    %dma_start3A_290 = arith.constant 1536 : i32
    %dma_start3A_291 = tpu.memref_slice %arg6[%dma_start3A_289, %dma_start3A_290] : memref<2x2048xf32, #tpu.memory_space<vmem>> -> memref<1x128xf32, #tpu.memory_space<vmem>>
    %dma_start3A_292 = tpu.memref_squeeze %dma_start3A_291 : memref<1x128xf32, #tpu.memory_space<vmem>> -> memref<128xf32, #tpu.memory_space<vmem>>
    %dma_start3A_293 = arith.constant 0 : i32
    %dma_start3A_294 = tpu.memref_slice %arg5[%dma_start3A_287, %dma_start3A_288, %dma_start3A_293] : memref<2x4x512xi32, #tpu.memory_space<vmem>> -> memref<1x1x128xi32, #tpu.memory_space<vmem>>
    %dma_start3A_295 = tpu.memref_squeeze %dma_start3A_294 : memref<1x1x128xi32, #tpu.memory_space<vmem>> -> memref<128xi32, #tpu.memory_space<vmem>>
    %dma_start3A_296 = arith.constant 0 : i32
    %dma_start3A_297 = tpu.memref_slice %arg3[%dma_start3A_296] : memref<1000000xf32, #tpu.memory_space<hbm>> -> memref<1000000xf32, #tpu.memory_space<hbm>>
    tpu.enqueue_indirect_dma source(%dma_start3A_297 : memref<1000000xf32, #tpu.memory_space<hbm>>) target(%dma_start3A_292 : memref<128xf32, #tpu.memory_space<vmem>>) offsets(%dma_start3A_295 : memref<128xi32, #tpu.memory_space<vmem>>) semaphore(%arg10 : memref<!tpu.dma_semaphore, #tpu.memory_space<semaphore_mem>>)
    %dma_start3A_298 = arith.constant 0 : i32
    %dma_start3A_299 = arith.constant 3 : i32
    %dma_start3A_300 = arith.constant 0 : i32
    %dma_start3A_301 = arith.constant 1664 : i32
    %dma_start3A_302 = tpu.memref_slice %arg6[%dma_start3A_300, %dma_start3A_301] : memref<2x2048xf32, #tpu.memory_space<vmem>> -> memref<1x128xf32, #tpu.memory_space<vmem>>
    %dma_start3A_303 = tpu.memref_squeeze %dma_start3A_302 : memref<1x128xf32, #tpu.memory_space<vmem>> -> memref<128xf32, #tpu.memory_space<vmem>>
    %dma_start3A_304 = arith.constant 128 : i32
    %dma_start3A_305 = tpu.memref_slice %arg5[%dma_start3A_298, %dma_start3A_299, %dma_start3A_304] : memref<2x4x512xi32, #tpu.memory_space<vmem>> -> memref<1x1x128xi32, #tpu.memory_space<vmem>>
    %dma_start3A_306 = tpu.memref_squeeze %dma_start3A_305 : memref<1x1x128xi32, #tpu.memory_space<vmem>> -> memref<128xi32, #tpu.memory_space<vmem>>
    %dma_start3A_307 = arith.constant 0 : i32
    %dma_start3A_308 = tpu.memref_slice %arg3[%dma_start3A_307] : memref<1000000xf32, #tpu.memory_space<hbm>> -> memref<1000000xf32, #tpu.memory_space<hbm>>
    tpu.enqueue_indirect_dma source(%dma_start3A_308 : memref<1000000xf32, #tpu.memory_space<hbm>>) target(%dma_start3A_303 : memref<128xf32, #tpu.memory_space<vmem>>) offsets(%dma_start3A_306 : memref<128xi32, #tpu.memory_space<vmem>>) semaphore(%arg10 : memref<!tpu.dma_semaphore, #tpu.memory_space<semaphore_mem>>)
    %dma_start3A_309 = arith.constant 0 : i32
    %dma_start3A_310 = arith.constant 3 : i32
    %dma_start3A_311 = arith.constant 0 : i32
    %dma_start3A_312 = arith.constant 1792 : i32
    %dma_start3A_313 = tpu.memref_slice %arg6[%dma_start3A_311, %dma_start3A_312] : memref<2x2048xf32, #tpu.memory_space<vmem>> -> memref<1x128xf32, #tpu.memory_space<vmem>>
    %dma_start3A_314 = tpu.memref_squeeze %dma_start3A_313 : memref<1x128xf32, #tpu.memory_space<vmem>> -> memref<128xf32, #tpu.memory_space<vmem>>
    %dma_start3A_315 = arith.constant 256 : i32
    %dma_start3A_316 = tpu.memref_slice %arg5[%dma_start3A_309, %dma_start3A_310, %dma_start3A_315] : memref<2x4x512xi32, #tpu.memory_space<vmem>> -> memref<1x1x128xi32, #tpu.memory_space<vmem>>
    %dma_start3A_317 = tpu.memref_squeeze %dma_start3A_316 : memref<1x1x128xi32, #tpu.memory_space<vmem>> -> memref<128xi32, #tpu.memory_space<vmem>>
    %dma_start3A_318 = arith.constant 0 : i32
    %dma_start3A_319 = tpu.memref_slice %arg3[%dma_start3A_318] : memref<1000000xf32, #tpu.memory_space<hbm>> -> memref<1000000xf32, #tpu.memory_space<hbm>>
    tpu.enqueue_indirect_dma source(%dma_start3A_319 : memref<1000000xf32, #tpu.memory_space<hbm>>) target(%dma_start3A_314 : memref<128xf32, #tpu.memory_space<vmem>>) offsets(%dma_start3A_317 : memref<128xi32, #tpu.memory_space<vmem>>) semaphore(%arg10 : memref<!tpu.dma_semaphore, #tpu.memory_space<semaphore_mem>>)
    %dma_start3A_320 = arith.constant 0 : i32
    %dma_start3A_321 = arith.constant 3 : i32
    %dma_start3A_322 = arith.constant 0 : i32
    %dma_start3A_323 = arith.constant 1920 : i32
    %dma_start3A_324 = tpu.memref_slice %arg6[%dma_start3A_322, %dma_start3A_323] : memref<2x2048xf32, #tpu.memory_space<vmem>> -> memref<1x128xf32, #tpu.memory_space<vmem>>
    %dma_start3A_325 = tpu.memref_squeeze %dma_start3A_324 : memref<1x128xf32, #tpu.memory_space<vmem>> -> memref<128xf32, #tpu.memory_space<vmem>>
    %dma_start3A_326 = arith.constant 384 : i32
    %dma_start3A_327 = tpu.memref_slice %arg5[%dma_start3A_320, %dma_start3A_321, %dma_start3A_326] : memref<2x4x512xi32, #tpu.memory_space<vmem>> -> memref<1x1x128xi32, #tpu.memory_space<vmem>>
    %dma_start3A_328 = tpu.memref_squeeze %dma_start3A_327 : memref<1x1x128xi32, #tpu.memory_space<vmem>> -> memref<128xi32, #tpu.memory_space<vmem>>
    %dma_start3A_329 = arith.constant 0 : i32
    %dma_start3A_330 = tpu.memref_slice %arg3[%dma_start3A_329] : memref<1000000xf32, #tpu.memory_space<hbm>> -> memref<1000000xf32, #tpu.memory_space<hbm>>
    tpu.enqueue_indirect_dma source(%dma_start3A_330 : memref<1000000xf32, #tpu.memory_space<hbm>>) target(%dma_start3A_325 : memref<128xf32, #tpu.memory_space<vmem>>) offsets(%dma_start3A_328 : memref<128xi32, #tpu.memory_space<vmem>>) semaphore(%arg10 : memref<!tpu.dma_semaphore, #tpu.memory_space<semaphore_mem>>)
    %dma_start3A_331 = arith.constant 1 : i32
    %dma_start3A_332 = arith.constant 0 : i32
    %dma_start3A_333 = arith.constant 0 : i32
    %dma_start3A_334 = tpu.memref_slice %arg5[%dma_start3A_331, %dma_start3A_332, %dma_start3A_333] : memref<2x4x512xi32, #tpu.memory_space<vmem>> -> memref<1x4x512xi32, #tpu.memory_space<vmem>>
    %dma_start3A_335 = tpu.memref_squeeze %dma_start3A_334 : memref<1x4x512xi32, #tpu.memory_space<vmem>> -> memref<4x512xi32, #tpu.memory_space<vmem>>
    %dma_start3A_336 = arith.constant 4 : i32
    %dma_start3A_337 = tpu.memref_slice %arg2[%dma_start3A_336, %mul3A_2] : memref<200x16384xi32, #tpu.memory_space<hbm>> -> memref<4x512xi32, #tpu.memory_space<hbm>>
    %dma_start3A_338 = arith.constant 0 : i32
    %dma_start3A_339 = arith.constant 0 : i32
    %dma_start3A_340 = tpu.memref_slice %arg5[%dma_start3A_331, %dma_start3A_338, %dma_start3A_339] : memref<2x4x512xi32, #tpu.memory_space<vmem>> -> memref<1x4x512xi32, #tpu.memory_space<vmem>>
    %dma_start3A_341 = tpu.memref_squeeze %dma_start3A_340 : memref<1x4x512xi32, #tpu.memory_space<vmem>> -> memref<4x512xi32, #tpu.memory_space<vmem>>
    %dma_start3A_342 = arith.constant 4 : i32
    %dma_start3A_343 = tpu.memref_slice %arg2[%dma_start3A_342, %mul3A_2] : memref<200x16384xi32, #tpu.memory_space<hbm>> -> memref<4x512xi32, #tpu.memory_space<hbm>>
    tpu.enqueue_dma source(%dma_start3A_343 : memref<4x512xi32, #tpu.memory_space<hbm>>) target(%dma_start3A_341 : memref<4x512xi32, #tpu.memory_space<vmem>>) target_semaphore(%arg9 : memref<!tpu.dma_semaphore, #tpu.memory_space<semaphore_mem>>)
    %scan3A = arith.constant 0 : i32
    %scan3A_344 = arith.constant 25 : i32
    %scan3A_345 = arith.addi %scan3A, %scan3A_344 : i32
    %scan3A_346 = arith.constant 1 : i32
    scf.for %scan3A_348 = %scan3A to %scan3A_345 step %scan3A_346  : i32 {
      %mul3A_349 = arith.constant 1 : i32
      %mul3A_350 = arith.muli %scan3A_348, %mul3A_349 : i32
      %add3A_351 = arith.constant 0 : i32
      %add3A_352 = arith.addi %add3A_351, %mul3A_350 : i32
      %mul3A_353 = arith.constant 2 : i32
      %mul3A_354 = arith.muli %mul3A_353, %add3A_352 : i32
      %dma_wait3A_355 = arith.constant 1 : i32
      %dma_wait3A_356 = arith.constant 0 : i32
      %dma_wait3A_357 = arith.constant 0 : i32
      %dma_wait3A_358 = tpu.memref_slice %arg5[%dma_wait3A_355, %dma_wait3A_356, %dma_wait3A_357] : memref<2x4x512xi32, #tpu.memory_space<vmem>> -> memref<1x4x512xi32, #tpu.memory_space<vmem>>
      %dma_wait3A_359 = tpu.memref_squeeze %dma_wait3A_358 : memref<1x4x512xi32, #tpu.memory_space<vmem>> -> memref<4x512xi32, #tpu.memory_space<vmem>>
      %dma_wait3A_360 = arith.constant 0 : i32
      %dma_wait3A_361 = tpu.memref_slice %arg2[%dma_wait3A_360, %mul3A_2] : memref<200x16384xi32, #tpu.memory_space<hbm>> -> memref<4x512xi32, #tpu.memory_space<hbm>>
      %dma_wait3A_362 = arith.constant 0 : i32
      %dma_wait3A_363 = arith.constant 0 : i32
      %dma_wait3A_364 = tpu.memref_slice %arg5[%dma_wait3A_355, %dma_wait3A_362, %dma_wait3A_363] : memref<2x4x512xi32, #tpu.memory_space<vmem>> -> memref<1x4x512xi32, #tpu.memory_space<vmem>>
      %dma_wait3A_365 = tpu.memref_squeeze %dma_wait3A_364 : memref<1x4x512xi32, #tpu.memory_space<vmem>> -> memref<4x512xi32, #tpu.memory_space<vmem>>
      %dma_wait3A_366 = arith.constant 0 : i32
      %dma_wait3A_367 = tpu.memref_slice %arg2[%dma_wait3A_366, %mul3A_2] : memref<200x16384xi32, #tpu.memory_space<hbm>> -> memref<4x512xi32, #tpu.memory_space<hbm>>
      tpu.wait_dma2 semaphore(%arg9 : memref<!tpu.dma_semaphore, #tpu.memory_space<semaphore_mem>>) src(%dma_wait3A_367 : memref<4x512xi32, #tpu.memory_space<hbm>>) dst(%dma_wait3A_365 : memref<4x512xi32, #tpu.memory_space<vmem>>)
      %dma_start3A_368 = arith.constant 1 : i32
      %dma_start3A_369 = arith.constant 0 : i32
      %dma_start3A_370 = arith.constant 1 : i32
      %dma_start3A_371 = arith.constant 0 : i32
      %dma_start3A_372 = tpu.memref_slice %arg6[%dma_start3A_370, %dma_start3A_371] : memref<2x2048xf32, #tpu.memory_space<vmem>> -> memref<1x128xf32, #tpu.memory_space<vmem>>
      %dma_start3A_373 = tpu.memref_squeeze %dma_start3A_372 : memref<1x128xf32, #tpu.memory_space<vmem>> -> memref<128xf32, #tpu.memory_space<vmem>>
      %dma_start3A_374 = arith.constant 0 : i32
      %dma_start3A_375 = tpu.memref_slice %arg5[%dma_start3A_368, %dma_start3A_369, %dma_start3A_374] : memref<2x4x512xi32, #tpu.memory_space<vmem>> -> memref<1x1x128xi32, #tpu.memory_space<vmem>>
      %dma_start3A_376 = tpu.memref_squeeze %dma_start3A_375 : memref<1x1x128xi32, #tpu.memory_space<vmem>> -> memref<128xi32, #tpu.memory_space<vmem>>
      %dma_start3A_377 = arith.constant 0 : i32
      %dma_start3A_378 = tpu.memref_slice %arg3[%dma_start3A_377] : memref<1000000xf32, #tpu.memory_space<hbm>> -> memref<1000000xf32, #tpu.memory_space<hbm>>
      tpu.enqueue_indirect_dma source(%dma_start3A_378 : memref<1000000xf32, #tpu.memory_space<hbm>>) target(%dma_start3A_373 : memref<128xf32, #tpu.memory_space<vmem>>) offsets(%dma_start3A_376 : memref<128xi32, #tpu.memory_space<vmem>>) semaphore(%arg11 : memref<!tpu.dma_semaphore, #tpu.memory_space<semaphore_mem>>)
      %dma_start3A_379 = arith.constant 1 : i32
      %dma_start3A_380 = arith.constant 0 : i32
      %dma_start3A_381 = arith.constant 1 : i32
      %dma_start3A_382 = arith.constant 128 : i32
      %dma_start3A_383 = tpu.memref_slice %arg6[%dma_start3A_381, %dma_start3A_382] : memref<2x2048xf32, #tpu.memory_space<vmem>> -> memref<1x128xf32, #tpu.memory_space<vmem>>
      %dma_start3A_384 = tpu.memref_squeeze %dma_start3A_383 : memref<1x128xf32, #tpu.memory_space<vmem>> -> memref<128xf32, #tpu.memory_space<vmem>>
      %dma_start3A_385 = arith.constant 128 : i32
      %dma_start3A_386 = tpu.memref_slice %arg5[%dma_start3A_379, %dma_start3A_380, %dma_start3A_385] : memref<2x4x512xi32, #tpu.memory_space<vmem>> -> memref<1x1x128xi32, #tpu.memory_space<vmem>>
      %dma_start3A_387 = tpu.memref_squeeze %dma_start3A_386 : memref<1x1x128xi32, #tpu.memory_space<vmem>> -> memref<128xi32, #tpu.memory_space<vmem>>
      %dma_start3A_388 = arith.constant 0 : i32
      %dma_start3A_389 = tpu.memref_slice %arg3[%dma_start3A_388] : memref<1000000xf32, #tpu.memory_space<hbm>> -> memref<1000000xf32, #tpu.memory_space<hbm>>
      tpu.enqueue_indirect_dma source(%dma_start3A_389 : memref<1000000xf32, #tpu.memory_space<hbm>>) target(%dma_start3A_384 : memref<128xf32, #tpu.memory_space<vmem>>) offsets(%dma_start3A_387 : memref<128xi32, #tpu.memory_space<vmem>>) semaphore(%arg11 : memref<!tpu.dma_semaphore, #tpu.memory_space<semaphore_mem>>)
      %dma_start3A_390 = arith.constant 1 : i32
      %dma_start3A_391 = arith.constant 0 : i32
      %dma_start3A_392 = arith.constant 1 : i32
      %dma_start3A_393 = arith.constant 256 : i32
      %dma_start3A_394 = tpu.memref_slice %arg6[%dma_start3A_392, %dma_start3A_393] : memref<2x2048xf32, #tpu.memory_space<vmem>> -> memref<1x128xf32, #tpu.memory_space<vmem>>
      %dma_start3A_395 = tpu.memref_squeeze %dma_start3A_394 : memref<1x128xf32, #tpu.memory_space<vmem>> -> memref<128xf32, #tpu.memory_space<vmem>>
      %dma_start3A_396 = arith.constant 256 : i32
      %dma_start3A_397 = tpu.memref_slice %arg5[%dma_start3A_390, %dma_start3A_391, %dma_start3A_396] : memref<2x4x512xi32, #tpu.memory_space<vmem>> -> memref<1x1x128xi32, #tpu.memory_space<vmem>>
      %dma_start3A_398 = tpu.memref_squeeze %dma_start3A_397 : memref<1x1x128xi32, #tpu.memory_space<vmem>> -> memref<128xi32, #tpu.memory_space<vmem>>
      %dma_start3A_399 = arith.constant 0 : i32
      %dma_start3A_400 = tpu.memref_slice %arg3[%dma_start3A_399] : memref<1000000xf32, #tpu.memory_space<hbm>> -> memref<1000000xf32, #tpu.memory_space<hbm>>
      tpu.enqueue_indirect_dma source(%dma_start3A_400 : memref<1000000xf32, #tpu.memory_space<hbm>>) target(%dma_start3A_395 : memref<128xf32, #tpu.memory_space<vmem>>) offsets(%dma_start3A_398 : memref<128xi32, #tpu.memory_space<vmem>>) semaphore(%arg11 : memref<!tpu.dma_semaphore, #tpu.memory_space<semaphore_mem>>)
      %dma_start3A_401 = arith.constant 1 : i32
      %dma_start3A_402 = arith.constant 0 : i32
      %dma_start3A_403 = arith.constant 1 : i32
      %dma_start3A_404 = arith.constant 384 : i32
      %dma_start3A_405 = tpu.memref_slice %arg6[%dma_start3A_403, %dma_start3A_404] : memref<2x2048xf32, #tpu.memory_space<vmem>> -> memref<1x128xf32, #tpu.memory_space<vmem>>
      %dma_start3A_406 = tpu.memref_squeeze %dma_start3A_405 : memref<1x128xf32, #tpu.memory_space<vmem>> -> memref<128xf32, #tpu.memory_space<vmem>>
      %dma_start3A_407 = arith.constant 384 : i32
      %dma_start3A_408 = tpu.memref_slice %arg5[%dma_start3A_401, %dma_start3A_402, %dma_start3A_407] : memref<2x4x512xi32, #tpu.memory_space<vmem>> -> memref<1x1x128xi32, #tpu.memory_space<vmem>>
      %dma_start3A_409 = tpu.memref_squeeze %dma_start3A_408 : memref<1x1x128xi32, #tpu.memory_space<vmem>> -> memref<128xi32, #tpu.memory_space<vmem>>
      %dma_start3A_410 = arith.constant 0 : i32
      %dma_start3A_411 = tpu.memref_slice %arg3[%dma_start3A_410] : memref<1000000xf32, #tpu.memory_space<hbm>> -> memref<1000000xf32, #tpu.memory_space<hbm>>
      tpu.enqueue_indirect_dma source(%dma_start3A_411 : memref<1000000xf32, #tpu.memory_space<hbm>>) target(%dma_start3A_406 : memref<128xf32, #tpu.memory_space<vmem>>) offsets(%dma_start3A_409 : memref<128xi32, #tpu.memory_space<vmem>>) semaphore(%arg11 : memref<!tpu.dma_semaphore, #tpu.memory_space<semaphore_mem>>)
      %dma_start3A_412 = arith.constant 1 : i32
      %dma_start3A_413 = arith.constant 1 : i32
      %dma_start3A_414 = arith.constant 1 : i32
      %dma_start3A_415 = arith.constant 512 : i32
      %dma_start3A_416 = tpu.memref_slice %arg6[%dma_start3A_414, %dma_start3A_415] : memref<2x2048xf32, #tpu.memory_space<vmem>> -> memref<1x128xf32, #tpu.memory_space<vmem>>
      %dma_start3A_417 = tpu.memref_squeeze %dma_start3A_416 : memref<1x128xf32, #tpu.memory_space<vmem>> -> memref<128xf32, #tpu.memory_space<vmem>>
      %dma_start3A_418 = arith.constant 0 : i32
      %dma_start3A_419 = tpu.memref_slice %arg5[%dma_start3A_412, %dma_start3A_413, %dma_start3A_418] : memref<2x4x512xi32, #tpu.memory_space<vmem>> -> memref<1x1x128xi32, #tpu.memory_space<vmem>>
      %dma_start3A_420 = tpu.memref_squeeze %dma_start3A_419 : memref<1x1x128xi32, #tpu.memory_space<vmem>> -> memref<128xi32, #tpu.memory_space<vmem>>
      %dma_start3A_421 = arith.constant 0 : i32
      %dma_start3A_422 = tpu.memref_slice %arg3[%dma_start3A_421] : memref<1000000xf32, #tpu.memory_space<hbm>> -> memref<1000000xf32, #tpu.memory_space<hbm>>
      tpu.enqueue_indirect_dma source(%dma_start3A_422 : memref<1000000xf32, #tpu.memory_space<hbm>>) target(%dma_start3A_417 : memref<128xf32, #tpu.memory_space<vmem>>) offsets(%dma_start3A_420 : memref<128xi32, #tpu.memory_space<vmem>>) semaphore(%arg11 : memref<!tpu.dma_semaphore, #tpu.memory_space<semaphore_mem>>)
      %dma_start3A_423 = arith.constant 1 : i32
      %dma_start3A_424 = arith.constant 1 : i32
      %dma_start3A_425 = arith.constant 1 : i32
      %dma_start3A_426 = arith.constant 640 : i32
      %dma_start3A_427 = tpu.memref_slice %arg6[%dma_start3A_425, %dma_start3A_426] : memref<2x2048xf32, #tpu.memory_space<vmem>> -> memref<1x128xf32, #tpu.memory_space<vmem>>
      %dma_start3A_428 = tpu.memref_squeeze %dma_start3A_427 : memref<1x128xf32, #tpu.memory_space<vmem>> -> memref<128xf32, #tpu.memory_space<vmem>>
      %dma_start3A_429 = arith.constant 128 : i32
      %dma_start3A_430 = tpu.memref_slice %arg5[%dma_start3A_423, %dma_start3A_424, %dma_start3A_429] : memref<2x4x512xi32, #tpu.memory_space<vmem>> -> memref<1x1x128xi32, #tpu.memory_space<vmem>>
      %dma_start3A_431 = tpu.memref_squeeze %dma_start3A_430 : memref<1x1x128xi32, #tpu.memory_space<vmem>> -> memref<128xi32, #tpu.memory_space<vmem>>
      %dma_start3A_432 = arith.constant 0 : i32
      %dma_start3A_433 = tpu.memref_slice %arg3[%dma_start3A_432] : memref<1000000xf32, #tpu.memory_space<hbm>> -> memref<1000000xf32, #tpu.memory_space<hbm>>
      tpu.enqueue_indirect_dma source(%dma_start3A_433 : memref<1000000xf32, #tpu.memory_space<hbm>>) target(%dma_start3A_428 : memref<128xf32, #tpu.memory_space<vmem>>) offsets(%dma_start3A_431 : memref<128xi32, #tpu.memory_space<vmem>>) semaphore(%arg11 : memref<!tpu.dma_semaphore, #tpu.memory_space<semaphore_mem>>)
      %dma_start3A_434 = arith.constant 1 : i32
      %dma_start3A_435 = arith.constant 1 : i32
      %dma_start3A_436 = arith.constant 1 : i32
      %dma_start3A_437 = arith.constant 768 : i32
      %dma_start3A_438 = tpu.memref_slice %arg6[%dma_start3A_436, %dma_start3A_437] : memref<2x2048xf32, #tpu.memory_space<vmem>> -> memref<1x128xf32, #tpu.memory_space<vmem>>
      %dma_start3A_439 = tpu.memref_squeeze %dma_start3A_438 : memref<1x128xf32, #tpu.memory_space<vmem>> -> memref<128xf32, #tpu.memory_space<vmem>>
      %dma_start3A_440 = arith.constant 256 : i32
      %dma_start3A_441 = tpu.memref_slice %arg5[%dma_start3A_434, %dma_start3A_435, %dma_start3A_440] : memref<2x4x512xi32, #tpu.memory_space<vmem>> -> memref<1x1x128xi32, #tpu.memory_space<vmem>>
      %dma_start3A_442 = tpu.memref_squeeze %dma_start3A_441 : memref<1x1x128xi32, #tpu.memory_space<vmem>> -> memref<128xi32, #tpu.memory_space<vmem>>
      %dma_start3A_443 = arith.constant 0 : i32
      %dma_start3A_444 = tpu.memref_slice %arg3[%dma_start3A_443] : memref<1000000xf32, #tpu.memory_space<hbm>> -> memref<1000000xf32, #tpu.memory_space<hbm>>
      tpu.enqueue_indirect_dma source(%dma_start3A_444 : memref<1000000xf32, #tpu.memory_space<hbm>>) target(%dma_start3A_439 : memref<128xf32, #tpu.memory_space<vmem>>) offsets(%dma_start3A_442 : memref<128xi32, #tpu.memory_space<vmem>>) semaphore(%arg11 : memref<!tpu.dma_semaphore, #tpu.memory_space<semaphore_mem>>)
      %dma_start3A_445 = arith.constant 1 : i32
      %dma_start3A_446 = arith.constant 1 : i32
      %dma_start3A_447 = arith.constant 1 : i32
      %dma_start3A_448 = arith.constant 896 : i32
      %dma_start3A_449 = tpu.memref_slice %arg6[%dma_start3A_447, %dma_start3A_448] : memref<2x2048xf32, #tpu.memory_space<vmem>> -> memref<1x128xf32, #tpu.memory_space<vmem>>
      %dma_start3A_450 = tpu.memref_squeeze %dma_start3A_449 : memref<1x128xf32, #tpu.memory_space<vmem>> -> memref<128xf32, #tpu.memory_space<vmem>>
      %dma_start3A_451 = arith.constant 384 : i32
      %dma_start3A_452 = tpu.memref_slice %arg5[%dma_start3A_445, %dma_start3A_446, %dma_start3A_451] : memref<2x4x512xi32, #tpu.memory_space<vmem>> -> memref<1x1x128xi32, #tpu.memory_space<vmem>>
      %dma_start3A_453 = tpu.memref_squeeze %dma_start3A_452 : memref<1x1x128xi32, #tpu.memory_space<vmem>> -> memref<128xi32, #tpu.memory_space<vmem>>
      %dma_start3A_454 = arith.constant 0 : i32
      %dma_start3A_455 = tpu.memref_slice %arg3[%dma_start3A_454] : memref<1000000xf32, #tpu.memory_space<hbm>> -> memref<1000000xf32, #tpu.memory_space<hbm>>
      tpu.enqueue_indirect_dma source(%dma_start3A_455 : memref<1000000xf32, #tpu.memory_space<hbm>>) target(%dma_start3A_450 : memref<128xf32, #tpu.memory_space<vmem>>) offsets(%dma_start3A_453 : memref<128xi32, #tpu.memory_space<vmem>>) semaphore(%arg11 : memref<!tpu.dma_semaphore, #tpu.memory_space<semaphore_mem>>)
      %dma_start3A_456 = arith.constant 1 : i32
      %dma_start3A_457 = arith.constant 2 : i32
      %dma_start3A_458 = arith.constant 1 : i32
      %dma_start3A_459 = arith.constant 1024 : i32
      %dma_start3A_460 = tpu.memref_slice %arg6[%dma_start3A_458, %dma_start3A_459] : memref<2x2048xf32, #tpu.memory_space<vmem>> -> memref<1x128xf32, #tpu.memory_space<vmem>>
      %dma_start3A_461 = tpu.memref_squeeze %dma_start3A_460 : memref<1x128xf32, #tpu.memory_space<vmem>> -> memref<128xf32, #tpu.memory_space<vmem>>
      %dma_start3A_462 = arith.constant 0 : i32
      %dma_start3A_463 = tpu.memref_slice %arg5[%dma_start3A_456, %dma_start3A_457, %dma_start3A_462] : memref<2x4x512xi32, #tpu.memory_space<vmem>> -> memref<1x1x128xi32, #tpu.memory_space<vmem>>
      %dma_start3A_464 = tpu.memref_squeeze %dma_start3A_463 : memref<1x1x128xi32, #tpu.memory_space<vmem>> -> memref<128xi32, #tpu.memory_space<vmem>>
      %dma_start3A_465 = arith.constant 0 : i32
      %dma_start3A_466 = tpu.memref_slice %arg3[%dma_start3A_465] : memref<1000000xf32, #tpu.memory_space<hbm>> -> memref<1000000xf32, #tpu.memory_space<hbm>>
      tpu.enqueue_indirect_dma source(%dma_start3A_466 : memref<1000000xf32, #tpu.memory_space<hbm>>) target(%dma_start3A_461 : memref<128xf32, #tpu.memory_space<vmem>>) offsets(%dma_start3A_464 : memref<128xi32, #tpu.memory_space<vmem>>) semaphore(%arg11 : memref<!tpu.dma_semaphore, #tpu.memory_space<semaphore_mem>>)
      %dma_start3A_467 = arith.constant 1 : i32
      %dma_start3A_468 = arith.constant 2 : i32
      %dma_start3A_469 = arith.constant 1 : i32
      %dma_start3A_470 = arith.constant 1152 : i32
      %dma_start3A_471 = tpu.memref_slice %arg6[%dma_start3A_469, %dma_start3A_470] : memref<2x2048xf32, #tpu.memory_space<vmem>> -> memref<1x128xf32, #tpu.memory_space<vmem>>
      %dma_start3A_472 = tpu.memref_squeeze %dma_start3A_471 : memref<1x128xf32, #tpu.memory_space<vmem>> -> memref<128xf32, #tpu.memory_space<vmem>>
      %dma_start3A_473 = arith.constant 128 : i32
      %dma_start3A_474 = tpu.memref_slice %arg5[%dma_start3A_467, %dma_start3A_468, %dma_start3A_473] : memref<2x4x512xi32, #tpu.memory_space<vmem>> -> memref<1x1x128xi32, #tpu.memory_space<vmem>>
      %dma_start3A_475 = tpu.memref_squeeze %dma_start3A_474 : memref<1x1x128xi32, #tpu.memory_space<vmem>> -> memref<128xi32, #tpu.memory_space<vmem>>
      %dma_start3A_476 = arith.constant 0 : i32
      %dma_start3A_477 = tpu.memref_slice %arg3[%dma_start3A_476] : memref<1000000xf32, #tpu.memory_space<hbm>> -> memref<1000000xf32, #tpu.memory_space<hbm>>
      tpu.enqueue_indirect_dma source(%dma_start3A_477 : memref<1000000xf32, #tpu.memory_space<hbm>>) target(%dma_start3A_472 : memref<128xf32, #tpu.memory_space<vmem>>) offsets(%dma_start3A_475 : memref<128xi32, #tpu.memory_space<vmem>>) semaphore(%arg11 : memref<!tpu.dma_semaphore, #tpu.memory_space<semaphore_mem>>)
      %dma_start3A_478 = arith.constant 1 : i32
      %dma_start3A_479 = arith.constant 2 : i32
      %dma_start3A_480 = arith.constant 1 : i32
      %dma_start3A_481 = arith.constant 1280 : i32
      %dma_start3A_482 = tpu.memref_slice %arg6[%dma_start3A_480, %dma_start3A_481] : memref<2x2048xf32, #tpu.memory_space<vmem>> -> memref<1x128xf32, #tpu.memory_space<vmem>>
      %dma_start3A_483 = tpu.memref_squeeze %dma_start3A_482 : memref<1x128xf32, #tpu.memory_space<vmem>> -> memref<128xf32, #tpu.memory_space<vmem>>
      %dma_start3A_484 = arith.constant 256 : i32
      %dma_start3A_485 = tpu.memref_slice %arg5[%dma_start3A_478, %dma_start3A_479, %dma_start3A_484] : memref<2x4x512xi32, #tpu.memory_space<vmem>> -> memref<1x1x128xi32, #tpu.memory_space<vmem>>
      %dma_start3A_486 = tpu.memref_squeeze %dma_start3A_485 : memref<1x1x128xi32, #tpu.memory_space<vmem>> -> memref<128xi32, #tpu.memory_space<vmem>>
      %dma_start3A_487 = arith.constant 0 : i32
      %dma_start3A_488 = tpu.memref_slice %arg3[%dma_start3A_487] : memref<1000000xf32, #tpu.memory_space<hbm>> -> memref<1000000xf32, #tpu.memory_space<hbm>>
      tpu.enqueue_indirect_dma source(%dma_start3A_488 : memref<1000000xf32, #tpu.memory_space<hbm>>) target(%dma_start3A_483 : memref<128xf32, #tpu.memory_space<vmem>>) offsets(%dma_start3A_486 : memref<128xi32, #tpu.memory_space<vmem>>) semaphore(%arg11 : memref<!tpu.dma_semaphore, #tpu.memory_space<semaphore_mem>>)
      %dma_start3A_489 = arith.constant 1 : i32
      %dma_start3A_490 = arith.constant 2 : i32
      %dma_start3A_491 = arith.constant 1 : i32
      %dma_start3A_492 = arith.constant 1408 : i32
      %dma_start3A_493 = tpu.memref_slice %arg6[%dma_start3A_491, %dma_start3A_492] : memref<2x2048xf32, #tpu.memory_space<vmem>> -> memref<1x128xf32, #tpu.memory_space<vmem>>
      %dma_start3A_494 = tpu.memref_squeeze %dma_start3A_493 : memref<1x128xf32, #tpu.memory_space<vmem>> -> memref<128xf32, #tpu.memory_space<vmem>>
      %dma_start3A_495 = arith.constant 384 : i32
      %dma_start3A_496 = tpu.memref_slice %arg5[%dma_start3A_489, %dma_start3A_490, %dma_start3A_495] : memref<2x4x512xi32, #tpu.memory_space<vmem>> -> memref<1x1x128xi32, #tpu.memory_space<vmem>>
      %dma_start3A_497 = tpu.memref_squeeze %dma_start3A_496 : memref<1x1x128xi32, #tpu.memory_space<vmem>> -> memref<128xi32, #tpu.memory_space<vmem>>
      %dma_start3A_498 = arith.constant 0 : i32
      %dma_start3A_499 = tpu.memref_slice %arg3[%dma_start3A_498] : memref<1000000xf32, #tpu.memory_space<hbm>> -> memref<1000000xf32, #tpu.memory_space<hbm>>
      tpu.enqueue_indirect_dma source(%dma_start3A_499 : memref<1000000xf32, #tpu.memory_space<hbm>>) target(%dma_start3A_494 : memref<128xf32, #tpu.memory_space<vmem>>) offsets(%dma_start3A_497 : memref<128xi32, #tpu.memory_space<vmem>>) semaphore(%arg11 : memref<!tpu.dma_semaphore, #tpu.memory_space<semaphore_mem>>)
      %dma_start3A_500 = arith.constant 1 : i32
      %dma_start3A_501 = arith.constant 3 : i32
      %dma_start3A_502 = arith.constant 1 : i32
      %dma_start3A_503 = arith.constant 1536 : i32
      %dma_start3A_504 = tpu.memref_slice %arg6[%dma_start3A_502, %dma_start3A_503] : memref<2x2048xf32, #tpu.memory_space<vmem>> -> memref<1x128xf32, #tpu.memory_space<vmem>>
      %dma_start3A_505 = tpu.memref_squeeze %dma_start3A_504 : memref<1x128xf32, #tpu.memory_space<vmem>> -> memref<128xf32, #tpu.memory_space<vmem>>
      %dma_start3A_506 = arith.constant 0 : i32
      %dma_start3A_507 = tpu.memref_slice %arg5[%dma_start3A_500, %dma_start3A_501, %dma_start3A_506] : memref<2x4x512xi32, #tpu.memory_space<vmem>> -> memref<1x1x128xi32, #tpu.memory_space<vmem>>
      %dma_start3A_508 = tpu.memref_squeeze %dma_start3A_507 : memref<1x1x128xi32, #tpu.memory_space<vmem>> -> memref<128xi32, #tpu.memory_space<vmem>>
      %dma_start3A_509 = arith.constant 0 : i32
      %dma_start3A_510 = tpu.memref_slice %arg3[%dma_start3A_509] : memref<1000000xf32, #tpu.memory_space<hbm>> -> memref<1000000xf32, #tpu.memory_space<hbm>>
      tpu.enqueue_indirect_dma source(%dma_start3A_510 : memref<1000000xf32, #tpu.memory_space<hbm>>) target(%dma_start3A_505 : memref<128xf32, #tpu.memory_space<vmem>>) offsets(%dma_start3A_508 : memref<128xi32, #tpu.memory_space<vmem>>) semaphore(%arg11 : memref<!tpu.dma_semaphore, #tpu.memory_space<semaphore_mem>>)
      %dma_start3A_511 = arith.constant 1 : i32
      %dma_start3A_512 = arith.constant 3 : i32
      %dma_start3A_513 = arith.constant 1 : i32
      %dma_start3A_514 = arith.constant 1664 : i32
      %dma_start3A_515 = tpu.memref_slice %arg6[%dma_start3A_513, %dma_start3A_514] : memref<2x2048xf32, #tpu.memory_space<vmem>> -> memref<1x128xf32, #tpu.memory_space<vmem>>
      %dma_start3A_516 = tpu.memref_squeeze %dma_start3A_515 : memref<1x128xf32, #tpu.memory_space<vmem>> -> memref<128xf32, #tpu.memory_space<vmem>>
      %dma_start3A_517 = arith.constant 128 : i32
      %dma_start3A_518 = tpu.memref_slice %arg5[%dma_start3A_511, %dma_start3A_512, %dma_start3A_517] : memref<2x4x512xi32, #tpu.memory_space<vmem>> -> memref<1x1x128xi32, #tpu.memory_space<vmem>>
      %dma_start3A_519 = tpu.memref_squeeze %dma_start3A_518 : memref<1x1x128xi32, #tpu.memory_space<vmem>> -> memref<128xi32, #tpu.memory_space<vmem>>
      %dma_start3A_520 = arith.constant 0 : i32
      %dma_start3A_521 = tpu.memref_slice %arg3[%dma_start3A_520] : memref<1000000xf32, #tpu.memory_space<hbm>> -> memref<1000000xf32, #tpu.memory_space<hbm>>
      tpu.enqueue_indirect_dma source(%dma_start3A_521 : memref<1000000xf32, #tpu.memory_space<hbm>>) target(%dma_start3A_516 : memref<128xf32, #tpu.memory_space<vmem>>) offsets(%dma_start3A_519 : memref<128xi32, #tpu.memory_space<vmem>>) semaphore(%arg11 : memref<!tpu.dma_semaphore, #tpu.memory_space<semaphore_mem>>)
      %dma_start3A_522 = arith.constant 1 : i32
      %dma_start3A_523 = arith.constant 3 : i32
      %dma_start3A_524 = arith.constant 1 : i32
      %dma_start3A_525 = arith.constant 1792 : i32
      %dma_start3A_526 = tpu.memref_slice %arg6[%dma_start3A_524, %dma_start3A_525] : memref<2x2048xf32, #tpu.memory_space<vmem>> -> memref<1x128xf32, #tpu.memory_space<vmem>>
      %dma_start3A_527 = tpu.memref_squeeze %dma_start3A_526 : memref<1x128xf32, #tpu.memory_space<vmem>> -> memref<128xf32, #tpu.memory_space<vmem>>
      %dma_start3A_528 = arith.constant 256 : i32
      %dma_start3A_529 = tpu.memref_slice %arg5[%dma_start3A_522, %dma_start3A_523, %dma_start3A_528] : memref<2x4x512xi32, #tpu.memory_space<vmem>> -> memref<1x1x128xi32, #tpu.memory_space<vmem>>
      %dma_start3A_530 = tpu.memref_squeeze %dma_start3A_529 : memref<1x1x128xi32, #tpu.memory_space<vmem>> -> memref<128xi32, #tpu.memory_space<vmem>>
      %dma_start3A_531 = arith.constant 0 : i32
      %dma_start3A_532 = tpu.memref_slice %arg3[%dma_start3A_531] : memref<1000000xf32, #tpu.memory_space<hbm>> -> memref<1000000xf32, #tpu.memory_space<hbm>>
      tpu.enqueue_indirect_dma source(%dma_start3A_532 : memref<1000000xf32, #tpu.memory_space<hbm>>) target(%dma_start3A_527 : memref<128xf32, #tpu.memory_space<vmem>>) offsets(%dma_start3A_530 : memref<128xi32, #tpu.memory_space<vmem>>) semaphore(%arg11 : memref<!tpu.dma_semaphore, #tpu.memory_space<semaphore_mem>>)
      %dma_start3A_533 = arith.constant 1 : i32
      %dma_start3A_534 = arith.constant 3 : i32
      %dma_start3A_535 = arith.constant 1 : i32
      %dma_start3A_536 = arith.constant 1920 : i32
      %dma_start3A_537 = tpu.memref_slice %arg6[%dma_start3A_535, %dma_start3A_536] : memref<2x2048xf32, #tpu.memory_space<vmem>> -> memref<1x128xf32, #tpu.memory_space<vmem>>
      %dma_start3A_538 = tpu.memref_squeeze %dma_start3A_537 : memref<1x128xf32, #tpu.memory_space<vmem>> -> memref<128xf32, #tpu.memory_space<vmem>>
      %dma_start3A_539 = arith.constant 384 : i32
      %dma_start3A_540 = tpu.memref_slice %arg5[%dma_start3A_533, %dma_start3A_534, %dma_start3A_539] : memref<2x4x512xi32, #tpu.memory_space<vmem>> -> memref<1x1x128xi32, #tpu.memory_space<vmem>>
      %dma_start3A_541 = tpu.memref_squeeze %dma_start3A_540 : memref<1x1x128xi32, #tpu.memory_space<vmem>> -> memref<128xi32, #tpu.memory_space<vmem>>
      %dma_start3A_542 = arith.constant 0 : i32
      %dma_start3A_543 = tpu.memref_slice %arg3[%dma_start3A_542] : memref<1000000xf32, #tpu.memory_space<hbm>> -> memref<1000000xf32, #tpu.memory_space<hbm>>
      tpu.enqueue_indirect_dma source(%dma_start3A_543 : memref<1000000xf32, #tpu.memory_space<hbm>>) target(%dma_start3A_538 : memref<128xf32, #tpu.memory_space<vmem>>) offsets(%dma_start3A_541 : memref<128xi32, #tpu.memory_space<vmem>>) semaphore(%arg11 : memref<!tpu.dma_semaphore, #tpu.memory_space<semaphore_mem>>)
      %dma_wait3A_544 = arith.constant 0 : i32
      %dma_wait3A_545 = arith.constant 0 : i32
      %dma_wait3A_546 = tpu.memref_slice %arg6[%dma_wait3A_544, %dma_wait3A_545] : memref<2x2048xf32, #tpu.memory_space<vmem>> -> memref<1x2048xf32, #tpu.memory_space<vmem>>
      %dma_wait3A_547 = tpu.memref_squeeze %dma_wait3A_546 : memref<1x2048xf32, #tpu.memory_space<vmem>> -> memref<2048xf32, #tpu.memory_space<vmem>>
      %dma_wait3A_548 = arith.constant 0 : i32
      %dma_wait3A_549 = tpu.memref_slice %arg3[%dma_wait3A_548] : memref<1000000xf32, #tpu.memory_space<hbm>> -> memref<2048xf32, #tpu.memory_space<hbm>>
      %dma_wait3A_550 = arith.constant 0 : i32
      %dma_wait3A_551 = tpu.memref_slice %arg6[%dma_wait3A_544, %dma_wait3A_550] : memref<2x2048xf32, #tpu.memory_space<vmem>> -> memref<1x2048xf32, #tpu.memory_space<vmem>>
      %dma_wait3A_552 = tpu.memref_squeeze %dma_wait3A_551 : memref<1x2048xf32, #tpu.memory_space<vmem>> -> memref<2048xf32, #tpu.memory_space<vmem>>
      %dma_wait3A_553 = arith.constant 0 : i32
      %dma_wait3A_554 = tpu.memref_slice %arg3[%dma_wait3A_553] : memref<1000000xf32, #tpu.memory_space<hbm>> -> memref<2048xf32, #tpu.memory_space<hbm>>
      tpu.wait_dma2 semaphore(%arg10 : memref<!tpu.dma_semaphore, #tpu.memory_space<semaphore_mem>>) src(%dma_wait3A_554 : memref<2048xf32, #tpu.memory_space<hbm>>) dst(%dma_wait3A_552 : memref<2048xf32, #tpu.memory_space<vmem>>)
      %add3A_555 = arith.constant 2 : i32
      %add3A_556 = arith.addi %mul3A_354, %add3A_555 : i32
      %lt3A = arith.constant 50 : i32
      %lt3A_557 = arith.cmpi slt, %add3A_556, %lt3A : i32
      %convert_element_type3A = arith.extui %lt3A_557 : i1 to i32
      %cond3A = arith.constant 0 : i32
      %cond3A_558 = arith.cmpi ne, %convert_element_type3A, %cond3A : i32
      scf.if %cond3A_558 {
        %add3A_2567 = arith.constant 2 : i32
        %add3A_2568 = arith.addi %mul3A_354, %add3A_2567 : i32
        %mul3A_2569 = arith.constant 4 : i32
        %mul3A_2570 = arith.muli %add3A_2568, %mul3A_2569 : i32
        %dma_start3A_2571 = arith.constant 0 : i32
        %dma_start3A_2572 = arith.constant 0 : i32
        %dma_start3A_2573 = arith.constant 0 : i32
        %dma_start3A_2574 = tpu.memref_slice %arg5[%dma_start3A_2571, %dma_start3A_2572, %dma_start3A_2573] : memref<2x4x512xi32, #tpu.memory_space<vmem>> -> memref<1x4x512xi32, #tpu.memory_space<vmem>>
        %dma_start3A_2575 = tpu.memref_squeeze %dma_start3A_2574 : memref<1x4x512xi32, #tpu.memory_space<vmem>> -> memref<4x512xi32, #tpu.memory_space<vmem>>
        %dma_start3A_2576 = tpu.memref_slice %arg2[%mul3A_2570, %mul3A_2] : memref<200x16384xi32, #tpu.memory_space<hbm>> -> memref<4x512xi32, #tpu.memory_space<hbm>>
        %dma_start3A_2577 = arith.constant 0 : i32
        %dma_start3A_2578 = arith.constant 0 : i32
        %dma_start3A_2579 = tpu.memref_slice %arg5[%dma_start3A_2571, %dma_start3A_2577, %dma_start3A_2578] : memref<2x4x512xi32, #tpu.memory_space<vmem>> -> memref<1x4x512xi32, #tpu.memory_space<vmem>>
        %dma_start3A_2580 = tpu.memref_squeeze %dma_start3A_2579 : memref<1x4x512xi32, #tpu.memory_space<vmem>> -> memref<4x512xi32, #tpu.memory_space<vmem>>
        %dma_start3A_2581 = tpu.memref_slice %arg2[%mul3A_2570, %mul3A_2] : memref<200x16384xi32, #tpu.memory_space<hbm>> -> memref<4x512xi32, #tpu.memory_space<hbm>>
        tpu.enqueue_dma source(%dma_start3A_2581 : memref<4x512xi32, #tpu.memory_space<hbm>>) target(%dma_start3A_2580 : memref<4x512xi32, #tpu.memory_space<vmem>>) target_semaphore(%arg8 : memref<!tpu.dma_semaphore, #tpu.memory_space<semaphore_mem>>)
      } else {
      }
      %get3A = arith.constant 0 : index
      %get3A_559 = tpu.vector_load %arg7[%get3A] {strides = array<i32>} : memref<512xf32, #tpu.memory_space<vmem>>, vector<16xf32>,
      %get3A_560 = vector.shape_cast %get3A_559 : vector<16xf32> to vector<16xf32>
      %get3A_561 = arith.constant 0 : i32
      %get3A_562 = arith.index_cast %get3A_561 : i32 to index
      %get3A_563 = arith.constant 0 : index
      %get3A_564 = tpu.vector_load %arg6[%get3A_562, %get3A_563] {strides = array<i32>} : memref<2x2048xf32, #tpu.memory_space<vmem>>, vector<1x16xf32>,
      %get3A_565 = vector.shape_cast %get3A_564 : vector<1x16xf32> to vector<16xf32>
      %add3A_566 = arith.addf %get3A_560, %get3A_565 : vector<16xf32>
      %get3A_567 = arith.constant 0 : i32
      %get3A_568 = arith.index_cast %get3A_567 : i32 to index
      %get3A_569 = arith.constant 512 : index
      %get3A_570 = tpu.vector_load %arg6[%get3A_568, %get3A_569] {strides = array<i32>} : memref<2x2048xf32, #tpu.memory_space<vmem>>, vector<1x16xf32>,
      %get3A_571 = vector.shape_cast %get3A_570 : vector<1x16xf32> to vector<16xf32>
      %add3A_572 = arith.addf %add3A_566, %get3A_571 : vector<16xf32>
      %get3A_573 = arith.constant 0 : i32
      %get3A_574 = arith.index_cast %get3A_573 : i32 to index
      %get3A_575 = arith.constant 1024 : index
      %get3A_576 = tpu.vector_load %arg6[%get3A_574, %get3A_575] {strides = array<i32>} : memref<2x2048xf32, #tpu.memory_space<vmem>>, vector<1x16xf32>,
      %get3A_577 = vector.shape_cast %get3A_576 : vector<1x16xf32> to vector<16xf32>
      %add3A_578 = arith.addf %add3A_572, %get3A_577 : vector<16xf32>
      %get3A_579 = arith.constant 0 : i32
      %get3A_580 = arith.index_cast %get3A_579 : i32 to index
      %get3A_581 = arith.constant 1536 : index
      %get3A_582 = tpu.vector_load %arg6[%get3A_580, %get3A_581] {strides = array<i32>} : memref<2x2048xf32, #tpu.memory_space<vmem>>, vector<1x16xf32>,
      %get3A_583 = vector.shape_cast %get3A_582 : vector<1x16xf32> to vector<16xf32>
      %add3A_584 = arith.addf %add3A_578, %get3A_583 : vector<16xf32>
      %swap3A_585 = arith.constant 0 : index
      %swap3A_586 = tpu.vector_load %arg7[%swap3A_585] {strides = array<i32>} : memref<512xf32, #tpu.memory_space<vmem>>, vector<16xf32>,
      %swap3A_587 = vector.shape_cast %swap3A_586 : vector<16xf32> to vector<16xf32>
      %swap3A_588 = vector.shape_cast %add3A_584 : vector<16xf32> to vector<16xf32>
      tpu.vector_store %arg7[%swap3A_585], %swap3A_588 {strides = array<i32>} : memref<512xf32, #tpu.memory_space<vmem>>, vector<16xf32>,
      %get3A_589 = arith.constant 16 : index
      %get3A_590 = tpu.vector_load %arg7[%get3A_589] {strides = array<i32>} : memref<512xf32, #tpu.memory_space<vmem>>, vector<16xf32>,
      %get3A_591 = vector.shape_cast %get3A_590 : vector<16xf32> to vector<16xf32>
      %get3A_592 = arith.constant 0 : i32
      %get3A_593 = arith.index_cast %get3A_592 : i32 to index
      %get3A_594 = arith.constant 16 : index
      %get3A_595 = tpu.vector_load %arg6[%get3A_593, %get3A_594] {strides = array<i32>} : memref<2x2048xf32, #tpu.memory_space<vmem>>, vector<1x16xf32>,
      %get3A_596 = vector.shape_cast %get3A_595 : vector<1x16xf32> to vector<16xf32>
      %add3A_597 = arith.addf %get3A_591, %get3A_596 : vector<16xf32>
      %get3A_598 = arith.constant 0 : i32
      %get3A_599 = arith.index_cast %get3A_598 : i32 to index
      %get3A_600 = arith.constant 528 : index
      %get3A_601 = tpu.vector_load %arg6[%get3A_599, %get3A_600] {strides = array<i32>} : memref<2x2048xf32, #tpu.memory_space<vmem>>, vector<1x16xf32>,
      %get3A_602 = vector.shape_cast %get3A_601 : vector<1x16xf32> to vector<16xf32>
      %add3A_603 = arith.addf %add3A_597, %get3A_602 : vector<16xf32>
      %get3A_604 = arith.constant 0 : i32
      %get3A_605 = arith.index_cast %get3A_604 : i32 to index
      %get3A_606 = arith.constant 1040 : index
      %get3A_607 = tpu.vector_load %arg6[%get3A_605, %get3A_606] {strides = array<i32>} : memref<2x2048xf32, #tpu.memory_space<vmem>>, vector<1x16xf32>,
      %get3A_608 = vector.shape_cast %get3A_607 : vector<1x16xf32> to vector<16xf32>
      %add3A_609 = arith.addf %add3A_603, %get3A_608 : vector<16xf32>
      %get3A_610 = arith.constant 0 : i32
      %get3A_611 = arith.index_cast %get3A_610 : i32 to index
      %get3A_612 = arith.constant 1552 : index
      %get3A_613 = tpu.vector_load %arg6[%get3A_611, %get3A_612] {strides = array<i32>} : memref<2x2048xf32, #tpu.memory_space<vmem>>, vector<1x16xf32>,
      %get3A_614 = vector.shape_cast %get3A_613 : vector<1x16xf32> to vector<16xf32>
      %add3A_615 = arith.addf %add3A_609, %get3A_614 : vector<16xf32>
      %swap3A_616 = arith.constant 16 : index
      %swap3A_617 = tpu.vector_load %arg7[%swap3A_616] {strides = array<i32>} : memref<512xf32, #tpu.memory_space<vmem>>, vector<16xf32>,
      %swap3A_618 = vector.shape_cast %swap3A_617 : vector<16xf32> to vector<16xf32>
      %swap3A_619 = vector.shape_cast %add3A_615 : vector<16xf32> to vector<16xf32>
      tpu.vector_store %arg7[%swap3A_616], %swap3A_619 {strides = array<i32>} : memref<512xf32, #tpu.memory_space<vmem>>, vector<16xf32>,
      %get3A_620 = arith.constant 32 : index
      %get3A_621 = tpu.vector_load %arg7[%get3A_620] {strides = array<i32>} : memref<512xf32, #tpu.memory_space<vmem>>, vector<16xf32>,
      %get3A_622 = vector.shape_cast %get3A_621 : vector<16xf32> to vector<16xf32>
      %get3A_623 = arith.constant 0 : i32
      %get3A_624 = arith.index_cast %get3A_623 : i32 to index
      %get3A_625 = arith.constant 32 : index
      %get3A_626 = tpu.vector_load %arg6[%get3A_624, %get3A_625] {strides = array<i32>} : memref<2x2048xf32, #tpu.memory_space<vmem>>, vector<1x16xf32>,
      %get3A_627 = vector.shape_cast %get3A_626 : vector<1x16xf32> to vector<16xf32>
      %add3A_628 = arith.addf %get3A_622, %get3A_627 : vector<16xf32>
      %get3A_629 = arith.constant 0 : i32
      %get3A_630 = arith.index_cast %get3A_629 : i32 to index
      %get3A_631 = arith.constant 544 : index
      %get3A_632 = tpu.vector_load %arg6[%get3A_630, %get3A_631] {strides = array<i32>} : memref<2x2048xf32, #tpu.memory_space<vmem>>, vector<1x16xf32>,
      %get3A_633 = vector.shape_cast %get3A_632 : vector<1x16xf32> to vector<16xf32>
      %add3A_634 = arith.addf %add3A_628, %get3A_633 : vector<16xf32>
      %get3A_635 = arith.constant 0 : i32
      %get3A_636 = arith.index_cast %get3A_635 : i32 to index
      %get3A_637 = arith.constant 1056 : index
      %get3A_638 = tpu.vector_load %arg6[%get3A_636, %get3A_637] {strides = array<i32>} : memref<2x2048xf32, #tpu.memory_space<vmem>>, vector<1x16xf32>,
      %get3A_639 = vector.shape_cast %get3A_638 : vector<1x16xf32> to vector<16xf32>
      %add3A_640 = arith.addf %add3A_634, %get3A_639 : vector<16xf32>
      %get3A_641 = arith.constant 0 : i32
      %get3A_642 = arith.index_cast %get3A_641 : i32 to index
      %get3A_643 = arith.constant 1568 : index
      %get3A_644 = tpu.vector_load %arg6[%get3A_642, %get3A_643] {strides = array<i32>} : memref<2x2048xf32, #tpu.memory_space<vmem>>, vector<1x16xf32>,
      %get3A_645 = vector.shape_cast %get3A_644 : vector<1x16xf32> to vector<16xf32>
      %add3A_646 = arith.addf %add3A_640, %get3A_645 : vector<16xf32>
      %swap3A_647 = arith.constant 32 : index
      %swap3A_648 = tpu.vector_load %arg7[%swap3A_647] {strides = array<i32>} : memref<512xf32, #tpu.memory_space<vmem>>, vector<16xf32>,
      %swap3A_649 = vector.shape_cast %swap3A_648 : vector<16xf32> to vector<16xf32>
      %swap3A_650 = vector.shape_cast %add3A_646 : vector<16xf32> to vector<16xf32>
      tpu.vector_store %arg7[%swap3A_647], %swap3A_650 {strides = array<i32>} : memref<512xf32, #tpu.memory_space<vmem>>, vector<16xf32>,
      %get3A_651 = arith.constant 48 : index
      %get3A_652 = tpu.vector_load %arg7[%get3A_651] {strides = array<i32>} : memref<512xf32, #tpu.memory_space<vmem>>, vector<16xf32>,
      %get3A_653 = vector.shape_cast %get3A_652 : vector<16xf32> to vector<16xf32>
      %get3A_654 = arith.constant 0 : i32
      %get3A_655 = arith.index_cast %get3A_654 : i32 to index
      %get3A_656 = arith.constant 48 : index
      %get3A_657 = tpu.vector_load %arg6[%get3A_655, %get3A_656] {strides = array<i32>} : memref<2x2048xf32, #tpu.memory_space<vmem>>, vector<1x16xf32>,
      %get3A_658 = vector.shape_cast %get3A_657 : vector<1x16xf32> to vector<16xf32>
      %add3A_659 = arith.addf %get3A_653, %get3A_658 : vector<16xf32>
      %get3A_660 = arith.constant 0 : i32
      %get3A_661 = arith.index_cast %get3A_660 : i32 to index
      %get3A_662 = arith.constant 560 : index
      %get3A_663 = tpu.vector_load %arg6[%get3A_661, %get3A_662] {strides = array<i32>} : memref<2x2048xf32, #tpu.memory_space<vmem>>, vector<1x16xf32>,
      %get3A_664 = vector.shape_cast %get3A_663 : vector<1x16xf32> to vector<16xf32>
      %add3A_665 = arith.addf %add3A_659, %get3A_664 : vector<16xf32>
      %get3A_666 = arith.constant 0 : i32
      %get3A_667 = arith.index_cast %get3A_666 : i32 to index
      %get3A_668 = arith.constant 1072 : index
      %get3A_669 = tpu.vector_load %arg6[%get3A_667, %get3A_668] {strides = array<i32>} : memref<2x2048xf32, #tpu.memory_space<vmem>>, vector<1x16xf32>,
      %get3A_670 = vector.shape_cast %get3A_669 : vector<1x16xf32> to vector<16xf32>
      %add3A_671 = arith.addf %add3A_665, %get3A_670 : vector<16xf32>
      %get3A_672 = arith.constant 0 : i32
      %get3A_673 = arith.index_cast %get3A_672 : i32 to index
      %get3A_674 = arith.constant 1584 : index
      %get3A_675 = tpu.vector_load %arg6[%get3A_673, %get3A_674] {strides = array<i32>} : memref<2x2048xf32, #tpu.memory_space<vmem>>, vector<1x16xf32>,
      %get3A_676 = vector.shape_cast %get3A_675 : vector<1x16xf32> to vector<16xf32>
      %add3A_677 = arith.addf %add3A_671, %get3A_676 : vector<16xf32>
      %swap3A_678 = arith.constant 48 : index
      %swap3A_679 = tpu.vector_load %arg7[%swap3A_678] {strides = array<i32>} : memref<512xf32, #tpu.memory_space<vmem>>, vector<16xf32>,
      %swap3A_680 = vector.shape_cast %swap3A_679 : vector<16xf32> to vector<16xf32>
      %swap3A_681 = vector.shape_cast %add3A_677 : vector<16xf32> to vector<16xf32>
      tpu.vector_store %arg7[%swap3A_678], %swap3A_681 {strides = array<i32>} : memref<512xf32, #tpu.memory_space<vmem>>, vector<16xf32>,
      %get3A_682 = arith.constant 64 : index
      %get3A_683 = tpu.vector_load %arg7[%get3A_682] {strides = array<i32>} : memref<512xf32, #tpu.memory_space<vmem>>, vector<16xf32>,
      %get3A_684 = vector.shape_cast %get3A_683 : vector<16xf32> to vector<16xf32>
      %get3A_685 = arith.constant 0 : i32
      %get3A_686 = arith.index_cast %get3A_685 : i32 to index
      %get3A_687 = arith.constant 64 : index
      %get3A_688 = tpu.vector_load %arg6[%get3A_686, %get3A_687] {strides = array<i32>} : memref<2x2048xf32, #tpu.memory_space<vmem>>, vector<1x16xf32>,
      %get3A_689 = vector.shape_cast %get3A_688 : vector<1x16xf32> to vector<16xf32>
      %add3A_690 = arith.addf %get3A_684, %get3A_689 : vector<16xf32>
      %get3A_691 = arith.constant 0 : i32
      %get3A_692 = arith.index_cast %get3A_691 : i32 to index
      %get3A_693 = arith.constant 576 : index
      %get3A_694 = tpu.vector_load %arg6[%get3A_692, %get3A_693] {strides = array<i32>} : memref<2x2048xf32, #tpu.memory_space<vmem>>, vector<1x16xf32>,
      %get3A_695 = vector.shape_cast %get3A_694 : vector<1x16xf32> to vector<16xf32>
      %add3A_696 = arith.addf %add3A_690, %get3A_695 : vector<16xf32>
      %get3A_697 = arith.constant 0 : i32
      %get3A_698 = arith.index_cast %get3A_697 : i32 to index
      %get3A_699 = arith.constant 1088 : index
      %get3A_700 = tpu.vector_load %arg6[%get3A_698, %get3A_699] {strides = array<i32>} : memref<2x2048xf32, #tpu.memory_space<vmem>>, vector<1x16xf32>,
      %get3A_701 = vector.shape_cast %get3A_700 : vector<1x16xf32> to vector<16xf32>
      %add3A_702 = arith.addf %add3A_696, %get3A_701 : vector<16xf32>
      %get3A_703 = arith.constant 0 : i32
      %get3A_704 = arith.index_cast %get3A_703 : i32 to index
      %get3A_705 = arith.constant 1600 : index
      %get3A_706 = tpu.vector_load %arg6[%get3A_704, %get3A_705] {strides = array<i32>} : memref<2x2048xf32, #tpu.memory_space<vmem>>, vector<1x16xf32>,
      %get3A_707 = vector.shape_cast %get3A_706 : vector<1x16xf32> to vector<16xf32>
      %add3A_708 = arith.addf %add3A_702, %get3A_707 : vector<16xf32>
      %swap3A_709 = arith.constant 64 : index
      %swap3A_710 = tpu.vector_load %arg7[%swap3A_709] {strides = array<i32>} : memref<512xf32, #tpu.memory_space<vmem>>, vector<16xf32>,
      %swap3A_711 = vector.shape_cast %swap3A_710 : vector<16xf32> to vector<16xf32>
      %swap3A_712 = vector.shape_cast %add3A_708 : vector<16xf32> to vector<16xf32>
      tpu.vector_store %arg7[%swap3A_709], %swap3A_712 {strides = array<i32>} : memref<512xf32, #tpu.memory_space<vmem>>, vector<16xf32>,
      %get3A_713 = arith.constant 80 : index
      %get3A_714 = tpu.vector_load %arg7[%get3A_713] {strides = array<i32>} : memref<512xf32, #tpu.memory_space<vmem>>, vector<16xf32>,
      %get3A_715 = vector.shape_cast %get3A_714 : vector<16xf32> to vector<16xf32>
      %get3A_716 = arith.constant 0 : i32
      %get3A_717 = arith.index_cast %get3A_716 : i32 to index
      %get3A_718 = arith.constant 80 : index
      %get3A_719 = tpu.vector_load %arg6[%get3A_717, %get3A_718] {strides = array<i32>} : memref<2x2048xf32, #tpu.memory_space<vmem>>, vector<1x16xf32>,
      %get3A_720 = vector.shape_cast %get3A_719 : vector<1x16xf32> to vector<16xf32>
      %add3A_721 = arith.addf %get3A_715, %get3A_720 : vector<16xf32>
      %get3A_722 = arith.constant 0 : i32
      %get3A_723 = arith.index_cast %get3A_722 : i32 to index
      %get3A_724 = arith.constant 592 : index
      %get3A_725 = tpu.vector_load %arg6[%get3A_723, %get3A_724] {strides = array<i32>} : memref<2x2048xf32, #tpu.memory_space<vmem>>, vector<1x16xf32>,
      %get3A_726 = vector.shape_cast %get3A_725 : vector<1x16xf32> to vector<16xf32>
      %add3A_727 = arith.addf %add3A_721, %get3A_726 : vector<16xf32>
      %get3A_728 = arith.constant 0 : i32
      %get3A_729 = arith.index_cast %get3A_728 : i32 to index
      %get3A_730 = arith.constant 1104 : index
      %get3A_731 = tpu.vector_load %arg6[%get3A_729, %get3A_730] {strides = array<i32>} : memref<2x2048xf32, #tpu.memory_space<vmem>>, vector<1x16xf32>,
      %get3A_732 = vector.shape_cast %get3A_731 : vector<1x16xf32> to vector<16xf32>
      %add3A_733 = arith.addf %add3A_727, %get3A_732 : vector<16xf32>
      %get3A_734 = arith.constant 0 : i32
      %get3A_735 = arith.index_cast %get3A_734 : i32 to index
      %get3A_736 = arith.constant 1616 : index
      %get3A_737 = tpu.vector_load %arg6[%get3A_735, %get3A_736] {strides = array<i32>} : memref<2x2048xf32, #tpu.memory_space<vmem>>, vector<1x16xf32>,
      %get3A_738 = vector.shape_cast %get3A_737 : vector<1x16xf32> to vector<16xf32>
      %add3A_739 = arith.addf %add3A_733, %get3A_738 : vector<16xf32>
      %swap3A_740 = arith.constant 80 : index
      %swap3A_741 = tpu.vector_load %arg7[%swap3A_740] {strides = array<i32>} : memref<512xf32, #tpu.memory_space<vmem>>, vector<16xf32>,
      %swap3A_742 = vector.shape_cast %swap3A_741 : vector<16xf32> to vector<16xf32>
      %swap3A_743 = vector.shape_cast %add3A_739 : vector<16xf32> to vector<16xf32>
      tpu.vector_store %arg7[%swap3A_740], %swap3A_743 {strides = array<i32>} : memref<512xf32, #tpu.memory_space<vmem>>, vector<16xf32>,
      %get3A_744 = arith.constant 96 : index
      %get3A_745 = tpu.vector_load %arg7[%get3A_744] {strides = array<i32>} : memref<512xf32, #tpu.memory_space<vmem>>, vector<16xf32>,
      %get3A_746 = vector.shape_cast %get3A_745 : vector<16xf32> to vector<16xf32>
      %get3A_747 = arith.constant 0 : i32
      %get3A_748 = arith.index_cast %get3A_747 : i32 to index
      %get3A_749 = arith.constant 96 : index
      %get3A_750 = tpu.vector_load %arg6[%get3A_748, %get3A_749] {strides = array<i32>} : memref<2x2048xf32, #tpu.memory_space<vmem>>, vector<1x16xf32>,
      %get3A_751 = vector.shape_cast %get3A_750 : vector<1x16xf32> to vector<16xf32>
      %add3A_752 = arith.addf %get3A_746, %get3A_751 : vector<16xf32>
      %get3A_753 = arith.constant 0 : i32
      %get3A_754 = arith.index_cast %get3A_753 : i32 to index
      %get3A_755 = arith.constant 608 : index
      %get3A_756 = tpu.vector_load %arg6[%get3A_754, %get3A_755] {strides = array<i32>} : memref<2x2048xf32, #tpu.memory_space<vmem>>, vector<1x16xf32>,
      %get3A_757 = vector.shape_cast %get3A_756 : vector<1x16xf32> to vector<16xf32>
      %add3A_758 = arith.addf %add3A_752, %get3A_757 : vector<16xf32>
      %get3A_759 = arith.constant 0 : i32
      %get3A_760 = arith.index_cast %get3A_759 : i32 to index
      %get3A_761 = arith.constant 1120 : index
      %get3A_762 = tpu.vector_load %arg6[%get3A_760, %get3A_761] {strides = array<i32>} : memref<2x2048xf32, #tpu.memory_space<vmem>>, vector<1x16xf32>,
      %get3A_763 = vector.shape_cast %get3A_762 : vector<1x16xf32> to vector<16xf32>
      %add3A_764 = arith.addf %add3A_758, %get3A_763 : vector<16xf32>
      %get3A_765 = arith.constant 0 : i32
      %get3A_766 = arith.index_cast %get3A_765 : i32 to index
      %get3A_767 = arith.constant 1632 : index
      %get3A_768 = tpu.vector_load %arg6[%get3A_766, %get3A_767] {strides = array<i32>} : memref<2x2048xf32, #tpu.memory_space<vmem>>, vector<1x16xf32>,
      %get3A_769 = vector.shape_cast %get3A_768 : vector<1x16xf32> to vector<16xf32>
      %add3A_770 = arith.addf %add3A_764, %get3A_769 : vector<16xf32>
      %swap3A_771 = arith.constant 96 : index
      %swap3A_772 = tpu.vector_load %arg7[%swap3A_771] {strides = array<i32>} : memref<512xf32, #tpu.memory_space<vmem>>, vector<16xf32>,
      %swap3A_773 = vector.shape_cast %swap3A_772 : vector<16xf32> to vector<16xf32>
      %swap3A_774 = vector.shape_cast %add3A_770 : vector<16xf32> to vector<16xf32>
      tpu.vector_store %arg7[%swap3A_771], %swap3A_774 {strides = array<i32>} : memref<512xf32, #tpu.memory_space<vmem>>, vector<16xf32>,
      %get3A_775 = arith.constant 112 : index
      %get3A_776 = tpu.vector_load %arg7[%get3A_775] {strides = array<i32>} : memref<512xf32, #tpu.memory_space<vmem>>, vector<16xf32>,
      %get3A_777 = vector.shape_cast %get3A_776 : vector<16xf32> to vector<16xf32>
      %get3A_778 = arith.constant 0 : i32
      %get3A_779 = arith.index_cast %get3A_778 : i32 to index
      %get3A_780 = arith.constant 112 : index
      %get3A_781 = tpu.vector_load %arg6[%get3A_779, %get3A_780] {strides = array<i32>} : memref<2x2048xf32, #tpu.memory_space<vmem>>, vector<1x16xf32>,
      %get3A_782 = vector.shape_cast %get3A_781 : vector<1x16xf32> to vector<16xf32>
      %add3A_783 = arith.addf %get3A_777, %get3A_782 : vector<16xf32>
      %get3A_784 = arith.constant 0 : i32
      %get3A_785 = arith.index_cast %get3A_784 : i32 to index
      %get3A_786 = arith.constant 624 : index
      %get3A_787 = tpu.vector_load %arg6[%get3A_785, %get3A_786] {strides = array<i32>} : memref<2x2048xf32, #tpu.memory_space<vmem>>, vector<1x16xf32>,
      %get3A_788 = vector.shape_cast %get3A_787 : vector<1x16xf32> to vector<16xf32>
      %add3A_789 = arith.addf %add3A_783, %get3A_788 : vector<16xf32>
      %get3A_790 = arith.constant 0 : i32
      %get3A_791 = arith.index_cast %get3A_790 : i32 to index
      %get3A_792 = arith.constant 1136 : index
      %get3A_793 = tpu.vector_load %arg6[%get3A_791, %get3A_792] {strides = array<i32>} : memref<2x2048xf32, #tpu.memory_space<vmem>>, vector<1x16xf32>,
      %get3A_794 = vector.shape_cast %get3A_793 : vector<1x16xf32> to vector<16xf32>
      %add3A_795 = arith.addf %add3A_789, %get3A_794 : vector<16xf32>
      %get3A_796 = arith.constant 0 : i32
      %get3A_797 = arith.index_cast %get3A_796 : i32 to index
      %get3A_798 = arith.constant 1648 : index
      %get3A_799 = tpu.vector_load %arg6[%get3A_797, %get3A_798] {strides = array<i32>} : memref<2x2048xf32, #tpu.memory_space<vmem>>, vector<1x16xf32>,
      %get3A_800 = vector.shape_cast %get3A_799 : vector<1x16xf32> to vector<16xf32>
      %add3A_801 = arith.addf %add3A_795, %get3A_800 : vector<16xf32>
      %swap3A_802 = arith.constant 112 : index
      %swap3A_803 = tpu.vector_load %arg7[%swap3A_802] {strides = array<i32>} : memref<512xf32, #tpu.memory_space<vmem>>, vector<16xf32>,
      %swap3A_804 = vector.shape_cast %swap3A_803 : vector<16xf32> to vector<16xf32>
      %swap3A_805 = vector.shape_cast %add3A_801 : vector<16xf32> to vector<16xf32>
      tpu.vector_store %arg7[%swap3A_802], %swap3A_805 {strides = array<i32>} : memref<512xf32, #tpu.memory_space<vmem>>, vector<16xf32>,
      %get3A_806 = arith.constant 128 : index
      %get3A_807 = tpu.vector_load %arg7[%get3A_806] {strides = array<i32>} : memref<512xf32, #tpu.memory_space<vmem>>, vector<16xf32>,
      %get3A_808 = vector.shape_cast %get3A_807 : vector<16xf32> to vector<16xf32>
      %get3A_809 = arith.constant 0 : i32
      %get3A_810 = arith.index_cast %get3A_809 : i32 to index
      %get3A_811 = arith.constant 128 : index
      %get3A_812 = tpu.vector_load %arg6[%get3A_810, %get3A_811] {strides = array<i32>} : memref<2x2048xf32, #tpu.memory_space<vmem>>, vector<1x16xf32>,
      %get3A_813 = vector.shape_cast %get3A_812 : vector<1x16xf32> to vector<16xf32>
      %add3A_814 = arith.addf %get3A_808, %get3A_813 : vector<16xf32>
      %get3A_815 = arith.constant 0 : i32
      %get3A_816 = arith.index_cast %get3A_815 : i32 to index
      %get3A_817 = arith.constant 640 : index
      %get3A_818 = tpu.vector_load %arg6[%get3A_816, %get3A_817] {strides = array<i32>} : memref<2x2048xf32, #tpu.memory_space<vmem>>, vector<1x16xf32>,
      %get3A_819 = vector.shape_cast %get3A_818 : vector<1x16xf32> to vector<16xf32>
      %add3A_820 = arith.addf %add3A_814, %get3A_819 : vector<16xf32>
      %get3A_821 = arith.constant 0 : i32
      %get3A_822 = arith.index_cast %get3A_821 : i32 to index
      %get3A_823 = arith.constant 1152 : index
      %get3A_824 = tpu.vector_load %arg6[%get3A_822, %get3A_823] {strides = array<i32>} : memref<2x2048xf32, #tpu.memory_space<vmem>>, vector<1x16xf32>,
      %get3A_825 = vector.shape_cast %get3A_824 : vector<1x16xf32> to vector<16xf32>
      %add3A_826 = arith.addf %add3A_820, %get3A_825 : vector<16xf32>
      %get3A_827 = arith.constant 0 : i32
      %get3A_828 = arith.index_cast %get3A_827 : i32 to index
      %get3A_829 = arith.constant 1664 : index
      %get3A_830 = tpu.vector_load %arg6[%get3A_828, %get3A_829] {strides = array<i32>} : memref<2x2048xf32, #tpu.memory_space<vmem>>, vector<1x16xf32>,
      %get3A_831 = vector.shape_cast %get3A_830 : vector<1x16xf32> to vector<16xf32>
      %add3A_832 = arith.addf %add3A_826, %get3A_831 : vector<16xf32>
      %swap3A_833 = arith.constant 128 : index
      %swap3A_834 = tpu.vector_load %arg7[%swap3A_833] {strides = array<i32>} : memref<512xf32, #tpu.memory_space<vmem>>, vector<16xf32>,
      %swap3A_835 = vector.shape_cast %swap3A_834 : vector<16xf32> to vector<16xf32>
      %swap3A_836 = vector.shape_cast %add3A_832 : vector<16xf32> to vector<16xf32>
      tpu.vector_store %arg7[%swap3A_833], %swap3A_836 {strides = array<i32>} : memref<512xf32, #tpu.memory_space<vmem>>, vector<16xf32>,
      %get3A_837 = arith.constant 144 : index
      %get3A_838 = tpu.vector_load %arg7[%get3A_837] {strides = array<i32>} : memref<512xf32, #tpu.memory_space<vmem>>, vector<16xf32>,
      %get3A_839 = vector.shape_cast %get3A_838 : vector<16xf32> to vector<16xf32>
      %get3A_840 = arith.constant 0 : i32
      %get3A_841 = arith.index_cast %get3A_840 : i32 to index
      %get3A_842 = arith.constant 144 : index
      %get3A_843 = tpu.vector_load %arg6[%get3A_841, %get3A_842] {strides = array<i32>} : memref<2x2048xf32, #tpu.memory_space<vmem>>, vector<1x16xf32>,
      %get3A_844 = vector.shape_cast %get3A_843 : vector<1x16xf32> to vector<16xf32>
      %add3A_845 = arith.addf %get3A_839, %get3A_844 : vector<16xf32>
      %get3A_846 = arith.constant 0 : i32
      %get3A_847 = arith.index_cast %get3A_846 : i32 to index
      %get3A_848 = arith.constant 656 : index
      %get3A_849 = tpu.vector_load %arg6[%get3A_847, %get3A_848] {strides = array<i32>} : memref<2x2048xf32, #tpu.memory_space<vmem>>, vector<1x16xf32>,
      %get3A_850 = vector.shape_cast %get3A_849 : vector<1x16xf32> to vector<16xf32>
      %add3A_851 = arith.addf %add3A_845, %get3A_850 : vector<16xf32>
      %get3A_852 = arith.constant 0 : i32
      %get3A_853 = arith.index_cast %get3A_852 : i32 to index
      %get3A_854 = arith.constant 1168 : index
      %get3A_855 = tpu.vector_load %arg6[%get3A_853, %get3A_854] {strides = array<i32>} : memref<2x2048xf32, #tpu.memory_space<vmem>>, vector<1x16xf32>,
      %get3A_856 = vector.shape_cast %get3A_855 : vector<1x16xf32> to vector<16xf32>
      %add3A_857 = arith.addf %add3A_851, %get3A_856 : vector<16xf32>
      %get3A_858 = arith.constant 0 : i32
      %get3A_859 = arith.index_cast %get3A_858 : i32 to index
      %get3A_860 = arith.constant 1680 : index
      %get3A_861 = tpu.vector_load %arg6[%get3A_859, %get3A_860] {strides = array<i32>} : memref<2x2048xf32, #tpu.memory_space<vmem>>, vector<1x16xf32>,
      %get3A_862 = vector.shape_cast %get3A_861 : vector<1x16xf32> to vector<16xf32>
      %add3A_863 = arith.addf %add3A_857, %get3A_862 : vector<16xf32>
      %swap3A_864 = arith.constant 144 : index
      %swap3A_865 = tpu.vector_load %arg7[%swap3A_864] {strides = array<i32>} : memref<512xf32, #tpu.memory_space<vmem>>, vector<16xf32>,
      %swap3A_866 = vector.shape_cast %swap3A_865 : vector<16xf32> to vector<16xf32>
      %swap3A_867 = vector.shape_cast %add3A_863 : vector<16xf32> to vector<16xf32>
      tpu.vector_store %arg7[%swap3A_864], %swap3A_867 {strides = array<i32>} : memref<512xf32, #tpu.memory_space<vmem>>, vector<16xf32>,
      %get3A_868 = arith.constant 160 : index
      %get3A_869 = tpu.vector_load %arg7[%get3A_868] {strides = array<i32>} : memref<512xf32, #tpu.memory_space<vmem>>, vector<16xf32>,
      %get3A_870 = vector.shape_cast %get3A_869 : vector<16xf32> to vector<16xf32>
      %get3A_871 = arith.constant 0 : i32
      %get3A_872 = arith.index_cast %get3A_871 : i32 to index
      %get3A_873 = arith.constant 160 : index
      %get3A_874 = tpu.vector_load %arg6[%get3A_872, %get3A_873] {strides = array<i32>} : memref<2x2048xf32, #tpu.memory_space<vmem>>, vector<1x16xf32>,
      %get3A_875 = vector.shape_cast %get3A_874 : vector<1x16xf32> to vector<16xf32>
      %add3A_876 = arith.addf %get3A_870, %get3A_875 : vector<16xf32>
      %get3A_877 = arith.constant 0 : i32
      %get3A_878 = arith.index_cast %get3A_877 : i32 to index
      %get3A_879 = arith.constant 672 : index
      %get3A_880 = tpu.vector_load %arg6[%get3A_878, %get3A_879] {strides = array<i32>} : memref<2x2048xf32, #tpu.memory_space<vmem>>, vector<1x16xf32>,
      %get3A_881 = vector.shape_cast %get3A_880 : vector<1x16xf32> to vector<16xf32>
      %add3A_882 = arith.addf %add3A_876, %get3A_881 : vector<16xf32>
      %get3A_883 = arith.constant 0 : i32
      %get3A_884 = arith.index_cast %get3A_883 : i32 to index
      %get3A_885 = arith.constant 1184 : index
      %get3A_886 = tpu.vector_load %arg6[%get3A_884, %get3A_885] {strides = array<i32>} : memref<2x2048xf32, #tpu.memory_space<vmem>>, vector<1x16xf32>,
      %get3A_887 = vector.shape_cast %get3A_886 : vector<1x16xf32> to vector<16xf32>
      %add3A_888 = arith.addf %add3A_882, %get3A_887 : vector<16xf32>
      %get3A_889 = arith.constant 0 : i32
      %get3A_890 = arith.index_cast %get3A_889 : i32 to index
      %get3A_891 = arith.constant 1696 : index
      %get3A_892 = tpu.vector_load %arg6[%get3A_890, %get3A_891] {strides = array<i32>} : memref<2x2048xf32, #tpu.memory_space<vmem>>, vector<1x16xf32>,
      %get3A_893 = vector.shape_cast %get3A_892 : vector<1x16xf32> to vector<16xf32>
      %add3A_894 = arith.addf %add3A_888, %get3A_893 : vector<16xf32>
      %swap3A_895 = arith.constant 160 : index
      %swap3A_896 = tpu.vector_load %arg7[%swap3A_895] {strides = array<i32>} : memref<512xf32, #tpu.memory_space<vmem>>, vector<16xf32>,
      %swap3A_897 = vector.shape_cast %swap3A_896 : vector<16xf32> to vector<16xf32>
      %swap3A_898 = vector.shape_cast %add3A_894 : vector<16xf32> to vector<16xf32>
      tpu.vector_store %arg7[%swap3A_895], %swap3A_898 {strides = array<i32>} : memref<512xf32, #tpu.memory_space<vmem>>, vector<16xf32>,
      %get3A_899 = arith.constant 176 : index
      %get3A_900 = tpu.vector_load %arg7[%get3A_899] {strides = array<i32>} : memref<512xf32, #tpu.memory_space<vmem>>, vector<16xf32>,
      %get3A_901 = vector.shape_cast %get3A_900 : vector<16xf32> to vector<16xf32>
      %get3A_902 = arith.constant 0 : i32
      %get3A_903 = arith.index_cast %get3A_902 : i32 to index
      %get3A_904 = arith.constant 176 : index
      %get3A_905 = tpu.vector_load %arg6[%get3A_903, %get3A_904] {strides = array<i32>} : memref<2x2048xf32, #tpu.memory_space<vmem>>, vector<1x16xf32>,
      %get3A_906 = vector.shape_cast %get3A_905 : vector<1x16xf32> to vector<16xf32>
      %add3A_907 = arith.addf %get3A_901, %get3A_906 : vector<16xf32>
      %get3A_908 = arith.constant 0 : i32
      %get3A_909 = arith.index_cast %get3A_908 : i32 to index
      %get3A_910 = arith.constant 688 : index
      %get3A_911 = tpu.vector_load %arg6[%get3A_909, %get3A_910] {strides = array<i32>} : memref<2x2048xf32, #tpu.memory_space<vmem>>, vector<1x16xf32>,
      %get3A_912 = vector.shape_cast %get3A_911 : vector<1x16xf32> to vector<16xf32>
      %add3A_913 = arith.addf %add3A_907, %get3A_912 : vector<16xf32>
      %get3A_914 = arith.constant 0 : i32
      %get3A_915 = arith.index_cast %get3A_914 : i32 to index
      %get3A_916 = arith.constant 1200 : index
      %get3A_917 = tpu.vector_load %arg6[%get3A_915, %get3A_916] {strides = array<i32>} : memref<2x2048xf32, #tpu.memory_space<vmem>>, vector<1x16xf32>,
      %get3A_918 = vector.shape_cast %get3A_917 : vector<1x16xf32> to vector<16xf32>
      %add3A_919 = arith.addf %add3A_913, %get3A_918 : vector<16xf32>
      %get3A_920 = arith.constant 0 : i32
      %get3A_921 = arith.index_cast %get3A_920 : i32 to index
      %get3A_922 = arith.constant 1712 : index
      %get3A_923 = tpu.vector_load %arg6[%get3A_921, %get3A_922] {strides = array<i32>} : memref<2x2048xf32, #tpu.memory_space<vmem>>, vector<1x16xf32>,
      %get3A_924 = vector.shape_cast %get3A_923 : vector<1x16xf32> to vector<16xf32>
      %add3A_925 = arith.addf %add3A_919, %get3A_924 : vector<16xf32>
      %swap3A_926 = arith.constant 176 : index
      %swap3A_927 = tpu.vector_load %arg7[%swap3A_926] {strides = array<i32>} : memref<512xf32, #tpu.memory_space<vmem>>, vector<16xf32>,
      %swap3A_928 = vector.shape_cast %swap3A_927 : vector<16xf32> to vector<16xf32>
      %swap3A_929 = vector.shape_cast %add3A_925 : vector<16xf32> to vector<16xf32>
      tpu.vector_store %arg7[%swap3A_926], %swap3A_929 {strides = array<i32>} : memref<512xf32, #tpu.memory_space<vmem>>, vector<16xf32>,
      %get3A_930 = arith.constant 192 : index
      %get3A_931 = tpu.vector_load %arg7[%get3A_930] {strides = array<i32>} : memref<512xf32, #tpu.memory_space<vmem>>, vector<16xf32>,
      %get3A_932 = vector.shape_cast %get3A_931 : vector<16xf32> to vector<16xf32>
      %get3A_933 = arith.constant 0 : i32
      %get3A_934 = arith.index_cast %get3A_933 : i32 to index
      %get3A_935 = arith.constant 192 : index
      %get3A_936 = tpu.vector_load %arg6[%get3A_934, %get3A_935] {strides = array<i32>} : memref<2x2048xf32, #tpu.memory_space<vmem>>, vector<1x16xf32>,
      %get3A_937 = vector.shape_cast %get3A_936 : vector<1x16xf32> to vector<16xf32>
      %add3A_938 = arith.addf %get3A_932, %get3A_937 : vector<16xf32>
      %get3A_939 = arith.constant 0 : i32
      %get3A_940 = arith.index_cast %get3A_939 : i32 to index
      %get3A_941 = arith.constant 704 : index
      %get3A_942 = tpu.vector_load %arg6[%get3A_940, %get3A_941] {strides = array<i32>} : memref<2x2048xf32, #tpu.memory_space<vmem>>, vector<1x16xf32>,
      %get3A_943 = vector.shape_cast %get3A_942 : vector<1x16xf32> to vector<16xf32>
      %add3A_944 = arith.addf %add3A_938, %get3A_943 : vector<16xf32>
      %get3A_945 = arith.constant 0 : i32
      %get3A_946 = arith.index_cast %get3A_945 : i32 to index
      %get3A_947 = arith.constant 1216 : index
      %get3A_948 = tpu.vector_load %arg6[%get3A_946, %get3A_947] {strides = array<i32>} : memref<2x2048xf32, #tpu.memory_space<vmem>>, vector<1x16xf32>,
      %get3A_949 = vector.shape_cast %get3A_948 : vector<1x16xf32> to vector<16xf32>
      %add3A_950 = arith.addf %add3A_944, %get3A_949 : vector<16xf32>
      %get3A_951 = arith.constant 0 : i32
      %get3A_952 = arith.index_cast %get3A_951 : i32 to index
      %get3A_953 = arith.constant 1728 : index
      %get3A_954 = tpu.vector_load %arg6[%get3A_952, %get3A_953] {strides = array<i32>} : memref<2x2048xf32, #tpu.memory_space<vmem>>, vector<1x16xf32>,
      %get3A_955 = vector.shape_cast %get3A_954 : vector<1x16xf32> to vector<16xf32>
      %add3A_956 = arith.addf %add3A_950, %get3A_955 : vector<16xf32>
      %swap3A_957 = arith.constant 192 : index
      %swap3A_958 = tpu.vector_load %arg7[%swap3A_957] {strides = array<i32>} : memref<512xf32, #tpu.memory_space<vmem>>, vector<16xf32>,
      %swap3A_959 = vector.shape_cast %swap3A_958 : vector<16xf32> to vector<16xf32>
      %swap3A_960 = vector.shape_cast %add3A_956 : vector<16xf32> to vector<16xf32>
      tpu.vector_store %arg7[%swap3A_957], %swap3A_960 {strides = array<i32>} : memref<512xf32, #tpu.memory_space<vmem>>, vector<16xf32>,
      %get3A_961 = arith.constant 208 : index
      %get3A_962 = tpu.vector_load %arg7[%get3A_961] {strides = array<i32>} : memref<512xf32, #tpu.memory_space<vmem>>, vector<16xf32>,
      %get3A_963 = vector.shape_cast %get3A_962 : vector<16xf32> to vector<16xf32>
      %get3A_964 = arith.constant 0 : i32
      %get3A_965 = arith.index_cast %get3A_964 : i32 to index
      %get3A_966 = arith.constant 208 : index
      %get3A_967 = tpu.vector_load %arg6[%get3A_965, %get3A_966] {strides = array<i32>} : memref<2x2048xf32, #tpu.memory_space<vmem>>, vector<1x16xf32>,
      %get3A_968 = vector.shape_cast %get3A_967 : vector<1x16xf32> to vector<16xf32>
      %add3A_969 = arith.addf %get3A_963, %get3A_968 : vector<16xf32>
      %get3A_970 = arith.constant 0 : i32
      %get3A_971 = arith.index_cast %get3A_970 : i32 to index
      %get3A_972 = arith.constant 720 : index
      %get3A_973 = tpu.vector_load %arg6[%get3A_971, %get3A_972] {strides = array<i32>} : memref<2x2048xf32, #tpu.memory_space<vmem>>, vector<1x16xf32>,
      %get3A_974 = vector.shape_cast %get3A_973 : vector<1x16xf32> to vector<16xf32>
      %add3A_975 = arith.addf %add3A_969, %get3A_974 : vector<16xf32>
      %get3A_976 = arith.constant 0 : i32
      %get3A_977 = arith.index_cast %get3A_976 : i32 to index
      %get3A_978 = arith.constant 1232 : index
      %get3A_979 = tpu.vector_load %arg6[%get3A_977, %get3A_978] {strides = array<i32>} : memref<2x2048xf32, #tpu.memory_space<vmem>>, vector<1x16xf32>,
      %get3A_980 = vector.shape_cast %get3A_979 : vector<1x16xf32> to vector<16xf32>
      %add3A_981 = arith.addf %add3A_975, %get3A_980 : vector<16xf32>
      %get3A_982 = arith.constant 0 : i32
      %get3A_983 = arith.index_cast %get3A_982 : i32 to index
      %get3A_984 = arith.constant 1744 : index
      %get3A_985 = tpu.vector_load %arg6[%get3A_983, %get3A_984] {strides = array<i32>} : memref<2x2048xf32, #tpu.memory_space<vmem>>, vector<1x16xf32>,
      %get3A_986 = vector.shape_cast %get3A_985 : vector<1x16xf32> to vector<16xf32>
      %add3A_987 = arith.addf %add3A_981, %get3A_986 : vector<16xf32>
      %swap3A_988 = arith.constant 208 : index
      %swap3A_989 = tpu.vector_load %arg7[%swap3A_988] {strides = array<i32>} : memref<512xf32, #tpu.memory_space<vmem>>, vector<16xf32>,
      %swap3A_990 = vector.shape_cast %swap3A_989 : vector<16xf32> to vector<16xf32>
      %swap3A_991 = vector.shape_cast %add3A_987 : vector<16xf32> to vector<16xf32>
      tpu.vector_store %arg7[%swap3A_988], %swap3A_991 {strides = array<i32>} : memref<512xf32, #tpu.memory_space<vmem>>, vector<16xf32>,
      %get3A_992 = arith.constant 224 : index
      %get3A_993 = tpu.vector_load %arg7[%get3A_992] {strides = array<i32>} : memref<512xf32, #tpu.memory_space<vmem>>, vector<16xf32>,
      %get3A_994 = vector.shape_cast %get3A_993 : vector<16xf32> to vector<16xf32>
      %get3A_995 = arith.constant 0 : i32
      %get3A_996 = arith.index_cast %get3A_995 : i32 to index
      %get3A_997 = arith.constant 224 : index
      %get3A_998 = tpu.vector_load %arg6[%get3A_996, %get3A_997] {strides = array<i32>} : memref<2x2048xf32, #tpu.memory_space<vmem>>, vector<1x16xf32>,
      %get3A_999 = vector.shape_cast %get3A_998 : vector<1x16xf32> to vector<16xf32>
      %add3A_1000 = arith.addf %get3A_994, %get3A_999 : vector<16xf32>
      %get3A_1001 = arith.constant 0 : i32
      %get3A_1002 = arith.index_cast %get3A_1001 : i32 to index
      %get3A_1003 = arith.constant 736 : index
      %get3A_1004 = tpu.vector_load %arg6[%get3A_1002, %get3A_1003] {strides = array<i32>} : memref<2x2048xf32, #tpu.memory_space<vmem>>, vector<1x16xf32>,
      %get3A_1005 = vector.shape_cast %get3A_1004 : vector<1x16xf32> to vector<16xf32>
      %add3A_1006 = arith.addf %add3A_1000, %get3A_1005 : vector<16xf32>
      %get3A_1007 = arith.constant 0 : i32
      %get3A_1008 = arith.index_cast %get3A_1007 : i32 to index
      %get3A_1009 = arith.constant 1248 : index
      %get3A_1010 = tpu.vector_load %arg6[%get3A_1008, %get3A_1009] {strides = array<i32>} : memref<2x2048xf32, #tpu.memory_space<vmem>>, vector<1x16xf32>,
      %get3A_1011 = vector.shape_cast %get3A_1010 : vector<1x16xf32> to vector<16xf32>
      %add3A_1012 = arith.addf %add3A_1006, %get3A_1011 : vector<16xf32>
      %get3A_1013 = arith.constant 0 : i32
      %get3A_1014 = arith.index_cast %get3A_1013 : i32 to index
      %get3A_1015 = arith.constant 1760 : index
      %get3A_1016 = tpu.vector_load %arg6[%get3A_1014, %get3A_1015] {strides = array<i32>} : memref<2x2048xf32, #tpu.memory_space<vmem>>, vector<1x16xf32>,
      %get3A_1017 = vector.shape_cast %get3A_1016 : vector<1x16xf32> to vector<16xf32>
      %add3A_1018 = arith.addf %add3A_1012, %get3A_1017 : vector<16xf32>
      %swap3A_1019 = arith.constant 224 : index
      %swap3A_1020 = tpu.vector_load %arg7[%swap3A_1019] {strides = array<i32>} : memref<512xf32, #tpu.memory_space<vmem>>, vector<16xf32>,
      %swap3A_1021 = vector.shape_cast %swap3A_1020 : vector<16xf32> to vector<16xf32>
      %swap3A_1022 = vector.shape_cast %add3A_1018 : vector<16xf32> to vector<16xf32>
      tpu.vector_store %arg7[%swap3A_1019], %swap3A_1022 {strides = array<i32>} : memref<512xf32, #tpu.memory_space<vmem>>, vector<16xf32>,
      %get3A_1023 = arith.constant 240 : index
      %get3A_1024 = tpu.vector_load %arg7[%get3A_1023] {strides = array<i32>} : memref<512xf32, #tpu.memory_space<vmem>>, vector<16xf32>,
      %get3A_1025 = vector.shape_cast %get3A_1024 : vector<16xf32> to vector<16xf32>
      %get3A_1026 = arith.constant 0 : i32
      %get3A_1027 = arith.index_cast %get3A_1026 : i32 to index
      %get3A_1028 = arith.constant 240 : index
      %get3A_1029 = tpu.vector_load %arg6[%get3A_1027, %get3A_1028] {strides = array<i32>} : memref<2x2048xf32, #tpu.memory_space<vmem>>, vector<1x16xf32>,
      %get3A_1030 = vector.shape_cast %get3A_1029 : vector<1x16xf32> to vector<16xf32>
      %add3A_1031 = arith.addf %get3A_1025, %get3A_1030 : vector<16xf32>
      %get3A_1032 = arith.constant 0 : i32
      %get3A_1033 = arith.index_cast %get3A_1032 : i32 to index
      %get3A_1034 = arith.constant 752 : index
      %get3A_1035 = tpu.vector_load %arg6[%get3A_1033, %get3A_1034] {strides = array<i32>} : memref<2x2048xf32, #tpu.memory_space<vmem>>, vector<1x16xf32>,
      %get3A_1036 = vector.shape_cast %get3A_1035 : vector<1x16xf32> to vector<16xf32>
      %add3A_1037 = arith.addf %add3A_1031, %get3A_1036 : vector<16xf32>
      %get3A_1038 = arith.constant 0 : i32
      %get3A_1039 = arith.index_cast %get3A_1038 : i32 to index
      %get3A_1040 = arith.constant 1264 : index
      %get3A_1041 = tpu.vector_load %arg6[%get3A_1039, %get3A_1040] {strides = array<i32>} : memref<2x2048xf32, #tpu.memory_space<vmem>>, vector<1x16xf32>,
      %get3A_1042 = vector.shape_cast %get3A_1041 : vector<1x16xf32> to vector<16xf32>
      %add3A_1043 = arith.addf %add3A_1037, %get3A_1042 : vector<16xf32>
      %get3A_1044 = arith.constant 0 : i32
      %get3A_1045 = arith.index_cast %get3A_1044 : i32 to index
      %get3A_1046 = arith.constant 1776 : index
      %get3A_1047 = tpu.vector_load %arg6[%get3A_1045, %get3A_1046] {strides = array<i32>} : memref<2x2048xf32, #tpu.memory_space<vmem>>, vector<1x16xf32>,
      %get3A_1048 = vector.shape_cast %get3A_1047 : vector<1x16xf32> to vector<16xf32>
      %add3A_1049 = arith.addf %add3A_1043, %get3A_1048 : vector<16xf32>
      %swap3A_1050 = arith.constant 240 : index
      %swap3A_1051 = tpu.vector_load %arg7[%swap3A_1050] {strides = array<i32>} : memref<512xf32, #tpu.memory_space<vmem>>, vector<16xf32>,
      %swap3A_1052 = vector.shape_cast %swap3A_1051 : vector<16xf32> to vector<16xf32>
      %swap3A_1053 = vector.shape_cast %add3A_1049 : vector<16xf32> to vector<16xf32>
      tpu.vector_store %arg7[%swap3A_1050], %swap3A_1053 {strides = array<i32>} : memref<512xf32, #tpu.memory_space<vmem>>, vector<16xf32>,
      %get3A_1054 = arith.constant 256 : index
      %get3A_1055 = tpu.vector_load %arg7[%get3A_1054] {strides = array<i32>} : memref<512xf32, #tpu.memory_space<vmem>>, vector<16xf32>,
      %get3A_1056 = vector.shape_cast %get3A_1055 : vector<16xf32> to vector<16xf32>
      %get3A_1057 = arith.constant 0 : i32
      %get3A_1058 = arith.index_cast %get3A_1057 : i32 to index
      %get3A_1059 = arith.constant 256 : index
      %get3A_1060 = tpu.vector_load %arg6[%get3A_1058, %get3A_1059] {strides = array<i32>} : memref<2x2048xf32, #tpu.memory_space<vmem>>, vector<1x16xf32>,
      %get3A_1061 = vector.shape_cast %get3A_1060 : vector<1x16xf32> to vector<16xf32>
      %add3A_1062 = arith.addf %get3A_1056, %get3A_1061 : vector<16xf32>
      %get3A_1063 = arith.constant 0 : i32
      %get3A_1064 = arith.index_cast %get3A_1063 : i32 to index
      %get3A_1065 = arith.constant 768 : index
      %get3A_1066 = tpu.vector_load %arg6[%get3A_1064, %get3A_1065] {strides = array<i32>} : memref<2x2048xf32, #tpu.memory_space<vmem>>, vector<1x16xf32>,
      %get3A_1067 = vector.shape_cast %get3A_1066 : vector<1x16xf32> to vector<16xf32>
      %add3A_1068 = arith.addf %add3A_1062, %get3A_1067 : vector<16xf32>
      %get3A_1069 = arith.constant 0 : i32
      %get3A_1070 = arith.index_cast %get3A_1069 : i32 to index
      %get3A_1071 = arith.constant 1280 : index
      %get3A_1072 = tpu.vector_load %arg6[%get3A_1070, %get3A_1071] {strides = array<i32>} : memref<2x2048xf32, #tpu.memory_space<vmem>>, vector<1x16xf32>,
      %get3A_1073 = vector.shape_cast %get3A_1072 : vector<1x16xf32> to vector<16xf32>
      %add3A_1074 = arith.addf %add3A_1068, %get3A_1073 : vector<16xf32>
      %get3A_1075 = arith.constant 0 : i32
      %get3A_1076 = arith.index_cast %get3A_1075 : i32 to index
      %get3A_1077 = arith.constant 1792 : index
      %get3A_1078 = tpu.vector_load %arg6[%get3A_1076, %get3A_1077] {strides = array<i32>} : memref<2x2048xf32, #tpu.memory_space<vmem>>, vector<1x16xf32>,
      %get3A_1079 = vector.shape_cast %get3A_1078 : vector<1x16xf32> to vector<16xf32>
      %add3A_1080 = arith.addf %add3A_1074, %get3A_1079 : vector<16xf32>
      %swap3A_1081 = arith.constant 256 : index
      %swap3A_1082 = tpu.vector_load %arg7[%swap3A_1081] {strides = array<i32>} : memref<512xf32, #tpu.memory_space<vmem>>, vector<16xf32>,
      %swap3A_1083 = vector.shape_cast %swap3A_1082 : vector<16xf32> to vector<16xf32>
      %swap3A_1084 = vector.shape_cast %add3A_1080 : vector<16xf32> to vector<16xf32>
      tpu.vector_store %arg7[%swap3A_1081], %swap3A_1084 {strides = array<i32>} : memref<512xf32, #tpu.memory_space<vmem>>, vector<16xf32>,
      %get3A_1085 = arith.constant 272 : index
      %get3A_1086 = tpu.vector_load %arg7[%get3A_1085] {strides = array<i32>} : memref<512xf32, #tpu.memory_space<vmem>>, vector<16xf32>,
      %get3A_1087 = vector.shape_cast %get3A_1086 : vector<16xf32> to vector<16xf32>
      %get3A_1088 = arith.constant 0 : i32
      %get3A_1089 = arith.index_cast %get3A_1088 : i32 to index
      %get3A_1090 = arith.constant 272 : index
      %get3A_1091 = tpu.vector_load %arg6[%get3A_1089, %get3A_1090] {strides = array<i32>} : memref<2x2048xf32, #tpu.memory_space<vmem>>, vector<1x16xf32>,
      %get3A_1092 = vector.shape_cast %get3A_1091 : vector<1x16xf32> to vector<16xf32>
      %add3A_1093 = arith.addf %get3A_1087, %get3A_1092 : vector<16xf32>
      %get3A_1094 = arith.constant 0 : i32
      %get3A_1095 = arith.index_cast %get3A_1094 : i32 to index
      %get3A_1096 = arith.constant 784 : index
      %get3A_1097 = tpu.vector_load %arg6[%get3A_1095, %get3A_1096] {strides = array<i32>} : memref<2x2048xf32, #tpu.memory_space<vmem>>, vector<1x16xf32>,
      %get3A_1098 = vector.shape_cast %get3A_1097 : vector<1x16xf32> to vector<16xf32>
      %add3A_1099 = arith.addf %add3A_1093, %get3A_1098 : vector<16xf32>
      %get3A_1100 = arith.constant 0 : i32
      %get3A_1101 = arith.index_cast %get3A_1100 : i32 to index
      %get3A_1102 = arith.constant 1296 : index
      %get3A_1103 = tpu.vector_load %arg6[%get3A_1101, %get3A_1102] {strides = array<i32>} : memref<2x2048xf32, #tpu.memory_space<vmem>>, vector<1x16xf32>,
      %get3A_1104 = vector.shape_cast %get3A_1103 : vector<1x16xf32> to vector<16xf32>
      %add3A_1105 = arith.addf %add3A_1099, %get3A_1104 : vector<16xf32>
      %get3A_1106 = arith.constant 0 : i32
      %get3A_1107 = arith.index_cast %get3A_1106 : i32 to index
      %get3A_1108 = arith.constant 1808 : index
      %get3A_1109 = tpu.vector_load %arg6[%get3A_1107, %get3A_1108] {strides = array<i32>} : memref<2x2048xf32, #tpu.memory_space<vmem>>, vector<1x16xf32>,
      %get3A_1110 = vector.shape_cast %get3A_1109 : vector<1x16xf32> to vector<16xf32>
      %add3A_1111 = arith.addf %add3A_1105, %get3A_1110 : vector<16xf32>
      %swap3A_1112 = arith.constant 272 : index
      %swap3A_1113 = tpu.vector_load %arg7[%swap3A_1112] {strides = array<i32>} : memref<512xf32, #tpu.memory_space<vmem>>, vector<16xf32>,
      %swap3A_1114 = vector.shape_cast %swap3A_1113 : vector<16xf32> to vector<16xf32>
      %swap3A_1115 = vector.shape_cast %add3A_1111 : vector<16xf32> to vector<16xf32>
      tpu.vector_store %arg7[%swap3A_1112], %swap3A_1115 {strides = array<i32>} : memref<512xf32, #tpu.memory_space<vmem>>, vector<16xf32>,
      %get3A_1116 = arith.constant 288 : index
      %get3A_1117 = tpu.vector_load %arg7[%get3A_1116] {strides = array<i32>} : memref<512xf32, #tpu.memory_space<vmem>>, vector<16xf32>,
      %get3A_1118 = vector.shape_cast %get3A_1117 : vector<16xf32> to vector<16xf32>
      %get3A_1119 = arith.constant 0 : i32
      %get3A_1120 = arith.index_cast %get3A_1119 : i32 to index
      %get3A_1121 = arith.constant 288 : index
      %get3A_1122 = tpu.vector_load %arg6[%get3A_1120, %get3A_1121] {strides = array<i32>} : memref<2x2048xf32, #tpu.memory_space<vmem>>, vector<1x16xf32>,
      %get3A_1123 = vector.shape_cast %get3A_1122 : vector<1x16xf32> to vector<16xf32>
      %add3A_1124 = arith.addf %get3A_1118, %get3A_1123 : vector<16xf32>
      %get3A_1125 = arith.constant 0 : i32
      %get3A_1126 = arith.index_cast %get3A_1125 : i32 to index
      %get3A_1127 = arith.constant 800 : index
      %get3A_1128 = tpu.vector_load %arg6[%get3A_1126, %get3A_1127] {strides = array<i32>} : memref<2x2048xf32, #tpu.memory_space<vmem>>, vector<1x16xf32>,
      %get3A_1129 = vector.shape_cast %get3A_1128 : vector<1x16xf32> to vector<16xf32>
      %add3A_1130 = arith.addf %add3A_1124, %get3A_1129 : vector<16xf32>
      %get3A_1131 = arith.constant 0 : i32
      %get3A_1132 = arith.index_cast %get3A_1131 : i32 to index
      %get3A_1133 = arith.constant 1312 : index
      %get3A_1134 = tpu.vector_load %arg6[%get3A_1132, %get3A_1133] {strides = array<i32>} : memref<2x2048xf32, #tpu.memory_space<vmem>>, vector<1x16xf32>,
      %get3A_1135 = vector.shape_cast %get3A_1134 : vector<1x16xf32> to vector<16xf32>
      %add3A_1136 = arith.addf %add3A_1130, %get3A_1135 : vector<16xf32>
      %get3A_1137 = arith.constant 0 : i32
      %get3A_1138 = arith.index_cast %get3A_1137 : i32 to index
      %get3A_1139 = arith.constant 1824 : index
      %get3A_1140 = tpu.vector_load %arg6[%get3A_1138, %get3A_1139] {strides = array<i32>} : memref<2x2048xf32, #tpu.memory_space<vmem>>, vector<1x16xf32>,
      %get3A_1141 = vector.shape_cast %get3A_1140 : vector<1x16xf32> to vector<16xf32>
      %add3A_1142 = arith.addf %add3A_1136, %get3A_1141 : vector<16xf32>
      %swap3A_1143 = arith.constant 288 : index
      %swap3A_1144 = tpu.vector_load %arg7[%swap3A_1143] {strides = array<i32>} : memref<512xf32, #tpu.memory_space<vmem>>, vector<16xf32>,
      %swap3A_1145 = vector.shape_cast %swap3A_1144 : vector<16xf32> to vector<16xf32>
      %swap3A_1146 = vector.shape_cast %add3A_1142 : vector<16xf32> to vector<16xf32>
      tpu.vector_store %arg7[%swap3A_1143], %swap3A_1146 {strides = array<i32>} : memref<512xf32, #tpu.memory_space<vmem>>, vector<16xf32>,
      %get3A_1147 = arith.constant 304 : index
      %get3A_1148 = tpu.vector_load %arg7[%get3A_1147] {strides = array<i32>} : memref<512xf32, #tpu.memory_space<vmem>>, vector<16xf32>,
      %get3A_1149 = vector.shape_cast %get3A_1148 : vector<16xf32> to vector<16xf32>
      %get3A_1150 = arith.constant 0 : i32
      %get3A_1151 = arith.index_cast %get3A_1150 : i32 to index
      %get3A_1152 = arith.constant 304 : index
      %get3A_1153 = tpu.vector_load %arg6[%get3A_1151, %get3A_1152] {strides = array<i32>} : memref<2x2048xf32, #tpu.memory_space<vmem>>, vector<1x16xf32>,
      %get3A_1154 = vector.shape_cast %get3A_1153 : vector<1x16xf32> to vector<16xf32>
      %add3A_1155 = arith.addf %get3A_1149, %get3A_1154 : vector<16xf32>
      %get3A_1156 = arith.constant 0 : i32
      %get3A_1157 = arith.index_cast %get3A_1156 : i32 to index
      %get3A_1158 = arith.constant 816 : index
      %get3A_1159 = tpu.vector_load %arg6[%get3A_1157, %get3A_1158] {strides = array<i32>} : memref<2x2048xf32, #tpu.memory_space<vmem>>, vector<1x16xf32>,
      %get3A_1160 = vector.shape_cast %get3A_1159 : vector<1x16xf32> to vector<16xf32>
      %add3A_1161 = arith.addf %add3A_1155, %get3A_1160 : vector<16xf32>
      %get3A_1162 = arith.constant 0 : i32
      %get3A_1163 = arith.index_cast %get3A_1162 : i32 to index
      %get3A_1164 = arith.constant 1328 : index
      %get3A_1165 = tpu.vector_load %arg6[%get3A_1163, %get3A_1164] {strides = array<i32>} : memref<2x2048xf32, #tpu.memory_space<vmem>>, vector<1x16xf32>,
      %get3A_1166 = vector.shape_cast %get3A_1165 : vector<1x16xf32> to vector<16xf32>
      %add3A_1167 = arith.addf %add3A_1161, %get3A_1166 : vector<16xf32>
      %get3A_1168 = arith.constant 0 : i32
      %get3A_1169 = arith.index_cast %get3A_1168 : i32 to index
      %get3A_1170 = arith.constant 1840 : index
      %get3A_1171 = tpu.vector_load %arg6[%get3A_1169, %get3A_1170] {strides = array<i32>} : memref<2x2048xf32, #tpu.memory_space<vmem>>, vector<1x16xf32>,
      %get3A_1172 = vector.shape_cast %get3A_1171 : vector<1x16xf32> to vector<16xf32>
      %add3A_1173 = arith.addf %add3A_1167, %get3A_1172 : vector<16xf32>
      %swap3A_1174 = arith.constant 304 : index
      %swap3A_1175 = tpu.vector_load %arg7[%swap3A_1174] {strides = array<i32>} : memref<512xf32, #tpu.memory_space<vmem>>, vector<16xf32>,
      %swap3A_1176 = vector.shape_cast %swap3A_1175 : vector<16xf32> to vector<16xf32>
      %swap3A_1177 = vector.shape_cast %add3A_1173 : vector<16xf32> to vector<16xf32>
      tpu.vector_store %arg7[%swap3A_1174], %swap3A_1177 {strides = array<i32>} : memref<512xf32, #tpu.memory_space<vmem>>, vector<16xf32>,
      %get3A_1178 = arith.constant 320 : index
      %get3A_1179 = tpu.vector_load %arg7[%get3A_1178] {strides = array<i32>} : memref<512xf32, #tpu.memory_space<vmem>>, vector<16xf32>,
      %get3A_1180 = vector.shape_cast %get3A_1179 : vector<16xf32> to vector<16xf32>
      %get3A_1181 = arith.constant 0 : i32
      %get3A_1182 = arith.index_cast %get3A_1181 : i32 to index
      %get3A_1183 = arith.constant 320 : index
      %get3A_1184 = tpu.vector_load %arg6[%get3A_1182, %get3A_1183] {strides = array<i32>} : memref<2x2048xf32, #tpu.memory_space<vmem>>, vector<1x16xf32>,
      %get3A_1185 = vector.shape_cast %get3A_1184 : vector<1x16xf32> to vector<16xf32>
      %add3A_1186 = arith.addf %get3A_1180, %get3A_1185 : vector<16xf32>
      %get3A_1187 = arith.constant 0 : i32
      %get3A_1188 = arith.index_cast %get3A_1187 : i32 to index
      %get3A_1189 = arith.constant 832 : index
      %get3A_1190 = tpu.vector_load %arg6[%get3A_1188, %get3A_1189] {strides = array<i32>} : memref<2x2048xf32, #tpu.memory_space<vmem>>, vector<1x16xf32>,
      %get3A_1191 = vector.shape_cast %get3A_1190 : vector<1x16xf32> to vector<16xf32>
      %add3A_1192 = arith.addf %add3A_1186, %get3A_1191 : vector<16xf32>
      %get3A_1193 = arith.constant 0 : i32
      %get3A_1194 = arith.index_cast %get3A_1193 : i32 to index
      %get3A_1195 = arith.constant 1344 : index
      %get3A_1196 = tpu.vector_load %arg6[%get3A_1194, %get3A_1195] {strides = array<i32>} : memref<2x2048xf32, #tpu.memory_space<vmem>>, vector<1x16xf32>,
      %get3A_1197 = vector.shape_cast %get3A_1196 : vector<1x16xf32> to vector<16xf32>
      %add3A_1198 = arith.addf %add3A_1192, %get3A_1197 : vector<16xf32>
      %get3A_1199 = arith.constant 0 : i32
      %get3A_1200 = arith.index_cast %get3A_1199 : i32 to index
      %get3A_1201 = arith.constant 1856 : index
      %get3A_1202 = tpu.vector_load %arg6[%get3A_1200, %get3A_1201] {strides = array<i32>} : memref<2x2048xf32, #tpu.memory_space<vmem>>, vector<1x16xf32>,
      %get3A_1203 = vector.shape_cast %get3A_1202 : vector<1x16xf32> to vector<16xf32>
      %add3A_1204 = arith.addf %add3A_1198, %get3A_1203 : vector<16xf32>
      %swap3A_1205 = arith.constant 320 : index
      %swap3A_1206 = tpu.vector_load %arg7[%swap3A_1205] {strides = array<i32>} : memref<512xf32, #tpu.memory_space<vmem>>, vector<16xf32>,
      %swap3A_1207 = vector.shape_cast %swap3A_1206 : vector<16xf32> to vector<16xf32>
      %swap3A_1208 = vector.shape_cast %add3A_1204 : vector<16xf32> to vector<16xf32>
      tpu.vector_store %arg7[%swap3A_1205], %swap3A_1208 {strides = array<i32>} : memref<512xf32, #tpu.memory_space<vmem>>, vector<16xf32>,
      %get3A_1209 = arith.constant 336 : index
      %get3A_1210 = tpu.vector_load %arg7[%get3A_1209] {strides = array<i32>} : memref<512xf32, #tpu.memory_space<vmem>>, vector<16xf32>,
      %get3A_1211 = vector.shape_cast %get3A_1210 : vector<16xf32> to vector<16xf32>
      %get3A_1212 = arith.constant 0 : i32
      %get3A_1213 = arith.index_cast %get3A_1212 : i32 to index
      %get3A_1214 = arith.constant 336 : index
      %get3A_1215 = tpu.vector_load %arg6[%get3A_1213, %get3A_1214] {strides = array<i32>} : memref<2x2048xf32, #tpu.memory_space<vmem>>, vector<1x16xf32>,
      %get3A_1216 = vector.shape_cast %get3A_1215 : vector<1x16xf32> to vector<16xf32>
      %add3A_1217 = arith.addf %get3A_1211, %get3A_1216 : vector<16xf32>
      %get3A_1218 = arith.constant 0 : i32
      %get3A_1219 = arith.index_cast %get3A_1218 : i32 to index
      %get3A_1220 = arith.constant 848 : index
      %get3A_1221 = tpu.vector_load %arg6[%get3A_1219, %get3A_1220] {strides = array<i32>} : memref<2x2048xf32, #tpu.memory_space<vmem>>, vector<1x16xf32>,
      %get3A_1222 = vector.shape_cast %get3A_1221 : vector<1x16xf32> to vector<16xf32>
      %add3A_1223 = arith.addf %add3A_1217, %get3A_1222 : vector<16xf32>
      %get3A_1224 = arith.constant 0 : i32
      %get3A_1225 = arith.index_cast %get3A_1224 : i32 to index
      %get3A_1226 = arith.constant 1360 : index
      %get3A_1227 = tpu.vector_load %arg6[%get3A_1225, %get3A_1226] {strides = array<i32>} : memref<2x2048xf32, #tpu.memory_space<vmem>>, vector<1x16xf32>,
      %get3A_1228 = vector.shape_cast %get3A_1227 : vector<1x16xf32> to vector<16xf32>
      %add3A_1229 = arith.addf %add3A_1223, %get3A_1228 : vector<16xf32>
      %get3A_1230 = arith.constant 0 : i32
      %get3A_1231 = arith.index_cast %get3A_1230 : i32 to index
      %get3A_1232 = arith.constant 1872 : index
      %get3A_1233 = tpu.vector_load %arg6[%get3A_1231, %get3A_1232] {strides = array<i32>} : memref<2x2048xf32, #tpu.memory_space<vmem>>, vector<1x16xf32>,
      %get3A_1234 = vector.shape_cast %get3A_1233 : vector<1x16xf32> to vector<16xf32>
      %add3A_1235 = arith.addf %add3A_1229, %get3A_1234 : vector<16xf32>
      %swap3A_1236 = arith.constant 336 : index
      %swap3A_1237 = tpu.vector_load %arg7[%swap3A_1236] {strides = array<i32>} : memref<512xf32, #tpu.memory_space<vmem>>, vector<16xf32>,
      %swap3A_1238 = vector.shape_cast %swap3A_1237 : vector<16xf32> to vector<16xf32>
      %swap3A_1239 = vector.shape_cast %add3A_1235 : vector<16xf32> to vector<16xf32>
      tpu.vector_store %arg7[%swap3A_1236], %swap3A_1239 {strides = array<i32>} : memref<512xf32, #tpu.memory_space<vmem>>, vector<16xf32>,
      %get3A_1240 = arith.constant 352 : index
      %get3A_1241 = tpu.vector_load %arg7[%get3A_1240] {strides = array<i32>} : memref<512xf32, #tpu.memory_space<vmem>>, vector<16xf32>,
      %get3A_1242 = vector.shape_cast %get3A_1241 : vector<16xf32> to vector<16xf32>
      %get3A_1243 = arith.constant 0 : i32
      %get3A_1244 = arith.index_cast %get3A_1243 : i32 to index
      %get3A_1245 = arith.constant 352 : index
      %get3A_1246 = tpu.vector_load %arg6[%get3A_1244, %get3A_1245] {strides = array<i32>} : memref<2x2048xf32, #tpu.memory_space<vmem>>, vector<1x16xf32>,
      %get3A_1247 = vector.shape_cast %get3A_1246 : vector<1x16xf32> to vector<16xf32>
      %add3A_1248 = arith.addf %get3A_1242, %get3A_1247 : vector<16xf32>
      %get3A_1249 = arith.constant 0 : i32
      %get3A_1250 = arith.index_cast %get3A_1249 : i32 to index
      %get3A_1251 = arith.constant 864 : index
      %get3A_1252 = tpu.vector_load %arg6[%get3A_1250, %get3A_1251] {strides = array<i32>} : memref<2x2048xf32, #tpu.memory_space<vmem>>, vector<1x16xf32>,
      %get3A_1253 = vector.shape_cast %get3A_1252 : vector<1x16xf32> to vector<16xf32>
      %add3A_1254 = arith.addf %add3A_1248, %get3A_1253 : vector<16xf32>
      %get3A_1255 = arith.constant 0 : i32
      %get3A_1256 = arith.index_cast %get3A_1255 : i32 to index
      %get3A_1257 = arith.constant 1376 : index
      %get3A_1258 = tpu.vector_load %arg6[%get3A_1256, %get3A_1257] {strides = array<i32>} : memref<2x2048xf32, #tpu.memory_space<vmem>>, vector<1x16xf32>,
      %get3A_1259 = vector.shape_cast %get3A_1258 : vector<1x16xf32> to vector<16xf32>
      %add3A_1260 = arith.addf %add3A_1254, %get3A_1259 : vector<16xf32>
      %get3A_1261 = arith.constant 0 : i32
      %get3A_1262 = arith.index_cast %get3A_1261 : i32 to index
      %get3A_1263 = arith.constant 1888 : index
      %get3A_1264 = tpu.vector_load %arg6[%get3A_1262, %get3A_1263] {strides = array<i32>} : memref<2x2048xf32, #tpu.memory_space<vmem>>, vector<1x16xf32>,
      %get3A_1265 = vector.shape_cast %get3A_1264 : vector<1x16xf32> to vector<16xf32>
      %add3A_1266 = arith.addf %add3A_1260, %get3A_1265 : vector<16xf32>
      %swap3A_1267 = arith.constant 352 : index
      %swap3A_1268 = tpu.vector_load %arg7[%swap3A_1267] {strides = array<i32>} : memref<512xf32, #tpu.memory_space<vmem>>, vector<16xf32>,
      %swap3A_1269 = vector.shape_cast %swap3A_1268 : vector<16xf32> to vector<16xf32>
      %swap3A_1270 = vector.shape_cast %add3A_1266 : vector<16xf32> to vector<16xf32>
      tpu.vector_store %arg7[%swap3A_1267], %swap3A_1270 {strides = array<i32>} : memref<512xf32, #tpu.memory_space<vmem>>, vector<16xf32>,
      %get3A_1271 = arith.constant 368 : index
      %get3A_1272 = tpu.vector_load %arg7[%get3A_1271] {strides = array<i32>} : memref<512xf32, #tpu.memory_space<vmem>>, vector<16xf32>,
      %get3A_1273 = vector.shape_cast %get3A_1272 : vector<16xf32> to vector<16xf32>
      %get3A_1274 = arith.constant 0 : i32
      %get3A_1275 = arith.index_cast %get3A_1274 : i32 to index
      %get3A_1276 = arith.constant 368 : index
      %get3A_1277 = tpu.vector_load %arg6[%get3A_1275, %get3A_1276] {strides = array<i32>} : memref<2x2048xf32, #tpu.memory_space<vmem>>, vector<1x16xf32>,
      %get3A_1278 = vector.shape_cast %get3A_1277 : vector<1x16xf32> to vector<16xf32>
      %add3A_1279 = arith.addf %get3A_1273, %get3A_1278 : vector<16xf32>
      %get3A_1280 = arith.constant 0 : i32
      %get3A_1281 = arith.index_cast %get3A_1280 : i32 to index
      %get3A_1282 = arith.constant 880 : index
      %get3A_1283 = tpu.vector_load %arg6[%get3A_1281, %get3A_1282] {strides = array<i32>} : memref<2x2048xf32, #tpu.memory_space<vmem>>, vector<1x16xf32>,
      %get3A_1284 = vector.shape_cast %get3A_1283 : vector<1x16xf32> to vector<16xf32>
      %add3A_1285 = arith.addf %add3A_1279, %get3A_1284 : vector<16xf32>
      %get3A_1286 = arith.constant 0 : i32
      %get3A_1287 = arith.index_cast %get3A_1286 : i32 to index
      %get3A_1288 = arith.constant 1392 : index
      %get3A_1289 = tpu.vector_load %arg6[%get3A_1287, %get3A_1288] {strides = array<i32>} : memref<2x2048xf32, #tpu.memory_space<vmem>>, vector<1x16xf32>,
      %get3A_1290 = vector.shape_cast %get3A_1289 : vector<1x16xf32> to vector<16xf32>
      %add3A_1291 = arith.addf %add3A_1285, %get3A_1290 : vector<16xf32>
      %get3A_1292 = arith.constant 0 : i32
      %get3A_1293 = arith.index_cast %get3A_1292 : i32 to index
      %get3A_1294 = arith.constant 1904 : index
      %get3A_1295 = tpu.vector_load %arg6[%get3A_1293, %get3A_1294] {strides = array<i32>} : memref<2x2048xf32, #tpu.memory_space<vmem>>, vector<1x16xf32>,
      %get3A_1296 = vector.shape_cast %get3A_1295 : vector<1x16xf32> to vector<16xf32>
      %add3A_1297 = arith.addf %add3A_1291, %get3A_1296 : vector<16xf32>
      %swap3A_1298 = arith.constant 368 : index
      %swap3A_1299 = tpu.vector_load %arg7[%swap3A_1298] {strides = array<i32>} : memref<512xf32, #tpu.memory_space<vmem>>, vector<16xf32>,
      %swap3A_1300 = vector.shape_cast %swap3A_1299 : vector<16xf32> to vector<16xf32>
      %swap3A_1301 = vector.shape_cast %add3A_1297 : vector<16xf32> to vector<16xf32>
      tpu.vector_store %arg7[%swap3A_1298], %swap3A_1301 {strides = array<i32>} : memref<512xf32, #tpu.memory_space<vmem>>, vector<16xf32>,
      %get3A_1302 = arith.constant 384 : index
      %get3A_1303 = tpu.vector_load %arg7[%get3A_1302] {strides = array<i32>} : memref<512xf32, #tpu.memory_space<vmem>>, vector<16xf32>,
      %get3A_1304 = vector.shape_cast %get3A_1303 : vector<16xf32> to vector<16xf32>
      %get3A_1305 = arith.constant 0 : i32
      %get3A_1306 = arith.index_cast %get3A_1305 : i32 to index
      %get3A_1307 = arith.constant 384 : index
      %get3A_1308 = tpu.vector_load %arg6[%get3A_1306, %get3A_1307] {strides = array<i32>} : memref<2x2048xf32, #tpu.memory_space<vmem>>, vector<1x16xf32>,
      %get3A_1309 = vector.shape_cast %get3A_1308 : vector<1x16xf32> to vector<16xf32>
      %add3A_1310 = arith.addf %get3A_1304, %get3A_1309 : vector<16xf32>
      %get3A_1311 = arith.constant 0 : i32
      %get3A_1312 = arith.index_cast %get3A_1311 : i32 to index
      %get3A_1313 = arith.constant 896 : index
      %get3A_1314 = tpu.vector_load %arg6[%get3A_1312, %get3A_1313] {strides = array<i32>} : memref<2x2048xf32, #tpu.memory_space<vmem>>, vector<1x16xf32>,
      %get3A_1315 = vector.shape_cast %get3A_1314 : vector<1x16xf32> to vector<16xf32>
      %add3A_1316 = arith.addf %add3A_1310, %get3A_1315 : vector<16xf32>
      %get3A_1317 = arith.constant 0 : i32
      %get3A_1318 = arith.index_cast %get3A_1317 : i32 to index
      %get3A_1319 = arith.constant 1408 : index
      %get3A_1320 = tpu.vector_load %arg6[%get3A_1318, %get3A_1319] {strides = array<i32>} : memref<2x2048xf32, #tpu.memory_space<vmem>>, vector<1x16xf32>,
      %get3A_1321 = vector.shape_cast %get3A_1320 : vector<1x16xf32> to vector<16xf32>
      %add3A_1322 = arith.addf %add3A_1316, %get3A_1321 : vector<16xf32>
      %get3A_1323 = arith.constant 0 : i32
      %get3A_1324 = arith.index_cast %get3A_1323 : i32 to index
      %get3A_1325 = arith.constant 1920 : index
      %get3A_1326 = tpu.vector_load %arg6[%get3A_1324, %get3A_1325] {strides = array<i32>} : memref<2x2048xf32, #tpu.memory_space<vmem>>, vector<1x16xf32>,
      %get3A_1327 = vector.shape_cast %get3A_1326 : vector<1x16xf32> to vector<16xf32>
      %add3A_1328 = arith.addf %add3A_1322, %get3A_1327 : vector<16xf32>
      %swap3A_1329 = arith.constant 384 : index
      %swap3A_1330 = tpu.vector_load %arg7[%swap3A_1329] {strides = array<i32>} : memref<512xf32, #tpu.memory_space<vmem>>, vector<16xf32>,
      %swap3A_1331 = vector.shape_cast %swap3A_1330 : vector<16xf32> to vector<16xf32>
      %swap3A_1332 = vector.shape_cast %add3A_1328 : vector<16xf32> to vector<16xf32>
      tpu.vector_store %arg7[%swap3A_1329], %swap3A_1332 {strides = array<i32>} : memref<512xf32, #tpu.memory_space<vmem>>, vector<16xf32>,
      %get3A_1333 = arith.constant 400 : index
      %get3A_1334 = tpu.vector_load %arg7[%get3A_1333] {strides = array<i32>} : memref<512xf32, #tpu.memory_space<vmem>>, vector<16xf32>,
      %get3A_1335 = vector.shape_cast %get3A_1334 : vector<16xf32> to vector<16xf32>
      %get3A_1336 = arith.constant 0 : i32
      %get3A_1337 = arith.index_cast %get3A_1336 : i32 to index
      %get3A_1338 = arith.constant 400 : index
      %get3A_1339 = tpu.vector_load %arg6[%get3A_1337, %get3A_1338] {strides = array<i32>} : memref<2x2048xf32, #tpu.memory_space<vmem>>, vector<1x16xf32>,
      %get3A_1340 = vector.shape_cast %get3A_1339 : vector<1x16xf32> to vector<16xf32>
      %add3A_1341 = arith.addf %get3A_1335, %get3A_1340 : vector<16xf32>
      %get3A_1342 = arith.constant 0 : i32
      %get3A_1343 = arith.index_cast %get3A_1342 : i32 to index
      %get3A_1344 = arith.constant 912 : index
      %get3A_1345 = tpu.vector_load %arg6[%get3A_1343, %get3A_1344] {strides = array<i32>} : memref<2x2048xf32, #tpu.memory_space<vmem>>, vector<1x16xf32>,
      %get3A_1346 = vector.shape_cast %get3A_1345 : vector<1x16xf32> to vector<16xf32>
      %add3A_1347 = arith.addf %add3A_1341, %get3A_1346 : vector<16xf32>
      %get3A_1348 = arith.constant 0 : i32
      %get3A_1349 = arith.index_cast %get3A_1348 : i32 to index
      %get3A_1350 = arith.constant 1424 : index
      %get3A_1351 = tpu.vector_load %arg6[%get3A_1349, %get3A_1350] {strides = array<i32>} : memref<2x2048xf32, #tpu.memory_space<vmem>>, vector<1x16xf32>,
      %get3A_1352 = vector.shape_cast %get3A_1351 : vector<1x16xf32> to vector<16xf32>
      %add3A_1353 = arith.addf %add3A_1347, %get3A_1352 : vector<16xf32>
      %get3A_1354 = arith.constant 0 : i32
      %get3A_1355 = arith.index_cast %get3A_1354 : i32 to index
      %get3A_1356 = arith.constant 1936 : index
      %get3A_1357 = tpu.vector_load %arg6[%get3A_1355, %get3A_1356] {strides = array<i32>} : memref<2x2048xf32, #tpu.memory_space<vmem>>, vector<1x16xf32>,
      %get3A_1358 = vector.shape_cast %get3A_1357 : vector<1x16xf32> to vector<16xf32>
      %add3A_1359 = arith.addf %add3A_1353, %get3A_1358 : vector<16xf32>
      %swap3A_1360 = arith.constant 400 : index
      %swap3A_1361 = tpu.vector_load %arg7[%swap3A_1360] {strides = array<i32>} : memref<512xf32, #tpu.memory_space<vmem>>, vector<16xf32>,
      %swap3A_1362 = vector.shape_cast %swap3A_1361 : vector<16xf32> to vector<16xf32>
      %swap3A_1363 = vector.shape_cast %add3A_1359 : vector<16xf32> to vector<16xf32>
      tpu.vector_store %arg7[%swap3A_1360], %swap3A_1363 {strides = array<i32>} : memref<512xf32, #tpu.memory_space<vmem>>, vector<16xf32>,
      %get3A_1364 = arith.constant 416 : index
      %get3A_1365 = tpu.vector_load %arg7[%get3A_1364] {strides = array<i32>} : memref<512xf32, #tpu.memory_space<vmem>>, vector<16xf32>,
      %get3A_1366 = vector.shape_cast %get3A_1365 : vector<16xf32> to vector<16xf32>
      %get3A_1367 = arith.constant 0 : i32
      %get3A_1368 = arith.index_cast %get3A_1367 : i32 to index
      %get3A_1369 = arith.constant 416 : index
      %get3A_1370 = tpu.vector_load %arg6[%get3A_1368, %get3A_1369] {strides = array<i32>} : memref<2x2048xf32, #tpu.memory_space<vmem>>, vector<1x16xf32>,
      %get3A_1371 = vector.shape_cast %get3A_1370 : vector<1x16xf32> to vector<16xf32>
      %add3A_1372 = arith.addf %get3A_1366, %get3A_1371 : vector<16xf32>
      %get3A_1373 = arith.constant 0 : i32
      %get3A_1374 = arith.index_cast %get3A_1373 : i32 to index
      %get3A_1375 = arith.constant 928 : index
      %get3A_1376 = tpu.vector_load %arg6[%get3A_1374, %get3A_1375] {strides = array<i32>} : memref<2x2048xf32, #tpu.memory_space<vmem>>, vector<1x16xf32>,
      %get3A_1377 = vector.shape_cast %get3A_1376 : vector<1x16xf32> to vector<16xf32>
      %add3A_1378 = arith.addf %add3A_1372, %get3A_1377 : vector<16xf32>
      %get3A_1379 = arith.constant 0 : i32
      %get3A_1380 = arith.index_cast %get3A_1379 : i32 to index
      %get3A_1381 = arith.constant 1440 : index
      %get3A_1382 = tpu.vector_load %arg6[%get3A_1380, %get3A_1381] {strides = array<i32>} : memref<2x2048xf32, #tpu.memory_space<vmem>>, vector<1x16xf32>,
      %get3A_1383 = vector.shape_cast %get3A_1382 : vector<1x16xf32> to vector<16xf32>
      %add3A_1384 = arith.addf %add3A_1378, %get3A_1383 : vector<16xf32>
      %get3A_1385 = arith.constant 0 : i32
      %get3A_1386 = arith.index_cast %get3A_1385 : i32 to index
      %get3A_1387 = arith.constant 1952 : index
      %get3A_1388 = tpu.vector_load %arg6[%get3A_1386, %get3A_1387] {strides = array<i32>} : memref<2x2048xf32, #tpu.memory_space<vmem>>, vector<1x16xf32>,
      %get3A_1389 = vector.shape_cast %get3A_1388 : vector<1x16xf32> to vector<16xf32>
      %add3A_1390 = arith.addf %add3A_1384, %get3A_1389 : vector<16xf32>
      %swap3A_1391 = arith.constant 416 : index
      %swap3A_1392 = tpu.vector_load %arg7[%swap3A_1391] {strides = array<i32>} : memref<512xf32, #tpu.memory_space<vmem>>, vector<16xf32>,
      %swap3A_1393 = vector.shape_cast %swap3A_1392 : vector<16xf32> to vector<16xf32>
      %swap3A_1394 = vector.shape_cast %add3A_1390 : vector<16xf32> to vector<16xf32>
      tpu.vector_store %arg7[%swap3A_1391], %swap3A_1394 {strides = array<i32>} : memref<512xf32, #tpu.memory_space<vmem>>, vector<16xf32>,
      %get3A_1395 = arith.constant 432 : index
      %get3A_1396 = tpu.vector_load %arg7[%get3A_1395] {strides = array<i32>} : memref<512xf32, #tpu.memory_space<vmem>>, vector<16xf32>,
      %get3A_1397 = vector.shape_cast %get3A_1396 : vector<16xf32> to vector<16xf32>
      %get3A_1398 = arith.constant 0 : i32
      %get3A_1399 = arith.index_cast %get3A_1398 : i32 to index
      %get3A_1400 = arith.constant 432 : index
      %get3A_1401 = tpu.vector_load %arg6[%get3A_1399, %get3A_1400] {strides = array<i32>} : memref<2x2048xf32, #tpu.memory_space<vmem>>, vector<1x16xf32>,
      %get3A_1402 = vector.shape_cast %get3A_1401 : vector<1x16xf32> to vector<16xf32>
      %add3A_1403 = arith.addf %get3A_1397, %get3A_1402 : vector<16xf32>
      %get3A_1404 = arith.constant 0 : i32
      %get3A_1405 = arith.index_cast %get3A_1404 : i32 to index
      %get3A_1406 = arith.constant 944 : index
      %get3A_1407 = tpu.vector_load %arg6[%get3A_1405, %get3A_1406] {strides = array<i32>} : memref<2x2048xf32, #tpu.memory_space<vmem>>, vector<1x16xf32>,
      %get3A_1408 = vector.shape_cast %get3A_1407 : vector<1x16xf32> to vector<16xf32>
      %add3A_1409 = arith.addf %add3A_1403, %get3A_1408 : vector<16xf32>
      %get3A_1410 = arith.constant 0 : i32
      %get3A_1411 = arith.index_cast %get3A_1410 : i32 to index
      %get3A_1412 = arith.constant 1456 : index
      %get3A_1413 = tpu.vector_load %arg6[%get3A_1411, %get3A_1412] {strides = array<i32>} : memref<2x2048xf32, #tpu.memory_space<vmem>>, vector<1x16xf32>,
      %get3A_1414 = vector.shape_cast %get3A_1413 : vector<1x16xf32> to vector<16xf32>
      %add3A_1415 = arith.addf %add3A_1409, %get3A_1414 : vector<16xf32>
      %get3A_1416 = arith.constant 0 : i32
      %get3A_1417 = arith.index_cast %get3A_1416 : i32 to index
      %get3A_1418 = arith.constant 1968 : index
      %get3A_1419 = tpu.vector_load %arg6[%get3A_1417, %get3A_1418] {strides = array<i32>} : memref<2x2048xf32, #tpu.memory_space<vmem>>, vector<1x16xf32>,
      %get3A_1420 = vector.shape_cast %get3A_1419 : vector<1x16xf32> to vector<16xf32>
      %add3A_1421 = arith.addf %add3A_1415, %get3A_1420 : vector<16xf32>
      %swap3A_1422 = arith.constant 432 : index
      %swap3A_1423 = tpu.vector_load %arg7[%swap3A_1422] {strides = array<i32>} : memref<512xf32, #tpu.memory_space<vmem>>, vector<16xf32>,
      %swap3A_1424 = vector.shape_cast %swap3A_1423 : vector<16xf32> to vector<16xf32>
      %swap3A_1425 = vector.shape_cast %add3A_1421 : vector<16xf32> to vector<16xf32>
      tpu.vector_store %arg7[%swap3A_1422], %swap3A_1425 {strides = array<i32>} : memref<512xf32, #tpu.memory_space<vmem>>, vector<16xf32>,
      %get3A_1426 = arith.constant 448 : index
      %get3A_1427 = tpu.vector_load %arg7[%get3A_1426] {strides = array<i32>} : memref<512xf32, #tpu.memory_space<vmem>>, vector<16xf32>,
      %get3A_1428 = vector.shape_cast %get3A_1427 : vector<16xf32> to vector<16xf32>
      %get3A_1429 = arith.constant 0 : i32
      %get3A_1430 = arith.index_cast %get3A_1429 : i32 to index
      %get3A_1431 = arith.constant 448 : index
      %get3A_1432 = tpu.vector_load %arg6[%get3A_1430, %get3A_1431] {strides = array<i32>} : memref<2x2048xf32, #tpu.memory_space<vmem>>, vector<1x16xf32>,
      %get3A_1433 = vector.shape_cast %get3A_1432 : vector<1x16xf32> to vector<16xf32>
      %add3A_1434 = arith.addf %get3A_1428, %get3A_1433 : vector<16xf32>
      %get3A_1435 = arith.constant 0 : i32
      %get3A_1436 = arith.index_cast %get3A_1435 : i32 to index
      %get3A_1437 = arith.constant 960 : index
      %get3A_1438 = tpu.vector_load %arg6[%get3A_1436, %get3A_1437] {strides = array<i32>} : memref<2x2048xf32, #tpu.memory_space<vmem>>, vector<1x16xf32>,
      %get3A_1439 = vector.shape_cast %get3A_1438 : vector<1x16xf32> to vector<16xf32>
      %add3A_1440 = arith.addf %add3A_1434, %get3A_1439 : vector<16xf32>
      %get3A_1441 = arith.constant 0 : i32
      %get3A_1442 = arith.index_cast %get3A_1441 : i32 to index
      %get3A_1443 = arith.constant 1472 : index
      %get3A_1444 = tpu.vector_load %arg6[%get3A_1442, %get3A_1443] {strides = array<i32>} : memref<2x2048xf32, #tpu.memory_space<vmem>>, vector<1x16xf32>,
      %get3A_1445 = vector.shape_cast %get3A_1444 : vector<1x16xf32> to vector<16xf32>
      %add3A_1446 = arith.addf %add3A_1440, %get3A_1445 : vector<16xf32>
      %get3A_1447 = arith.constant 0 : i32
      %get3A_1448 = arith.index_cast %get3A_1447 : i32 to index
      %get3A_1449 = arith.constant 1984 : index
      %get3A_1450 = tpu.vector_load %arg6[%get3A_1448, %get3A_1449] {strides = array<i32>} : memref<2x2048xf32, #tpu.memory_space<vmem>>, vector<1x16xf32>,
      %get3A_1451 = vector.shape_cast %get3A_1450 : vector<1x16xf32> to vector<16xf32>
      %add3A_1452 = arith.addf %add3A_1446, %get3A_1451 : vector<16xf32>
      %swap3A_1453 = arith.constant 448 : index
      %swap3A_1454 = tpu.vector_load %arg7[%swap3A_1453] {strides = array<i32>} : memref<512xf32, #tpu.memory_space<vmem>>, vector<16xf32>,
      %swap3A_1455 = vector.shape_cast %swap3A_1454 : vector<16xf32> to vector<16xf32>
      %swap3A_1456 = vector.shape_cast %add3A_1452 : vector<16xf32> to vector<16xf32>
      tpu.vector_store %arg7[%swap3A_1453], %swap3A_1456 {strides = array<i32>} : memref<512xf32, #tpu.memory_space<vmem>>, vector<16xf32>,
      %get3A_1457 = arith.constant 464 : index
      %get3A_1458 = tpu.vector_load %arg7[%get3A_1457] {strides = array<i32>} : memref<512xf32, #tpu.memory_space<vmem>>, vector<16xf32>,
      %get3A_1459 = vector.shape_cast %get3A_1458 : vector<16xf32> to vector<16xf32>
      %get3A_1460 = arith.constant 0 : i32
      %get3A_1461 = arith.index_cast %get3A_1460 : i32 to index
      %get3A_1462 = arith.constant 464 : index
      %get3A_1463 = tpu.vector_load %arg6[%get3A_1461, %get3A_1462] {strides = array<i32>} : memref<2x2048xf32, #tpu.memory_space<vmem>>, vector<1x16xf32>,
      %get3A_1464 = vector.shape_cast %get3A_1463 : vector<1x16xf32> to vector<16xf32>
      %add3A_1465 = arith.addf %get3A_1459, %get3A_1464 : vector<16xf32>
      %get3A_1466 = arith.constant 0 : i32
      %get3A_1467 = arith.index_cast %get3A_1466 : i32 to index
      %get3A_1468 = arith.constant 976 : index
      %get3A_1469 = tpu.vector_load %arg6[%get3A_1467, %get3A_1468] {strides = array<i32>} : memref<2x2048xf32, #tpu.memory_space<vmem>>, vector<1x16xf32>,
      %get3A_1470 = vector.shape_cast %get3A_1469 : vector<1x16xf32> to vector<16xf32>
      %add3A_1471 = arith.addf %add3A_1465, %get3A_1470 : vector<16xf32>
      %get3A_1472 = arith.constant 0 : i32
      %get3A_1473 = arith.index_cast %get3A_1472 : i32 to index
      %get3A_1474 = arith.constant 1488 : index
      %get3A_1475 = tpu.vector_load %arg6[%get3A_1473, %get3A_1474] {strides = array<i32>} : memref<2x2048xf32, #tpu.memory_space<vmem>>, vector<1x16xf32>,
      %get3A_1476 = vector.shape_cast %get3A_1475 : vector<1x16xf32> to vector<16xf32>
      %add3A_1477 = arith.addf %add3A_1471, %get3A_1476 : vector<16xf32>
      %get3A_1478 = arith.constant 0 : i32
      %get3A_1479 = arith.index_cast %get3A_1478 : i32 to index
      %get3A_1480 = arith.constant 2000 : index
      %get3A_1481 = tpu.vector_load %arg6[%get3A_1479, %get3A_1480] {strides = array<i32>} : memref<2x2048xf32, #tpu.memory_space<vmem>>, vector<1x16xf32>,
      %get3A_1482 = vector.shape_cast %get3A_1481 : vector<1x16xf32> to vector<16xf32>
      %add3A_1483 = arith.addf %add3A_1477, %get3A_1482 : vector<16xf32>
      %swap3A_1484 = arith.constant 464 : index
      %swap3A_1485 = tpu.vector_load %arg7[%swap3A_1484] {strides = array<i32>} : memref<512xf32, #tpu.memory_space<vmem>>, vector<16xf32>,
      %swap3A_1486 = vector.shape_cast %swap3A_1485 : vector<16xf32> to vector<16xf32>
      %swap3A_1487 = vector.shape_cast %add3A_1483 : vector<16xf32> to vector<16xf32>
      tpu.vector_store %arg7[%swap3A_1484], %swap3A_1487 {strides = array<i32>} : memref<512xf32, #tpu.memory_space<vmem>>, vector<16xf32>,
      %get3A_1488 = arith.constant 480 : index
      %get3A_1489 = tpu.vector_load %arg7[%get3A_1488] {strides = array<i32>} : memref<512xf32, #tpu.memory_space<vmem>>, vector<16xf32>,
      %get3A_1490 = vector.shape_cast %get3A_1489 : vector<16xf32> to vector<16xf32>
      %get3A_1491 = arith.constant 0 : i32
      %get3A_1492 = arith.index_cast %get3A_1491 : i32 to index
      %get3A_1493 = arith.constant 480 : index
      %get3A_1494 = tpu.vector_load %arg6[%get3A_1492, %get3A_1493] {strides = array<i32>} : memref<2x2048xf32, #tpu.memory_space<vmem>>, vector<1x16xf32>,
      %get3A_1495 = vector.shape_cast %get3A_1494 : vector<1x16xf32> to vector<16xf32>
      %add3A_1496 = arith.addf %get3A_1490, %get3A_1495 : vector<16xf32>
      %get3A_1497 = arith.constant 0 : i32
      %get3A_1498 = arith.index_cast %get3A_1497 : i32 to index
      %get3A_1499 = arith.constant 992 : index
      %get3A_1500 = tpu.vector_load %arg6[%get3A_1498, %get3A_1499] {strides = array<i32>} : memref<2x2048xf32, #tpu.memory_space<vmem>>, vector<1x16xf32>,
      %get3A_1501 = vector.shape_cast %get3A_1500 : vector<1x16xf32> to vector<16xf32>
      %add3A_1502 = arith.addf %add3A_1496, %get3A_1501 : vector<16xf32>
      %get3A_1503 = arith.constant 0 : i32
      %get3A_1504 = arith.index_cast %get3A_1503 : i32 to index
      %get3A_1505 = arith.constant 1504 : index
      %get3A_1506 = tpu.vector_load %arg6[%get3A_1504, %get3A_1505] {strides = array<i32>} : memref<2x2048xf32, #tpu.memory_space<vmem>>, vector<1x16xf32>,
      %get3A_1507 = vector.shape_cast %get3A_1506 : vector<1x16xf32> to vector<16xf32>
      %add3A_1508 = arith.addf %add3A_1502, %get3A_1507 : vector<16xf32>
      %get3A_1509 = arith.constant 0 : i32
      %get3A_1510 = arith.index_cast %get3A_1509 : i32 to index
      %get3A_1511 = arith.constant 2016 : index
      %get3A_1512 = tpu.vector_load %arg6[%get3A_1510, %get3A_1511] {strides = array<i32>} : memref<2x2048xf32, #tpu.memory_space<vmem>>, vector<1x16xf32>,
      %get3A_1513 = vector.shape_cast %get3A_1512 : vector<1x16xf32> to vector<16xf32>
      %add3A_1514 = arith.addf %add3A_1508, %get3A_1513 : vector<16xf32>
      %swap3A_1515 = arith.constant 480 : index
      %swap3A_1516 = tpu.vector_load %arg7[%swap3A_1515] {strides = array<i32>} : memref<512xf32, #tpu.memory_space<vmem>>, vector<16xf32>,
      %swap3A_1517 = vector.shape_cast %swap3A_1516 : vector<16xf32> to vector<16xf32>
      %swap3A_1518 = vector.shape_cast %add3A_1514 : vector<16xf32> to vector<16xf32>
      tpu.vector_store %arg7[%swap3A_1515], %swap3A_1518 {strides = array<i32>} : memref<512xf32, #tpu.memory_space<vmem>>, vector<16xf32>,
      %get3A_1519 = arith.constant 496 : index
      %get3A_1520 = tpu.vector_load %arg7[%get3A_1519] {strides = array<i32>} : memref<512xf32, #tpu.memory_space<vmem>>, vector<16xf32>,
      %get3A_1521 = vector.shape_cast %get3A_1520 : vector<16xf32> to vector<16xf32>
      %get3A_1522 = arith.constant 0 : i32
      %get3A_1523 = arith.index_cast %get3A_1522 : i32 to index
      %get3A_1524 = arith.constant 496 : index
      %get3A_1525 = tpu.vector_load %arg6[%get3A_1523, %get3A_1524] {strides = array<i32>} : memref<2x2048xf32, #tpu.memory_space<vmem>>, vector<1x16xf32>,
      %get3A_1526 = vector.shape_cast %get3A_1525 : vector<1x16xf32> to vector<16xf32>
      %add3A_1527 = arith.addf %get3A_1521, %get3A_1526 : vector<16xf32>
      %get3A_1528 = arith.constant 0 : i32
      %get3A_1529 = arith.index_cast %get3A_1528 : i32 to index
      %get3A_1530 = arith.constant 1008 : index
      %get3A_1531 = tpu.vector_load %arg6[%get3A_1529, %get3A_1530] {strides = array<i32>} : memref<2x2048xf32, #tpu.memory_space<vmem>>, vector<1x16xf32>,
      %get3A_1532 = vector.shape_cast %get3A_1531 : vector<1x16xf32> to vector<16xf32>
      %add3A_1533 = arith.addf %add3A_1527, %get3A_1532 : vector<16xf32>
      %get3A_1534 = arith.constant 0 : i32
      %get3A_1535 = arith.index_cast %get3A_1534 : i32 to index
      %get3A_1536 = arith.constant 1520 : index
      %get3A_1537 = tpu.vector_load %arg6[%get3A_1535, %get3A_1536] {strides = array<i32>} : memref<2x2048xf32, #tpu.memory_space<vmem>>, vector<1x16xf32>,
      %get3A_1538 = vector.shape_cast %get3A_1537 : vector<1x16xf32> to vector<16xf32>
      %add3A_1539 = arith.addf %add3A_1533, %get3A_1538 : vector<16xf32>
      %get3A_1540 = arith.constant 0 : i32
      %get3A_1541 = arith.index_cast %get3A_1540 : i32 to index
      %get3A_1542 = arith.constant 2032 : index
      %get3A_1543 = tpu.vector_load %arg6[%get3A_1541, %get3A_1542] {strides = array<i32>} : memref<2x2048xf32, #tpu.memory_space<vmem>>, vector<1x16xf32>,
      %get3A_1544 = vector.shape_cast %get3A_1543 : vector<1x16xf32> to vector<16xf32>
      %add3A_1545 = arith.addf %add3A_1539, %get3A_1544 : vector<16xf32>
      %swap3A_1546 = arith.constant 496 : index
      %swap3A_1547 = tpu.vector_load %arg7[%swap3A_1546] {strides = array<i32>} : memref<512xf32, #tpu.memory_space<vmem>>, vector<16xf32>,
      %swap3A_1548 = vector.shape_cast %swap3A_1547 : vector<16xf32> to vector<16xf32>
      %swap3A_1549 = vector.shape_cast %add3A_1545 : vector<16xf32> to vector<16xf32>
      tpu.vector_store %arg7[%swap3A_1546], %swap3A_1549 {strides = array<i32>} : memref<512xf32, #tpu.memory_space<vmem>>, vector<16xf32>,
      %add3A_1550 = arith.constant 2 : i32
      %add3A_1551 = arith.addi %mul3A_354, %add3A_1550 : i32
      %lt3A_1552 = arith.constant 50 : i32
      %lt3A_1553 = arith.cmpi slt, %add3A_1551, %lt3A_1552 : i32
      %convert_element_type3A_1554 = arith.extui %lt3A_1553 : i1 to i32
      %cond3A_1555 = arith.constant 0 : i32
      %cond3A_1556 = arith.cmpi ne, %convert_element_type3A_1554, %cond3A_1555 : i32
      scf.if %cond3A_1556 {
        %dma_wait3A_2567 = arith.constant 0 : i32
        %dma_wait3A_2568 = arith.constant 0 : i32
        %dma_wait3A_2569 = arith.constant 0 : i32
        %dma_wait3A_2570 = tpu.memref_slice %arg5[%dma_wait3A_2567, %dma_wait3A_2568, %dma_wait3A_2569] : memref<2x4x512xi32, #tpu.memory_space<vmem>> -> memref<1x4x512xi32, #tpu.memory_space<vmem>>
        %dma_wait3A_2571 = tpu.memref_squeeze %dma_wait3A_2570 : memref<1x4x512xi32, #tpu.memory_space<vmem>> -> memref<4x512xi32, #tpu.memory_space<vmem>>
        %dma_wait3A_2572 = arith.constant 0 : i32
        %dma_wait3A_2573 = tpu.memref_slice %arg2[%dma_wait3A_2572, %mul3A_2] : memref<200x16384xi32, #tpu.memory_space<hbm>> -> memref<4x512xi32, #tpu.memory_space<hbm>>
        %dma_wait3A_2574 = arith.constant 0 : i32
        %dma_wait3A_2575 = arith.constant 0 : i32
        %dma_wait3A_2576 = tpu.memref_slice %arg5[%dma_wait3A_2567, %dma_wait3A_2574, %dma_wait3A_2575] : memref<2x4x512xi32, #tpu.memory_space<vmem>> -> memref<1x4x512xi32, #tpu.memory_space<vmem>>
        %dma_wait3A_2577 = tpu.memref_squeeze %dma_wait3A_2576 : memref<1x4x512xi32, #tpu.memory_space<vmem>> -> memref<4x512xi32, #tpu.memory_space<vmem>>
        %dma_wait3A_2578 = arith.constant 0 : i32
        %dma_wait3A_2579 = tpu.memref_slice %arg2[%dma_wait3A_2578, %mul3A_2] : memref<200x16384xi32, #tpu.memory_space<hbm>> -> memref<4x512xi32, #tpu.memory_space<hbm>>
        tpu.wait_dma2 semaphore(%arg8 : memref<!tpu.dma_semaphore, #tpu.memory_space<semaphore_mem>>) src(%dma_wait3A_2579 : memref<4x512xi32, #tpu.memory_space<hbm>>) dst(%dma_wait3A_2577 : memref<4x512xi32, #tpu.memory_space<vmem>>)
        %dma_start3A_2580 = arith.constant 0 : i32
        %dma_start3A_2581 = arith.constant 0 : i32
        %dma_start3A_2582 = arith.constant 0 : i32
        %dma_start3A_2583 = arith.constant 0 : i32
        %dma_start3A_2584 = tpu.memref_slice %arg6[%dma_start3A_2582, %dma_start3A_2583] : memref<2x2048xf32, #tpu.memory_space<vmem>> -> memref<1x128xf32, #tpu.memory_space<vmem>>
        %dma_start3A_2585 = tpu.memref_squeeze %dma_start3A_2584 : memref<1x128xf32, #tpu.memory_space<vmem>> -> memref<128xf32, #tpu.memory_space<vmem>>
        %dma_start3A_2586 = arith.constant 0 : i32
        %dma_start3A_2587 = tpu.memref_slice %arg5[%dma_start3A_2580, %dma_start3A_2581, %dma_start3A_2586] : memref<2x4x512xi32, #tpu.memory_space<vmem>> -> memref<1x1x128xi32, #tpu.memory_space<vmem>>
        %dma_start3A_2588 = tpu.memref_squeeze %dma_start3A_2587 : memref<1x1x128xi32, #tpu.memory_space<vmem>> -> memref<128xi32, #tpu.memory_space<vmem>>
        %dma_start3A_2589 = arith.constant 0 : i32
        %dma_start3A_2590 = tpu.memref_slice %arg3[%dma_start3A_2589] : memref<1000000xf32, #tpu.memory_space<hbm>> -> memref<1000000xf32, #tpu.memory_space<hbm>>
        tpu.enqueue_indirect_dma source(%dma_start3A_2590 : memref<1000000xf32, #tpu.memory_space<hbm>>) target(%dma_start3A_2585 : memref<128xf32, #tpu.memory_space<vmem>>) offsets(%dma_start3A_2588 : memref<128xi32, #tpu.memory_space<vmem>>) semaphore(%arg10 : memref<!tpu.dma_semaphore, #tpu.memory_space<semaphore_mem>>)
        %dma_start3A_2591 = arith.constant 0 : i32
        %dma_start3A_2592 = arith.constant 0 : i32
        %dma_start3A_2593 = arith.constant 0 : i32
        %dma_start3A_2594 = arith.constant 128 : i32
        %dma_start3A_2595 = tpu.memref_slice %arg6[%dma_start3A_2593, %dma_start3A_2594] : memref<2x2048xf32, #tpu.memory_space<vmem>> -> memref<1x128xf32, #tpu.memory_space<vmem>>
        %dma_start3A_2596 = tpu.memref_squeeze %dma_start3A_2595 : memref<1x128xf32, #tpu.memory_space<vmem>> -> memref<128xf32, #tpu.memory_space<vmem>>
        %dma_start3A_2597 = arith.constant 128 : i32
        %dma_start3A_2598 = tpu.memref_slice %arg5[%dma_start3A_2591, %dma_start3A_2592, %dma_start3A_2597] : memref<2x4x512xi32, #tpu.memory_space<vmem>> -> memref<1x1x128xi32, #tpu.memory_space<vmem>>
        %dma_start3A_2599 = tpu.memref_squeeze %dma_start3A_2598 : memref<1x1x128xi32, #tpu.memory_space<vmem>> -> memref<128xi32, #tpu.memory_space<vmem>>
        %dma_start3A_2600 = arith.constant 0 : i32
        %dma_start3A_2601 = tpu.memref_slice %arg3[%dma_start3A_2600] : memref<1000000xf32, #tpu.memory_space<hbm>> -> memref<1000000xf32, #tpu.memory_space<hbm>>
        tpu.enqueue_indirect_dma source(%dma_start3A_2601 : memref<1000000xf32, #tpu.memory_space<hbm>>) target(%dma_start3A_2596 : memref<128xf32, #tpu.memory_space<vmem>>) offsets(%dma_start3A_2599 : memref<128xi32, #tpu.memory_space<vmem>>) semaphore(%arg10 : memref<!tpu.dma_semaphore, #tpu.memory_space<semaphore_mem>>)
        %dma_start3A_2602 = arith.constant 0 : i32
        %dma_start3A_2603 = arith.constant 0 : i32
        %dma_start3A_2604 = arith.constant 0 : i32
        %dma_start3A_2605 = arith.constant 256 : i32
        %dma_start3A_2606 = tpu.memref_slice %arg6[%dma_start3A_2604, %dma_start3A_2605] : memref<2x2048xf32, #tpu.memory_space<vmem>> -> memref<1x128xf32, #tpu.memory_space<vmem>>
        %dma_start3A_2607 = tpu.memref_squeeze %dma_start3A_2606 : memref<1x128xf32, #tpu.memory_space<vmem>> -> memref<128xf32, #tpu.memory_space<vmem>>
        %dma_start3A_2608 = arith.constant 256 : i32
        %dma_start3A_2609 = tpu.memref_slice %arg5[%dma_start3A_2602, %dma_start3A_2603, %dma_start3A_2608] : memref<2x4x512xi32, #tpu.memory_space<vmem>> -> memref<1x1x128xi32, #tpu.memory_space<vmem>>
        %dma_start3A_2610 = tpu.memref_squeeze %dma_start3A_2609 : memref<1x1x128xi32, #tpu.memory_space<vmem>> -> memref<128xi32, #tpu.memory_space<vmem>>
        %dma_start3A_2611 = arith.constant 0 : i32
        %dma_start3A_2612 = tpu.memref_slice %arg3[%dma_start3A_2611] : memref<1000000xf32, #tpu.memory_space<hbm>> -> memref<1000000xf32, #tpu.memory_space<hbm>>
        tpu.enqueue_indirect_dma source(%dma_start3A_2612 : memref<1000000xf32, #tpu.memory_space<hbm>>) target(%dma_start3A_2607 : memref<128xf32, #tpu.memory_space<vmem>>) offsets(%dma_start3A_2610 : memref<128xi32, #tpu.memory_space<vmem>>) semaphore(%arg10 : memref<!tpu.dma_semaphore, #tpu.memory_space<semaphore_mem>>)
        %dma_start3A_2613 = arith.constant 0 : i32
        %dma_start3A_2614 = arith.constant 0 : i32
        %dma_start3A_2615 = arith.constant 0 : i32
        %dma_start3A_2616 = arith.constant 384 : i32
        %dma_start3A_2617 = tpu.memref_slice %arg6[%dma_start3A_2615, %dma_start3A_2616] : memref<2x2048xf32, #tpu.memory_space<vmem>> -> memref<1x128xf32, #tpu.memory_space<vmem>>
        %dma_start3A_2618 = tpu.memref_squeeze %dma_start3A_2617 : memref<1x128xf32, #tpu.memory_space<vmem>> -> memref<128xf32, #tpu.memory_space<vmem>>
        %dma_start3A_2619 = arith.constant 384 : i32
        %dma_start3A_2620 = tpu.memref_slice %arg5[%dma_start3A_2613, %dma_start3A_2614, %dma_start3A_2619] : memref<2x4x512xi32, #tpu.memory_space<vmem>> -> memref<1x1x128xi32, #tpu.memory_space<vmem>>
        %dma_start3A_2621 = tpu.memref_squeeze %dma_start3A_2620 : memref<1x1x128xi32, #tpu.memory_space<vmem>> -> memref<128xi32, #tpu.memory_space<vmem>>
        %dma_start3A_2622 = arith.constant 0 : i32
        %dma_start3A_2623 = tpu.memref_slice %arg3[%dma_start3A_2622] : memref<1000000xf32, #tpu.memory_space<hbm>> -> memref<1000000xf32, #tpu.memory_space<hbm>>
        tpu.enqueue_indirect_dma source(%dma_start3A_2623 : memref<1000000xf32, #tpu.memory_space<hbm>>) target(%dma_start3A_2618 : memref<128xf32, #tpu.memory_space<vmem>>) offsets(%dma_start3A_2621 : memref<128xi32, #tpu.memory_space<vmem>>) semaphore(%arg10 : memref<!tpu.dma_semaphore, #tpu.memory_space<semaphore_mem>>)
        %dma_start3A_2624 = arith.constant 0 : i32
        %dma_start3A_2625 = arith.constant 1 : i32
        %dma_start3A_2626 = arith.constant 0 : i32
        %dma_start3A_2627 = arith.constant 512 : i32
        %dma_start3A_2628 = tpu.memref_slice %arg6[%dma_start3A_2626, %dma_start3A_2627] : memref<2x2048xf32, #tpu.memory_space<vmem>> -> memref<1x128xf32, #tpu.memory_space<vmem>>
        %dma_start3A_2629 = tpu.memref_squeeze %dma_start3A_2628 : memref<1x128xf32, #tpu.memory_space<vmem>> -> memref<128xf32, #tpu.memory_space<vmem>>
        %dma_start3A_2630 = arith.constant 0 : i32
        %dma_start3A_2631 = tpu.memref_slice %arg5[%dma_start3A_2624, %dma_start3A_2625, %dma_start3A_2630] : memref<2x4x512xi32, #tpu.memory_space<vmem>> -> memref<1x1x128xi32, #tpu.memory_space<vmem>>
        %dma_start3A_2632 = tpu.memref_squeeze %dma_start3A_2631 : memref<1x1x128xi32, #tpu.memory_space<vmem>> -> memref<128xi32, #tpu.memory_space<vmem>>
        %dma_start3A_2633 = arith.constant 0 : i32
        %dma_start3A_2634 = tpu.memref_slice %arg3[%dma_start3A_2633] : memref<1000000xf32, #tpu.memory_space<hbm>> -> memref<1000000xf32, #tpu.memory_space<hbm>>
        tpu.enqueue_indirect_dma source(%dma_start3A_2634 : memref<1000000xf32, #tpu.memory_space<hbm>>) target(%dma_start3A_2629 : memref<128xf32, #tpu.memory_space<vmem>>) offsets(%dma_start3A_2632 : memref<128xi32, #tpu.memory_space<vmem>>) semaphore(%arg10 : memref<!tpu.dma_semaphore, #tpu.memory_space<semaphore_mem>>)
        %dma_start3A_2635 = arith.constant 0 : i32
        %dma_start3A_2636 = arith.constant 1 : i32
        %dma_start3A_2637 = arith.constant 0 : i32
        %dma_start3A_2638 = arith.constant 640 : i32
        %dma_start3A_2639 = tpu.memref_slice %arg6[%dma_start3A_2637, %dma_start3A_2638] : memref<2x2048xf32, #tpu.memory_space<vmem>> -> memref<1x128xf32, #tpu.memory_space<vmem>>
        %dma_start3A_2640 = tpu.memref_squeeze %dma_start3A_2639 : memref<1x128xf32, #tpu.memory_space<vmem>> -> memref<128xf32, #tpu.memory_space<vmem>>
        %dma_start3A_2641 = arith.constant 128 : i32
        %dma_start3A_2642 = tpu.memref_slice %arg5[%dma_start3A_2635, %dma_start3A_2636, %dma_start3A_2641] : memref<2x4x512xi32, #tpu.memory_space<vmem>> -> memref<1x1x128xi32, #tpu.memory_space<vmem>>
        %dma_start3A_2643 = tpu.memref_squeeze %dma_start3A_2642 : memref<1x1x128xi32, #tpu.memory_space<vmem>> -> memref<128xi32, #tpu.memory_space<vmem>>
        %dma_start3A_2644 = arith.constant 0 : i32
        %dma_start3A_2645 = tpu.memref_slice %arg3[%dma_start3A_2644] : memref<1000000xf32, #tpu.memory_space<hbm>> -> memref<1000000xf32, #tpu.memory_space<hbm>>
        tpu.enqueue_indirect_dma source(%dma_start3A_2645 : memref<1000000xf32, #tpu.memory_space<hbm>>) target(%dma_start3A_2640 : memref<128xf32, #tpu.memory_space<vmem>>) offsets(%dma_start3A_2643 : memref<128xi32, #tpu.memory_space<vmem>>) semaphore(%arg10 : memref<!tpu.dma_semaphore, #tpu.memory_space<semaphore_mem>>)
        %dma_start3A_2646 = arith.constant 0 : i32
        %dma_start3A_2647 = arith.constant 1 : i32
        %dma_start3A_2648 = arith.constant 0 : i32
        %dma_start3A_2649 = arith.constant 768 : i32
        %dma_start3A_2650 = tpu.memref_slice %arg6[%dma_start3A_2648, %dma_start3A_2649] : memref<2x2048xf32, #tpu.memory_space<vmem>> -> memref<1x128xf32, #tpu.memory_space<vmem>>
        %dma_start3A_2651 = tpu.memref_squeeze %dma_start3A_2650 : memref<1x128xf32, #tpu.memory_space<vmem>> -> memref<128xf32, #tpu.memory_space<vmem>>
        %dma_start3A_2652 = arith.constant 256 : i32
        %dma_start3A_2653 = tpu.memref_slice %arg5[%dma_start3A_2646, %dma_start3A_2647, %dma_start3A_2652] : memref<2x4x512xi32, #tpu.memory_space<vmem>> -> memref<1x1x128xi32, #tpu.memory_space<vmem>>
        %dma_start3A_2654 = tpu.memref_squeeze %dma_start3A_2653 : memref<1x1x128xi32, #tpu.memory_space<vmem>> -> memref<128xi32, #tpu.memory_space<vmem>>
        %dma_start3A_2655 = arith.constant 0 : i32
        %dma_start3A_2656 = tpu.memref_slice %arg3[%dma_start3A_2655] : memref<1000000xf32, #tpu.memory_space<hbm>> -> memref<1000000xf32, #tpu.memory_space<hbm>>
        tpu.enqueue_indirect_dma source(%dma_start3A_2656 : memref<1000000xf32, #tpu.memory_space<hbm>>) target(%dma_start3A_2651 : memref<128xf32, #tpu.memory_space<vmem>>) offsets(%dma_start3A_2654 : memref<128xi32, #tpu.memory_space<vmem>>) semaphore(%arg10 : memref<!tpu.dma_semaphore, #tpu.memory_space<semaphore_mem>>)
        %dma_start3A_2657 = arith.constant 0 : i32
        %dma_start3A_2658 = arith.constant 1 : i32
        %dma_start3A_2659 = arith.constant 0 : i32
        %dma_start3A_2660 = arith.constant 896 : i32
        %dma_start3A_2661 = tpu.memref_slice %arg6[%dma_start3A_2659, %dma_start3A_2660] : memref<2x2048xf32, #tpu.memory_space<vmem>> -> memref<1x128xf32, #tpu.memory_space<vmem>>
        %dma_start3A_2662 = tpu.memref_squeeze %dma_start3A_2661 : memref<1x128xf32, #tpu.memory_space<vmem>> -> memref<128xf32, #tpu.memory_space<vmem>>
        %dma_start3A_2663 = arith.constant 384 : i32
        %dma_start3A_2664 = tpu.memref_slice %arg5[%dma_start3A_2657, %dma_start3A_2658, %dma_start3A_2663] : memref<2x4x512xi32, #tpu.memory_space<vmem>> -> memref<1x1x128xi32, #tpu.memory_space<vmem>>
        %dma_start3A_2665 = tpu.memref_squeeze %dma_start3A_2664 : memref<1x1x128xi32, #tpu.memory_space<vmem>> -> memref<128xi32, #tpu.memory_space<vmem>>
        %dma_start3A_2666 = arith.constant 0 : i32
        %dma_start3A_2667 = tpu.memref_slice %arg3[%dma_start3A_2666] : memref<1000000xf32, #tpu.memory_space<hbm>> -> memref<1000000xf32, #tpu.memory_space<hbm>>
        tpu.enqueue_indirect_dma source(%dma_start3A_2667 : memref<1000000xf32, #tpu.memory_space<hbm>>) target(%dma_start3A_2662 : memref<128xf32, #tpu.memory_space<vmem>>) offsets(%dma_start3A_2665 : memref<128xi32, #tpu.memory_space<vmem>>) semaphore(%arg10 : memref<!tpu.dma_semaphore, #tpu.memory_space<semaphore_mem>>)
        %dma_start3A_2668 = arith.constant 0 : i32
        %dma_start3A_2669 = arith.constant 2 : i32
        %dma_start3A_2670 = arith.constant 0 : i32
        %dma_start3A_2671 = arith.constant 1024 : i32
        %dma_start3A_2672 = tpu.memref_slice %arg6[%dma_start3A_2670, %dma_start3A_2671] : memref<2x2048xf32, #tpu.memory_space<vmem>> -> memref<1x128xf32, #tpu.memory_space<vmem>>
        %dma_start3A_2673 = tpu.memref_squeeze %dma_start3A_2672 : memref<1x128xf32, #tpu.memory_space<vmem>> -> memref<128xf32, #tpu.memory_space<vmem>>
        %dma_start3A_2674 = arith.constant 0 : i32
        %dma_start3A_2675 = tpu.memref_slice %arg5[%dma_start3A_2668, %dma_start3A_2669, %dma_start3A_2674] : memref<2x4x512xi32, #tpu.memory_space<vmem>> -> memref<1x1x128xi32, #tpu.memory_space<vmem>>
        %dma_start3A_2676 = tpu.memref_squeeze %dma_start3A_2675 : memref<1x1x128xi32, #tpu.memory_space<vmem>> -> memref<128xi32, #tpu.memory_space<vmem>>
        %dma_start3A_2677 = arith.constant 0 : i32
        %dma_start3A_2678 = tpu.memref_slice %arg3[%dma_start3A_2677] : memref<1000000xf32, #tpu.memory_space<hbm>> -> memref<1000000xf32, #tpu.memory_space<hbm>>
        tpu.enqueue_indirect_dma source(%dma_start3A_2678 : memref<1000000xf32, #tpu.memory_space<hbm>>) target(%dma_start3A_2673 : memref<128xf32, #tpu.memory_space<vmem>>) offsets(%dma_start3A_2676 : memref<128xi32, #tpu.memory_space<vmem>>) semaphore(%arg10 : memref<!tpu.dma_semaphore, #tpu.memory_space<semaphore_mem>>)
        %dma_start3A_2679 = arith.constant 0 : i32
        %dma_start3A_2680 = arith.constant 2 : i32
        %dma_start3A_2681 = arith.constant 0 : i32
        %dma_start3A_2682 = arith.constant 1152 : i32
        %dma_start3A_2683 = tpu.memref_slice %arg6[%dma_start3A_2681, %dma_start3A_2682] : memref<2x2048xf32, #tpu.memory_space<vmem>> -> memref<1x128xf32, #tpu.memory_space<vmem>>
        %dma_start3A_2684 = tpu.memref_squeeze %dma_start3A_2683 : memref<1x128xf32, #tpu.memory_space<vmem>> -> memref<128xf32, #tpu.memory_space<vmem>>
        %dma_start3A_2685 = arith.constant 128 : i32
        %dma_start3A_2686 = tpu.memref_slice %arg5[%dma_start3A_2679, %dma_start3A_2680, %dma_start3A_2685] : memref<2x4x512xi32, #tpu.memory_space<vmem>> -> memref<1x1x128xi32, #tpu.memory_space<vmem>>
        %dma_start3A_2687 = tpu.memref_squeeze %dma_start3A_2686 : memref<1x1x128xi32, #tpu.memory_space<vmem>> -> memref<128xi32, #tpu.memory_space<vmem>>
        %dma_start3A_2688 = arith.constant 0 : i32
        %dma_start3A_2689 = tpu.memref_slice %arg3[%dma_start3A_2688] : memref<1000000xf32, #tpu.memory_space<hbm>> -> memref<1000000xf32, #tpu.memory_space<hbm>>
        tpu.enqueue_indirect_dma source(%dma_start3A_2689 : memref<1000000xf32, #tpu.memory_space<hbm>>) target(%dma_start3A_2684 : memref<128xf32, #tpu.memory_space<vmem>>) offsets(%dma_start3A_2687 : memref<128xi32, #tpu.memory_space<vmem>>) semaphore(%arg10 : memref<!tpu.dma_semaphore, #tpu.memory_space<semaphore_mem>>)
        %dma_start3A_2690 = arith.constant 0 : i32
        %dma_start3A_2691 = arith.constant 2 : i32
        %dma_start3A_2692 = arith.constant 0 : i32
        %dma_start3A_2693 = arith.constant 1280 : i32
        %dma_start3A_2694 = tpu.memref_slice %arg6[%dma_start3A_2692, %dma_start3A_2693] : memref<2x2048xf32, #tpu.memory_space<vmem>> -> memref<1x128xf32, #tpu.memory_space<vmem>>
        %dma_start3A_2695 = tpu.memref_squeeze %dma_start3A_2694 : memref<1x128xf32, #tpu.memory_space<vmem>> -> memref<128xf32, #tpu.memory_space<vmem>>
        %dma_start3A_2696 = arith.constant 256 : i32
        %dma_start3A_2697 = tpu.memref_slice %arg5[%dma_start3A_2690, %dma_start3A_2691, %dma_start3A_2696] : memref<2x4x512xi32, #tpu.memory_space<vmem>> -> memref<1x1x128xi32, #tpu.memory_space<vmem>>
        %dma_start3A_2698 = tpu.memref_squeeze %dma_start3A_2697 : memref<1x1x128xi32, #tpu.memory_space<vmem>> -> memref<128xi32, #tpu.memory_space<vmem>>
        %dma_start3A_2699 = arith.constant 0 : i32
        %dma_start3A_2700 = tpu.memref_slice %arg3[%dma_start3A_2699] : memref<1000000xf32, #tpu.memory_space<hbm>> -> memref<1000000xf32, #tpu.memory_space<hbm>>
        tpu.enqueue_indirect_dma source(%dma_start3A_2700 : memref<1000000xf32, #tpu.memory_space<hbm>>) target(%dma_start3A_2695 : memref<128xf32, #tpu.memory_space<vmem>>) offsets(%dma_start3A_2698 : memref<128xi32, #tpu.memory_space<vmem>>) semaphore(%arg10 : memref<!tpu.dma_semaphore, #tpu.memory_space<semaphore_mem>>)
        %dma_start3A_2701 = arith.constant 0 : i32
        %dma_start3A_2702 = arith.constant 2 : i32
        %dma_start3A_2703 = arith.constant 0 : i32
        %dma_start3A_2704 = arith.constant 1408 : i32
        %dma_start3A_2705 = tpu.memref_slice %arg6[%dma_start3A_2703, %dma_start3A_2704] : memref<2x2048xf32, #tpu.memory_space<vmem>> -> memref<1x128xf32, #tpu.memory_space<vmem>>
        %dma_start3A_2706 = tpu.memref_squeeze %dma_start3A_2705 : memref<1x128xf32, #tpu.memory_space<vmem>> -> memref<128xf32, #tpu.memory_space<vmem>>
        %dma_start3A_2707 = arith.constant 384 : i32
        %dma_start3A_2708 = tpu.memref_slice %arg5[%dma_start3A_2701, %dma_start3A_2702, %dma_start3A_2707] : memref<2x4x512xi32, #tpu.memory_space<vmem>> -> memref<1x1x128xi32, #tpu.memory_space<vmem>>
        %dma_start3A_2709 = tpu.memref_squeeze %dma_start3A_2708 : memref<1x1x128xi32, #tpu.memory_space<vmem>> -> memref<128xi32, #tpu.memory_space<vmem>>
        %dma_start3A_2710 = arith.constant 0 : i32
        %dma_start3A_2711 = tpu.memref_slice %arg3[%dma_start3A_2710] : memref<1000000xf32, #tpu.memory_space<hbm>> -> memref<1000000xf32, #tpu.memory_space<hbm>>
        tpu.enqueue_indirect_dma source(%dma_start3A_2711 : memref<1000000xf32, #tpu.memory_space<hbm>>) target(%dma_start3A_2706 : memref<128xf32, #tpu.memory_space<vmem>>) offsets(%dma_start3A_2709 : memref<128xi32, #tpu.memory_space<vmem>>) semaphore(%arg10 : memref<!tpu.dma_semaphore, #tpu.memory_space<semaphore_mem>>)
        %dma_start3A_2712 = arith.constant 0 : i32
        %dma_start3A_2713 = arith.constant 3 : i32
        %dma_start3A_2714 = arith.constant 0 : i32
        %dma_start3A_2715 = arith.constant 1536 : i32
        %dma_start3A_2716 = tpu.memref_slice %arg6[%dma_start3A_2714, %dma_start3A_2715] : memref<2x2048xf32, #tpu.memory_space<vmem>> -> memref<1x128xf32, #tpu.memory_space<vmem>>
        %dma_start3A_2717 = tpu.memref_squeeze %dma_start3A_2716 : memref<1x128xf32, #tpu.memory_space<vmem>> -> memref<128xf32, #tpu.memory_space<vmem>>
        %dma_start3A_2718 = arith.constant 0 : i32
        %dma_start3A_2719 = tpu.memref_slice %arg5[%dma_start3A_2712, %dma_start3A_2713, %dma_start3A_2718] : memref<2x4x512xi32, #tpu.memory_space<vmem>> -> memref<1x1x128xi32, #tpu.memory_space<vmem>>
        %dma_start3A_2720 = tpu.memref_squeeze %dma_start3A_2719 : memref<1x1x128xi32, #tpu.memory_space<vmem>> -> memref<128xi32, #tpu.memory_space<vmem>>
        %dma_start3A_2721 = arith.constant 0 : i32
        %dma_start3A_2722 = tpu.memref_slice %arg3[%dma_start3A_2721] : memref<1000000xf32, #tpu.memory_space<hbm>> -> memref<1000000xf32, #tpu.memory_space<hbm>>
        tpu.enqueue_indirect_dma source(%dma_start3A_2722 : memref<1000000xf32, #tpu.memory_space<hbm>>) target(%dma_start3A_2717 : memref<128xf32, #tpu.memory_space<vmem>>) offsets(%dma_start3A_2720 : memref<128xi32, #tpu.memory_space<vmem>>) semaphore(%arg10 : memref<!tpu.dma_semaphore, #tpu.memory_space<semaphore_mem>>)
        %dma_start3A_2723 = arith.constant 0 : i32
        %dma_start3A_2724 = arith.constant 3 : i32
        %dma_start3A_2725 = arith.constant 0 : i32
        %dma_start3A_2726 = arith.constant 1664 : i32
        %dma_start3A_2727 = tpu.memref_slice %arg6[%dma_start3A_2725, %dma_start3A_2726] : memref<2x2048xf32, #tpu.memory_space<vmem>> -> memref<1x128xf32, #tpu.memory_space<vmem>>
        %dma_start3A_2728 = tpu.memref_squeeze %dma_start3A_2727 : memref<1x128xf32, #tpu.memory_space<vmem>> -> memref<128xf32, #tpu.memory_space<vmem>>
        %dma_start3A_2729 = arith.constant 128 : i32
        %dma_start3A_2730 = tpu.memref_slice %arg5[%dma_start3A_2723, %dma_start3A_2724, %dma_start3A_2729] : memref<2x4x512xi32, #tpu.memory_space<vmem>> -> memref<1x1x128xi32, #tpu.memory_space<vmem>>
        %dma_start3A_2731 = tpu.memref_squeeze %dma_start3A_2730 : memref<1x1x128xi32, #tpu.memory_space<vmem>> -> memref<128xi32, #tpu.memory_space<vmem>>
        %dma_start3A_2732 = arith.constant 0 : i32
        %dma_start3A_2733 = tpu.memref_slice %arg3[%dma_start3A_2732] : memref<1000000xf32, #tpu.memory_space<hbm>> -> memref<1000000xf32, #tpu.memory_space<hbm>>
        tpu.enqueue_indirect_dma source(%dma_start3A_2733 : memref<1000000xf32, #tpu.memory_space<hbm>>) target(%dma_start3A_2728 : memref<128xf32, #tpu.memory_space<vmem>>) offsets(%dma_start3A_2731 : memref<128xi32, #tpu.memory_space<vmem>>) semaphore(%arg10 : memref<!tpu.dma_semaphore, #tpu.memory_space<semaphore_mem>>)
        %dma_start3A_2734 = arith.constant 0 : i32
        %dma_start3A_2735 = arith.constant 3 : i32
        %dma_start3A_2736 = arith.constant 0 : i32
        %dma_start3A_2737 = arith.constant 1792 : i32
        %dma_start3A_2738 = tpu.memref_slice %arg6[%dma_start3A_2736, %dma_start3A_2737] : memref<2x2048xf32, #tpu.memory_space<vmem>> -> memref<1x128xf32, #tpu.memory_space<vmem>>
        %dma_start3A_2739 = tpu.memref_squeeze %dma_start3A_2738 : memref<1x128xf32, #tpu.memory_space<vmem>> -> memref<128xf32, #tpu.memory_space<vmem>>
        %dma_start3A_2740 = arith.constant 256 : i32
        %dma_start3A_2741 = tpu.memref_slice %arg5[%dma_start3A_2734, %dma_start3A_2735, %dma_start3A_2740] : memref<2x4x512xi32, #tpu.memory_space<vmem>> -> memref<1x1x128xi32, #tpu.memory_space<vmem>>
        %dma_start3A_2742 = tpu.memref_squeeze %dma_start3A_2741 : memref<1x1x128xi32, #tpu.memory_space<vmem>> -> memref<128xi32, #tpu.memory_space<vmem>>
        %dma_start3A_2743 = arith.constant 0 : i32
        %dma_start3A_2744 = tpu.memref_slice %arg3[%dma_start3A_2743] : memref<1000000xf32, #tpu.memory_space<hbm>> -> memref<1000000xf32, #tpu.memory_space<hbm>>
        tpu.enqueue_indirect_dma source(%dma_start3A_2744 : memref<1000000xf32, #tpu.memory_space<hbm>>) target(%dma_start3A_2739 : memref<128xf32, #tpu.memory_space<vmem>>) offsets(%dma_start3A_2742 : memref<128xi32, #tpu.memory_space<vmem>>) semaphore(%arg10 : memref<!tpu.dma_semaphore, #tpu.memory_space<semaphore_mem>>)
        %dma_start3A_2745 = arith.constant 0 : i32
        %dma_start3A_2746 = arith.constant 3 : i32
        %dma_start3A_2747 = arith.constant 0 : i32
        %dma_start3A_2748 = arith.constant 1920 : i32
        %dma_start3A_2749 = tpu.memref_slice %arg6[%dma_start3A_2747, %dma_start3A_2748] : memref<2x2048xf32, #tpu.memory_space<vmem>> -> memref<1x128xf32, #tpu.memory_space<vmem>>
        %dma_start3A_2750 = tpu.memref_squeeze %dma_start3A_2749 : memref<1x128xf32, #tpu.memory_space<vmem>> -> memref<128xf32, #tpu.memory_space<vmem>>
        %dma_start3A_2751 = arith.constant 384 : i32
        %dma_start3A_2752 = tpu.memref_slice %arg5[%dma_start3A_2745, %dma_start3A_2746, %dma_start3A_2751] : memref<2x4x512xi32, #tpu.memory_space<vmem>> -> memref<1x1x128xi32, #tpu.memory_space<vmem>>
        %dma_start3A_2753 = tpu.memref_squeeze %dma_start3A_2752 : memref<1x1x128xi32, #tpu.memory_space<vmem>> -> memref<128xi32, #tpu.memory_space<vmem>>
        %dma_start3A_2754 = arith.constant 0 : i32
        %dma_start3A_2755 = tpu.memref_slice %arg3[%dma_start3A_2754] : memref<1000000xf32, #tpu.memory_space<hbm>> -> memref<1000000xf32, #tpu.memory_space<hbm>>
        tpu.enqueue_indirect_dma source(%dma_start3A_2755 : memref<1000000xf32, #tpu.memory_space<hbm>>) target(%dma_start3A_2750 : memref<128xf32, #tpu.memory_space<vmem>>) offsets(%dma_start3A_2753 : memref<128xi32, #tpu.memory_space<vmem>>) semaphore(%arg10 : memref<!tpu.dma_semaphore, #tpu.memory_space<semaphore_mem>>)
      } else {
      }
      %dma_wait3A_1557 = arith.constant 1 : i32
      %dma_wait3A_1558 = arith.constant 0 : i32
      %dma_wait3A_1559 = tpu.memref_slice %arg6[%dma_wait3A_1557, %dma_wait3A_1558] : memref<2x2048xf32, #tpu.memory_space<vmem>> -> memref<1x2048xf32, #tpu.memory_space<vmem>>
      %dma_wait3A_1560 = tpu.memref_squeeze %dma_wait3A_1559 : memref<1x2048xf32, #tpu.memory_space<vmem>> -> memref<2048xf32, #tpu.memory_space<vmem>>
      %dma_wait3A_1561 = arith.constant 0 : i32
      %dma_wait3A_1562 = tpu.memref_slice %arg3[%dma_wait3A_1561] : memref<1000000xf32, #tpu.memory_space<hbm>> -> memref<2048xf32, #tpu.memory_space<hbm>>
      %dma_wait3A_1563 = arith.constant 0 : i32
      %dma_wait3A_1564 = tpu.memref_slice %arg6[%dma_wait3A_1557, %dma_wait3A_1563] : memref<2x2048xf32, #tpu.memory_space<vmem>> -> memref<1x2048xf32, #tpu.memory_space<vmem>>
      %dma_wait3A_1565 = tpu.memref_squeeze %dma_wait3A_1564 : memref<1x2048xf32, #tpu.memory_space<vmem>> -> memref<2048xf32, #tpu.memory_space<vmem>>
      %dma_wait3A_1566 = arith.constant 0 : i32
      %dma_wait3A_1567 = tpu.memref_slice %arg3[%dma_wait3A_1566] : memref<1000000xf32, #tpu.memory_space<hbm>> -> memref<2048xf32, #tpu.memory_space<hbm>>
      tpu.wait_dma2 semaphore(%arg11 : memref<!tpu.dma_semaphore, #tpu.memory_space<semaphore_mem>>) src(%dma_wait3A_1567 : memref<2048xf32, #tpu.memory_space<hbm>>) dst(%dma_wait3A_1565 : memref<2048xf32, #tpu.memory_space<vmem>>)
      %add3A_1568 = arith.constant 3 : i32
      %add3A_1569 = arith.addi %mul3A_354, %add3A_1568 : i32
      %lt3A_1570 = arith.constant 50 : i32
      %lt3A_1571 = arith.cmpi slt, %add3A_1569, %lt3A_1570 : i32
      %convert_element_type3A_1572 = arith.extui %lt3A_1571 : i1 to i32
      %cond3A_1573 = arith.constant 0 : i32
      %cond3A_1574 = arith.cmpi ne, %convert_element_type3A_1572, %cond3A_1573 : i32
      scf.if %cond3A_1574 {
        %add3A_2567 = arith.constant 3 : i32
        %add3A_2568 = arith.addi %mul3A_354, %add3A_2567 : i32
        %mul3A_2569 = arith.constant 4 : i32
        %mul3A_2570 = arith.muli %add3A_2568, %mul3A_2569 : i32
        %dma_start3A_2571 = arith.constant 1 : i32
        %dma_start3A_2572 = arith.constant 0 : i32
        %dma_start3A_2573 = arith.constant 0 : i32
        %dma_start3A_2574 = tpu.memref_slice %arg5[%dma_start3A_2571, %dma_start3A_2572, %dma_start3A_2573] : memref<2x4x512xi32, #tpu.memory_space<vmem>> -> memref<1x4x512xi32, #tpu.memory_space<vmem>>
        %dma_start3A_2575 = tpu.memref_squeeze %dma_start3A_2574 : memref<1x4x512xi32, #tpu.memory_space<vmem>> -> memref<4x512xi32, #tpu.memory_space<vmem>>
        %dma_start3A_2576 = tpu.memref_slice %arg2[%mul3A_2570, %mul3A_2] : memref<200x16384xi32, #tpu.memory_space<hbm>> -> memref<4x512xi32, #tpu.memory_space<hbm>>
        %dma_start3A_2577 = arith.constant 0 : i32
        %dma_start3A_2578 = arith.constant 0 : i32
        %dma_start3A_2579 = tpu.memref_slice %arg5[%dma_start3A_2571, %dma_start3A_2577, %dma_start3A_2578] : memref<2x4x512xi32, #tpu.memory_space<vmem>> -> memref<1x4x512xi32, #tpu.memory_space<vmem>>
        %dma_start3A_2580 = tpu.memref_squeeze %dma_start3A_2579 : memref<1x4x512xi32, #tpu.memory_space<vmem>> -> memref<4x512xi32, #tpu.memory_space<vmem>>
        %dma_start3A_2581 = tpu.memref_slice %arg2[%mul3A_2570, %mul3A_2] : memref<200x16384xi32, #tpu.memory_space<hbm>> -> memref<4x512xi32, #tpu.memory_space<hbm>>
        tpu.enqueue_dma source(%dma_start3A_2581 : memref<4x512xi32, #tpu.memory_space<hbm>>) target(%dma_start3A_2580 : memref<4x512xi32, #tpu.memory_space<vmem>>) target_semaphore(%arg9 : memref<!tpu.dma_semaphore, #tpu.memory_space<semaphore_mem>>)
      } else {
      }
      %get3A_1575 = arith.constant 0 : index
      %get3A_1576 = tpu.vector_load %arg7[%get3A_1575] {strides = array<i32>} : memref<512xf32, #tpu.memory_space<vmem>>, vector<16xf32>,
      %get3A_1577 = vector.shape_cast %get3A_1576 : vector<16xf32> to vector<16xf32>
      %get3A_1578 = arith.constant 1 : i32
      %get3A_1579 = arith.index_cast %get3A_1578 : i32 to index
      %get3A_1580 = arith.constant 0 : index
      %get3A_1581 = tpu.vector_load %arg6[%get3A_1579, %get3A_1580] {strides = array<i32>} : memref<2x2048xf32, #tpu.memory_space<vmem>>, vector<1x16xf32>,
      %get3A_1582 = vector.shape_cast %get3A_1581 : vector<1x16xf32> to vector<16xf32>
      %add3A_1583 = arith.addf %get3A_1577, %get3A_1582 : vector<16xf32>
      %get3A_1584 = arith.constant 1 : i32
      %get3A_1585 = arith.index_cast %get3A_1584 : i32 to index
      %get3A_1586 = arith.constant 512 : index
      %get3A_1587 = tpu.vector_load %arg6[%get3A_1585, %get3A_1586] {strides = array<i32>} : memref<2x2048xf32, #tpu.memory_space<vmem>>, vector<1x16xf32>,
      %get3A_1588 = vector.shape_cast %get3A_1587 : vector<1x16xf32> to vector<16xf32>
      %add3A_1589 = arith.addf %add3A_1583, %get3A_1588 : vector<16xf32>
      %get3A_1590 = arith.constant 1 : i32
      %get3A_1591 = arith.index_cast %get3A_1590 : i32 to index
      %get3A_1592 = arith.constant 1024 : index
      %get3A_1593 = tpu.vector_load %arg6[%get3A_1591, %get3A_1592] {strides = array<i32>} : memref<2x2048xf32, #tpu.memory_space<vmem>>, vector<1x16xf32>,
      %get3A_1594 = vector.shape_cast %get3A_1593 : vector<1x16xf32> to vector<16xf32>
      %add3A_1595 = arith.addf %add3A_1589, %get3A_1594 : vector<16xf32>
      %get3A_1596 = arith.constant 1 : i32
      %get3A_1597 = arith.index_cast %get3A_1596 : i32 to index
      %get3A_1598 = arith.constant 1536 : index
      %get3A_1599 = tpu.vector_load %arg6[%get3A_1597, %get3A_1598] {strides = array<i32>} : memref<2x2048xf32, #tpu.memory_space<vmem>>, vector<1x16xf32>,
      %get3A_1600 = vector.shape_cast %get3A_1599 : vector<1x16xf32> to vector<16xf32>
      %add3A_1601 = arith.addf %add3A_1595, %get3A_1600 : vector<16xf32>
      %swap3A_1602 = arith.constant 0 : index
      %swap3A_1603 = tpu.vector_load %arg7[%swap3A_1602] {strides = array<i32>} : memref<512xf32, #tpu.memory_space<vmem>>, vector<16xf32>,
      %swap3A_1604 = vector.shape_cast %swap3A_1603 : vector<16xf32> to vector<16xf32>
      %swap3A_1605 = vector.shape_cast %add3A_1601 : vector<16xf32> to vector<16xf32>
      tpu.vector_store %arg7[%swap3A_1602], %swap3A_1605 {strides = array<i32>} : memref<512xf32, #tpu.memory_space<vmem>>, vector<16xf32>,
      %get3A_1606 = arith.constant 16 : index
      %get3A_1607 = tpu.vector_load %arg7[%get3A_1606] {strides = array<i32>} : memref<512xf32, #tpu.memory_space<vmem>>, vector<16xf32>,
      %get3A_1608 = vector.shape_cast %get3A_1607 : vector<16xf32> to vector<16xf32>
      %get3A_1609 = arith.constant 1 : i32
      %get3A_1610 = arith.index_cast %get3A_1609 : i32 to index
      %get3A_1611 = arith.constant 16 : index
      %get3A_1612 = tpu.vector_load %arg6[%get3A_1610, %get3A_1611] {strides = array<i32>} : memref<2x2048xf32, #tpu.memory_space<vmem>>, vector<1x16xf32>,
      %get3A_1613 = vector.shape_cast %get3A_1612 : vector<1x16xf32> to vector<16xf32>
      %add3A_1614 = arith.addf %get3A_1608, %get3A_1613 : vector<16xf32>
      %get3A_1615 = arith.constant 1 : i32
      %get3A_1616 = arith.index_cast %get3A_1615 : i32 to index
      %get3A_1617 = arith.constant 528 : index
      %get3A_1618 = tpu.vector_load %arg6[%get3A_1616, %get3A_1617] {strides = array<i32>} : memref<2x2048xf32, #tpu.memory_space<vmem>>, vector<1x16xf32>,
      %get3A_1619 = vector.shape_cast %get3A_1618 : vector<1x16xf32> to vector<16xf32>
      %add3A_1620 = arith.addf %add3A_1614, %get3A_1619 : vector<16xf32>
      %get3A_1621 = arith.constant 1 : i32
      %get3A_1622 = arith.index_cast %get3A_1621 : i32 to index
      %get3A_1623 = arith.constant 1040 : index
      %get3A_1624 = tpu.vector_load %arg6[%get3A_1622, %get3A_1623] {strides = array<i32>} : memref<2x2048xf32, #tpu.memory_space<vmem>>, vector<1x16xf32>,
      %get3A_1625 = vector.shape_cast %get3A_1624 : vector<1x16xf32> to vector<16xf32>
      %add3A_1626 = arith.addf %add3A_1620, %get3A_1625 : vector<16xf32>
      %get3A_1627 = arith.constant 1 : i32
      %get3A_1628 = arith.index_cast %get3A_1627 : i32 to index
      %get3A_1629 = arith.constant 1552 : index
      %get3A_1630 = tpu.vector_load %arg6[%get3A_1628, %get3A_1629] {strides = array<i32>} : memref<2x2048xf32, #tpu.memory_space<vmem>>, vector<1x16xf32>,
      %get3A_1631 = vector.shape_cast %get3A_1630 : vector<1x16xf32> to vector<16xf32>
      %add3A_1632 = arith.addf %add3A_1626, %get3A_1631 : vector<16xf32>
      %swap3A_1633 = arith.constant 16 : index
      %swap3A_1634 = tpu.vector_load %arg7[%swap3A_1633] {strides = array<i32>} : memref<512xf32, #tpu.memory_space<vmem>>, vector<16xf32>,
      %swap3A_1635 = vector.shape_cast %swap3A_1634 : vector<16xf32> to vector<16xf32>
      %swap3A_1636 = vector.shape_cast %add3A_1632 : vector<16xf32> to vector<16xf32>
      tpu.vector_store %arg7[%swap3A_1633], %swap3A_1636 {strides = array<i32>} : memref<512xf32, #tpu.memory_space<vmem>>, vector<16xf32>,
      %get3A_1637 = arith.constant 32 : index
      %get3A_1638 = tpu.vector_load %arg7[%get3A_1637] {strides = array<i32>} : memref<512xf32, #tpu.memory_space<vmem>>, vector<16xf32>,
      %get3A_1639 = vector.shape_cast %get3A_1638 : vector<16xf32> to vector<16xf32>
      %get3A_1640 = arith.constant 1 : i32
      %get3A_1641 = arith.index_cast %get3A_1640 : i32 to index
      %get3A_1642 = arith.constant 32 : index
      %get3A_1643 = tpu.vector_load %arg6[%get3A_1641, %get3A_1642] {strides = array<i32>} : memref<2x2048xf32, #tpu.memory_space<vmem>>, vector<1x16xf32>,
      %get3A_1644 = vector.shape_cast %get3A_1643 : vector<1x16xf32> to vector<16xf32>
      %add3A_1645 = arith.addf %get3A_1639, %get3A_1644 : vector<16xf32>
      %get3A_1646 = arith.constant 1 : i32
      %get3A_1647 = arith.index_cast %get3A_1646 : i32 to index
      %get3A_1648 = arith.constant 544 : index
      %get3A_1649 = tpu.vector_load %arg6[%get3A_1647, %get3A_1648] {strides = array<i32>} : memref<2x2048xf32, #tpu.memory_space<vmem>>, vector<1x16xf32>,
      %get3A_1650 = vector.shape_cast %get3A_1649 : vector<1x16xf32> to vector<16xf32>
      %add3A_1651 = arith.addf %add3A_1645, %get3A_1650 : vector<16xf32>
      %get3A_1652 = arith.constant 1 : i32
      %get3A_1653 = arith.index_cast %get3A_1652 : i32 to index
      %get3A_1654 = arith.constant 1056 : index
      %get3A_1655 = tpu.vector_load %arg6[%get3A_1653, %get3A_1654] {strides = array<i32>} : memref<2x2048xf32, #tpu.memory_space<vmem>>, vector<1x16xf32>,
      %get3A_1656 = vector.shape_cast %get3A_1655 : vector<1x16xf32> to vector<16xf32>
      %add3A_1657 = arith.addf %add3A_1651, %get3A_1656 : vector<16xf32>
      %get3A_1658 = arith.constant 1 : i32
      %get3A_1659 = arith.index_cast %get3A_1658 : i32 to index
      %get3A_1660 = arith.constant 1568 : index
      %get3A_1661 = tpu.vector_load %arg6[%get3A_1659, %get3A_1660] {strides = array<i32>} : memref<2x2048xf32, #tpu.memory_space<vmem>>, vector<1x16xf32>,
      %get3A_1662 = vector.shape_cast %get3A_1661 : vector<1x16xf32> to vector<16xf32>
      %add3A_1663 = arith.addf %add3A_1657, %get3A_1662 : vector<16xf32>
      %swap3A_1664 = arith.constant 32 : index
      %swap3A_1665 = tpu.vector_load %arg7[%swap3A_1664] {strides = array<i32>} : memref<512xf32, #tpu.memory_space<vmem>>, vector<16xf32>,
      %swap3A_1666 = vector.shape_cast %swap3A_1665 : vector<16xf32> to vector<16xf32>
      %swap3A_1667 = vector.shape_cast %add3A_1663 : vector<16xf32> to vector<16xf32>
      tpu.vector_store %arg7[%swap3A_1664], %swap3A_1667 {strides = array<i32>} : memref<512xf32, #tpu.memory_space<vmem>>, vector<16xf32>,
      %get3A_1668 = arith.constant 48 : index
      %get3A_1669 = tpu.vector_load %arg7[%get3A_1668] {strides = array<i32>} : memref<512xf32, #tpu.memory_space<vmem>>, vector<16xf32>,
      %get3A_1670 = vector.shape_cast %get3A_1669 : vector<16xf32> to vector<16xf32>
      %get3A_1671 = arith.constant 1 : i32
      %get3A_1672 = arith.index_cast %get3A_1671 : i32 to index
      %get3A_1673 = arith.constant 48 : index
      %get3A_1674 = tpu.vector_load %arg6[%get3A_1672, %get3A_1673] {strides = array<i32>} : memref<2x2048xf32, #tpu.memory_space<vmem>>, vector<1x16xf32>,
      %get3A_1675 = vector.shape_cast %get3A_1674 : vector<1x16xf32> to vector<16xf32>
      %add3A_1676 = arith.addf %get3A_1670, %get3A_1675 : vector<16xf32>
      %get3A_1677 = arith.constant 1 : i32
      %get3A_1678 = arith.index_cast %get3A_1677 : i32 to index
      %get3A_1679 = arith.constant 560 : index
      %get3A_1680 = tpu.vector_load %arg6[%get3A_1678, %get3A_1679] {strides = array<i32>} : memref<2x2048xf32, #tpu.memory_space<vmem>>, vector<1x16xf32>,
      %get3A_1681 = vector.shape_cast %get3A_1680 : vector<1x16xf32> to vector<16xf32>
      %add3A_1682 = arith.addf %add3A_1676, %get3A_1681 : vector<16xf32>
      %get3A_1683 = arith.constant 1 : i32
      %get3A_1684 = arith.index_cast %get3A_1683 : i32 to index
      %get3A_1685 = arith.constant 1072 : index
      %get3A_1686 = tpu.vector_load %arg6[%get3A_1684, %get3A_1685] {strides = array<i32>} : memref<2x2048xf32, #tpu.memory_space<vmem>>, vector<1x16xf32>,
      %get3A_1687 = vector.shape_cast %get3A_1686 : vector<1x16xf32> to vector<16xf32>
      %add3A_1688 = arith.addf %add3A_1682, %get3A_1687 : vector<16xf32>
      %get3A_1689 = arith.constant 1 : i32
      %get3A_1690 = arith.index_cast %get3A_1689 : i32 to index
      %get3A_1691 = arith.constant 1584 : index
      %get3A_1692 = tpu.vector_load %arg6[%get3A_1690, %get3A_1691] {strides = array<i32>} : memref<2x2048xf32, #tpu.memory_space<vmem>>, vector<1x16xf32>,
      %get3A_1693 = vector.shape_cast %get3A_1692 : vector<1x16xf32> to vector<16xf32>
      %add3A_1694 = arith.addf %add3A_1688, %get3A_1693 : vector<16xf32>
      %swap3A_1695 = arith.constant 48 : index
      %swap3A_1696 = tpu.vector_load %arg7[%swap3A_1695] {strides = array<i32>} : memref<512xf32, #tpu.memory_space<vmem>>, vector<16xf32>,
      %swap3A_1697 = vector.shape_cast %swap3A_1696 : vector<16xf32> to vector<16xf32>
      %swap3A_1698 = vector.shape_cast %add3A_1694 : vector<16xf32> to vector<16xf32>
      tpu.vector_store %arg7[%swap3A_1695], %swap3A_1698 {strides = array<i32>} : memref<512xf32, #tpu.memory_space<vmem>>, vector<16xf32>,
      %get3A_1699 = arith.constant 64 : index
      %get3A_1700 = tpu.vector_load %arg7[%get3A_1699] {strides = array<i32>} : memref<512xf32, #tpu.memory_space<vmem>>, vector<16xf32>,
      %get3A_1701 = vector.shape_cast %get3A_1700 : vector<16xf32> to vector<16xf32>
      %get3A_1702 = arith.constant 1 : i32
      %get3A_1703 = arith.index_cast %get3A_1702 : i32 to index
      %get3A_1704 = arith.constant 64 : index
      %get3A_1705 = tpu.vector_load %arg6[%get3A_1703, %get3A_1704] {strides = array<i32>} : memref<2x2048xf32, #tpu.memory_space<vmem>>, vector<1x16xf32>,
      %get3A_1706 = vector.shape_cast %get3A_1705 : vector<1x16xf32> to vector<16xf32>
      %add3A_1707 = arith.addf %get3A_1701, %get3A_1706 : vector<16xf32>
      %get3A_1708 = arith.constant 1 : i32
      %get3A_1709 = arith.index_cast %get3A_1708 : i32 to index
      %get3A_1710 = arith.constant 576 : index
      %get3A_1711 = tpu.vector_load %arg6[%get3A_1709, %get3A_1710] {strides = array<i32>} : memref<2x2048xf32, #tpu.memory_space<vmem>>, vector<1x16xf32>,
      %get3A_1712 = vector.shape_cast %get3A_1711 : vector<1x16xf32> to vector<16xf32>
      %add3A_1713 = arith.addf %add3A_1707, %get3A_1712 : vector<16xf32>
      %get3A_1714 = arith.constant 1 : i32
      %get3A_1715 = arith.index_cast %get3A_1714 : i32 to index
      %get3A_1716 = arith.constant 1088 : index
      %get3A_1717 = tpu.vector_load %arg6[%get3A_1715, %get3A_1716] {strides = array<i32>} : memref<2x2048xf32, #tpu.memory_space<vmem>>, vector<1x16xf32>,
      %get3A_1718 = vector.shape_cast %get3A_1717 : vector<1x16xf32> to vector<16xf32>
      %add3A_1719 = arith.addf %add3A_1713, %get3A_1718 : vector<16xf32>
      %get3A_1720 = arith.constant 1 : i32
      %get3A_1721 = arith.index_cast %get3A_1720 : i32 to index
      %get3A_1722 = arith.constant 1600 : index
      %get3A_1723 = tpu.vector_load %arg6[%get3A_1721, %get3A_1722] {strides = array<i32>} : memref<2x2048xf32, #tpu.memory_space<vmem>>, vector<1x16xf32>,
      %get3A_1724 = vector.shape_cast %get3A_1723 : vector<1x16xf32> to vector<16xf32>
      %add3A_1725 = arith.addf %add3A_1719, %get3A_1724 : vector<16xf32>
      %swap3A_1726 = arith.constant 64 : index
      %swap3A_1727 = tpu.vector_load %arg7[%swap3A_1726] {strides = array<i32>} : memref<512xf32, #tpu.memory_space<vmem>>, vector<16xf32>,
      %swap3A_1728 = vector.shape_cast %swap3A_1727 : vector<16xf32> to vector<16xf32>
      %swap3A_1729 = vector.shape_cast %add3A_1725 : vector<16xf32> to vector<16xf32>
      tpu.vector_store %arg7[%swap3A_1726], %swap3A_1729 {strides = array<i32>} : memref<512xf32, #tpu.memory_space<vmem>>, vector<16xf32>,
      %get3A_1730 = arith.constant 80 : index
      %get3A_1731 = tpu.vector_load %arg7[%get3A_1730] {strides = array<i32>} : memref<512xf32, #tpu.memory_space<vmem>>, vector<16xf32>,
      %get3A_1732 = vector.shape_cast %get3A_1731 : vector<16xf32> to vector<16xf32>
      %get3A_1733 = arith.constant 1 : i32
      %get3A_1734 = arith.index_cast %get3A_1733 : i32 to index
      %get3A_1735 = arith.constant 80 : index
      %get3A_1736 = tpu.vector_load %arg6[%get3A_1734, %get3A_1735] {strides = array<i32>} : memref<2x2048xf32, #tpu.memory_space<vmem>>, vector<1x16xf32>,
      %get3A_1737 = vector.shape_cast %get3A_1736 : vector<1x16xf32> to vector<16xf32>
      %add3A_1738 = arith.addf %get3A_1732, %get3A_1737 : vector<16xf32>
      %get3A_1739 = arith.constant 1 : i32
      %get3A_1740 = arith.index_cast %get3A_1739 : i32 to index
      %get3A_1741 = arith.constant 592 : index
      %get3A_1742 = tpu.vector_load %arg6[%get3A_1740, %get3A_1741] {strides = array<i32>} : memref<2x2048xf32, #tpu.memory_space<vmem>>, vector<1x16xf32>,
      %get3A_1743 = vector.shape_cast %get3A_1742 : vector<1x16xf32> to vector<16xf32>
      %add3A_1744 = arith.addf %add3A_1738, %get3A_1743 : vector<16xf32>
      %get3A_1745 = arith.constant 1 : i32
      %get3A_1746 = arith.index_cast %get3A_1745 : i32 to index
      %get3A_1747 = arith.constant 1104 : index
      %get3A_1748 = tpu.vector_load %arg6[%get3A_1746, %get3A_1747] {strides = array<i32>} : memref<2x2048xf32, #tpu.memory_space<vmem>>, vector<1x16xf32>,
      %get3A_1749 = vector.shape_cast %get3A_1748 : vector<1x16xf32> to vector<16xf32>
      %add3A_1750 = arith.addf %add3A_1744, %get3A_1749 : vector<16xf32>
      %get3A_1751 = arith.constant 1 : i32
      %get3A_1752 = arith.index_cast %get3A_1751 : i32 to index
      %get3A_1753 = arith.constant 1616 : index
      %get3A_1754 = tpu.vector_load %arg6[%get3A_1752, %get3A_1753] {strides = array<i32>} : memref<2x2048xf32, #tpu.memory_space<vmem>>, vector<1x16xf32>,
      %get3A_1755 = vector.shape_cast %get3A_1754 : vector<1x16xf32> to vector<16xf32>
      %add3A_1756 = arith.addf %add3A_1750, %get3A_1755 : vector<16xf32>
      %swap3A_1757 = arith.constant 80 : index
      %swap3A_1758 = tpu.vector_load %arg7[%swap3A_1757] {strides = array<i32>} : memref<512xf32, #tpu.memory_space<vmem>>, vector<16xf32>,
      %swap3A_1759 = vector.shape_cast %swap3A_1758 : vector<16xf32> to vector<16xf32>
      %swap3A_1760 = vector.shape_cast %add3A_1756 : vector<16xf32> to vector<16xf32>
      tpu.vector_store %arg7[%swap3A_1757], %swap3A_1760 {strides = array<i32>} : memref<512xf32, #tpu.memory_space<vmem>>, vector<16xf32>,
      %get3A_1761 = arith.constant 96 : index
      %get3A_1762 = tpu.vector_load %arg7[%get3A_1761] {strides = array<i32>} : memref<512xf32, #tpu.memory_space<vmem>>, vector<16xf32>,
      %get3A_1763 = vector.shape_cast %get3A_1762 : vector<16xf32> to vector<16xf32>
      %get3A_1764 = arith.constant 1 : i32
      %get3A_1765 = arith.index_cast %get3A_1764 : i32 to index
      %get3A_1766 = arith.constant 96 : index
      %get3A_1767 = tpu.vector_load %arg6[%get3A_1765, %get3A_1766] {strides = array<i32>} : memref<2x2048xf32, #tpu.memory_space<vmem>>, vector<1x16xf32>,
      %get3A_1768 = vector.shape_cast %get3A_1767 : vector<1x16xf32> to vector<16xf32>
      %add3A_1769 = arith.addf %get3A_1763, %get3A_1768 : vector<16xf32>
      %get3A_1770 = arith.constant 1 : i32
      %get3A_1771 = arith.index_cast %get3A_1770 : i32 to index
      %get3A_1772 = arith.constant 608 : index
      %get3A_1773 = tpu.vector_load %arg6[%get3A_1771, %get3A_1772] {strides = array<i32>} : memref<2x2048xf32, #tpu.memory_space<vmem>>, vector<1x16xf32>,
      %get3A_1774 = vector.shape_cast %get3A_1773 : vector<1x16xf32> to vector<16xf32>
      %add3A_1775 = arith.addf %add3A_1769, %get3A_1774 : vector<16xf32>
      %get3A_1776 = arith.constant 1 : i32
      %get3A_1777 = arith.index_cast %get3A_1776 : i32 to index
      %get3A_1778 = arith.constant 1120 : index
      %get3A_1779 = tpu.vector_load %arg6[%get3A_1777, %get3A_1778] {strides = array<i32>} : memref<2x2048xf32, #tpu.memory_space<vmem>>, vector<1x16xf32>,
      %get3A_1780 = vector.shape_cast %get3A_1779 : vector<1x16xf32> to vector<16xf32>
      %add3A_1781 = arith.addf %add3A_1775, %get3A_1780 : vector<16xf32>
      %get3A_1782 = arith.constant 1 : i32
      %get3A_1783 = arith.index_cast %get3A_1782 : i32 to index
      %get3A_1784 = arith.constant 1632 : index
      %get3A_1785 = tpu.vector_load %arg6[%get3A_1783, %get3A_1784] {strides = array<i32>} : memref<2x2048xf32, #tpu.memory_space<vmem>>, vector<1x16xf32>,
      %get3A_1786 = vector.shape_cast %get3A_1785 : vector<1x16xf32> to vector<16xf32>
      %add3A_1787 = arith.addf %add3A_1781, %get3A_1786 : vector<16xf32>
      %swap3A_1788 = arith.constant 96 : index
      %swap3A_1789 = tpu.vector_load %arg7[%swap3A_1788] {strides = array<i32>} : memref<512xf32, #tpu.memory_space<vmem>>, vector<16xf32>,
      %swap3A_1790 = vector.shape_cast %swap3A_1789 : vector<16xf32> to vector<16xf32>
      %swap3A_1791 = vector.shape_cast %add3A_1787 : vector<16xf32> to vector<16xf32>
      tpu.vector_store %arg7[%swap3A_1788], %swap3A_1791 {strides = array<i32>} : memref<512xf32, #tpu.memory_space<vmem>>, vector<16xf32>,
      %get3A_1792 = arith.constant 112 : index
      %get3A_1793 = tpu.vector_load %arg7[%get3A_1792] {strides = array<i32>} : memref<512xf32, #tpu.memory_space<vmem>>, vector<16xf32>,
      %get3A_1794 = vector.shape_cast %get3A_1793 : vector<16xf32> to vector<16xf32>
      %get3A_1795 = arith.constant 1 : i32
      %get3A_1796 = arith.index_cast %get3A_1795 : i32 to index
      %get3A_1797 = arith.constant 112 : index
      %get3A_1798 = tpu.vector_load %arg6[%get3A_1796, %get3A_1797] {strides = array<i32>} : memref<2x2048xf32, #tpu.memory_space<vmem>>, vector<1x16xf32>,
      %get3A_1799 = vector.shape_cast %get3A_1798 : vector<1x16xf32> to vector<16xf32>
      %add3A_1800 = arith.addf %get3A_1794, %get3A_1799 : vector<16xf32>
      %get3A_1801 = arith.constant 1 : i32
      %get3A_1802 = arith.index_cast %get3A_1801 : i32 to index
      %get3A_1803 = arith.constant 624 : index
      %get3A_1804 = tpu.vector_load %arg6[%get3A_1802, %get3A_1803] {strides = array<i32>} : memref<2x2048xf32, #tpu.memory_space<vmem>>, vector<1x16xf32>,
      %get3A_1805 = vector.shape_cast %get3A_1804 : vector<1x16xf32> to vector<16xf32>
      %add3A_1806 = arith.addf %add3A_1800, %get3A_1805 : vector<16xf32>
      %get3A_1807 = arith.constant 1 : i32
      %get3A_1808 = arith.index_cast %get3A_1807 : i32 to index
      %get3A_1809 = arith.constant 1136 : index
      %get3A_1810 = tpu.vector_load %arg6[%get3A_1808, %get3A_1809] {strides = array<i32>} : memref<2x2048xf32, #tpu.memory_space<vmem>>, vector<1x16xf32>,
      %get3A_1811 = vector.shape_cast %get3A_1810 : vector<1x16xf32> to vector<16xf32>
      %add3A_1812 = arith.addf %add3A_1806, %get3A_1811 : vector<16xf32>
      %get3A_1813 = arith.constant 1 : i32
      %get3A_1814 = arith.index_cast %get3A_1813 : i32 to index
      %get3A_1815 = arith.constant 1648 : index
      %get3A_1816 = tpu.vector_load %arg6[%get3A_1814, %get3A_1815] {strides = array<i32>} : memref<2x2048xf32, #tpu.memory_space<vmem>>, vector<1x16xf32>,
      %get3A_1817 = vector.shape_cast %get3A_1816 : vector<1x16xf32> to vector<16xf32>
      %add3A_1818 = arith.addf %add3A_1812, %get3A_1817 : vector<16xf32>
      %swap3A_1819 = arith.constant 112 : index
      %swap3A_1820 = tpu.vector_load %arg7[%swap3A_1819] {strides = array<i32>} : memref<512xf32, #tpu.memory_space<vmem>>, vector<16xf32>,
      %swap3A_1821 = vector.shape_cast %swap3A_1820 : vector<16xf32> to vector<16xf32>
      %swap3A_1822 = vector.shape_cast %add3A_1818 : vector<16xf32> to vector<16xf32>
      tpu.vector_store %arg7[%swap3A_1819], %swap3A_1822 {strides = array<i32>} : memref<512xf32, #tpu.memory_space<vmem>>, vector<16xf32>,
      %get3A_1823 = arith.constant 128 : index
      %get3A_1824 = tpu.vector_load %arg7[%get3A_1823] {strides = array<i32>} : memref<512xf32, #tpu.memory_space<vmem>>, vector<16xf32>,
      %get3A_1825 = vector.shape_cast %get3A_1824 : vector<16xf32> to vector<16xf32>
      %get3A_1826 = arith.constant 1 : i32
      %get3A_1827 = arith.index_cast %get3A_1826 : i32 to index
      %get3A_1828 = arith.constant 128 : index
      %get3A_1829 = tpu.vector_load %arg6[%get3A_1827, %get3A_1828] {strides = array<i32>} : memref<2x2048xf32, #tpu.memory_space<vmem>>, vector<1x16xf32>,
      %get3A_1830 = vector.shape_cast %get3A_1829 : vector<1x16xf32> to vector<16xf32>
      %add3A_1831 = arith.addf %get3A_1825, %get3A_1830 : vector<16xf32>
      %get3A_1832 = arith.constant 1 : i32
      %get3A_1833 = arith.index_cast %get3A_1832 : i32 to index
      %get3A_1834 = arith.constant 640 : index
      %get3A_1835 = tpu.vector_load %arg6[%get3A_1833, %get3A_1834] {strides = array<i32>} : memref<2x2048xf32, #tpu.memory_space<vmem>>, vector<1x16xf32>,
      %get3A_1836 = vector.shape_cast %get3A_1835 : vector<1x16xf32> to vector<16xf32>
      %add3A_1837 = arith.addf %add3A_1831, %get3A_1836 : vector<16xf32>
      %get3A_1838 = arith.constant 1 : i32
      %get3A_1839 = arith.index_cast %get3A_1838 : i32 to index
      %get3A_1840 = arith.constant 1152 : index
      %get3A_1841 = tpu.vector_load %arg6[%get3A_1839, %get3A_1840] {strides = array<i32>} : memref<2x2048xf32, #tpu.memory_space<vmem>>, vector<1x16xf32>,
      %get3A_1842 = vector.shape_cast %get3A_1841 : vector<1x16xf32> to vector<16xf32>
      %add3A_1843 = arith.addf %add3A_1837, %get3A_1842 : vector<16xf32>
      %get3A_1844 = arith.constant 1 : i32
      %get3A_1845 = arith.index_cast %get3A_1844 : i32 to index
      %get3A_1846 = arith.constant 1664 : index
      %get3A_1847 = tpu.vector_load %arg6[%get3A_1845, %get3A_1846] {strides = array<i32>} : memref<2x2048xf32, #tpu.memory_space<vmem>>, vector<1x16xf32>,
      %get3A_1848 = vector.shape_cast %get3A_1847 : vector<1x16xf32> to vector<16xf32>
      %add3A_1849 = arith.addf %add3A_1843, %get3A_1848 : vector<16xf32>
      %swap3A_1850 = arith.constant 128 : index
      %swap3A_1851 = tpu.vector_load %arg7[%swap3A_1850] {strides = array<i32>} : memref<512xf32, #tpu.memory_space<vmem>>, vector<16xf32>,
      %swap3A_1852 = vector.shape_cast %swap3A_1851 : vector<16xf32> to vector<16xf32>
      %swap3A_1853 = vector.shape_cast %add3A_1849 : vector<16xf32> to vector<16xf32>
      tpu.vector_store %arg7[%swap3A_1850], %swap3A_1853 {strides = array<i32>} : memref<512xf32, #tpu.memory_space<vmem>>, vector<16xf32>,
      %get3A_1854 = arith.constant 144 : index
      %get3A_1855 = tpu.vector_load %arg7[%get3A_1854] {strides = array<i32>} : memref<512xf32, #tpu.memory_space<vmem>>, vector<16xf32>,
      %get3A_1856 = vector.shape_cast %get3A_1855 : vector<16xf32> to vector<16xf32>
      %get3A_1857 = arith.constant 1 : i32
      %get3A_1858 = arith.index_cast %get3A_1857 : i32 to index
      %get3A_1859 = arith.constant 144 : index
      %get3A_1860 = tpu.vector_load %arg6[%get3A_1858, %get3A_1859] {strides = array<i32>} : memref<2x2048xf32, #tpu.memory_space<vmem>>, vector<1x16xf32>,
      %get3A_1861 = vector.shape_cast %get3A_1860 : vector<1x16xf32> to vector<16xf32>
      %add3A_1862 = arith.addf %get3A_1856, %get3A_1861 : vector<16xf32>
      %get3A_1863 = arith.constant 1 : i32
      %get3A_1864 = arith.index_cast %get3A_1863 : i32 to index
      %get3A_1865 = arith.constant 656 : index
      %get3A_1866 = tpu.vector_load %arg6[%get3A_1864, %get3A_1865] {strides = array<i32>} : memref<2x2048xf32, #tpu.memory_space<vmem>>, vector<1x16xf32>,
      %get3A_1867 = vector.shape_cast %get3A_1866 : vector<1x16xf32> to vector<16xf32>
      %add3A_1868 = arith.addf %add3A_1862, %get3A_1867 : vector<16xf32>
      %get3A_1869 = arith.constant 1 : i32
      %get3A_1870 = arith.index_cast %get3A_1869 : i32 to index
      %get3A_1871 = arith.constant 1168 : index
      %get3A_1872 = tpu.vector_load %arg6[%get3A_1870, %get3A_1871] {strides = array<i32>} : memref<2x2048xf32, #tpu.memory_space<vmem>>, vector<1x16xf32>,
      %get3A_1873 = vector.shape_cast %get3A_1872 : vector<1x16xf32> to vector<16xf32>
      %add3A_1874 = arith.addf %add3A_1868, %get3A_1873 : vector<16xf32>
      %get3A_1875 = arith.constant 1 : i32
      %get3A_1876 = arith.index_cast %get3A_1875 : i32 to index
      %get3A_1877 = arith.constant 1680 : index
      %get3A_1878 = tpu.vector_load %arg6[%get3A_1876, %get3A_1877] {strides = array<i32>} : memref<2x2048xf32, #tpu.memory_space<vmem>>, vector<1x16xf32>,
      %get3A_1879 = vector.shape_cast %get3A_1878 : vector<1x16xf32> to vector<16xf32>
      %add3A_1880 = arith.addf %add3A_1874, %get3A_1879 : vector<16xf32>
      %swap3A_1881 = arith.constant 144 : index
      %swap3A_1882 = tpu.vector_load %arg7[%swap3A_1881] {strides = array<i32>} : memref<512xf32, #tpu.memory_space<vmem>>, vector<16xf32>,
      %swap3A_1883 = vector.shape_cast %swap3A_1882 : vector<16xf32> to vector<16xf32>
      %swap3A_1884 = vector.shape_cast %add3A_1880 : vector<16xf32> to vector<16xf32>
      tpu.vector_store %arg7[%swap3A_1881], %swap3A_1884 {strides = array<i32>} : memref<512xf32, #tpu.memory_space<vmem>>, vector<16xf32>,
      %get3A_1885 = arith.constant 160 : index
      %get3A_1886 = tpu.vector_load %arg7[%get3A_1885] {strides = array<i32>} : memref<512xf32, #tpu.memory_space<vmem>>, vector<16xf32>,
      %get3A_1887 = vector.shape_cast %get3A_1886 : vector<16xf32> to vector<16xf32>
      %get3A_1888 = arith.constant 1 : i32
      %get3A_1889 = arith.index_cast %get3A_1888 : i32 to index
      %get3A_1890 = arith.constant 160 : index
      %get3A_1891 = tpu.vector_load %arg6[%get3A_1889, %get3A_1890] {strides = array<i32>} : memref<2x2048xf32, #tpu.memory_space<vmem>>, vector<1x16xf32>,
      %get3A_1892 = vector.shape_cast %get3A_1891 : vector<1x16xf32> to vector<16xf32>
      %add3A_1893 = arith.addf %get3A_1887, %get3A_1892 : vector<16xf32>
      %get3A_1894 = arith.constant 1 : i32
      %get3A_1895 = arith.index_cast %get3A_1894 : i32 to index
      %get3A_1896 = arith.constant 672 : index
      %get3A_1897 = tpu.vector_load %arg6[%get3A_1895, %get3A_1896] {strides = array<i32>} : memref<2x2048xf32, #tpu.memory_space<vmem>>, vector<1x16xf32>,
      %get3A_1898 = vector.shape_cast %get3A_1897 : vector<1x16xf32> to vector<16xf32>
      %add3A_1899 = arith.addf %add3A_1893, %get3A_1898 : vector<16xf32>
      %get3A_1900 = arith.constant 1 : i32
      %get3A_1901 = arith.index_cast %get3A_1900 : i32 to index
      %get3A_1902 = arith.constant 1184 : index
      %get3A_1903 = tpu.vector_load %arg6[%get3A_1901, %get3A_1902] {strides = array<i32>} : memref<2x2048xf32, #tpu.memory_space<vmem>>, vector<1x16xf32>,
      %get3A_1904 = vector.shape_cast %get3A_1903 : vector<1x16xf32> to vector<16xf32>
      %add3A_1905 = arith.addf %add3A_1899, %get3A_1904 : vector<16xf32>
      %get3A_1906 = arith.constant 1 : i32
      %get3A_1907 = arith.index_cast %get3A_1906 : i32 to index
      %get3A_1908 = arith.constant 1696 : index
      %get3A_1909 = tpu.vector_load %arg6[%get3A_1907, %get3A_1908] {strides = array<i32>} : memref<2x2048xf32, #tpu.memory_space<vmem>>, vector<1x16xf32>,
      %get3A_1910 = vector.shape_cast %get3A_1909 : vector<1x16xf32> to vector<16xf32>
      %add3A_1911 = arith.addf %add3A_1905, %get3A_1910 : vector<16xf32>
      %swap3A_1912 = arith.constant 160 : index
      %swap3A_1913 = tpu.vector_load %arg7[%swap3A_1912] {strides = array<i32>} : memref<512xf32, #tpu.memory_space<vmem>>, vector<16xf32>,
      %swap3A_1914 = vector.shape_cast %swap3A_1913 : vector<16xf32> to vector<16xf32>
      %swap3A_1915 = vector.shape_cast %add3A_1911 : vector<16xf32> to vector<16xf32>
      tpu.vector_store %arg7[%swap3A_1912], %swap3A_1915 {strides = array<i32>} : memref<512xf32, #tpu.memory_space<vmem>>, vector<16xf32>,
      %get3A_1916 = arith.constant 176 : index
      %get3A_1917 = tpu.vector_load %arg7[%get3A_1916] {strides = array<i32>} : memref<512xf32, #tpu.memory_space<vmem>>, vector<16xf32>,
      %get3A_1918 = vector.shape_cast %get3A_1917 : vector<16xf32> to vector<16xf32>
      %get3A_1919 = arith.constant 1 : i32
      %get3A_1920 = arith.index_cast %get3A_1919 : i32 to index
      %get3A_1921 = arith.constant 176 : index
      %get3A_1922 = tpu.vector_load %arg6[%get3A_1920, %get3A_1921] {strides = array<i32>} : memref<2x2048xf32, #tpu.memory_space<vmem>>, vector<1x16xf32>,
      %get3A_1923 = vector.shape_cast %get3A_1922 : vector<1x16xf32> to vector<16xf32>
      %add3A_1924 = arith.addf %get3A_1918, %get3A_1923 : vector<16xf32>
      %get3A_1925 = arith.constant 1 : i32
      %get3A_1926 = arith.index_cast %get3A_1925 : i32 to index
      %get3A_1927 = arith.constant 688 : index
      %get3A_1928 = tpu.vector_load %arg6[%get3A_1926, %get3A_1927] {strides = array<i32>} : memref<2x2048xf32, #tpu.memory_space<vmem>>, vector<1x16xf32>,
      %get3A_1929 = vector.shape_cast %get3A_1928 : vector<1x16xf32> to vector<16xf32>
      %add3A_1930 = arith.addf %add3A_1924, %get3A_1929 : vector<16xf32>
      %get3A_1931 = arith.constant 1 : i32
      %get3A_1932 = arith.index_cast %get3A_1931 : i32 to index
      %get3A_1933 = arith.constant 1200 : index
      %get3A_1934 = tpu.vector_load %arg6[%get3A_1932, %get3A_1933] {strides = array<i32>} : memref<2x2048xf32, #tpu.memory_space<vmem>>, vector<1x16xf32>,
      %get3A_1935 = vector.shape_cast %get3A_1934 : vector<1x16xf32> to vector<16xf32>
      %add3A_1936 = arith.addf %add3A_1930, %get3A_1935 : vector<16xf32>
      %get3A_1937 = arith.constant 1 : i32
      %get3A_1938 = arith.index_cast %get3A_1937 : i32 to index
      %get3A_1939 = arith.constant 1712 : index
      %get3A_1940 = tpu.vector_load %arg6[%get3A_1938, %get3A_1939] {strides = array<i32>} : memref<2x2048xf32, #tpu.memory_space<vmem>>, vector<1x16xf32>,
      %get3A_1941 = vector.shape_cast %get3A_1940 : vector<1x16xf32> to vector<16xf32>
      %add3A_1942 = arith.addf %add3A_1936, %get3A_1941 : vector<16xf32>
      %swap3A_1943 = arith.constant 176 : index
      %swap3A_1944 = tpu.vector_load %arg7[%swap3A_1943] {strides = array<i32>} : memref<512xf32, #tpu.memory_space<vmem>>, vector<16xf32>,
      %swap3A_1945 = vector.shape_cast %swap3A_1944 : vector<16xf32> to vector<16xf32>
      %swap3A_1946 = vector.shape_cast %add3A_1942 : vector<16xf32> to vector<16xf32>
      tpu.vector_store %arg7[%swap3A_1943], %swap3A_1946 {strides = array<i32>} : memref<512xf32, #tpu.memory_space<vmem>>, vector<16xf32>,
      %get3A_1947 = arith.constant 192 : index
      %get3A_1948 = tpu.vector_load %arg7[%get3A_1947] {strides = array<i32>} : memref<512xf32, #tpu.memory_space<vmem>>, vector<16xf32>,
      %get3A_1949 = vector.shape_cast %get3A_1948 : vector<16xf32> to vector<16xf32>
      %get3A_1950 = arith.constant 1 : i32
      %get3A_1951 = arith.index_cast %get3A_1950 : i32 to index
      %get3A_1952 = arith.constant 192 : index
      %get3A_1953 = tpu.vector_load %arg6[%get3A_1951, %get3A_1952] {strides = array<i32>} : memref<2x2048xf32, #tpu.memory_space<vmem>>, vector<1x16xf32>,
      %get3A_1954 = vector.shape_cast %get3A_1953 : vector<1x16xf32> to vector<16xf32>
      %add3A_1955 = arith.addf %get3A_1949, %get3A_1954 : vector<16xf32>
      %get3A_1956 = arith.constant 1 : i32
      %get3A_1957 = arith.index_cast %get3A_1956 : i32 to index
      %get3A_1958 = arith.constant 704 : index
      %get3A_1959 = tpu.vector_load %arg6[%get3A_1957, %get3A_1958] {strides = array<i32>} : memref<2x2048xf32, #tpu.memory_space<vmem>>, vector<1x16xf32>,
      %get3A_1960 = vector.shape_cast %get3A_1959 : vector<1x16xf32> to vector<16xf32>
      %add3A_1961 = arith.addf %add3A_1955, %get3A_1960 : vector<16xf32>
      %get3A_1962 = arith.constant 1 : i32
      %get3A_1963 = arith.index_cast %get3A_1962 : i32 to index
      %get3A_1964 = arith.constant 1216 : index
      %get3A_1965 = tpu.vector_load %arg6[%get3A_1963, %get3A_1964] {strides = array<i32>} : memref<2x2048xf32, #tpu.memory_space<vmem>>, vector<1x16xf32>,
      %get3A_1966 = vector.shape_cast %get3A_1965 : vector<1x16xf32> to vector<16xf32>
      %add3A_1967 = arith.addf %add3A_1961, %get3A_1966 : vector<16xf32>
      %get3A_1968 = arith.constant 1 : i32
      %get3A_1969 = arith.index_cast %get3A_1968 : i32 to index
      %get3A_1970 = arith.constant 1728 : index
      %get3A_1971 = tpu.vector_load %arg6[%get3A_1969, %get3A_1970] {strides = array<i32>} : memref<2x2048xf32, #tpu.memory_space<vmem>>, vector<1x16xf32>,
      %get3A_1972 = vector.shape_cast %get3A_1971 : vector<1x16xf32> to vector<16xf32>
      %add3A_1973 = arith.addf %add3A_1967, %get3A_1972 : vector<16xf32>
      %swap3A_1974 = arith.constant 192 : index
      %swap3A_1975 = tpu.vector_load %arg7[%swap3A_1974] {strides = array<i32>} : memref<512xf32, #tpu.memory_space<vmem>>, vector<16xf32>,
      %swap3A_1976 = vector.shape_cast %swap3A_1975 : vector<16xf32> to vector<16xf32>
      %swap3A_1977 = vector.shape_cast %add3A_1973 : vector<16xf32> to vector<16xf32>
      tpu.vector_store %arg7[%swap3A_1974], %swap3A_1977 {strides = array<i32>} : memref<512xf32, #tpu.memory_space<vmem>>, vector<16xf32>,
      %get3A_1978 = arith.constant 208 : index
      %get3A_1979 = tpu.vector_load %arg7[%get3A_1978] {strides = array<i32>} : memref<512xf32, #tpu.memory_space<vmem>>, vector<16xf32>,
      %get3A_1980 = vector.shape_cast %get3A_1979 : vector<16xf32> to vector<16xf32>
      %get3A_1981 = arith.constant 1 : i32
      %get3A_1982 = arith.index_cast %get3A_1981 : i32 to index
      %get3A_1983 = arith.constant 208 : index
      %get3A_1984 = tpu.vector_load %arg6[%get3A_1982, %get3A_1983] {strides = array<i32>} : memref<2x2048xf32, #tpu.memory_space<vmem>>, vector<1x16xf32>,
      %get3A_1985 = vector.shape_cast %get3A_1984 : vector<1x16xf32> to vector<16xf32>
      %add3A_1986 = arith.addf %get3A_1980, %get3A_1985 : vector<16xf32>
      %get3A_1987 = arith.constant 1 : i32
      %get3A_1988 = arith.index_cast %get3A_1987 : i32 to index
      %get3A_1989 = arith.constant 720 : index
      %get3A_1990 = tpu.vector_load %arg6[%get3A_1988, %get3A_1989] {strides = array<i32>} : memref<2x2048xf32, #tpu.memory_space<vmem>>, vector<1x16xf32>,
      %get3A_1991 = vector.shape_cast %get3A_1990 : vector<1x16xf32> to vector<16xf32>
      %add3A_1992 = arith.addf %add3A_1986, %get3A_1991 : vector<16xf32>
      %get3A_1993 = arith.constant 1 : i32
      %get3A_1994 = arith.index_cast %get3A_1993 : i32 to index
      %get3A_1995 = arith.constant 1232 : index
      %get3A_1996 = tpu.vector_load %arg6[%get3A_1994, %get3A_1995] {strides = array<i32>} : memref<2x2048xf32, #tpu.memory_space<vmem>>, vector<1x16xf32>,
      %get3A_1997 = vector.shape_cast %get3A_1996 : vector<1x16xf32> to vector<16xf32>
      %add3A_1998 = arith.addf %add3A_1992, %get3A_1997 : vector<16xf32>
      %get3A_1999 = arith.constant 1 : i32
      %get3A_2000 = arith.index_cast %get3A_1999 : i32 to index
      %get3A_2001 = arith.constant 1744 : index
      %get3A_2002 = tpu.vector_load %arg6[%get3A_2000, %get3A_2001] {strides = array<i32>} : memref<2x2048xf32, #tpu.memory_space<vmem>>, vector<1x16xf32>,
      %get3A_2003 = vector.shape_cast %get3A_2002 : vector<1x16xf32> to vector<16xf32>
      %add3A_2004 = arith.addf %add3A_1998, %get3A_2003 : vector<16xf32>
      %swap3A_2005 = arith.constant 208 : index
      %swap3A_2006 = tpu.vector_load %arg7[%swap3A_2005] {strides = array<i32>} : memref<512xf32, #tpu.memory_space<vmem>>, vector<16xf32>,
      %swap3A_2007 = vector.shape_cast %swap3A_2006 : vector<16xf32> to vector<16xf32>
      %swap3A_2008 = vector.shape_cast %add3A_2004 : vector<16xf32> to vector<16xf32>
      tpu.vector_store %arg7[%swap3A_2005], %swap3A_2008 {strides = array<i32>} : memref<512xf32, #tpu.memory_space<vmem>>, vector<16xf32>,
      %get3A_2009 = arith.constant 224 : index
      %get3A_2010 = tpu.vector_load %arg7[%get3A_2009] {strides = array<i32>} : memref<512xf32, #tpu.memory_space<vmem>>, vector<16xf32>,
      %get3A_2011 = vector.shape_cast %get3A_2010 : vector<16xf32> to vector<16xf32>
      %get3A_2012 = arith.constant 1 : i32
      %get3A_2013 = arith.index_cast %get3A_2012 : i32 to index
      %get3A_2014 = arith.constant 224 : index
      %get3A_2015 = tpu.vector_load %arg6[%get3A_2013, %get3A_2014] {strides = array<i32>} : memref<2x2048xf32, #tpu.memory_space<vmem>>, vector<1x16xf32>,
      %get3A_2016 = vector.shape_cast %get3A_2015 : vector<1x16xf32> to vector<16xf32>
      %add3A_2017 = arith.addf %get3A_2011, %get3A_2016 : vector<16xf32>
      %get3A_2018 = arith.constant 1 : i32
      %get3A_2019 = arith.index_cast %get3A_2018 : i32 to index
      %get3A_2020 = arith.constant 736 : index
      %get3A_2021 = tpu.vector_load %arg6[%get3A_2019, %get3A_2020] {strides = array<i32>} : memref<2x2048xf32, #tpu.memory_space<vmem>>, vector<1x16xf32>,
      %get3A_2022 = vector.shape_cast %get3A_2021 : vector<1x16xf32> to vector<16xf32>
      %add3A_2023 = arith.addf %add3A_2017, %get3A_2022 : vector<16xf32>
      %get3A_2024 = arith.constant 1 : i32
      %get3A_2025 = arith.index_cast %get3A_2024 : i32 to index
      %get3A_2026 = arith.constant 1248 : index
      %get3A_2027 = tpu.vector_load %arg6[%get3A_2025, %get3A_2026] {strides = array<i32>} : memref<2x2048xf32, #tpu.memory_space<vmem>>, vector<1x16xf32>,
      %get3A_2028 = vector.shape_cast %get3A_2027 : vector<1x16xf32> to vector<16xf32>
      %add3A_2029 = arith.addf %add3A_2023, %get3A_2028 : vector<16xf32>
      %get3A_2030 = arith.constant 1 : i32
      %get3A_2031 = arith.index_cast %get3A_2030 : i32 to index
      %get3A_2032 = arith.constant 1760 : index
      %get3A_2033 = tpu.vector_load %arg6[%get3A_2031, %get3A_2032] {strides = array<i32>} : memref<2x2048xf32, #tpu.memory_space<vmem>>, vector<1x16xf32>,
      %get3A_2034 = vector.shape_cast %get3A_2033 : vector<1x16xf32> to vector<16xf32>
      %add3A_2035 = arith.addf %add3A_2029, %get3A_2034 : vector<16xf32>
      %swap3A_2036 = arith.constant 224 : index
      %swap3A_2037 = tpu.vector_load %arg7[%swap3A_2036] {strides = array<i32>} : memref<512xf32, #tpu.memory_space<vmem>>, vector<16xf32>,
      %swap3A_2038 = vector.shape_cast %swap3A_2037 : vector<16xf32> to vector<16xf32>
      %swap3A_2039 = vector.shape_cast %add3A_2035 : vector<16xf32> to vector<16xf32>
      tpu.vector_store %arg7[%swap3A_2036], %swap3A_2039 {strides = array<i32>} : memref<512xf32, #tpu.memory_space<vmem>>, vector<16xf32>,
      %get3A_2040 = arith.constant 240 : index
      %get3A_2041 = tpu.vector_load %arg7[%get3A_2040] {strides = array<i32>} : memref<512xf32, #tpu.memory_space<vmem>>, vector<16xf32>,
      %get3A_2042 = vector.shape_cast %get3A_2041 : vector<16xf32> to vector<16xf32>
      %get3A_2043 = arith.constant 1 : i32
      %get3A_2044 = arith.index_cast %get3A_2043 : i32 to index
      %get3A_2045 = arith.constant 240 : index
      %get3A_2046 = tpu.vector_load %arg6[%get3A_2044, %get3A_2045] {strides = array<i32>} : memref<2x2048xf32, #tpu.memory_space<vmem>>, vector<1x16xf32>,
      %get3A_2047 = vector.shape_cast %get3A_2046 : vector<1x16xf32> to vector<16xf32>
      %add3A_2048 = arith.addf %get3A_2042, %get3A_2047 : vector<16xf32>
      %get3A_2049 = arith.constant 1 : i32
      %get3A_2050 = arith.index_cast %get3A_2049 : i32 to index
      %get3A_2051 = arith.constant 752 : index
      %get3A_2052 = tpu.vector_load %arg6[%get3A_2050, %get3A_2051] {strides = array<i32>} : memref<2x2048xf32, #tpu.memory_space<vmem>>, vector<1x16xf32>,
      %get3A_2053 = vector.shape_cast %get3A_2052 : vector<1x16xf32> to vector<16xf32>
      %add3A_2054 = arith.addf %add3A_2048, %get3A_2053 : vector<16xf32>
      %get3A_2055 = arith.constant 1 : i32
      %get3A_2056 = arith.index_cast %get3A_2055 : i32 to index
      %get3A_2057 = arith.constant 1264 : index
      %get3A_2058 = tpu.vector_load %arg6[%get3A_2056, %get3A_2057] {strides = array<i32>} : memref<2x2048xf32, #tpu.memory_space<vmem>>, vector<1x16xf32>,
      %get3A_2059 = vector.shape_cast %get3A_2058 : vector<1x16xf32> to vector<16xf32>
      %add3A_2060 = arith.addf %add3A_2054, %get3A_2059 : vector<16xf32>
      %get3A_2061 = arith.constant 1 : i32
      %get3A_2062 = arith.index_cast %get3A_2061 : i32 to index
      %get3A_2063 = arith.constant 1776 : index
      %get3A_2064 = tpu.vector_load %arg6[%get3A_2062, %get3A_2063] {strides = array<i32>} : memref<2x2048xf32, #tpu.memory_space<vmem>>, vector<1x16xf32>,
      %get3A_2065 = vector.shape_cast %get3A_2064 : vector<1x16xf32> to vector<16xf32>
      %add3A_2066 = arith.addf %add3A_2060, %get3A_2065 : vector<16xf32>
      %swap3A_2067 = arith.constant 240 : index
      %swap3A_2068 = tpu.vector_load %arg7[%swap3A_2067] {strides = array<i32>} : memref<512xf32, #tpu.memory_space<vmem>>, vector<16xf32>,
      %swap3A_2069 = vector.shape_cast %swap3A_2068 : vector<16xf32> to vector<16xf32>
      %swap3A_2070 = vector.shape_cast %add3A_2066 : vector<16xf32> to vector<16xf32>
      tpu.vector_store %arg7[%swap3A_2067], %swap3A_2070 {strides = array<i32>} : memref<512xf32, #tpu.memory_space<vmem>>, vector<16xf32>,
      %get3A_2071 = arith.constant 256 : index
      %get3A_2072 = tpu.vector_load %arg7[%get3A_2071] {strides = array<i32>} : memref<512xf32, #tpu.memory_space<vmem>>, vector<16xf32>,
      %get3A_2073 = vector.shape_cast %get3A_2072 : vector<16xf32> to vector<16xf32>
      %get3A_2074 = arith.constant 1 : i32
      %get3A_2075 = arith.index_cast %get3A_2074 : i32 to index
      %get3A_2076 = arith.constant 256 : index
      %get3A_2077 = tpu.vector_load %arg6[%get3A_2075, %get3A_2076] {strides = array<i32>} : memref<2x2048xf32, #tpu.memory_space<vmem>>, vector<1x16xf32>,
      %get3A_2078 = vector.shape_cast %get3A_2077 : vector<1x16xf32> to vector<16xf32>
      %add3A_2079 = arith.addf %get3A_2073, %get3A_2078 : vector<16xf32>
      %get3A_2080 = arith.constant 1 : i32
      %get3A_2081 = arith.index_cast %get3A_2080 : i32 to index
      %get3A_2082 = arith.constant 768 : index
      %get3A_2083 = tpu.vector_load %arg6[%get3A_2081, %get3A_2082] {strides = array<i32>} : memref<2x2048xf32, #tpu.memory_space<vmem>>, vector<1x16xf32>,
      %get3A_2084 = vector.shape_cast %get3A_2083 : vector<1x16xf32> to vector<16xf32>
      %add3A_2085 = arith.addf %add3A_2079, %get3A_2084 : vector<16xf32>
      %get3A_2086 = arith.constant 1 : i32
      %get3A_2087 = arith.index_cast %get3A_2086 : i32 to index
      %get3A_2088 = arith.constant 1280 : index
      %get3A_2089 = tpu.vector_load %arg6[%get3A_2087, %get3A_2088] {strides = array<i32>} : memref<2x2048xf32, #tpu.memory_space<vmem>>, vector<1x16xf32>,
      %get3A_2090 = vector.shape_cast %get3A_2089 : vector<1x16xf32> to vector<16xf32>
      %add3A_2091 = arith.addf %add3A_2085, %get3A_2090 : vector<16xf32>
      %get3A_2092 = arith.constant 1 : i32
      %get3A_2093 = arith.index_cast %get3A_2092 : i32 to index
      %get3A_2094 = arith.constant 1792 : index
      %get3A_2095 = tpu.vector_load %arg6[%get3A_2093, %get3A_2094] {strides = array<i32>} : memref<2x2048xf32, #tpu.memory_space<vmem>>, vector<1x16xf32>,
      %get3A_2096 = vector.shape_cast %get3A_2095 : vector<1x16xf32> to vector<16xf32>
      %add3A_2097 = arith.addf %add3A_2091, %get3A_2096 : vector<16xf32>
      %swap3A_2098 = arith.constant 256 : index
      %swap3A_2099 = tpu.vector_load %arg7[%swap3A_2098] {strides = array<i32>} : memref<512xf32, #tpu.memory_space<vmem>>, vector<16xf32>,
      %swap3A_2100 = vector.shape_cast %swap3A_2099 : vector<16xf32> to vector<16xf32>
      %swap3A_2101 = vector.shape_cast %add3A_2097 : vector<16xf32> to vector<16xf32>
      tpu.vector_store %arg7[%swap3A_2098], %swap3A_2101 {strides = array<i32>} : memref<512xf32, #tpu.memory_space<vmem>>, vector<16xf32>,
      %get3A_2102 = arith.constant 272 : index
      %get3A_2103 = tpu.vector_load %arg7[%get3A_2102] {strides = array<i32>} : memref<512xf32, #tpu.memory_space<vmem>>, vector<16xf32>,
      %get3A_2104 = vector.shape_cast %get3A_2103 : vector<16xf32> to vector<16xf32>
      %get3A_2105 = arith.constant 1 : i32
      %get3A_2106 = arith.index_cast %get3A_2105 : i32 to index
      %get3A_2107 = arith.constant 272 : index
      %get3A_2108 = tpu.vector_load %arg6[%get3A_2106, %get3A_2107] {strides = array<i32>} : memref<2x2048xf32, #tpu.memory_space<vmem>>, vector<1x16xf32>,
      %get3A_2109 = vector.shape_cast %get3A_2108 : vector<1x16xf32> to vector<16xf32>
      %add3A_2110 = arith.addf %get3A_2104, %get3A_2109 : vector<16xf32>
      %get3A_2111 = arith.constant 1 : i32
      %get3A_2112 = arith.index_cast %get3A_2111 : i32 to index
      %get3A_2113 = arith.constant 784 : index
      %get3A_2114 = tpu.vector_load %arg6[%get3A_2112, %get3A_2113] {strides = array<i32>} : memref<2x2048xf32, #tpu.memory_space<vmem>>, vector<1x16xf32>,
      %get3A_2115 = vector.shape_cast %get3A_2114 : vector<1x16xf32> to vector<16xf32>
      %add3A_2116 = arith.addf %add3A_2110, %get3A_2115 : vector<16xf32>
      %get3A_2117 = arith.constant 1 : i32
      %get3A_2118 = arith.index_cast %get3A_2117 : i32 to index
      %get3A_2119 = arith.constant 1296 : index
      %get3A_2120 = tpu.vector_load %arg6[%get3A_2118, %get3A_2119] {strides = array<i32>} : memref<2x2048xf32, #tpu.memory_space<vmem>>, vector<1x16xf32>,
      %get3A_2121 = vector.shape_cast %get3A_2120 : vector<1x16xf32> to vector<16xf32>
      %add3A_2122 = arith.addf %add3A_2116, %get3A_2121 : vector<16xf32>
      %get3A_2123 = arith.constant 1 : i32
      %get3A_2124 = arith.index_cast %get3A_2123 : i32 to index
      %get3A_2125 = arith.constant 1808 : index
      %get3A_2126 = tpu.vector_load %arg6[%get3A_2124, %get3A_2125] {strides = array<i32>} : memref<2x2048xf32, #tpu.memory_space<vmem>>, vector<1x16xf32>,
      %get3A_2127 = vector.shape_cast %get3A_2126 : vector<1x16xf32> to vector<16xf32>
      %add3A_2128 = arith.addf %add3A_2122, %get3A_2127 : vector<16xf32>
      %swap3A_2129 = arith.constant 272 : index
      %swap3A_2130 = tpu.vector_load %arg7[%swap3A_2129] {strides = array<i32>} : memref<512xf32, #tpu.memory_space<vmem>>, vector<16xf32>,
      %swap3A_2131 = vector.shape_cast %swap3A_2130 : vector<16xf32> to vector<16xf32>
      %swap3A_2132 = vector.shape_cast %add3A_2128 : vector<16xf32> to vector<16xf32>
      tpu.vector_store %arg7[%swap3A_2129], %swap3A_2132 {strides = array<i32>} : memref<512xf32, #tpu.memory_space<vmem>>, vector<16xf32>,
      %get3A_2133 = arith.constant 288 : index
      %get3A_2134 = tpu.vector_load %arg7[%get3A_2133] {strides = array<i32>} : memref<512xf32, #tpu.memory_space<vmem>>, vector<16xf32>,
      %get3A_2135 = vector.shape_cast %get3A_2134 : vector<16xf32> to vector<16xf32>
      %get3A_2136 = arith.constant 1 : i32
      %get3A_2137 = arith.index_cast %get3A_2136 : i32 to index
      %get3A_2138 = arith.constant 288 : index
      %get3A_2139 = tpu.vector_load %arg6[%get3A_2137, %get3A_2138] {strides = array<i32>} : memref<2x2048xf32, #tpu.memory_space<vmem>>, vector<1x16xf32>,
      %get3A_2140 = vector.shape_cast %get3A_2139 : vector<1x16xf32> to vector<16xf32>
      %add3A_2141 = arith.addf %get3A_2135, %get3A_2140 : vector<16xf32>
      %get3A_2142 = arith.constant 1 : i32
      %get3A_2143 = arith.index_cast %get3A_2142 : i32 to index
      %get3A_2144 = arith.constant 800 : index
      %get3A_2145 = tpu.vector_load %arg6[%get3A_2143, %get3A_2144] {strides = array<i32>} : memref<2x2048xf32, #tpu.memory_space<vmem>>, vector<1x16xf32>,
      %get3A_2146 = vector.shape_cast %get3A_2145 : vector<1x16xf32> to vector<16xf32>
      %add3A_2147 = arith.addf %add3A_2141, %get3A_2146 : vector<16xf32>
      %get3A_2148 = arith.constant 1 : i32
      %get3A_2149 = arith.index_cast %get3A_2148 : i32 to index
      %get3A_2150 = arith.constant 1312 : index
      %get3A_2151 = tpu.vector_load %arg6[%get3A_2149, %get3A_2150] {strides = array<i32>} : memref<2x2048xf32, #tpu.memory_space<vmem>>, vector<1x16xf32>,
      %get3A_2152 = vector.shape_cast %get3A_2151 : vector<1x16xf32> to vector<16xf32>
      %add3A_2153 = arith.addf %add3A_2147, %get3A_2152 : vector<16xf32>
      %get3A_2154 = arith.constant 1 : i32
      %get3A_2155 = arith.index_cast %get3A_2154 : i32 to index
      %get3A_2156 = arith.constant 1824 : index
      %get3A_2157 = tpu.vector_load %arg6[%get3A_2155, %get3A_2156] {strides = array<i32>} : memref<2x2048xf32, #tpu.memory_space<vmem>>, vector<1x16xf32>,
      %get3A_2158 = vector.shape_cast %get3A_2157 : vector<1x16xf32> to vector<16xf32>
      %add3A_2159 = arith.addf %add3A_2153, %get3A_2158 : vector<16xf32>
      %swap3A_2160 = arith.constant 288 : index
      %swap3A_2161 = tpu.vector_load %arg7[%swap3A_2160] {strides = array<i32>} : memref<512xf32, #tpu.memory_space<vmem>>, vector<16xf32>,
      %swap3A_2162 = vector.shape_cast %swap3A_2161 : vector<16xf32> to vector<16xf32>
      %swap3A_2163 = vector.shape_cast %add3A_2159 : vector<16xf32> to vector<16xf32>
      tpu.vector_store %arg7[%swap3A_2160], %swap3A_2163 {strides = array<i32>} : memref<512xf32, #tpu.memory_space<vmem>>, vector<16xf32>,
      %get3A_2164 = arith.constant 304 : index
      %get3A_2165 = tpu.vector_load %arg7[%get3A_2164] {strides = array<i32>} : memref<512xf32, #tpu.memory_space<vmem>>, vector<16xf32>,
      %get3A_2166 = vector.shape_cast %get3A_2165 : vector<16xf32> to vector<16xf32>
      %get3A_2167 = arith.constant 1 : i32
      %get3A_2168 = arith.index_cast %get3A_2167 : i32 to index
      %get3A_2169 = arith.constant 304 : index
      %get3A_2170 = tpu.vector_load %arg6[%get3A_2168, %get3A_2169] {strides = array<i32>} : memref<2x2048xf32, #tpu.memory_space<vmem>>, vector<1x16xf32>,
      %get3A_2171 = vector.shape_cast %get3A_2170 : vector<1x16xf32> to vector<16xf32>
      %add3A_2172 = arith.addf %get3A_2166, %get3A_2171 : vector<16xf32>
      %get3A_2173 = arith.constant 1 : i32
      %get3A_2174 = arith.index_cast %get3A_2173 : i32 to index
      %get3A_2175 = arith.constant 816 : index
      %get3A_2176 = tpu.vector_load %arg6[%get3A_2174, %get3A_2175] {strides = array<i32>} : memref<2x2048xf32, #tpu.memory_space<vmem>>, vector<1x16xf32>,
      %get3A_2177 = vector.shape_cast %get3A_2176 : vector<1x16xf32> to vector<16xf32>
      %add3A_2178 = arith.addf %add3A_2172, %get3A_2177 : vector<16xf32>
      %get3A_2179 = arith.constant 1 : i32
      %get3A_2180 = arith.index_cast %get3A_2179 : i32 to index
      %get3A_2181 = arith.constant 1328 : index
      %get3A_2182 = tpu.vector_load %arg6[%get3A_2180, %get3A_2181] {strides = array<i32>} : memref<2x2048xf32, #tpu.memory_space<vmem>>, vector<1x16xf32>,
      %get3A_2183 = vector.shape_cast %get3A_2182 : vector<1x16xf32> to vector<16xf32>
      %add3A_2184 = arith.addf %add3A_2178, %get3A_2183 : vector<16xf32>
      %get3A_2185 = arith.constant 1 : i32
      %get3A_2186 = arith.index_cast %get3A_2185 : i32 to index
      %get3A_2187 = arith.constant 1840 : index
      %get3A_2188 = tpu.vector_load %arg6[%get3A_2186, %get3A_2187] {strides = array<i32>} : memref<2x2048xf32, #tpu.memory_space<vmem>>, vector<1x16xf32>,
      %get3A_2189 = vector.shape_cast %get3A_2188 : vector<1x16xf32> to vector<16xf32>
      %add3A_2190 = arith.addf %add3A_2184, %get3A_2189 : vector<16xf32>
      %swap3A_2191 = arith.constant 304 : index
      %swap3A_2192 = tpu.vector_load %arg7[%swap3A_2191] {strides = array<i32>} : memref<512xf32, #tpu.memory_space<vmem>>, vector<16xf32>,
      %swap3A_2193 = vector.shape_cast %swap3A_2192 : vector<16xf32> to vector<16xf32>
      %swap3A_2194 = vector.shape_cast %add3A_2190 : vector<16xf32> to vector<16xf32>
      tpu.vector_store %arg7[%swap3A_2191], %swap3A_2194 {strides = array<i32>} : memref<512xf32, #tpu.memory_space<vmem>>, vector<16xf32>,
      %get3A_2195 = arith.constant 320 : index
      %get3A_2196 = tpu.vector_load %arg7[%get3A_2195] {strides = array<i32>} : memref<512xf32, #tpu.memory_space<vmem>>, vector<16xf32>,
      %get3A_2197 = vector.shape_cast %get3A_2196 : vector<16xf32> to vector<16xf32>
      %get3A_2198 = arith.constant 1 : i32
      %get3A_2199 = arith.index_cast %get3A_2198 : i32 to index
      %get3A_2200 = arith.constant 320 : index
      %get3A_2201 = tpu.vector_load %arg6[%get3A_2199, %get3A_2200] {strides = array<i32>} : memref<2x2048xf32, #tpu.memory_space<vmem>>, vector<1x16xf32>,
      %get3A_2202 = vector.shape_cast %get3A_2201 : vector<1x16xf32> to vector<16xf32>
      %add3A_2203 = arith.addf %get3A_2197, %get3A_2202 : vector<16xf32>
      %get3A_2204 = arith.constant 1 : i32
      %get3A_2205 = arith.index_cast %get3A_2204 : i32 to index
      %get3A_2206 = arith.constant 832 : index
      %get3A_2207 = tpu.vector_load %arg6[%get3A_2205, %get3A_2206] {strides = array<i32>} : memref<2x2048xf32, #tpu.memory_space<vmem>>, vector<1x16xf32>,
      %get3A_2208 = vector.shape_cast %get3A_2207 : vector<1x16xf32> to vector<16xf32>
      %add3A_2209 = arith.addf %add3A_2203, %get3A_2208 : vector<16xf32>
      %get3A_2210 = arith.constant 1 : i32
      %get3A_2211 = arith.index_cast %get3A_2210 : i32 to index
      %get3A_2212 = arith.constant 1344 : index
      %get3A_2213 = tpu.vector_load %arg6[%get3A_2211, %get3A_2212] {strides = array<i32>} : memref<2x2048xf32, #tpu.memory_space<vmem>>, vector<1x16xf32>,
      %get3A_2214 = vector.shape_cast %get3A_2213 : vector<1x16xf32> to vector<16xf32>
      %add3A_2215 = arith.addf %add3A_2209, %get3A_2214 : vector<16xf32>
      %get3A_2216 = arith.constant 1 : i32
      %get3A_2217 = arith.index_cast %get3A_2216 : i32 to index
      %get3A_2218 = arith.constant 1856 : index
      %get3A_2219 = tpu.vector_load %arg6[%get3A_2217, %get3A_2218] {strides = array<i32>} : memref<2x2048xf32, #tpu.memory_space<vmem>>, vector<1x16xf32>,
      %get3A_2220 = vector.shape_cast %get3A_2219 : vector<1x16xf32> to vector<16xf32>
      %add3A_2221 = arith.addf %add3A_2215, %get3A_2220 : vector<16xf32>
      %swap3A_2222 = arith.constant 320 : index
      %swap3A_2223 = tpu.vector_load %arg7[%swap3A_2222] {strides = array<i32>} : memref<512xf32, #tpu.memory_space<vmem>>, vector<16xf32>,
      %swap3A_2224 = vector.shape_cast %swap3A_2223 : vector<16xf32> to vector<16xf32>
      %swap3A_2225 = vector.shape_cast %add3A_2221 : vector<16xf32> to vector<16xf32>
      tpu.vector_store %arg7[%swap3A_2222], %swap3A_2225 {strides = array<i32>} : memref<512xf32, #tpu.memory_space<vmem>>, vector<16xf32>,
      %get3A_2226 = arith.constant 336 : index
      %get3A_2227 = tpu.vector_load %arg7[%get3A_2226] {strides = array<i32>} : memref<512xf32, #tpu.memory_space<vmem>>, vector<16xf32>,
      %get3A_2228 = vector.shape_cast %get3A_2227 : vector<16xf32> to vector<16xf32>
      %get3A_2229 = arith.constant 1 : i32
      %get3A_2230 = arith.index_cast %get3A_2229 : i32 to index
      %get3A_2231 = arith.constant 336 : index
      %get3A_2232 = tpu.vector_load %arg6[%get3A_2230, %get3A_2231] {strides = array<i32>} : memref<2x2048xf32, #tpu.memory_space<vmem>>, vector<1x16xf32>,
      %get3A_2233 = vector.shape_cast %get3A_2232 : vector<1x16xf32> to vector<16xf32>
      %add3A_2234 = arith.addf %get3A_2228, %get3A_2233 : vector<16xf32>
      %get3A_2235 = arith.constant 1 : i32
      %get3A_2236 = arith.index_cast %get3A_2235 : i32 to index
      %get3A_2237 = arith.constant 848 : index
      %get3A_2238 = tpu.vector_load %arg6[%get3A_2236, %get3A_2237] {strides = array<i32>} : memref<2x2048xf32, #tpu.memory_space<vmem>>, vector<1x16xf32>,
      %get3A_2239 = vector.shape_cast %get3A_2238 : vector<1x16xf32> to vector<16xf32>
      %add3A_2240 = arith.addf %add3A_2234, %get3A_2239 : vector<16xf32>
      %get3A_2241 = arith.constant 1 : i32
      %get3A_2242 = arith.index_cast %get3A_2241 : i32 to index
      %get3A_2243 = arith.constant 1360 : index
      %get3A_2244 = tpu.vector_load %arg6[%get3A_2242, %get3A_2243] {strides = array<i32>} : memref<2x2048xf32, #tpu.memory_space<vmem>>, vector<1x16xf32>,
      %get3A_2245 = vector.shape_cast %get3A_2244 : vector<1x16xf32> to vector<16xf32>
      %add3A_2246 = arith.addf %add3A_2240, %get3A_2245 : vector<16xf32>
      %get3A_2247 = arith.constant 1 : i32
      %get3A_2248 = arith.index_cast %get3A_2247 : i32 to index
      %get3A_2249 = arith.constant 1872 : index
      %get3A_2250 = tpu.vector_load %arg6[%get3A_2248, %get3A_2249] {strides = array<i32>} : memref<2x2048xf32, #tpu.memory_space<vmem>>, vector<1x16xf32>,
      %get3A_2251 = vector.shape_cast %get3A_2250 : vector<1x16xf32> to vector<16xf32>
      %add3A_2252 = arith.addf %add3A_2246, %get3A_2251 : vector<16xf32>
      %swap3A_2253 = arith.constant 336 : index
      %swap3A_2254 = tpu.vector_load %arg7[%swap3A_2253] {strides = array<i32>} : memref<512xf32, #tpu.memory_space<vmem>>, vector<16xf32>,
      %swap3A_2255 = vector.shape_cast %swap3A_2254 : vector<16xf32> to vector<16xf32>
      %swap3A_2256 = vector.shape_cast %add3A_2252 : vector<16xf32> to vector<16xf32>
      tpu.vector_store %arg7[%swap3A_2253], %swap3A_2256 {strides = array<i32>} : memref<512xf32, #tpu.memory_space<vmem>>, vector<16xf32>,
      %get3A_2257 = arith.constant 352 : index
      %get3A_2258 = tpu.vector_load %arg7[%get3A_2257] {strides = array<i32>} : memref<512xf32, #tpu.memory_space<vmem>>, vector<16xf32>,
      %get3A_2259 = vector.shape_cast %get3A_2258 : vector<16xf32> to vector<16xf32>
      %get3A_2260 = arith.constant 1 : i32
      %get3A_2261 = arith.index_cast %get3A_2260 : i32 to index
      %get3A_2262 = arith.constant 352 : index
      %get3A_2263 = tpu.vector_load %arg6[%get3A_2261, %get3A_2262] {strides = array<i32>} : memref<2x2048xf32, #tpu.memory_space<vmem>>, vector<1x16xf32>,
      %get3A_2264 = vector.shape_cast %get3A_2263 : vector<1x16xf32> to vector<16xf32>
      %add3A_2265 = arith.addf %get3A_2259, %get3A_2264 : vector<16xf32>
      %get3A_2266 = arith.constant 1 : i32
      %get3A_2267 = arith.index_cast %get3A_2266 : i32 to index
      %get3A_2268 = arith.constant 864 : index
      %get3A_2269 = tpu.vector_load %arg6[%get3A_2267, %get3A_2268] {strides = array<i32>} : memref<2x2048xf32, #tpu.memory_space<vmem>>, vector<1x16xf32>,
      %get3A_2270 = vector.shape_cast %get3A_2269 : vector<1x16xf32> to vector<16xf32>
      %add3A_2271 = arith.addf %add3A_2265, %get3A_2270 : vector<16xf32>
      %get3A_2272 = arith.constant 1 : i32
      %get3A_2273 = arith.index_cast %get3A_2272 : i32 to index
      %get3A_2274 = arith.constant 1376 : index
      %get3A_2275 = tpu.vector_load %arg6[%get3A_2273, %get3A_2274] {strides = array<i32>} : memref<2x2048xf32, #tpu.memory_space<vmem>>, vector<1x16xf32>,
      %get3A_2276 = vector.shape_cast %get3A_2275 : vector<1x16xf32> to vector<16xf32>
      %add3A_2277 = arith.addf %add3A_2271, %get3A_2276 : vector<16xf32>
      %get3A_2278 = arith.constant 1 : i32
      %get3A_2279 = arith.index_cast %get3A_2278 : i32 to index
      %get3A_2280 = arith.constant 1888 : index
      %get3A_2281 = tpu.vector_load %arg6[%get3A_2279, %get3A_2280] {strides = array<i32>} : memref<2x2048xf32, #tpu.memory_space<vmem>>, vector<1x16xf32>,
      %get3A_2282 = vector.shape_cast %get3A_2281 : vector<1x16xf32> to vector<16xf32>
      %add3A_2283 = arith.addf %add3A_2277, %get3A_2282 : vector<16xf32>
      %swap3A_2284 = arith.constant 352 : index
      %swap3A_2285 = tpu.vector_load %arg7[%swap3A_2284] {strides = array<i32>} : memref<512xf32, #tpu.memory_space<vmem>>, vector<16xf32>,
      %swap3A_2286 = vector.shape_cast %swap3A_2285 : vector<16xf32> to vector<16xf32>
      %swap3A_2287 = vector.shape_cast %add3A_2283 : vector<16xf32> to vector<16xf32>
      tpu.vector_store %arg7[%swap3A_2284], %swap3A_2287 {strides = array<i32>} : memref<512xf32, #tpu.memory_space<vmem>>, vector<16xf32>,
      %get3A_2288 = arith.constant 368 : index
      %get3A_2289 = tpu.vector_load %arg7[%get3A_2288] {strides = array<i32>} : memref<512xf32, #tpu.memory_space<vmem>>, vector<16xf32>,
      %get3A_2290 = vector.shape_cast %get3A_2289 : vector<16xf32> to vector<16xf32>
      %get3A_2291 = arith.constant 1 : i32
      %get3A_2292 = arith.index_cast %get3A_2291 : i32 to index
      %get3A_2293 = arith.constant 368 : index
      %get3A_2294 = tpu.vector_load %arg6[%get3A_2292, %get3A_2293] {strides = array<i32>} : memref<2x2048xf32, #tpu.memory_space<vmem>>, vector<1x16xf32>,
      %get3A_2295 = vector.shape_cast %get3A_2294 : vector<1x16xf32> to vector<16xf32>
      %add3A_2296 = arith.addf %get3A_2290, %get3A_2295 : vector<16xf32>
      %get3A_2297 = arith.constant 1 : i32
      %get3A_2298 = arith.index_cast %get3A_2297 : i32 to index
      %get3A_2299 = arith.constant 880 : index
      %get3A_2300 = tpu.vector_load %arg6[%get3A_2298, %get3A_2299] {strides = array<i32>} : memref<2x2048xf32, #tpu.memory_space<vmem>>, vector<1x16xf32>,
      %get3A_2301 = vector.shape_cast %get3A_2300 : vector<1x16xf32> to vector<16xf32>
      %add3A_2302 = arith.addf %add3A_2296, %get3A_2301 : vector<16xf32>
      %get3A_2303 = arith.constant 1 : i32
      %get3A_2304 = arith.index_cast %get3A_2303 : i32 to index
      %get3A_2305 = arith.constant 1392 : index
      %get3A_2306 = tpu.vector_load %arg6[%get3A_2304, %get3A_2305] {strides = array<i32>} : memref<2x2048xf32, #tpu.memory_space<vmem>>, vector<1x16xf32>,
      %get3A_2307 = vector.shape_cast %get3A_2306 : vector<1x16xf32> to vector<16xf32>
      %add3A_2308 = arith.addf %add3A_2302, %get3A_2307 : vector<16xf32>
      %get3A_2309 = arith.constant 1 : i32
      %get3A_2310 = arith.index_cast %get3A_2309 : i32 to index
      %get3A_2311 = arith.constant 1904 : index
      %get3A_2312 = tpu.vector_load %arg6[%get3A_2310, %get3A_2311] {strides = array<i32>} : memref<2x2048xf32, #tpu.memory_space<vmem>>, vector<1x16xf32>,
      %get3A_2313 = vector.shape_cast %get3A_2312 : vector<1x16xf32> to vector<16xf32>
      %add3A_2314 = arith.addf %add3A_2308, %get3A_2313 : vector<16xf32>
      %swap3A_2315 = arith.constant 368 : index
      %swap3A_2316 = tpu.vector_load %arg7[%swap3A_2315] {strides = array<i32>} : memref<512xf32, #tpu.memory_space<vmem>>, vector<16xf32>,
      %swap3A_2317 = vector.shape_cast %swap3A_2316 : vector<16xf32> to vector<16xf32>
      %swap3A_2318 = vector.shape_cast %add3A_2314 : vector<16xf32> to vector<16xf32>
      tpu.vector_store %arg7[%swap3A_2315], %swap3A_2318 {strides = array<i32>} : memref<512xf32, #tpu.memory_space<vmem>>, vector<16xf32>,
      %get3A_2319 = arith.constant 384 : index
      %get3A_2320 = tpu.vector_load %arg7[%get3A_2319] {strides = array<i32>} : memref<512xf32, #tpu.memory_space<vmem>>, vector<16xf32>,
      %get3A_2321 = vector.shape_cast %get3A_2320 : vector<16xf32> to vector<16xf32>
      %get3A_2322 = arith.constant 1 : i32
      %get3A_2323 = arith.index_cast %get3A_2322 : i32 to index
      %get3A_2324 = arith.constant 384 : index
      %get3A_2325 = tpu.vector_load %arg6[%get3A_2323, %get3A_2324] {strides = array<i32>} : memref<2x2048xf32, #tpu.memory_space<vmem>>, vector<1x16xf32>,
      %get3A_2326 = vector.shape_cast %get3A_2325 : vector<1x16xf32> to vector<16xf32>
      %add3A_2327 = arith.addf %get3A_2321, %get3A_2326 : vector<16xf32>
      %get3A_2328 = arith.constant 1 : i32
      %get3A_2329 = arith.index_cast %get3A_2328 : i32 to index
      %get3A_2330 = arith.constant 896 : index
      %get3A_2331 = tpu.vector_load %arg6[%get3A_2329, %get3A_2330] {strides = array<i32>} : memref<2x2048xf32, #tpu.memory_space<vmem>>, vector<1x16xf32>,
      %get3A_2332 = vector.shape_cast %get3A_2331 : vector<1x16xf32> to vector<16xf32>
      %add3A_2333 = arith.addf %add3A_2327, %get3A_2332 : vector<16xf32>
      %get3A_2334 = arith.constant 1 : i32
      %get3A_2335 = arith.index_cast %get3A_2334 : i32 to index
      %get3A_2336 = arith.constant 1408 : index
      %get3A_2337 = tpu.vector_load %arg6[%get3A_2335, %get3A_2336] {strides = array<i32>} : memref<2x2048xf32, #tpu.memory_space<vmem>>, vector<1x16xf32>,
      %get3A_2338 = vector.shape_cast %get3A_2337 : vector<1x16xf32> to vector<16xf32>
      %add3A_2339 = arith.addf %add3A_2333, %get3A_2338 : vector<16xf32>
      %get3A_2340 = arith.constant 1 : i32
      %get3A_2341 = arith.index_cast %get3A_2340 : i32 to index
      %get3A_2342 = arith.constant 1920 : index
      %get3A_2343 = tpu.vector_load %arg6[%get3A_2341, %get3A_2342] {strides = array<i32>} : memref<2x2048xf32, #tpu.memory_space<vmem>>, vector<1x16xf32>,
      %get3A_2344 = vector.shape_cast %get3A_2343 : vector<1x16xf32> to vector<16xf32>
      %add3A_2345 = arith.addf %add3A_2339, %get3A_2344 : vector<16xf32>
      %swap3A_2346 = arith.constant 384 : index
      %swap3A_2347 = tpu.vector_load %arg7[%swap3A_2346] {strides = array<i32>} : memref<512xf32, #tpu.memory_space<vmem>>, vector<16xf32>,
      %swap3A_2348 = vector.shape_cast %swap3A_2347 : vector<16xf32> to vector<16xf32>
      %swap3A_2349 = vector.shape_cast %add3A_2345 : vector<16xf32> to vector<16xf32>
      tpu.vector_store %arg7[%swap3A_2346], %swap3A_2349 {strides = array<i32>} : memref<512xf32, #tpu.memory_space<vmem>>, vector<16xf32>,
      %get3A_2350 = arith.constant 400 : index
      %get3A_2351 = tpu.vector_load %arg7[%get3A_2350] {strides = array<i32>} : memref<512xf32, #tpu.memory_space<vmem>>, vector<16xf32>,
      %get3A_2352 = vector.shape_cast %get3A_2351 : vector<16xf32> to vector<16xf32>
      %get3A_2353 = arith.constant 1 : i32
      %get3A_2354 = arith.index_cast %get3A_2353 : i32 to index
      %get3A_2355 = arith.constant 400 : index
      %get3A_2356 = tpu.vector_load %arg6[%get3A_2354, %get3A_2355] {strides = array<i32>} : memref<2x2048xf32, #tpu.memory_space<vmem>>, vector<1x16xf32>,
      %get3A_2357 = vector.shape_cast %get3A_2356 : vector<1x16xf32> to vector<16xf32>
      %add3A_2358 = arith.addf %get3A_2352, %get3A_2357 : vector<16xf32>
      %get3A_2359 = arith.constant 1 : i32
      %get3A_2360 = arith.index_cast %get3A_2359 : i32 to index
      %get3A_2361 = arith.constant 912 : index
      %get3A_2362 = tpu.vector_load %arg6[%get3A_2360, %get3A_2361] {strides = array<i32>} : memref<2x2048xf32, #tpu.memory_space<vmem>>, vector<1x16xf32>,
      %get3A_2363 = vector.shape_cast %get3A_2362 : vector<1x16xf32> to vector<16xf32>
      %add3A_2364 = arith.addf %add3A_2358, %get3A_2363 : vector<16xf32>
      %get3A_2365 = arith.constant 1 : i32
      %get3A_2366 = arith.index_cast %get3A_2365 : i32 to index
      %get3A_2367 = arith.constant 1424 : index
      %get3A_2368 = tpu.vector_load %arg6[%get3A_2366, %get3A_2367] {strides = array<i32>} : memref<2x2048xf32, #tpu.memory_space<vmem>>, vector<1x16xf32>,
      %get3A_2369 = vector.shape_cast %get3A_2368 : vector<1x16xf32> to vector<16xf32>
      %add3A_2370 = arith.addf %add3A_2364, %get3A_2369 : vector<16xf32>
      %get3A_2371 = arith.constant 1 : i32
      %get3A_2372 = arith.index_cast %get3A_2371 : i32 to index
      %get3A_2373 = arith.constant 1936 : index
      %get3A_2374 = tpu.vector_load %arg6[%get3A_2372, %get3A_2373] {strides = array<i32>} : memref<2x2048xf32, #tpu.memory_space<vmem>>, vector<1x16xf32>,
      %get3A_2375 = vector.shape_cast %get3A_2374 : vector<1x16xf32> to vector<16xf32>
      %add3A_2376 = arith.addf %add3A_2370, %get3A_2375 : vector<16xf32>
      %swap3A_2377 = arith.constant 400 : index
      %swap3A_2378 = tpu.vector_load %arg7[%swap3A_2377] {strides = array<i32>} : memref<512xf32, #tpu.memory_space<vmem>>, vector<16xf32>,
      %swap3A_2379 = vector.shape_cast %swap3A_2378 : vector<16xf32> to vector<16xf32>
      %swap3A_2380 = vector.shape_cast %add3A_2376 : vector<16xf32> to vector<16xf32>
      tpu.vector_store %arg7[%swap3A_2377], %swap3A_2380 {strides = array<i32>} : memref<512xf32, #tpu.memory_space<vmem>>, vector<16xf32>,
      %get3A_2381 = arith.constant 416 : index
      %get3A_2382 = tpu.vector_load %arg7[%get3A_2381] {strides = array<i32>} : memref<512xf32, #tpu.memory_space<vmem>>, vector<16xf32>,
      %get3A_2383 = vector.shape_cast %get3A_2382 : vector<16xf32> to vector<16xf32>
      %get3A_2384 = arith.constant 1 : i32
      %get3A_2385 = arith.index_cast %get3A_2384 : i32 to index
      %get3A_2386 = arith.constant 416 : index
      %get3A_2387 = tpu.vector_load %arg6[%get3A_2385, %get3A_2386] {strides = array<i32>} : memref<2x2048xf32, #tpu.memory_space<vmem>>, vector<1x16xf32>,
      %get3A_2388 = vector.shape_cast %get3A_2387 : vector<1x16xf32> to vector<16xf32>
      %add3A_2389 = arith.addf %get3A_2383, %get3A_2388 : vector<16xf32>
      %get3A_2390 = arith.constant 1 : i32
      %get3A_2391 = arith.index_cast %get3A_2390 : i32 to index
      %get3A_2392 = arith.constant 928 : index
      %get3A_2393 = tpu.vector_load %arg6[%get3A_2391, %get3A_2392] {strides = array<i32>} : memref<2x2048xf32, #tpu.memory_space<vmem>>, vector<1x16xf32>,
      %get3A_2394 = vector.shape_cast %get3A_2393 : vector<1x16xf32> to vector<16xf32>
      %add3A_2395 = arith.addf %add3A_2389, %get3A_2394 : vector<16xf32>
      %get3A_2396 = arith.constant 1 : i32
      %get3A_2397 = arith.index_cast %get3A_2396 : i32 to index
      %get3A_2398 = arith.constant 1440 : index
      %get3A_2399 = tpu.vector_load %arg6[%get3A_2397, %get3A_2398] {strides = array<i32>} : memref<2x2048xf32, #tpu.memory_space<vmem>>, vector<1x16xf32>,
      %get3A_2400 = vector.shape_cast %get3A_2399 : vector<1x16xf32> to vector<16xf32>
      %add3A_2401 = arith.addf %add3A_2395, %get3A_2400 : vector<16xf32>
      %get3A_2402 = arith.constant 1 : i32
      %get3A_2403 = arith.index_cast %get3A_2402 : i32 to index
      %get3A_2404 = arith.constant 1952 : index
      %get3A_2405 = tpu.vector_load %arg6[%get3A_2403, %get3A_2404] {strides = array<i32>} : memref<2x2048xf32, #tpu.memory_space<vmem>>, vector<1x16xf32>,
      %get3A_2406 = vector.shape_cast %get3A_2405 : vector<1x16xf32> to vector<16xf32>
      %add3A_2407 = arith.addf %add3A_2401, %get3A_2406 : vector<16xf32>
      %swap3A_2408 = arith.constant 416 : index
      %swap3A_2409 = tpu.vector_load %arg7[%swap3A_2408] {strides = array<i32>} : memref<512xf32, #tpu.memory_space<vmem>>, vector<16xf32>,
      %swap3A_2410 = vector.shape_cast %swap3A_2409 : vector<16xf32> to vector<16xf32>
      %swap3A_2411 = vector.shape_cast %add3A_2407 : vector<16xf32> to vector<16xf32>
      tpu.vector_store %arg7[%swap3A_2408], %swap3A_2411 {strides = array<i32>} : memref<512xf32, #tpu.memory_space<vmem>>, vector<16xf32>,
      %get3A_2412 = arith.constant 432 : index
      %get3A_2413 = tpu.vector_load %arg7[%get3A_2412] {strides = array<i32>} : memref<512xf32, #tpu.memory_space<vmem>>, vector<16xf32>,
      %get3A_2414 = vector.shape_cast %get3A_2413 : vector<16xf32> to vector<16xf32>
      %get3A_2415 = arith.constant 1 : i32
      %get3A_2416 = arith.index_cast %get3A_2415 : i32 to index
      %get3A_2417 = arith.constant 432 : index
      %get3A_2418 = tpu.vector_load %arg6[%get3A_2416, %get3A_2417] {strides = array<i32>} : memref<2x2048xf32, #tpu.memory_space<vmem>>, vector<1x16xf32>,
      %get3A_2419 = vector.shape_cast %get3A_2418 : vector<1x16xf32> to vector<16xf32>
      %add3A_2420 = arith.addf %get3A_2414, %get3A_2419 : vector<16xf32>
      %get3A_2421 = arith.constant 1 : i32
      %get3A_2422 = arith.index_cast %get3A_2421 : i32 to index
      %get3A_2423 = arith.constant 944 : index
      %get3A_2424 = tpu.vector_load %arg6[%get3A_2422, %get3A_2423] {strides = array<i32>} : memref<2x2048xf32, #tpu.memory_space<vmem>>, vector<1x16xf32>,
      %get3A_2425 = vector.shape_cast %get3A_2424 : vector<1x16xf32> to vector<16xf32>
      %add3A_2426 = arith.addf %add3A_2420, %get3A_2425 : vector<16xf32>
      %get3A_2427 = arith.constant 1 : i32
      %get3A_2428 = arith.index_cast %get3A_2427 : i32 to index
      %get3A_2429 = arith.constant 1456 : index
      %get3A_2430 = tpu.vector_load %arg6[%get3A_2428, %get3A_2429] {strides = array<i32>} : memref<2x2048xf32, #tpu.memory_space<vmem>>, vector<1x16xf32>,
      %get3A_2431 = vector.shape_cast %get3A_2430 : vector<1x16xf32> to vector<16xf32>
      %add3A_2432 = arith.addf %add3A_2426, %get3A_2431 : vector<16xf32>
      %get3A_2433 = arith.constant 1 : i32
      %get3A_2434 = arith.index_cast %get3A_2433 : i32 to index
      %get3A_2435 = arith.constant 1968 : index
      %get3A_2436 = tpu.vector_load %arg6[%get3A_2434, %get3A_2435] {strides = array<i32>} : memref<2x2048xf32, #tpu.memory_space<vmem>>, vector<1x16xf32>,
      %get3A_2437 = vector.shape_cast %get3A_2436 : vector<1x16xf32> to vector<16xf32>
      %add3A_2438 = arith.addf %add3A_2432, %get3A_2437 : vector<16xf32>
      %swap3A_2439 = arith.constant 432 : index
      %swap3A_2440 = tpu.vector_load %arg7[%swap3A_2439] {strides = array<i32>} : memref<512xf32, #tpu.memory_space<vmem>>, vector<16xf32>,
      %swap3A_2441 = vector.shape_cast %swap3A_2440 : vector<16xf32> to vector<16xf32>
      %swap3A_2442 = vector.shape_cast %add3A_2438 : vector<16xf32> to vector<16xf32>
      tpu.vector_store %arg7[%swap3A_2439], %swap3A_2442 {strides = array<i32>} : memref<512xf32, #tpu.memory_space<vmem>>, vector<16xf32>,
      %get3A_2443 = arith.constant 448 : index
      %get3A_2444 = tpu.vector_load %arg7[%get3A_2443] {strides = array<i32>} : memref<512xf32, #tpu.memory_space<vmem>>, vector<16xf32>,
      %get3A_2445 = vector.shape_cast %get3A_2444 : vector<16xf32> to vector<16xf32>
      %get3A_2446 = arith.constant 1 : i32
      %get3A_2447 = arith.index_cast %get3A_2446 : i32 to index
      %get3A_2448 = arith.constant 448 : index
      %get3A_2449 = tpu.vector_load %arg6[%get3A_2447, %get3A_2448] {strides = array<i32>} : memref<2x2048xf32, #tpu.memory_space<vmem>>, vector<1x16xf32>,
      %get3A_2450 = vector.shape_cast %get3A_2449 : vector<1x16xf32> to vector<16xf32>
      %add3A_2451 = arith.addf %get3A_2445, %get3A_2450 : vector<16xf32>
      %get3A_2452 = arith.constant 1 : i32
      %get3A_2453 = arith.index_cast %get3A_2452 : i32 to index
      %get3A_2454 = arith.constant 960 : index
      %get3A_2455 = tpu.vector_load %arg6[%get3A_2453, %get3A_2454] {strides = array<i32>} : memref<2x2048xf32, #tpu.memory_space<vmem>>, vector<1x16xf32>,
      %get3A_2456 = vector.shape_cast %get3A_2455 : vector<1x16xf32> to vector<16xf32>
      %add3A_2457 = arith.addf %add3A_2451, %get3A_2456 : vector<16xf32>
      %get3A_2458 = arith.constant 1 : i32
      %get3A_2459 = arith.index_cast %get3A_2458 : i32 to index
      %get3A_2460 = arith.constant 1472 : index
      %get3A_2461 = tpu.vector_load %arg6[%get3A_2459, %get3A_2460] {strides = array<i32>} : memref<2x2048xf32, #tpu.memory_space<vmem>>, vector<1x16xf32>,
      %get3A_2462 = vector.shape_cast %get3A_2461 : vector<1x16xf32> to vector<16xf32>
      %add3A_2463 = arith.addf %add3A_2457, %get3A_2462 : vector<16xf32>
      %get3A_2464 = arith.constant 1 : i32
      %get3A_2465 = arith.index_cast %get3A_2464 : i32 to index
      %get3A_2466 = arith.constant 1984 : index
      %get3A_2467 = tpu.vector_load %arg6[%get3A_2465, %get3A_2466] {strides = array<i32>} : memref<2x2048xf32, #tpu.memory_space<vmem>>, vector<1x16xf32>,
      %get3A_2468 = vector.shape_cast %get3A_2467 : vector<1x16xf32> to vector<16xf32>
      %add3A_2469 = arith.addf %add3A_2463, %get3A_2468 : vector<16xf32>
      %swap3A_2470 = arith.constant 448 : index
      %swap3A_2471 = tpu.vector_load %arg7[%swap3A_2470] {strides = array<i32>} : memref<512xf32, #tpu.memory_space<vmem>>, vector<16xf32>,
      %swap3A_2472 = vector.shape_cast %swap3A_2471 : vector<16xf32> to vector<16xf32>
      %swap3A_2473 = vector.shape_cast %add3A_2469 : vector<16xf32> to vector<16xf32>
      tpu.vector_store %arg7[%swap3A_2470], %swap3A_2473 {strides = array<i32>} : memref<512xf32, #tpu.memory_space<vmem>>, vector<16xf32>,
      %get3A_2474 = arith.constant 464 : index
      %get3A_2475 = tpu.vector_load %arg7[%get3A_2474] {strides = array<i32>} : memref<512xf32, #tpu.memory_space<vmem>>, vector<16xf32>,
      %get3A_2476 = vector.shape_cast %get3A_2475 : vector<16xf32> to vector<16xf32>
      %get3A_2477 = arith.constant 1 : i32
      %get3A_2478 = arith.index_cast %get3A_2477 : i32 to index
      %get3A_2479 = arith.constant 464 : index
      %get3A_2480 = tpu.vector_load %arg6[%get3A_2478, %get3A_2479] {strides = array<i32>} : memref<2x2048xf32, #tpu.memory_space<vmem>>, vector<1x16xf32>,
      %get3A_2481 = vector.shape_cast %get3A_2480 : vector<1x16xf32> to vector<16xf32>
      %add3A_2482 = arith.addf %get3A_2476, %get3A_2481 : vector<16xf32>
      %get3A_2483 = arith.constant 1 : i32
      %get3A_2484 = arith.index_cast %get3A_2483 : i32 to index
      %get3A_2485 = arith.constant 976 : index
      %get3A_2486 = tpu.vector_load %arg6[%get3A_2484, %get3A_2485] {strides = array<i32>} : memref<2x2048xf32, #tpu.memory_space<vmem>>, vector<1x16xf32>,
      %get3A_2487 = vector.shape_cast %get3A_2486 : vector<1x16xf32> to vector<16xf32>
      %add3A_2488 = arith.addf %add3A_2482, %get3A_2487 : vector<16xf32>
      %get3A_2489 = arith.constant 1 : i32
      %get3A_2490 = arith.index_cast %get3A_2489 : i32 to index
      %get3A_2491 = arith.constant 1488 : index
      %get3A_2492 = tpu.vector_load %arg6[%get3A_2490, %get3A_2491] {strides = array<i32>} : memref<2x2048xf32, #tpu.memory_space<vmem>>, vector<1x16xf32>,
      %get3A_2493 = vector.shape_cast %get3A_2492 : vector<1x16xf32> to vector<16xf32>
      %add3A_2494 = arith.addf %add3A_2488, %get3A_2493 : vector<16xf32>
      %get3A_2495 = arith.constant 1 : i32
      %get3A_2496 = arith.index_cast %get3A_2495 : i32 to index
      %get3A_2497 = arith.constant 2000 : index
      %get3A_2498 = tpu.vector_load %arg6[%get3A_2496, %get3A_2497] {strides = array<i32>} : memref<2x2048xf32, #tpu.memory_space<vmem>>, vector<1x16xf32>,
      %get3A_2499 = vector.shape_cast %get3A_2498 : vector<1x16xf32> to vector<16xf32>
      %add3A_2500 = arith.addf %add3A_2494, %get3A_2499 : vector<16xf32>
      %swap3A_2501 = arith.constant 464 : index
      %swap3A_2502 = tpu.vector_load %arg7[%swap3A_2501] {strides = array<i32>} : memref<512xf32, #tpu.memory_space<vmem>>, vector<16xf32>,
      %swap3A_2503 = vector.shape_cast %swap3A_2502 : vector<16xf32> to vector<16xf32>
      %swap3A_2504 = vector.shape_cast %add3A_2500 : vector<16xf32> to vector<16xf32>
      tpu.vector_store %arg7[%swap3A_2501], %swap3A_2504 {strides = array<i32>} : memref<512xf32, #tpu.memory_space<vmem>>, vector<16xf32>,
      %get3A_2505 = arith.constant 480 : index
      %get3A_2506 = tpu.vector_load %arg7[%get3A_2505] {strides = array<i32>} : memref<512xf32, #tpu.memory_space<vmem>>, vector<16xf32>,
      %get3A_2507 = vector.shape_cast %get3A_2506 : vector<16xf32> to vector<16xf32>
      %get3A_2508 = arith.constant 1 : i32
      %get3A_2509 = arith.index_cast %get3A_2508 : i32 to index
      %get3A_2510 = arith.constant 480 : index
      %get3A_2511 = tpu.vector_load %arg6[%get3A_2509, %get3A_2510] {strides = array<i32>} : memref<2x2048xf32, #tpu.memory_space<vmem>>, vector<1x16xf32>,
      %get3A_2512 = vector.shape_cast %get3A_2511 : vector<1x16xf32> to vector<16xf32>
      %add3A_2513 = arith.addf %get3A_2507, %get3A_2512 : vector<16xf32>
      %get3A_2514 = arith.constant 1 : i32
      %get3A_2515 = arith.index_cast %get3A_2514 : i32 to index
      %get3A_2516 = arith.constant 992 : index
      %get3A_2517 = tpu.vector_load %arg6[%get3A_2515, %get3A_2516] {strides = array<i32>} : memref<2x2048xf32, #tpu.memory_space<vmem>>, vector<1x16xf32>,
      %get3A_2518 = vector.shape_cast %get3A_2517 : vector<1x16xf32> to vector<16xf32>
      %add3A_2519 = arith.addf %add3A_2513, %get3A_2518 : vector<16xf32>
      %get3A_2520 = arith.constant 1 : i32
      %get3A_2521 = arith.index_cast %get3A_2520 : i32 to index
      %get3A_2522 = arith.constant 1504 : index
      %get3A_2523 = tpu.vector_load %arg6[%get3A_2521, %get3A_2522] {strides = array<i32>} : memref<2x2048xf32, #tpu.memory_space<vmem>>, vector<1x16xf32>,
      %get3A_2524 = vector.shape_cast %get3A_2523 : vector<1x16xf32> to vector<16xf32>
      %add3A_2525 = arith.addf %add3A_2519, %get3A_2524 : vector<16xf32>
      %get3A_2526 = arith.constant 1 : i32
      %get3A_2527 = arith.index_cast %get3A_2526 : i32 to index
      %get3A_2528 = arith.constant 2016 : index
      %get3A_2529 = tpu.vector_load %arg6[%get3A_2527, %get3A_2528] {strides = array<i32>} : memref<2x2048xf32, #tpu.memory_space<vmem>>, vector<1x16xf32>,
      %get3A_2530 = vector.shape_cast %get3A_2529 : vector<1x16xf32> to vector<16xf32>
      %add3A_2531 = arith.addf %add3A_2525, %get3A_2530 : vector<16xf32>
      %swap3A_2532 = arith.constant 480 : index
      %swap3A_2533 = tpu.vector_load %arg7[%swap3A_2532] {strides = array<i32>} : memref<512xf32, #tpu.memory_space<vmem>>, vector<16xf32>,
      %swap3A_2534 = vector.shape_cast %swap3A_2533 : vector<16xf32> to vector<16xf32>
      %swap3A_2535 = vector.shape_cast %add3A_2531 : vector<16xf32> to vector<16xf32>
      tpu.vector_store %arg7[%swap3A_2532], %swap3A_2535 {strides = array<i32>} : memref<512xf32, #tpu.memory_space<vmem>>, vector<16xf32>,
      %get3A_2536 = arith.constant 496 : index
      %get3A_2537 = tpu.vector_load %arg7[%get3A_2536] {strides = array<i32>} : memref<512xf32, #tpu.memory_space<vmem>>, vector<16xf32>,
      %get3A_2538 = vector.shape_cast %get3A_2537 : vector<16xf32> to vector<16xf32>
      %get3A_2539 = arith.constant 1 : i32
      %get3A_2540 = arith.index_cast %get3A_2539 : i32 to index
      %get3A_2541 = arith.constant 496 : index
      %get3A_2542 = tpu.vector_load %arg6[%get3A_2540, %get3A_2541] {strides = array<i32>} : memref<2x2048xf32, #tpu.memory_space<vmem>>, vector<1x16xf32>,
      %get3A_2543 = vector.shape_cast %get3A_2542 : vector<1x16xf32> to vector<16xf32>
      %add3A_2544 = arith.addf %get3A_2538, %get3A_2543 : vector<16xf32>
      %get3A_2545 = arith.constant 1 : i32
      %get3A_2546 = arith.index_cast %get3A_2545 : i32 to index
      %get3A_2547 = arith.constant 1008 : index
      %get3A_2548 = tpu.vector_load %arg6[%get3A_2546, %get3A_2547] {strides = array<i32>} : memref<2x2048xf32, #tpu.memory_space<vmem>>, vector<1x16xf32>,
      %get3A_2549 = vector.shape_cast %get3A_2548 : vector<1x16xf32> to vector<16xf32>
      %add3A_2550 = arith.addf %add3A_2544, %get3A_2549 : vector<16xf32>
      %get3A_2551 = arith.constant 1 : i32
      %get3A_2552 = arith.index_cast %get3A_2551 : i32 to index
      %get3A_2553 = arith.constant 1520 : index
      %get3A_2554 = tpu.vector_load %arg6[%get3A_2552, %get3A_2553] {strides = array<i32>} : memref<2x2048xf32, #tpu.memory_space<vmem>>, vector<1x16xf32>,
      %get3A_2555 = vector.shape_cast %get3A_2554 : vector<1x16xf32> to vector<16xf32>
      %add3A_2556 = arith.addf %add3A_2550, %get3A_2555 : vector<16xf32>
      %get3A_2557 = arith.constant 1 : i32
      %get3A_2558 = arith.index_cast %get3A_2557 : i32 to index
      %get3A_2559 = arith.constant 2032 : index
      %get3A_2560 = tpu.vector_load %arg6[%get3A_2558, %get3A_2559] {strides = array<i32>} : memref<2x2048xf32, #tpu.memory_space<vmem>>, vector<1x16xf32>,
      %get3A_2561 = vector.shape_cast %get3A_2560 : vector<1x16xf32> to vector<16xf32>
      %add3A_2562 = arith.addf %add3A_2556, %get3A_2561 : vector<16xf32>
      %swap3A_2563 = arith.constant 496 : index
      %swap3A_2564 = tpu.vector_load %arg7[%swap3A_2563] {strides = array<i32>} : memref<512xf32, #tpu.memory_space<vmem>>, vector<16xf32>,
      %swap3A_2565 = vector.shape_cast %swap3A_2564 : vector<16xf32> to vector<16xf32>
      %swap3A_2566 = vector.shape_cast %add3A_2562 : vector<16xf32> to vector<16xf32>
      tpu.vector_store %arg7[%swap3A_2563], %swap3A_2566 {strides = array<i32>} : memref<512xf32, #tpu.memory_space<vmem>>, vector<16xf32>,
    }
    %scan3A_347 = arith.constant 25 : i32
    "tpu.region"() ({
      %run_scoped3A = tpu.sem_alloc : memref<!tpu.dma_semaphore, #tpu.memory_space<semaphore_mem>>
      %dma_start3A_348 = tpu.memref_slice %arg4[%mul3A_2] : memref<16384xf32, #tpu.memory_space<hbm>> -> memref<512xf32, #tpu.memory_space<hbm>>
      %dma_start3A_349 = tpu.memref_slice %arg4[%mul3A_2] : memref<16384xf32, #tpu.memory_space<hbm>> -> memref<512xf32, #tpu.memory_space<hbm>>
      tpu.enqueue_dma source(%arg7 : memref<512xf32, #tpu.memory_space<vmem>>) target(%dma_start3A_349 : memref<512xf32, #tpu.memory_space<hbm>>) target_semaphore(%run_scoped3A : memref<!tpu.dma_semaphore, #tpu.memory_space<semaphore_mem>>)
      %dma_wait3A_350 = tpu.memref_slice %arg4[%mul3A_2] : memref<16384xf32, #tpu.memory_space<hbm>> -> memref<512xf32, #tpu.memory_space<hbm>>
      %dma_wait3A_351 = tpu.memref_slice %arg4[%mul3A_2] : memref<16384xf32, #tpu.memory_space<hbm>> -> memref<512xf32, #tpu.memory_space<hbm>>
      tpu.wait_dma2 semaphore(%run_scoped3A : memref<!tpu.dma_semaphore, #tpu.memory_space<semaphore_mem>>) src(%arg7 : memref<512xf32, #tpu.memory_space<vmem>>) dst(%dma_wait3A_351 : memref<512xf32, #tpu.memory_space<hbm>>)
      tpu.yield
    }) : () -> ()
    return
  }
}

module attributes {stable_mosaic.version = 14 : i64} {
  func.func @_tc_matvec_body(%arg0: i32, %arg1: memref<64x32768xf32, #tpu.memory_space<vmem>>, %arg2: memref<1x64xf32, #tpu.memory_space<vmem>>, %arg3: memref<1x1xf32, #tpu.memory_space<smem>>, %arg4: memref<32768xf32, #tpu.memory_space<vmem>>) attributes {dimension_semantics = [#tpu.dimension_semantics<arbitrary>], iteration_bounds = array<i64: 31>, scalar_prefetch = 0 : i64, scratch_operands = 0 : i64, tpu.core_type = #tpu.core_type<tc>, window_params = [{transform_indices = @transform_0, window_bounds = array<i64: 64, 32768>}, {pipeline_mode = #tpu.pipeline_mode<synchronous>, transform_indices = @transform_1, window_bounds = array<i64: 1, 64>}, {transform_indices = @transform_2, window_bounds = array<i64: 1, 1>}, {transform_indices = @transform_3, window_bounds = array<i64: 32768>}]} {
    %get3A = arith.constant 0 : index
    %get3A_0 = arith.constant 0 : index
    %get3A_1 = vector.load %arg2[%get3A, %get3A_0] : memref<1x64xf32, #tpu.memory_space<vmem>>, vector<1x64xf32>
    %get3A_2 = arith.constant 0 : index
    %get3A_3 = arith.constant 0 : index
    %get3A_4 = vector.load %arg1[%get3A_2, %get3A_3] : memref<64x32768xf32, #tpu.memory_space<vmem>>, vector<64x32768xf32>
    %dot_general3A = arith.constant dense<0.000000e+00> : vector<1x32768xf32>
    %dot_general3A_5 = tpu.matmul %get3A_1, %get3A_4, %dot_general3A {dimension_numbers = #tpu.dot_dimension_numbers<[1], [0], [0], [1], [0, 0, 1, 1], [], []>, transpose_lhs_hint = false} : vector<1x64xf32>, vector<64x32768xf32>, vector<1x32768xf32> -> vector<1x32768xf32>
    %reshape3A = vector.shape_cast %dot_general3A_5 : vector<1x32768xf32> to vector<32768xf32>
    %get3A_6 = arith.constant 0 : index
    %get3A_7 = arith.constant 0 : index
    %get3A_8 = memref.load %arg3[%get3A_6, %get3A_7] : memref<1x1xf32, #tpu.memory_space<smem>>
    %add3A = vector.broadcast %get3A_8 : f32 to vector<32768xf32>
    %add3A_9 = arith.addf %reshape3A, %add3A : vector<32768xf32>
    %swap3A = arith.constant 0 : index
    %swap3A_10 = vector.load %arg4[%swap3A] : memref<32768xf32, #tpu.memory_space<vmem>>, vector<32768xf32>
    tpu.vector_store %arg4[%swap3A], %add3A_9 {strides = array<i32>} : memref<32768xf32, #tpu.memory_space<vmem>>, vector<32768xf32>,
    return
  }
  func.func @transform_0(%arg0: i32) -> (i32, i32) {
    %c0_i32 = arith.constant 0 : i32
    %c0_i32_0 = arith.constant 0 : i32
    return %c0_i32, %arg0 : i32, i32
  }
  func.func @transform_1(%arg0: i32) -> (i32, i32) {
    %c0_i32 = arith.constant 0 : i32
    %c0_i32_0 = arith.constant 0 : i32
    %c0_i32_1 = arith.constant 0 : i32
    return %c0_i32, %c0_i32_0 : i32, i32
  }
  func.func @transform_2(%arg0: i32) -> (i32, i32) {
    %c0_i32 = arith.constant 0 : i32
    %c0_i32_0 = arith.constant 0 : i32
    %c0_i32_1 = arith.constant 0 : i32
    return %c0_i32, %c0_i32_0 : i32, i32
  }
  func.func @transform_3(%arg0: i32) -> i32 {
    %c0_i32 = arith.constant 0 : i32
    return %arg0 : i32
  }
}

</mosaic_0001>

<sc_bundles>
// kernel: kernel.4.cloned.1.call-start
scs
__scs_entry_jumppad:
0x0: {  	(pc) =	sbr.rel $0x88, $3  }
0x1: {  	(tag) =	ssettag $0x0;
	lr =	simm.s32 $0x1  }
0x2: {  	[smem:$0x3F9D] =	sst lr;
	_ =	strace $0xD0000000  }
0x3: {  	_ = 	snop  }
0x4: {  	_ = 	snop  }
0x5: {  	_ = 	snop  }
0x6: {  	_ = 	snop  }
0x7: {  	_ = 	snop  }
__scs_overlays_trampoline_lowered:
0x8: {  	[smem:$0x3FAC] =	sst s0  }
0x9: {  	[smem:$0x3FAD] =	sst s1  }
0xa: {  	[smem:$0x3FAE] =	sst s2  }
0xb: {  	[smem:$0x3FAF] =	sst s3  }
0xc: {  	[smem:$0x3FB0] =	sst s4  }
0xd: {  	[smem:$0x3FB1] =	sst s5  }
0xe: {  	[smem:$0x3FB2] =	sst s6  }
0xf: {  	[smem:$0x3FB3] =	sst s7  }
0x10: {  	[smem:$0x3FB4] =	sst s8  }
0x11: {  	[smem:$0x3FB5] =	sst s9;
	s0 =	simm.s32 @!p0 $0x0  }
0x12: {  	s1 =	sld [smem:$0x3F9B];
	s0 =	simm.s32 @p0 $0x1  }
0x13: {  	[smem:$0x3FB6] =	sst s0;
	s0 =	simm.s32 @!p1 $0x0  }
0x14: {  	s2 =	sld [smem:$0x3F9A];
	s0 =	simm.s32 @p1 $0x1  }
0x15: {  	[smem:$0x3FB7] =	sst s0;
	s0 =	simm.s32 @!p2 $0x0  }
0x16: {  	s3 =	sld [smem:$0x3FDB];
	s0 =	simm.s32 @p2 $0x1  }
0x17: {  	s4 =	simm.s32 $0x1BF5;
	[smem:$0x3FB9] =	sst s0  }
0x18: {  	s0 =	sld [smem:$0x3F9C];
	_ =	swait.ge [sflag:s4], $0x0  }
0x19: {  	s7 =	sld [smem:$0x3F9D]  }
0x1a: {  	s8 =	sadd.s32 $0xFFFFE003, lr  }
0x1b: {  	s9 =	sadd.s32 $0xFFFFFEF7, lr;
	s5 =	simm.s32 $0xFFFFFFFF;
	p2 =	slt.u32 s8, $0xFFFFF086  }
0x1c: {  	p1 =	slt.u32 s9, $0xF7A;
	s5 =	simm.s32 @!p2 $0x0  }
0x1d: {  	s5 =	simm.s32 @p1 $0x1;
	p0 =	seq.s32 s7, s2  }
0x1e: {  	s7 =	smul.u32 @!p0 $0xF7A, s2;
	p2 =	seq.s32 @!p0 s5, $0x0  }
0x1f: {  	s9 =	smul.u32 $0xF7A, s1;
	s8 =	simm.s32 @!p0 $0x1BF5;
	p2 =	por !p2, p0  }
0x20: {  	[sflag:s8] =	ssyncset.s32 @!p0 $0xFFFFF086;
	s6 =	sadd.s32 @!p0 s3, s7;
	s7 =	simm.s32 @!p0 $0x108  }
0x21: {  	s3 =	sadd.s32 s3, s9;
	s6 =	sadd.s32 @!p0 $0x88, s6;
	s7 =	simm.s32 @p2 $0x1082  }
0x22: {  	[simem:s7], [sflag:s8] =	dma.local @!p0 [hbm:s6], $0xF7A  }
0x23: {  	s9 =	sor.u32 $0xD0000000, s2;
	s6 =	simm.s32 $0x108;
	_ =	swait.ge @!p0 [sflag:s8], $0x0  }
0x24: {  	s3 =	sadd.s32 $0x88, s3;
	s6 =	simm.s32 @!p1 $0x1082;
	[sflag:s4] =	ssyncset.s32 $0xFFFFF086  }
0x25: {  	[simem:s6], [sflag:s4] =	dma.local [hbm:s3], $0xF7A  }
0x26: {  	[smem:$0x3F9D] =	sst s1;
	(tag) =	ssettag s2;
	_ =	strace s9  }
0x27: {  	s1 =	sld [smem:$0x3FAD]  }
0x28: {  	s2 =	sld [smem:$0x3FAE]  }
0x29: {  	s4 =	sld [smem:$0x3FB0]  }
0x2a: {  	p0 =	seq.s32 s5, $0x0;
	s5 =	sld [smem:$0x3FB1]  }
0x2b: {  	s6 =	sld [smem:$0x3FB2]  }
0x2c: {  	s7 =	sld [smem:$0x3FB3]  }
0x2d: {  	s3 =	simm.s32 $0x108;
	s8 =	sld [smem:$0x3FB4]  }
0x2e: {  	s3 =	simm.s32 @!p0 $0x1082;
	s9 =	sld [smem:$0x3FB5]  }
0x2f: {  	lr =	sadd.s32 s0, s3;
	s0 =	sld [smem:$0x3FAC]  }
0x30: {  	s3 =	sld [smem:$0x3FAF]  }
0x31: {  	[smem:$0x3FB8] =	sst s10  }
0x32: {  	s10 =	sld [smem:$0x3FB6];
	_ =	sdelay $0x3  }
0x33: {  	p0 =	seq.s32 s10, $0x1;
	s10 =	sld [smem:$0x3FB8];
	_ =	sdelay $0x3  }
0x34: {  	[smem:$0x3FB8] =	sst s10  }
0x35: {  	s10 =	sld [smem:$0x3FB7];
	_ =	sdelay $0x3  }
0x36: {  	p1 =	seq.s32 s10, $0x1;
	s10 =	sld [smem:$0x3FB8];
	_ =	sdelay $0x3  }
0x37: {  	[smem:$0x3FB8] =	sst s10  }
0x38: {  	s10 =	sld [smem:$0x3FB9]  }
0x39: {  	_ = 	snop;
	(pc) =	sbr.ind lr, $3  }
0x3a: {  	_ = 	snop  }
0x3b: {  	_ = 	snop  }
0x3c: {  	p2 =	seq.s32 s10, $0x1;
	s10 =	sld [smem:$0x3FB8]  }
0x3d: {  	_ =	shalt  }
0x3e: {  	_ =	shalt  }
0x3f: {  	_ =	shalt  }
0x40: {  	_ =	shalt  }
0x41: {  	_ =	shalt  }
0x42: {  	_ =	shalt  }
0x43: {  	_ =	shalt  }
0x44: {  	_ =	shalt  }
0x45: {  	_ =	shalt  }
0x46: {  	_ =	shalt  }
0x47: {  	_ =	shalt  }
0x48: {  	_ =	shalt  }
0x49: {  	_ =	shalt  }
0x4a: {  	_ =	shalt  }
0x4b: {  	_ =	shalt  }
0x4c: {  	_ =	shalt  }
0x4d: {  	_ =	shalt  }
0x4e: {  	_ =	shalt  }
0x4f: {  	_ =	shalt  }
0x50: {  	_ =	shalt  }
0x51: {  	_ =	shalt  }
0x52: {  	_ =	shalt  }
0x53: {  	_ =	shalt  }
0x54: {  	_ =	shalt  }
0x55: {  	_ =	shalt  }
0x56: {  	_ =	shalt  }
0x57: {  	_ =	shalt  }
0x58: {  	_ =	shalt  }
0x59: {  	_ =	shalt  }
0x5a: {  	_ =	shalt  }
0x5b: {  	_ =	shalt  }
0x5c: {  	_ =	shalt  }
0x5d: {  	_ =	shalt  }
0x5e: {  	_ =	shalt  }
0x5f: {  	_ =	shalt  }
0x60: {  	_ =	shalt  }
0x61: {  	_ =	shalt  }
0x62: {  	_ =	shalt  }
0x63: {  	_ =	shalt  }
0x64: {  	_ =	shalt  }
0x65: {  	_ =	shalt  }
0x66: {  	_ =	shalt  }
0x67: {  	_ =	shalt  }
0x68: {  	_ =	shalt  }
0x69: {  	_ =	shalt  }
0x6a: {  	_ =	shalt  }
0x6b: {  	_ =	shalt  }
0x6c: {  	_ =	shalt  }
0x6d: {  	_ =	shalt  }
0x6e: {  	_ =	shalt  }
0x6f: {  	_ =	shalt  }
0x70: {  	_ =	shalt  }
0x71: {  	_ =	shalt  }
0x72: {  	_ =	shalt  }
0x73: {  	_ =	shalt  }
0x74: {  	_ =	shalt  }
0x75: {  	_ =	shalt  }
0x76: {  	_ =	shalt  }
0x77: {  	_ =	shalt  }
0x78: {  	_ =	shalt  }
0x79: {  	_ =	shalt  }
0x7a: {  	_ =	shalt  }
0x7b: {  	_ =	shalt  }
0x7c: {  	_ =	shalt  }
0x7d: {  	_ =	shalt  }
0x7e: {  	_ =	shalt  }
0x7f: {  	_ =	shalt  }
0x80: {  	_ =	shalt  }
0x81: {  	_ =	shalt  }
0x82: {  	_ =	shalt  }
0x83: {  	_ =	shalt  }
0x84: {  	_ =	shalt  }
0x85: {  	_ =	shalt  }
0x86: {  	_ =	shalt  }
0x87: {  	_ =	shalt  }
.Lfunc_end0:
.L_simem_size_0:
called_computation_lowered:
.L_overlay_start_0:
0x88: {  	s2 =	sld [smem:$0x3FD9]  }
0x89: {  	s3 =	sld [smem:$0x3FFE];
	_ =	sdelay $0x1  }
0x8a: {  	s1 =	srdreg.scid  }
0x8b: {  	s0 =	sand.u32 $0x1, s1  }
0x8c: {  	s17 =	sshll.u32 s0, $0xA;
	s2 =	sadd.s32 s3, s2  }
0x8d: {  	s2 =	sadd.s32 s2, s17  }
0x8e: {  	[smem:$0x3FC4] =	sst s2  }
0x8f: {  	_ = 	snop  }
0x90: {  	s2 =	sld [smem:$0x3FC9]  }
0x91: {  	s18 =	sld [smem:$0x3FD0];
	(tm) =	ssettm $0x1  }
0x92: {  	s4 =	sld [smem:$0x3FFB];
	_ =	sdelay $0x3  }
0x93: {  	_ =	strace s4  }
0x94: {  	s4 =	sld [smem:$0x3FFC];
	_ =	sdelay $0x3  }
0x95: {  	_ =	strace s4  }
0x96: {  	s4 =	sld [smem:$0x3FFD];
	_ =	sdelay $0x3  }
0x97: {  	_ =	strace s4  }
0x98: {  	_ =	strace $0x8FFFFFFF  }
0x99: {  	s19 =	sld [smem:$0x3FDB];
	_ =	sdelay $0x1  }
0x9a: {  	s5 =	simm.s32 $_scs_section_size  }
0x9b: {  	s6 =	simm.s32 $_size__tile_overlayer_lowered;
	s7 =	simm.s32 $_tile_overlayer_lowered  }
0x9c: {  	s22 =	simm.s32 $0x1BFF;
	s21 =	sshll.u32 s7, $0x1;
	s4 =	sadd.s32 s5, s19  }
0x9d: {  	s8 =	simm.s32 $0x0;
	s20 =	sshll.u32 s6, $0x1;
	s6 =	sadd.s32 s21, s4  }
0x9e: {  	[timem:s8], [sflag:s22] =	dma.local [hbm:s6], s20  }
0x9f: {  	_ =	swait.ge [sflag:s22], s20  }
0xa0: {  	s5 =	ssub.s32 $0x0, s20;
	[sflag:s22] =	ssyncset.done $0x0  }
0xa1: {  	[sflag:s22] =	ssyncadd.s32 s5;
	_ =	sdelay $0x1  }
0xa2: {  	s23 =	simm.s32 $0x1B8B  }
0xa3: {  	_ =	swait.ge [sflag:s23], $0x1  }
0xa4: {  	[sflag:s23] =	ssyncset.done $0x0  }
0xa5: {  	s25 =	simm.s32 $0x1B8E;
	s24 =	sld [smem:$0x3FFE];
	[sflag:s23] =	ssyncadd.s32 $0xFFFFFFFF  }
0xa6: {  	s26 =	simm.s32 $execute0_lowered;
	[smem:$0x3FD2] =	sst s25  }
0xa7: {  	s6 =	sshll.u32 s26, $0x1;
	_ =	strace $0x80000046;
	[dreg:$0x1] =	wrdreg $0xFFFFFFFF  }
0xa8: {  	s28 =	simm.s32 $_size_execute0_lowered;
	s4 =	sadd.s32 s4, s6;
	[dreg:$0x0] =	wrdreg $0x0  }
0xa9: {  	s6 =	sshll.u32 s28, $0x1;
	[dreg:$0x2] =	wrdreg s4  }
0xaa: {  	[dreg:$0x3] =	wrdreg s6  }
0xab: {  	[dreg:$0x4] =	wrdreg $0xC0  }
0xac: {  	_ =	task [dreg:s8], $0x5FFFF  }
0xad: {  	[dreg:$0x1] =	wrdreg $0xFFFFFFFF  }
0xae: {  	[dreg:$0x0] =	wrdreg $0x60  }
0xaf: {  	[dreg:$0x2] =	wrdreg s2  }
0xb0: {  	[dreg:$0x3] =	wrdreg s24  }
0xb1: {  	[dreg:$0x4] =	wrdreg s18  }
0xb2: {  	[dreg:$0x5] =	wrdreg $0x9  }
0xb3: {  	_ =	task.clear_ibuf [dreg:s8], $0x6FFFF;
	_ =	strace $0x90000046  }
0xb4: {  	s29 =	simm.s32 $0x9;
	_ =	strace $0x80000048  }
0xb5: {  	_ =	swait.ge [sflag:s29], $0x1  }
0xb6: {  	[sflag:s29] =	ssyncadd.s32 $0xFFFFFFFF  }
0xb7: {  	_ =	strace $0x90000048  }
0xb8: {  	_ =	sfence  }
0xb9: {  	s30 =	sld [smem:$0x0];
	_ =	sdelay $0x2  }
0xba: {  	s31 =	sshll.u32 s1, $0xD;
	s1 =	sshrl.u32 s1, $0x2  }
0xbb: {  	s3 =	sand.u32 $0x4000, s31;
	s1 =	sadd.s32 s1, s30  }
0xbc: {  	s0 =	sor.u32 s3, s0;
	s1 =	sshll.u32 s1, $0x11  }
0xbd: {  	s0 =	sor.u32 s1, s0  }
0xbe: {  	s0 =	sadd.s32 $0x8F2B, s0  }
0xbf: {  	[sflag:s0] =	ssyncadd.remote.s32 $0x1  }
0xc0: {  	_ =	sfence.sel $0xFFFF  }
0xc1: {  	[dreg:$0x0] =	wrdreg $0xFFFFFFFF;
	(pc) =	sbr.abs _section_cstart, $3  }
0xc2: {  	[dreg:$0x1] =	wrdreg $0xFFFFFFFF  }
0xc3: {  	_ =	task.clear_ibuf [dreg:s8], $0x2FFFF;
	_ =	strace $0x9FFFFFFF  }
0xc4: {  	(tm) =	ssettm $0x7FFFFFFF  }
0xc5: {  	_ =	shalt  }
tec
execute0_lowered:
.L_overlay_start_1:
0x0: {  	(tag) =	ssettag $0x1  }
0x1: {  	s0 =	rddreg [dreg:$0x0]  }
0x2: {  	s2 =	rddreg [dreg:$0x1]  }
0x3: {  	s6 =	rddreg [dreg:$0x2];
	s1 =	simm.s32 $0x0  }
0x4: {  	s4 =	simm.s32 $0x1080;
	[smem:$0x7FF] =	sst s1  }
0x5: {  	s22 =	simm.s32 $0xA00;
	_ =	strace $0x80000047;
	[dreg:$0x4] =	wrdreg s4  }
0x6: {  	s23 =	simm.s32 $0x1180;
	[dreg:$0x5] =	wrdreg s22  }
0x7: {  	s24 =	simm.s32 $0xC00;
	[dreg:$0x6] =	wrdreg s23  }
0x8: {  	s25 =	simm.s32 $0x1280;
	[dreg:$0x7] =	wrdreg s24  }
0x9: {  	s26 =	simm.s32 $0xE00;
	[dreg:$0x8] =	wrdreg s25  }
0xa: {  	s28 =	simm.s32 $0x1380;
	[dreg:$0x9] =	wrdreg s26  }
0xb: {  	s29 =	simm.s32 $0x880;
	[dreg:$0xa] =	wrdreg s28  }
0xc: {  	s30 =	simm.s32 $0x1480;
	[dreg:$0xb] =	wrdreg s29  }
0xd: {  	s10 =	simm.s32 $0xA80;
	[dreg:$0xc] =	wrdreg s30  }
0xe: {  	s31 =	simm.s32 $0x1580;
	[dreg:$0xd] =	wrdreg s10  }
0xf: {  	s11 =	simm.s32 $0xC80;
	[dreg:$0xe] =	wrdreg s31  }
0x10: {  	s12 =	simm.s32 $0x1680;
	[dreg:$0xf] =	wrdreg s11  }
0x11: {  	s21 =	srdreg.scid;
	s13 =	simm.s32 $0xE80;
	[dreg:$0x10] =	wrdreg s12  }
0x12: {  	s8 =	stileid.u32;
	s14 =	simm.s32 $0x1780;
	[dreg:$0x11] =	wrdreg s13  }
0x13: {  	s15 =	simm.s32 $0x900;
	s16 =	simm.s32 $0x1880;
	[dreg:$0x12] =	wrdreg s14  }
0x14: {  	s17 =	simm.s32 $0xB00;
	s18 =	simm.s32 $0x1980;
	[dreg:$0x13] =	wrdreg s15  }
0x15: {  	s19 =	simm.s32 $0xD00;
	s20 =	simm.s32 $0x1A80;
	[dreg:$0x14] =	wrdreg s16  }
0x16: {  	s3 =	sadd.s32 $0x600, s2;
	s2 =	sand.u32 $0x1, s21;
	[dreg:$0x15] =	wrdreg s17  }
0x17: {  	s8 =	sshll.u32 s8, $0xA;
	s21 =	simm.s32 $0xF00;
	[dreg:$0x16] =	wrdreg s18  }
0x18: {  	s5 =	ssub.s32 $0x2, s2;
	s2 =	sshll.u32 s2, $0x9;
	[dreg:$0x17] =	wrdreg s19  }
0x19: {  	s10 =	simm.s32 $0x400;
	s11 =	simm.s32 $0x1;
	[dreg:$0x18] =	wrdreg s20  }
0x1a: {  	s12 =	simm.s32 $0x80;
	[dreg:$0x19] =	wrdreg s21;
	s22 =	simm.s32 $0x1B80  }
0x1b: {  	s23 =	simm.s32 $0x980;
	s24 =	simm.s32 $0x1C80;
	s25 =	simm.s32 $0xB80  }
0x1c: {  	s26 =	simm.s32 $0x1D80;
	s28 =	simm.s32 $0xD80;
	[dreg:$0x1a] =	wrdreg s22  }
0x1d: {  	s29 =	simm.s32 $0x1E80;
	s30 =	simm.s32 $0xF80;
	[dreg:$0x1b] =	wrdreg s23  }
0x1e: {  	s31 =	simm.s32 $0x1F80;
	s13 =	simm.s32 $0x180;
	[dreg:$0x1c] =	wrdreg s24  }
0x1f: {  	s14 =	simm.s32 $0x1C00;
	s15 =	simm.s32 $0x380;
	[dreg:$0x1d] =	wrdreg s25  }
0x20: {  	s16 =	simm.s32 $0x1D00;
	s17 =	simm.s32 $0x580;
	[dreg:$0x1e] =	wrdreg s26  }
0x21: {  	s18 =	simm.s32 $0x1E00;
	s19 =	simm.s32 $0x780;
	[dreg:$0x1f] =	wrdreg s28  }
0x22: {  	s20 =	simm.s32 $0x1F00;
	s21 =	simm.s32 $0x800;
	[smem:$0x7FB] =	sst s29  }
0x23: {  	s7 =	sshrl.u32 s5, $0x1;
	s9 =	sor.u32 s2, s8;
	[smem:$0x7FC] =	sst s30  }
0x24: {  	[smem:$0x7FD] =	sst s31;
	s22 =	simm.s32 $0x2;
	s23 =	simm.s32 $0x3  }
0x25: {  	s24 =	simm.s32 $0x2000;
	s25 =	simm.s32 $0x5;
	s26 =	simm.s32 $0x0  }
0x26: {  	s7 =	ssub.s32 s5, s7;
	s4 =	sadd.s32 s0, s9;
	s9 =	sshrl.u32 s9, $0x3  }
0x27: {  	s0 =	sadd.s32 s8, s0;
	s5 =	sadd.s32 $0x40, s4;
	s6 =	sadd.s32 s6, s9  }
0x28: {  	s7 =	smax.u32 s7, $0x1;
	s8 =	sadd.s32 s2, s0;
	s9 =	simm.s32 $0x200  }
.LBB2_1:
0x29: {  	v0 =	vimm.f32 $0.0e+00  }
0x2a: {  	[tilespmem:$0x2000] =	vst v0  }
0x2b: {  	[tilespmem:$0x2010] =	vst v0  }
0x2c: {  	[tilespmem:$0x2020] =	vst v0  }
0x2d: {  	[tilespmem:$0x2030] =	vst v0  }
0x2e: {  	[tilespmem:$0x2040] =	vst v0  }
0x2f: {  	[tilespmem:$0x2050] =	vst v0  }
0x30: {  	[tilespmem:$0x2060] =	vst v0  }
0x31: {  	[tilespmem:$0x2070] =	vst v0  }
0x32: {  	[tilespmem:$0x2080] =	vst v0  }
0x33: {  	[tilespmem:$0x2090] =	vst v0  }
0x34: {  	[tilespmem:$0x20A0] =	vst v0  }
0x35: {  	[tilespmem:$0x20B0] =	vst v0  }
0x36: {  	[tilespmem:$0x20C0] =	vst v0  }
0x37: {  	[tilespmem:$0x20D0] =	vst v0  }
0x38: {  	[tilespmem:$0x20E0] =	vst v0  }
0x39: {  	[tilespmem:$0x20F0] =	vst v0  }
0x3a: {  	[tilespmem:$0x2100] =	vst v0  }
0x3b: {  	[tilespmem:$0x2110] =	vst v0  }
0x3c: {  	[tilespmem:$0x2120] =	vst v0  }
0x3d: {  	[tilespmem:$0x2130] =	vst v0  }
0x3e: {  	[tilespmem:$0x2140] =	vst v0  }
0x3f: {  	[tilespmem:$0x2150] =	vst v0  }
0x40: {  	[tilespmem:$0x2160] =	vst v0  }
0x41: {  	[tilespmem:$0x2170] =	vst v0  }
0x42: {  	[tilespmem:$0x2180] =	vst v0  }
0x43: {  	[tilespmem:$0x2190] =	vst v0  }
0x44: {  	[tilespmem:$0x21A0] =	vst v0  }
0x45: {  	[tilespmem:$0x21B0] =	vst v0  }
0x46: {  	[tilespmem:$0x21C0] =	vst v0  }
0x47: {  	[tilespmem:$0x21D0] =	vst v0  }
0x48: {  	[tilespmem:$0x21E0] =	vst v0  }
0x49: {  	[tilespmem:$0x21F0] =	vst v0  }
0x4a: {  	[tilespmem:s1], [sflag:$0x1] =	stream.strided.gather [hbm4b:s4+s9], $0x800, s10, s9, $0x38;
	[tilespmem:$0x2200] =	vst v63  }
0x4b: {  	_ =	swait.ge [sflag:s11], $0x800  }
0x4c: {  	[sflag:s11] =	ssyncset.done $0x0  }
0x4d: {  	s0 =	simm.s32 $0x1000;
	[sflag:s11] =	ssyncadd.s32 $0xFFFFF800  }
0x4e: {  	[tilespmem:s0], [sflag:$0x3] =	stream.indirect.gather [hbm4b:s3+s12], $0x1, s1, s12, $0xb8;
	[tilespmem:$0x2200] =	vst v63  }
0x4f: {  	s29 =	simm.s32 $0x1100  }
0x50: {  	[tilespmem:s29], [sflag:$0x3] =	stream.indirect.gather [hbm4b:s3+s12], $0x1, s9, s12, $0xb8;
	[tilespmem:$0x2200] =	vst v63  }
0x51: {  	s30 =	simm.s32 $0x1200  }
0x52: {  	[tilespmem:s30], [sflag:$0x3] =	stream.indirect.gather [hbm4b:s3+s12], $0x1, s10, s12, $0xb8;
	[tilespmem:$0x2200] =	vst v63  }
0x53: {  	s31 =	simm.s32 $0x600;
	s2 =	simm.s32 $0x1300  }
0x54: {  	[tilespmem:s2], [sflag:$0x3] =	stream.indirect.gather [hbm4b:s3+s12], $0x1, s31, s12, $0xb8;
	[tilespmem:$0x2200] =	vst v63  }
0x55: {  	s29 =	simm.s32 $0x1400  }
0x56: {  	[tilespmem:s29], [sflag:$0x3] =	stream.indirect.gather [hbm4b:s3+s12], $0x1, s12, s12, $0xb8;
	[tilespmem:$0x2200] =	vst v63  }
0x57: {  	s30 =	simm.s32 $0x280;
	s31 =	simm.s32 $0x1500  }
0x58: {  	[tilespmem:s31], [sflag:$0x3] =	stream.indirect.gather [hbm4b:s3+s12], $0x1, s30, s12, $0xb8;
	[tilespmem:$0x2200] =	vst v63  }
0x59: {  	s2 =	simm.s32 $0x480;
	s29 =	simm.s32 $0x1600  }
0x5a: {  	[tilespmem:s29], [sflag:$0x3] =	stream.indirect.gather [hbm4b:s3+s12], $0x1, s2, s12, $0xb8;
	[tilespmem:$0x2200] =	vst v63  }
0x5b: {  	s30 =	simm.s32 $0x680;
	s31 =	simm.s32 $0x1700  }
0x5c: {  	[tilespmem:s31], [sflag:$0x3] =	stream.indirect.gather [hbm4b:s3+s12], $0x1, s30, s12, $0xb8;
	[tilespmem:$0x2200] =	vst v63  }
0x5d: {  	s2 =	simm.s32 $0x100;
	s29 =	simm.s32 $0x1800  }
0x5e: {  	[tilespmem:s29], [sflag:$0x3] =	stream.indirect.gather [hbm4b:s3+s12], $0x1, s2, s12, $0xb8;
	[tilespmem:$0x2200] =	vst v63  }
0x5f: {  	s30 =	simm.s32 $0x300;
	s31 =	simm.s32 $0x1900  }
0x60: {  	[tilespmem:s31], [sflag:$0x3] =	stream.indirect.gather [hbm4b:s3+s12], $0x1, s30, s12, $0xb8;
	[tilespmem:$0x2200] =	vst v63  }
0x61: {  	s2 =	simm.s32 $0x500;
	s29 =	simm.s32 $0x1A00  }
0x62: {  	[tilespmem:s29], [sflag:$0x3] =	stream.indirect.gather [hbm4b:s3+s12], $0x1, s2, s12, $0xb8;
	[tilespmem:$0x2200] =	vst v63  }
0x63: {  	s30 =	simm.s32 $0x700;
	s31 =	simm.s32 $0x1B00  }
0x64: {  	[tilespmem:s31], [sflag:$0x3] =	stream.indirect.gather [hbm4b:s3+s12], $0x1, s30, s12, $0xb8;
	[tilespmem:$0x2200] =	vst v63  }
0x65: {  	_ = 	snop  }
0x66: {  	[tilespmem:s14], [sflag:$0x3] =	stream.indirect.gather [hbm4b:s3+s12], $0x1, s13, s12, $0xb8;
	[tilespmem:$0x2200] =	vst v63  }
0x67: {  	_ = 	snop  }
0x68: {  	[tilespmem:s16], [sflag:$0x3] =	stream.indirect.gather [hbm4b:s3+s12], $0x1, s15, s12, $0xb8;
	[tilespmem:$0x2200] =	vst v63  }
0x69: {  	_ = 	snop  }
0x6a: {  	[tilespmem:s18], [sflag:$0x3] =	stream.indirect.gather [hbm4b:s3+s12], $0x1, s17, s12, $0xb8;
	[tilespmem:$0x2200] =	vst v63  }
0x6b: {  	_ = 	snop  }
0x6c: {  	[tilespmem:s20], [sflag:$0x3] =	stream.indirect.gather [hbm4b:s3+s12], $0x1, s19, s12, $0xb8;
	[tilespmem:$0x2200] =	vst v63  }
0x6d: {  	s28 =	simm.s32 $0xFFF9C000  }
0x6e: {  	[tilespmem:s21], [sflag:$0x2] =	stream.strided.gather [hbm4b:s5+s9], $0x800, s10, s9, $0x38;
	[tilespmem:$0x2200] =	vst v63  }
.LBB2_2:
0x6f: {  	_ =	swait.ge [sflag:s22], $0x800  }
0x70: {  	s29 =	rddreg [dreg:$0x4]  }
0x71: {  	s30 =	rddreg [dreg:$0x5]  }
0x72: {  	s31 =	rddreg [dreg:$0x6]  }
0x73: {  	[sflag:s22] =	ssyncset.done $0x0;
	s2 =	rddreg [dreg:$0x9]  }
0x74: {  	s0 =	rddreg [dreg:$0xa];
	[sflag:s22] =	ssyncadd.s32 $0xFFFFF800  }
0x75: {  	[tilespmem:s29], [sflag:$0x4] =	stream.indirect.gather [hbm4b:s3+s12], $0x1, s21, s12, $0xb8;
	[tilespmem:$0x2200] =	vst v63  }
0x76: {  	s29 =	rddreg [dreg:$0x7]  }
0x77: {  	[tilespmem:s31], [sflag:$0x4] =	stream.indirect.gather [hbm4b:s3+s12], $0x1, s30, s12, $0xb8;
	[tilespmem:$0x2200] =	vst v63  }
0x78: {  	s30 =	rddreg [dreg:$0x8]  }
0x79: {  	[tilespmem:s30], [sflag:$0x4] =	stream.indirect.gather [hbm4b:s3+s12], $0x1, s29, s12, $0xb8;
	[tilespmem:$0x2200] =	vst v63  }
0x7a: {  	s29 =	rddreg [dreg:$0xc]  }
0x7b: {  	s30 =	rddreg [dreg:$0xd]  }
0x7c: {  	[tilespmem:s0], [sflag:$0x4] =	stream.indirect.gather [hbm4b:s3+s12], $0x1, s2, s12, $0xb8;
	[tilespmem:$0x2200] =	vst v63  }
0x7d: {  	s0 =	rddreg [dreg:$0xb]  }
0x7e: {  	s2 =	rddreg [dreg:$0xe]  }
0x7f: {  	[tilespmem:s29], [sflag:$0x4] =	stream.indirect.gather [hbm4b:s3+s12], $0x1, s0, s12, $0xb8;
	[tilespmem:$0x2200] =	vst v63  }
0x80: {  	s0 =	rddreg [dreg:$0xf]  }
0x81: {  	s29 =	rddreg [dreg:$0x10]  }
0x82: {  	[tilespmem:s2], [sflag:$0x4] =	stream.indirect.gather [hbm4b:s3+s12], $0x1, s30, s12, $0xb8;
	[tilespmem:$0x2200] =	vst v63  }
0x83: {  	s30 =	rddreg [dreg:$0x11]  }
0x84: {  	s2 =	rddreg [dreg:$0x12]  }
0x85: {  	[tilespmem:s29], [sflag:$0x4] =	stream.indirect.gather [hbm4b:s3+s12], $0x1, s0, s12, $0xb8;
	[tilespmem:$0x2200] =	vst v63  }
0x86: {  	s0 =	rddreg [dreg:$0x13]  }
0x87: {  	s29 =	rddreg [dreg:$0x14]  }
0x88: {  	[tilespmem:s2], [sflag:$0x4] =	stream.indirect.gather [hbm4b:s3+s12], $0x1, s30, s12, $0xb8;
	[tilespmem:$0x2200] =	vst v63  }
0x89: {  	s30 =	rddreg [dreg:$0x15]  }
0x8a: {  	s2 =	rddreg [dreg:$0x16]  }
0x8b: {  	[tilespmem:s29], [sflag:$0x4] =	stream.indirect.gather [hbm4b:s3+s12], $0x1, s0, s12, $0xb8;
	[tilespmem:$0x2200] =	vst v63  }
0x8c: {  	s0 =	rddreg [dreg:$0x17]  }
0x8d: {  	s29 =	rddreg [dreg:$0x18]  }
0x8e: {  	[tilespmem:s2], [sflag:$0x4] =	stream.indirect.gather [hbm4b:s3+s12], $0x1, s30, s12, $0xb8;
	[tilespmem:$0x2200] =	vst v63  }
0x8f: {  	s30 =	rddreg [dreg:$0x19]  }
0x90: {  	s2 =	rddreg [dreg:$0x1a]  }
0x91: {  	[tilespmem:s29], [sflag:$0x4] =	stream.indirect.gather [hbm4b:s3+s12], $0x1, s0, s12, $0xb8;
	[tilespmem:$0x2200] =	vst v63  }
0x92: {  	s0 =	rddreg [dreg:$0x1b]  }
0x93: {  	s29 =	rddreg [dreg:$0x1c]  }
0x94: {  	[tilespmem:s2], [sflag:$0x4] =	stream.indirect.gather [hbm4b:s3+s12], $0x1, s30, s12, $0xb8;
	[tilespmem:$0x2200] =	vst v63  }
0x95: {  	s30 =	rddreg [dreg:$0x1d]  }
0x96: {  	s2 =	rddreg [dreg:$0x1e]  }
0x97: {  	[tilespmem:s29], [sflag:$0x4] =	stream.indirect.gather [hbm4b:s3+s12], $0x1, s0, s12, $0xb8;
	[tilespmem:$0x2200] =	vst v63  }
0x98: {  	s0 =	rddreg [dreg:$0x1f]  }
0x99: {  	s29 =	sld [smem:$0x7FB]  }
0x9a: {  	[tilespmem:s2], [sflag:$0x4] =	stream.indirect.gather [hbm4b:s3+s12], $0x1, s30, s12, $0xb8;
	[tilespmem:$0x2200] =	vst v63  }
0x9b: {  	s30 =	sld [smem:$0x7FC]  }
0x9c: {  	s2 =	sld [smem:$0x7FD]  }
0x9d: {  	[tilespmem:s29], [sflag:$0x4] =	stream.indirect.gather [hbm4b:s3+s12], $0x1, s0, s12, $0xb8;
	[tilespmem:$0x2200] =	vst v63  }
0x9e: {  	p0 =	seq.s32 s28, $0xFFFFC000  }
0x9f: {  	[tilespmem:s2], [sflag:$0x4] =	stream.indirect.gather [hbm4b:s3+s12], $0x1, s30, s12, $0xb8;
	[tilespmem:$0x2200] =	vst v63  }
0xa0: {  	s31 =	simm.s32 @!p0 $0x0;
	_ =	swait.ge [sflag:s23], $0x800  }
0xa1: {  	s0 =	sadd.s32 @!p0 s28, s8;
	s29 =	simm.s32 @!p0 $0x200;
	[sflag:s23] =	ssyncset.done $0x0  }
0xa2: {  	s0 =	sadd.s32 @!p0 $0x68000, s0;
	s30 =	simm.s32 @!p0 $0x400;
	[sflag:s23] =	ssyncadd.s32 $0xFFFFF800  }
0xa3: {  	[tilespmem:s31], [sflag:$0x1] =	stream.strided.gather @!p0 [hbm4b:s0+s29], $0x800, s30, s29, $0x38;
	[tilespmem:$0x2200] =	vst v63  }
0xa4: {  	v1 =	vld [tilespmem:$0x2000]  }
0xa5: {  	v4 =	vld [tilespmem:$0x1000]  }
0xa6: {  	v5 =	vld [tilespmem:$0x1400]  }
0xa7: {  	v6 =	vld [tilespmem:$0x1800]  }
0xa8: {  	v0 =	vld [tilespmem:$0x1C00]  }
0xa9: {  	v8 =	vld [tilespmem:$0x2010]  }
0xaa: {  	v9 =	vld [tilespmem:$0x1010]  }
0xab: {  	v10 =	vld [tilespmem:$0x1410]  }
0xac: {  	v11 =	vld [tilespmem:$0x1810]  }
0xad: {  	v51 =	vld [tilespmem:$0x1C10]  }
0xae: {  	v13 =	vld [tilespmem:$0x2020]  }
0xaf: {  	v14 =	vld [tilespmem:$0x1020]  }
0xb0: {  	v15 =	vld [tilespmem:$0x1420]  }
0xb1: {  	v16 =	vld [tilespmem:$0x1820]  }
0xb2: {  	v17 =	vld [tilespmem:$0x1C20]  }
0xb3: {  	v18 =	vld [tilespmem:$0x2030]  }
0xb4: {  	v19 =	vld [tilespmem:$0x1030]  }
0xb5: {  	v20 =	vld [tilespmem:$0x1430]  }
0xb6: {  	v21 =	vld [tilespmem:$0x1830]  }
0xb7: {  	v22 =	vld [tilespmem:$0x1C30]  }
0xb8: {  	v23 =	vld [tilespmem:$0x2040]  }
0xb9: {  	v24 =	vld [tilespmem:$0x1040]  }
0xba: {  	v25 =	vld [tilespmem:$0x1440]  }
0xbb: {  	v56 =	vld [tilespmem:$0x1840]  }
0xbc: {  	v60 =	vld [tilespmem:$0x1C40]  }
0xbd: {  	v28 =	vld [tilespmem:$0x2050]  }
0xbe: {  	v29 =	vld [tilespmem:$0x1050]  }
0xbf: {  	v30 =	vld [tilespmem:$0x1450]  }
0xc0: {  	v31 =	vld [tilespmem:$0x1850]  }
0xc1: {  	v61 =	vld [tilespmem:$0x1C50]  }
0xc2: {  	v33 =	vld [tilespmem:$0x2060]  }
0xc3: {  	v34 =	vld [tilespmem:$0x1060]  }
0xc4: {  	v35 =	vld [tilespmem:$0x1460]  }
0xc5: {  	v36 =	vld [tilespmem:$0x1860]  }
0xc6: {  	v62 =	vld [tilespmem:$0x1C60]  }
0xc7: {  	v38 =	vld [tilespmem:$0x2070]  }
0xc8: {  	v39 =	vld [tilespmem:$0x1070]  }
0xc9: {  	v40 =	vld [tilespmem:$0x1470]  }
0xca: {  	v63 =	vld [tilespmem:$0x1900]  }
0xcb: {  	v7 =	vld [tilespmem:$0x1D00];
	[tilespmem:$0x1FB80] =	vst v0  }
0xcc: {  	v41 =	vld [tilespmem:$0x1870];
	[tilespmem:$0x1FB90] =	vst v60  }
0xcd: {  	v42 =	vld [tilespmem:$0x1C70];
	[tilespmem:$0x1FBA0] =	vst v61  }
0xce: {  	v43 =	vld [tilespmem:$0x2080];
	[tilespmem:$0x1FBB0] =	vst v62  }
0xcf: {  	v44 =	vld [tilespmem:$0x1100];
	[tilespmem:$0x1FBC0] =	vst v63  }
0xd0: {  	v45 =	vld [tilespmem:$0x1500];
	[tilespmem:$0x1FBE0] =	vst v7  }
0xd1: {  	v48 =	vld [tilespmem:$0x2090]  }
0xd2: {  	v49 =	vld [tilespmem:$0x1110]  }
0xd3: {  	v50 =	vld [tilespmem:$0x1510]  }
0xd4: {  	v12 =	vld [tilespmem:$0x1910]  }
0xd5: {  	v26 =	vld [tilespmem:$0x1D10]  }
0xd6: {  	v53 =	vld [tilespmem:$0x20A0]  }
0xd7: {  	v54 =	vld [tilespmem:$0x1120]  }
0xd8: {  	v55 =	vld [tilespmem:$0x1520]  }
0xd9: {  	v27 =	vld [tilespmem:$0x1920]  }
0xda: {  	v32 =	vld [tilespmem:$0x1D20]  }
0xdb: {  	v58 =	vld [tilespmem:$0x20B0]  }
0xdc: {  	v59 =	vld [tilespmem:$0x1130]  }
0xdd: {  	v60 =	vld [tilespmem:$0x1530]  }
0xde: {  	v61 =	vld [tilespmem:$0x1930]  }
0xdf: {  	v37 =	vld [tilespmem:$0x1D30]  }
0xe0: {  	v63 =	vld [tilespmem:$0x20C0]  }
0xe1: {  	v47 =	vld [tilespmem:$0x1140]  }
0xe2: {  	v46 =	vld [tilespmem:$0x1540]  }
0xe3: {  	v52 =	vld [tilespmem:$0x1940]  }
0xe4: {  	v57 =	vld [tilespmem:$0x1D40]  }
0xe5: {  	v62 =	vld [tilespmem:$0x1550]  }
0xe6: {  	v7 =	vld [tilespmem:$0x1950]  }
0xe7: {  	v3 =	vld [tilespmem:$0x1160]  }
0xe8: {  	v2 =	vld [tilespmem:$0x20F0]  }
0xe9: {  	v0 =	vld [tilespmem:$0x1170]  }
0xea: {  	v1 =	vadd.f32 v4, v1;
	v4 =	vld [tilespmem:$0x1E30]  }
0xeb: {  	v8 =	vadd.f32 v9, v8;
	v9 =	vld [tilespmem:$0x2140]  }
0xec: {  	v19 =	vadd.f32 v19, v18;
	v18 =	vld [tilespmem:$0x1650]  }
0xed: {  	v29 =	vadd.f32 v29, v28;
	v28 =	vld [tilespmem:$0x1660]  }
0xee: {  	v38 =	vadd.f32 v39, v38;
	v39 =	vld [tilespmem:$0x1FB90]  }
0xef: {  	v34 =	vadd.f32 v34, v33;
	v33 =	vld [tilespmem:$0x2170]  }
0xf0: {  	v44 =	vadd.f32 v44, v43;
	v43 =	vld [tilespmem:$0x1300]  }
0xf1: {  	v8 =	vadd.f32 v10, v8;
	v10 =	vadd.f32 v20, v19;
	v20 =	vld [tilespmem:$0x1FB80]  }
0xf2: {  	v19 =	vadd.f32 v30, v29;
	v29 =	vld [tilespmem:$0x1A60]  }
0xf3: {  	v24 =	vadd.f32 v24, v23;
	v23 =	vadd.f32 v40, v38;
	v40 =	vld [tilespmem:$0x1FBA0]  }
0xf4: {  	v1 =	vadd.f32 v5, v1;
	v30 =	vld [tilespmem:$0x1E60]  }
0xf5: {  	v38 =	vld [tilespmem:$0x1670]  }
0xf6: {  	v6 =	vadd.f32 v6, v1;
	v1 =	vld [tilespmem:$0x1E40]  }
0xf7: {  	v8 =	vadd.f32 v11, v8;
	v11 =	vld [tilespmem:$0x2150]  }
0xf8: {  	v23 =	vadd.f32 v41, v23;
	v41 =	vld [tilespmem:$0x1FBB0]  }
0xf9: {  	v10 =	vadd.f32 v21, v10;
	v21 =	vadd.f32 v35, v34;
	v35 =	vld [tilespmem:$0x1270]  }
0xfa: {  	v19 =	vadd.f32 v31, v19;
	v31 =	vadd.f32 v45, v44;
	v44 =	vld [tilespmem:$0x1700]  }
0xfb: {  	[tilespmem:$0x1FC20] =	vst v37;
	v37 =	vld [tilespmem:$0x20D0]  }
0xfc: {  	[tilespmem:$0x1FBD0] =	vst v12;
	v12 =	vld [tilespmem:$0x1150]  }
0xfd: {  	[tilespmem:$0x1FC00] =	vst v26;
	v26 =	vld [tilespmem:$0x1D50]  }
0xfe: {  	[tilespmem:$0x1FC60] =	vst v7;
	v7 =	vld [tilespmem:$0x20E0]  }
0xff: {  	[tilespmem:$0x1FC50] =	vst v52;
	v52 =	vld [tilespmem:$0x1560]  }
0x100: {  	[tilespmem:$0x1FBF0] =	vst v27;
	v27 =	vld [tilespmem:$0x1960]  }
0x101: {  	[tilespmem:$0x1FC10] =	vst v32;
	v32 =	vld [tilespmem:$0x1D60]  }
0x102: {  	[tilespmem:$0x1FC30] =	vst v46;
	v46 =	vld [tilespmem:$0x1D70]  }
0x103: {  	[tilespmem:$0x1FC70] =	vst v57;
	v57 =	vld [tilespmem:$0x2100]  }
0x104: {  	[tilespmem:$0x1FC40] =	vst v62;
	v62 =	vld [tilespmem:$0x1200]  }
0x105: {  	v10 =	vadd.f32 v22, v10;
	v22 =	vld [tilespmem:$0x1E50]  }
0x106: {  	v8 =	vadd.f32 v51, v8;
	v51 =	vadd.f32 v54, v53;
	v54 =	vld [tilespmem:$0x1FBC0]  }
0x107: {  	v23 =	vadd.f32 v42, v23;
	v42 =	vld [tilespmem:$0x2180]  }
0x108: {  	v0 =	vadd.f32 v0, v2;
	v2 =	vld [tilespmem:$0x1310]  }
0x109: {  	v49 =	vadd.f32 v49, v48;
	v48 =	vld [tilespmem:$0x1710]  }
0x10a: {  	v6 =	vadd.f32 v20, v6;
	v20 =	vld [tilespmem:$0x1A50]  }
0x10b: {  	v19 =	vadd.f32 v40, v19;
	v40 =	vld [tilespmem:$0x1A70]  }
0x10c: {  	v53 =	vadd.f32 v59, v58;
	v58 =	vld [tilespmem:$0x1FBF0]  }
0x10d: {  	v59 =	vld [tilespmem:$0x1FC00]  }
0x10e: {  	v21 =	vadd.f32 v36, v21;
	v36 =	vadd.f32 v55, v51;
	v55 =	vld [tilespmem:$0x1FBD0]  }
0x10f: {  	v34 =	vadd.f32 v50, v49;
	v49 =	vld [tilespmem:$0x1F10]  }
0x110: {  	v50 =	vld [tilespmem:$0x21A0]  }
0x111: {  	v21 =	vadd.f32 v41, v21;
	v41 =	vld [tilespmem:$0x1E70]  }
0x112: {  	[tilespmem:$0x1FC80] =	vst v27;
	v27 =	vld [tilespmem:$0x1570]  }
0x113: {  	[tilespmem:$0x1FC90] =	vst v26;
	v26 =	vld [tilespmem:$0x1970]  }
0x114: {  	[tilespmem:$0x1FCB0] =	vst v32;
	v32 =	vld [tilespmem:$0x1600]  }
0x115: {  	[tilespmem:$0x1FCE0] =	vst v46;
	v46 =	vld [tilespmem:$0x1A00]  }
0x116: {  	[tilespmem:$0x1FCD0] =	vst v62;
	v62 =	vld [tilespmem:$0x2110]  }
0x117: {  	[tilespmem:$0x1FCC0] =	vst v57;
	v57 =	vld [tilespmem:$0x1E00]  }
0x118: {  	v12 =	vadd.f32 v12, v37;
	v37 =	vld [tilespmem:$0x1F00]  }
0x119: {  	v3 =	vadd.f32 v3, v7;
	v7 =	vld [tilespmem:$0x2190]  }
0x11a: {  	v31 =	vadd.f32 v54, v31;
	v54 =	vld [tilespmem:$0x1FC50]  }
0x11b: {  	[tilespmem:$0x1FCF0] =	vst v62;
	v62 =	vld [tilespmem:$0x1E10]  }
0x11c: {  	v36 =	vadd.f32 v58, v36;
	v58 =	vld [tilespmem:$0x1FC80]  }
0x11d: {  	[tilespmem:$0x1FD10] =	vst v32;
	v32 =	vld [tilespmem:$0x1210]  }
0x11e: {  	v34 =	vadd.f32 v55, v34;
	v55 =	vld [tilespmem:$0x1FC60]  }
0x11f: {  	v3 =	vadd.f32 v52, v3;
	v52 =	vld [tilespmem:$0x1320]  }
0x120: {  	[tilespmem:$0x1FD90] =	vst v62;
	v62 =	vld [tilespmem:$0x1A20]  }
0x121: {  	v34 =	vadd.f32 v59, v34;
	v59 =	vld [tilespmem:$0x1FC90]  }
0x122: {  	[tilespmem:$0x1FD00] =	vst v32;
	v32 =	vld [tilespmem:$0x1620]  }
0x123: {  	[tilespmem:$0x1FD70] =	vst v57;
	v57 =	vld [tilespmem:$0x1A10]  }
0x124: {  	[tilespmem:$0x1FD30] =	vst v46;
	v46 =	vld [tilespmem:$0x1610]  }
0x125: {  	[tilespmem:$0x1FD80] =	vst v62;
	v62 =	vld [tilespmem:$0x1630]  }
0x126: {  	[tilespmem:$0x1FCA0] =	vst v26;
	v26 =	vld [tilespmem:$0x1230]  }
0x127: {  	[tilespmem:$0x1FD40] =	vst v32;
	v32 =	vld [tilespmem:$0x1E20]  }
0x128: {  	[tilespmem:$0x1FD50] =	vst v57;
	v57 =	vld [tilespmem:$0x2120]  }
0x129: {  	[tilespmem:$0x1FD20] =	vst v46;
	v46 =	vld [tilespmem:$0x1220]  }
0x12a: {  	[tilespmem:$0x1FD60] =	vst v62;
	v62 =	vld [tilespmem:$0x1A30]  }
0x12b: {  	v0 =	vadd.f32 v27, v0;
	v27 =	vld [tilespmem:$0x1B10]  }
0x12c: {  	[tilespmem:$0x1FDB0] =	vst v32;
	v32 =	vld [tilespmem:$0x2130]  }
0x12d: {  	v3 =	vadd.f32 v58, v3;
	v58 =	vld [tilespmem:$0x1FCF0]  }
0x12e: {  	v46 =	vadd.f32 v46, v57;
	v57 =	vld [tilespmem:$0x1FD60]  }
0x12f: {  	[tilespmem:$0x1FDA0] =	vst v62;
	v62 =	vadd.f32 v14, v13;
	v13 =	vld [tilespmem:$0x1240]  }
0x130: {  	v14 =	vld [tilespmem:$0x1640]  }
0x131: {  	v26 =	vadd.f32 v26, v32;
	v32 =	vld [tilespmem:$0x1F20]  }
0x132: {  	v5 =	vadd.f32 v15, v62;
	v15 =	vld [tilespmem:$0x1A40]  }
0x133: {  	v62 =	vld [tilespmem:$0x1FC20]  }
0x134: {  	v26 =	vadd.f32 v57, v26;
	v57 =	vld [tilespmem:$0x1340];
	v5 =	vadd.f32 v16, v5  }
0x135: {  	v16 =	vld [tilespmem:$0x1250];
	v9 =	vadd.f32 v13, v9  }
0x136: {  	v13 =	vld [tilespmem:$0x1F30];
	v5 =	vadd.f32 v17, v5;
	v17 =	vadd.f32 v25, v24  }
0x137: {  	v24 =	vld [tilespmem:$0x2160]  }
0x138: {  	v25 =	vld [tilespmem:$0x1260];
	v17 =	vadd.f32 v56, v17  }
0x139: {  	v56 =	vld [tilespmem:$0x1FBE0]  }
0x13a: {  	v17 =	vadd.f32 v39, v17;
	v39 =	vadd.f32 v60, v53;
	v60 =	vld [tilespmem:$0x1FC10]  }
0x13b: {  	v53 =	vld [tilespmem:$0x1FC40]  }
0x13c: {  	v39 =	vadd.f32 v61, v39;
	v61 =	vadd.f32 v47, v63;
	v63 =	vld [tilespmem:$0x1FC30]  }
0x13d: {  	v47 =	vld [tilespmem:$0x1B00]  }
0x13e: {  	v31 =	vadd.f32 v56, v31;
	v56 =	vld [tilespmem:$0x1FC70]  }
0x13f: {  	v39 =	vadd.f32 v62, v39;
	v62 =	vld [tilespmem:$0x1FCC0]  }
0x140: {  	v36 =	vadd.f32 v60, v36;
	v12 =	vadd.f32 v53, v12;
	v60 =	vld [tilespmem:$0x1FCA0]  }
0x141: {  	v45 =	vadd.f32 v63, v61;
	v61 =	vld [tilespmem:$0x1FCB0]  }
0x142: {  	v12 =	vadd.f32 v55, v12;
	v63 =	vld [tilespmem:$0x1FCD0]  }
0x143: {  	v55 =	vld [tilespmem:$0x1B20]  }
0x144: {  	v12 =	vadd.f32 v59, v12;
	v59 =	vld [tilespmem:$0x1FD00]  }
0x145: {  	v45 =	vadd.f32 v54, v45;
	v54 =	vld [tilespmem:$0x1720]  }
0x146: {  	v0 =	vadd.f32 v60, v0;
	v60 =	vld [tilespmem:$0x1FD10]  }
0x147: {  	v45 =	vadd.f32 v56, v45;
	v56 =	vld [tilespmem:$0x1FCE0]  }
0x148: {  	v3 =	vadd.f32 v61, v3;
	v61 =	vld [tilespmem:$0x1FD20]  }
0x149: {  	v51 =	vadd.f32 v63, v62;
	v62 =	vld [tilespmem:$0x1FD30]  }
0x14a: {  	v63 =	vld [tilespmem:$0x1FD40]  }
0x14b: {  	v53 =	vadd.f32 v59, v58;
	v58 =	vld [tilespmem:$0x1FD70]  }
0x14c: {  	v59 =	vld [tilespmem:$0x1FD80]  }
0x14d: {  	v51 =	vadd.f32 v60, v51;
	v60 =	vld [tilespmem:$0x1FD90]  }
0x14e: {  	v0 =	vadd.f32 v56, v0;
	v56 =	vld [tilespmem:$0x1FD50]  }
0x14f: {  	[tilespmem:$0x2000] =	vst v6;
	v6 =	vadd.f32 v62, v51;
	v51 =	vld [tilespmem:$0x21B0]  }
0x150: {  	[tilespmem:$0x2010] =	vst v8;
	v9 =	vadd.f32 v14, v9;
	v53 =	vadd.f32 v61, v53;
	v61 =	vld [tilespmem:$0x1FDA0]  }
0x151: {  	[tilespmem:$0x2030] =	vst v10;
	v2 =	vadd.f32 v2, v7;
	v46 =	vadd.f32 v63, v46;
	v62 =	vld [tilespmem:$0x1FDB0]  }
0x152: {  	[tilespmem:$0x2070] =	vst v23;
	v9 =	vadd.f32 v15, v9;
	v63 =	vadd.f32 v16, v11;
	v11 =	vld [tilespmem:$0x21C0]  }
0x153: {  	[tilespmem:$0x2020] =	vst v5;
	v5 =	vadd.f32 v58, v6;
	v6 =	vadd.f32 v59, v46;
	v46 =	vld [tilespmem:$0x1730]  }
0x154: {  	[tilespmem:$0x2050] =	vst v19;
	v1 =	vadd.f32 v1, v9;
	v58 =	vadd.f32 v35, v33;
	v59 =	vld [tilespmem:$0x1740]  }
0x155: {  	[tilespmem:$0x2060] =	vst v21;
	v33 =	vadd.f32 v52, v50;
	v35 =	vadd.f32 v48, v2;
	v48 =	vld [tilespmem:$0x1B60]  }
0x156: {  	[tilespmem:$0x2040] =	vst v17;
	v50 =	vld [tilespmem:$0x1B70];
	v8 =	vadd.f32 v56, v53;
	v56 =	vadd.f32 v25, v24  }
0x157: {  	[tilespmem:$0x20B0] =	vst v39;
	v53 =	vld [tilespmem:$0x1330];
	v17 =	vadd.f32 v38, v58;
	v25 =	vadd.f32 v43, v42  }
0x158: {  	[tilespmem:$0x20F0] =	vst v0;
	v24 =	vld [tilespmem:$0x1350];
	v39 =	vadd.f32 v54, v33;
	v0 =	vadd.f32 v27, v35  }
0x159: {  	[tilespmem:$0x2090] =	vst v34;
	v38 =	vld [tilespmem:$0x21E0];
	v10 =	vadd.f32 v61, v26;
	v6 =	vadd.f32 v62, v6  }
0x15a: {  	[tilespmem:$0x20C0] =	vst v45;
	v42 =	vld [tilespmem:$0x1370];
	v45 =	vadd.f32 v57, v11;
	v8 =	vadd.f32 v60, v8  }
0x15b: {  	[tilespmem:$0x2080] =	vst v31;
	v43 =	vld [tilespmem:$0x1760];
	v14 =	vadd.f32 v28, v56;
	v17 =	vadd.f32 v40, v17  }
0x15c: {  	[tilespmem:$0x2100] =	vst v5;
	v26 =	vld [tilespmem:$0x1B30];
	v31 =	vadd.f32 v44, v25;
	v5 =	vadd.f32 v55, v39  }
0x15d: {  	[tilespmem:$0x2140] =	vst v1;
	v61 =	vld [tilespmem:$0x1F40];
	v0 =	vadd.f32 v49, v0;
	v4 =	vadd.f32 v4, v10  }
0x15e: {  	[tilespmem:$0x20A0] =	vst v36;
	v60 =	vld [tilespmem:$0x1B40];
	v10 =	vadd.f32 v18, v63;
	v62 =	vadd.f32 v29, v14  }
0x15f: {  	[tilespmem:$0x20E0] =	vst v3;
	v40 =	vld [tilespmem:$0x1360];
	v29 =	vadd.f32 v41, v17;
	v3 =	vadd.f32 v47, v31  }
0x160: {  	[tilespmem:$0x20D0] =	vst v12;
	v63 =	vld [tilespmem:$0x21D0];
	v44 =	vadd.f32 v32, v5;
	v5 =	vadd.f32 v59, v45  }
0x161: {  	[tilespmem:$0x2120] =	vst v6;
	v41 =	vld [tilespmem:$0x21F0];
	v10 =	vadd.f32 v20, v10;
	v36 =	vadd.f32 v53, v51  }
0x162: {  	v28 =	vld [tilespmem:$0x1750];
	[tilespmem:$0x2110] =	vst v8;
	v9 =	vadd.f32 v30, v62;
	v3 =	vadd.f32 v37, v3  }
0x163: {  	[tilespmem:$0x2190] =	vst v0;
	v10 =	vadd.f32 v22, v10;
	v2 =	vadd.f32 v46, v36;
	v46 =	vld [tilespmem:$0x1770]  }
0x164: {  	[tilespmem:$0x2130] =	vst v4;
	v30 =	vld [tilespmem:$0x1B50];
	v49 =	vadd.f32 v40, v38;
	v52 =	vadd.f32 v60, v5  }
0x165: {  	v51 =	vld [tilespmem:$0x1F60];
	[tilespmem:$0x2170] =	vst v29;
	v47 =	vadd.f32 v24, v63;
	v2 =	vadd.f32 v26, v2  }
0x166: {  	v34 =	vld [tilespmem:$0x1F50];
	[tilespmem:$0x21A0] =	vst v44;
	v6 =	vadd.f32 v42, v41;
	v4 =	vadd.f32 v43, v49  }
0x167: {  	v53 =	vld [tilespmem:$0x1F70];
	[tilespmem:$0x2150] =	vst v10;
	v55 =	vadd.f32 v61, v52;
	v10 =	vadd.f32 v28, v47  }
0x168: {  	[tilespmem:$0x2160] =	vst v9;
	v56 =	vadd.f32 v48, v4;
	v6 =	vadd.f32 v46, v6  }
0x169: {  	[tilespmem:$0x2180] =	vst v3;
	v2 =	vadd.f32 v13, v2;
	v54 =	vadd.f32 v30, v10  }
0x16a: {  	[tilespmem:$0x21C0] =	vst v55;
	v58 =	vadd.f32 v51, v56;
	v57 =	vadd.f32 v50, v6  }
0x16b: {  	[tilespmem:$0x21B0] =	vst v2;
	v0 =	vadd.f32 v34, v54  }
0x16c: {  	[tilespmem:$0x21E0] =	vst v58;
	v59 =	vadd.f32 v53, v57  }
0x16d: {  	p0 =	sne.s32 s28, $0xFFFFC000;
	[tilespmem:$0x21D0] =	vst v0  }
0x16e: {  	s0 =	simm.s32 @p0 $0x1;
	[tilespmem:$0x21F0] =	vst v59  }
0x16f: {  	_ =	swait.ge @p0 [sflag:s0], $0x800  }
0x170: {  	s29 =	simm.s32 @p0 $0x0;
	[sflag:s0] =	ssyncset.done @p0 $0x0  }
0x171: {  	s30 =	simm.s32 @p0 $0x1000;
	[sflag:s0] =	ssyncadd.s32 @p0 $0xFFFFF800;
	s0 =	simm.s32 @p0 $0x80  }
0x172: {  	[tilespmem:s30], [sflag:$0x3] =	stream.indirect.gather @p0 [hbm4b:s3+s0], $0x1, s29, s0, $0xb8;
	[tilespmem:$0x2200] =	vst v63  }
0x173: {  	s29 =	simm.s32 @p0 $0x200;
	s30 =	simm.s32 @p0 $0x1100  }
0x174: {  	[tilespmem:s30], [sflag:$0x3] =	stream.indirect.gather @p0 [hbm4b:s3+s0], $0x1, s29, s0, $0xb8;
	[tilespmem:$0x2200] =	vst v63  }
0x175: {  	s31 =	simm.s32 @p0 $0x1200;
	s30 =	simm.s32 @p0 $0x400  }
0x176: {  	[tilespmem:s31], [sflag:$0x3] =	stream.indirect.gather @p0 [hbm4b:s3+s0], $0x1, s30, s0, $0xb8;
	[tilespmem:$0x2200] =	vst v63  }
0x177: {  	s2 =	simm.s32 @p0 $0x1300;
	s31 =	simm.s32 @p0 $0x600  }
0x178: {  	[tilespmem:s2], [sflag:$0x3] =	stream.indirect.gather @p0 [hbm4b:s3+s0], $0x1, s31, s0, $0xb8;
	[tilespmem:$0x2200] =	vst v63  }
0x179: {  	s2 =	simm.s32 @p0 $0x1400  }
0x17a: {  	[tilespmem:s2], [sflag:$0x3] =	stream.indirect.gather @p0 [hbm4b:s3+s0], $0x1, s0, s0, $0xb8;
	[tilespmem:$0x2200] =	vst v63  }
0x17b: {  	s31 =	simm.s32 @p0 $0x1500;
	s2 =	simm.s32 @p0 $0x280  }
0x17c: {  	[tilespmem:s31], [sflag:$0x3] =	stream.indirect.gather @p0 [hbm4b:s3+s0], $0x1, s2, s0, $0xb8;
	[tilespmem:$0x2200] =	vst v63  }
0x17d: {  	s2 =	simm.s32 @p0 $0x480;
	s31 =	simm.s32 @p0 $0x1600  }
0x17e: {  	[tilespmem:s31], [sflag:$0x3] =	stream.indirect.gather @p0 [hbm4b:s3+s0], $0x1, s2, s0, $0xb8;
	[tilespmem:$0x2200] =	vst v63  }
0x17f: {  	s2 =	simm.s32 @p0 $0x680;
	s31 =	simm.s32 @p0 $0x1700  }
0x180: {  	[tilespmem:s31], [sflag:$0x3] =	stream.indirect.gather @p0 [hbm4b:s3+s0], $0x1, s2, s0, $0xb8;
	[tilespmem:$0x2200] =	vst v63  }
0x181: {  	s2 =	simm.s32 @p0 $0x100;
	s31 =	simm.s32 @p0 $0x1800  }
0x182: {  	[tilespmem:s31], [sflag:$0x3] =	stream.indirect.gather @p0 [hbm4b:s3+s0], $0x1, s2, s0, $0xb8;
	[tilespmem:$0x2200] =	vst v63  }
0x183: {  	s2 =	simm.s32 @p0 $0x300;
	s31 =	simm.s32 @p0 $0x1900  }
0x184: {  	[tilespmem:s31], [sflag:$0x3] =	stream.indirect.gather @p0 [hbm4b:s3+s0], $0x1, s2, s0, $0xb8;
	[tilespmem:$0x2200] =	vst v63  }
0x185: {  	s2 =	simm.s32 @p0 $0x500;
	s31 =	simm.s32 @p0 $0x1A00  }
0x186: {  	[tilespmem:s31], [sflag:$0x3] =	stream.indirect.gather @p0 [hbm4b:s3+s0], $0x1, s2, s0, $0xb8;
	[tilespmem:$0x2200] =	vst v63  }
0x187: {  	s2 =	simm.s32 @p0 $0x700;
	s31 =	simm.s32 @p0 $0x1B00  }
0x188: {  	[tilespmem:s31], [sflag:$0x3] =	stream.indirect.gather @p0 [hbm4b:s3+s0], $0x1, s2, s0, $0xb8;
	[tilespmem:$0x2200] =	vst v63  }
0x189: {  	s2 =	simm.s32 @p0 $0x180;
	s31 =	simm.s32 @p0 $0x1C00  }
0x18a: {  	[tilespmem:s31], [sflag:$0x3] =	stream.indirect.gather @p0 [hbm4b:s3+s0], $0x1, s2, s0, $0xb8;
	[tilespmem:$0x2200] =	vst v63  }
0x18b: {  	s2 =	simm.s32 @p0 $0x380;
	s31 =	simm.s32 @p0 $0x1D00  }
0x18c: {  	[tilespmem:s31], [sflag:$0x3] =	stream.indirect.gather @p0 [hbm4b:s3+s0], $0x1, s2, s0, $0xb8;
	[tilespmem:$0x2200] =	vst v63  }
0x18d: {  	s2 =	simm.s32 @p0 $0x580;
	s31 =	simm.s32 @p0 $0x1E00  }
0x18e: {  	[tilespmem:s31], [sflag:$0x3] =	stream.indirect.gather @p0 [hbm4b:s3+s0], $0x1, s2, s0, $0xb8;
	[tilespmem:$0x2200] =	vst v63  }
0x18f: {  	s2 =	simm.s32 @p0 $0x780;
	s31 =	simm.s32 @p0 $0x1F00  }
0x190: {  	[tilespmem:s31], [sflag:$0x3] =	stream.indirect.gather @p0 [hbm4b:s3+s0], $0x1, s2, s0, $0xb8;
	[tilespmem:$0x2200] =	vst v63  }
0x191: {  	s0 =	simm.s32 @p0 $0x4  }
0x192: {  	_ =	swait.ge @p0 [sflag:s0], $0x800  }
0x193: {  	s2 =	sadd.s32 @p0 s28, s8;
	[sflag:s0] =	ssyncset.done @p0 $0x0  }
0x194: {  	[sflag:s0] =	ssyncadd.s32 @p0 $0xFFFFF800;
	s0 =	sadd.s32 @p0 $0x68040, s2;
	s2 =	simm.s32 @p0 $0x800  }
0x195: {  	[tilespmem:s2], [sflag:$0x2] =	stream.strided.gather @p0 [hbm4b:s0+s29], $0x800, s30, s29, $0x38;
	[tilespmem:$0x2200] =	vst v63  }
0x196: {  	s0 =	simm.s32 @!p0 $0x4  }
0x197: {  	_ =	swait.ge @!p0 [sflag:s0], $0x800  }
0x198: {  	[sflag:s0] =	ssyncset.done @!p0 $0x0  }
0x199: {  	[sflag:s0] =	ssyncadd.s32 @!p0 $0xFFFFF800  }
0x19a: {  	v0 =	vld [tilespmem:$0x2000]  }
0x19b: {  	v1 =	vld [tilespmem:$0x1080]  }
0x19c: {  	v4 =	vld [tilespmem:$0x1480]  }
0x19d: {  	v11 =	vld [tilespmem:$0x1880]  }
0x19e: {  	v60 =	vld [tilespmem:$0x1C80]  }
0x19f: {  	v7 =	vld [tilespmem:$0x2010]  }
0x1a0: {  	v8 =	vld [tilespmem:$0x1090]  }
0x1a1: {  	v9 =	vld [tilespmem:$0x1490]  }
0x1a2: {  	v10 =	vld [tilespmem:$0x1890]  }
0x1a3: {  	v46 =	vld [tilespmem:$0x1C90]  }
0x1a4: {  	v12 =	vld [tilespmem:$0x2020]  }
0x1a5: {  	v13 =	vld [tilespmem:$0x10A0]  }
0x1a6: {  	v14 =	vld [tilespmem:$0x14A0]  }
0x1a7: {  	v15 =	vld [tilespmem:$0x18A0]  }
0x1a8: {  	v16 =	vld [tilespmem:$0x1CA0]  }
0x1a9: {  	v17 =	vld [tilespmem:$0x2030]  }
0x1aa: {  	v18 =	vld [tilespmem:$0x10B0]  }
0x1ab: {  	v19 =	vld [tilespmem:$0x14B0]  }
0x1ac: {  	v20 =	vld [tilespmem:$0x18B0]  }
0x1ad: {  	v21 =	vld [tilespmem:$0x1CB0]  }
0x1ae: {  	v22 =	vld [tilespmem:$0x2040]  }
0x1af: {  	v23 =	vld [tilespmem:$0x10C0]  }
0x1b0: {  	v24 =	vld [tilespmem:$0x14C0]  }
0x1b1: {  	v55 =	vld [tilespmem:$0x18C0]  }
0x1b2: {  	v61 =	vld [tilespmem:$0x1CC0]  }
0x1b3: {  	v27 =	vld [tilespmem:$0x2050]  }
0x1b4: {  	v28 =	vld [tilespmem:$0x10D0]  }
0x1b5: {  	v29 =	vld [tilespmem:$0x14D0]  }
0x1b6: {  	v30 =	vld [tilespmem:$0x18D0]  }
0x1b7: {  	v62 =	vld [tilespmem:$0x1CD0]  }
0x1b8: {  	v32 =	vld [tilespmem:$0x2060]  }
0x1b9: {  	v33 =	vld [tilespmem:$0x10E0]  }
0x1ba: {  	v34 =	vld [tilespmem:$0x14E0]  }
0x1bb: {  	v35 =	vld [tilespmem:$0x18E0]  }
0x1bc: {  	v63 =	vld [tilespmem:$0x1CE0]  }
0x1bd: {  	v37 =	vld [tilespmem:$0x2070]  }
0x1be: {  	v38 =	vld [tilespmem:$0x10F0]  }
0x1bf: {  	v39 =	vld [tilespmem:$0x14F0]  }
0x1c0: {  	v40 =	vld [tilespmem:$0x18F0]  }
0x1c1: {  	v50 =	vld [tilespmem:$0x1CF0]  }
0x1c2: {  	v42 =	vld [tilespmem:$0x2080]  }
0x1c3: {  	v43 =	vld [tilespmem:$0x1180]  }
0x1c4: {  	v44 =	vld [tilespmem:$0x1580]  }
0x1c5: {  	v5 =	vld [tilespmem:$0x1980]  }
0x1c6: {  	v6 =	vld [tilespmem:$0x1D80]  }
0x1c7: {  	v47 =	vld [tilespmem:$0x2090]  }
0x1c8: {  	v48 =	vld [tilespmem:$0x1190]  }
0x1c9: {  	v49 =	vld [tilespmem:$0x1590]  }
0x1ca: {  	v25 =	vld [tilespmem:$0x1990]  }
0x1cb: {  	v26 =	vld [tilespmem:$0x1D90]  }
0x1cc: {  	v52 =	vld [tilespmem:$0x20A0]  }
0x1cd: {  	v53 =	vld [tilespmem:$0x11A0]  }
0x1ce: {  	v54 =	vld [tilespmem:$0x15A0]  }
0x1cf: {  	v31 =	vld [tilespmem:$0x19A0]  }
0x1d0: {  	v36 =	vld [tilespmem:$0x1DA0]  }
0x1d1: {  	v57 =	vld [tilespmem:$0x20B0]  }
0x1d2: {  	v58 =	vld [tilespmem:$0x11B0]  }
0x1d3: {  	v59 =	vld [tilespmem:$0x15B0]  }
0x1d4: {  	v41 =	vld [tilespmem:$0x1DB0]  }
0x1d5: {  	v45 =	vld [tilespmem:$0x15C0]  }
0x1d6: {  	v51 =	vld [tilespmem:$0x19C0]  }
0x1d7: {  	v56 =	vld [tilespmem:$0x1DC0]  }
0x1d8: {  	v3 =	vld [tilespmem:$0x20F0]  }
0x1d9: {  	v2 =	vld [tilespmem:$0x11F0]  }
0x1da: {  	[tilespmem:$0x1FDC0] =	vst v60;
	v60 =	vld [tilespmem:$0x19B0]  }
0x1db: {  	[tilespmem:$0x1FDE0] =	vst v62;
	v62 =	vld [tilespmem:$0x20C0]  }
0x1dc: {  	[tilespmem:$0x1FDF0] =	vst v63;
	v63 =	vld [tilespmem:$0x11C0]  }
0x1dd: {  	[tilespmem:$0x1FE60] =	vst v41;
	v41 =	vld [tilespmem:$0x20D0]  }
0x1de: {  	[tilespmem:$0x1FE10] =	vst v25;
	v25 =	vld [tilespmem:$0x11D0]  }
0x1df: {  	[tilespmem:$0x1FDD0] =	vst v61;
	v61 =	vld [tilespmem:$0x15D0]  }
0x1e0: {  	[tilespmem:$0x1FE00] =	vst v5;
	v5 =	vld [tilespmem:$0x19D0]  }
0x1e1: {  	[tilespmem:$0x1FE20] =	vst v6;
	v6 =	vld [tilespmem:$0x1DD0]  }
0x1e2: {  	[tilespmem:$0x1FE90] =	vst v51;
	v51 =	vld [tilespmem:$0x15E0]  }
0x1e3: {  	[tilespmem:$0x1FE40] =	vst v26;
	v26 =	vld [tilespmem:$0x19E0]  }
0x1e4: {  	[tilespmem:$0x1FE30] =	vst v31;
	v31 =	vld [tilespmem:$0x1DE0]  }
0x1e5: {  	[tilespmem:$0x1FE50] =	vst v36;
	v36 =	vld [tilespmem:$0x19F0]  }
0x1e6: {  	[tilespmem:$0x1FE70] =	vst v45;
	v45 =	vld [tilespmem:$0x1DF0]  }
0x1e7: {  	[tilespmem:$0x1FEB0] =	vst v56;
	v56 =	vld [tilespmem:$0x2100]  }
0x1e8: {  	v0 =	vadd.f32 v1, v0;
	v1 =	vld [tilespmem:$0x1EB0]  }
0x1e9: {  	v7 =	vadd.f32 v8, v7;
	v8 =	vld [tilespmem:$0x2140]  }
0x1ea: {  	v18 =	vadd.f32 v18, v17;
	v17 =	vld [tilespmem:$0x16D0]  }
0x1eb: {  	v28 =	vadd.f32 v28, v27;
	v27 =	vld [tilespmem:$0x16E0]  }
0x1ec: {  	v33 =	vadd.f32 v33, v32;
	v32 =	vld [tilespmem:$0x2170]  }
0x1ed: {  	v48 =	vadd.f32 v48, v47;
	v47 =	vld [tilespmem:$0x1B80]  }
0x1ee: {  	v2 =	vadd.f32 v2, v3;
	v3 =	vld [tilespmem:$0x1390]  }
0x1ef: {  	v37 =	vadd.f32 v38, v37;
	v38 =	vld [tilespmem:$0x1FDD0]  }
0x1f0: {  	v7 =	vadd.f32 v9, v7;
	v9 =	vadd.f32 v19, v18;
	v19 =	vld [tilespmem:$0x1FDC0]  }
0x1f1: {  	v18 =	vadd.f32 v29, v28;
	v28 =	vld [tilespmem:$0x1AE0]  }
0x1f2: {  	v23 =	vadd.f32 v23, v22;
	v22 =	vadd.f32 v39, v37;
	v39 =	vld [tilespmem:$0x1FDE0]  }
0x1f3: {  	v0 =	vadd.f32 v4, v0;
	v29 =	vld [tilespmem:$0x1EE0]  }
0x1f4: {  	v37 =	vld [tilespmem:$0x16F0]  }
0x1f5: {  	v11 =	vadd.f32 v11, v0;
	v0 =	vld [tilespmem:$0x1EC0]  }
0x1f6: {  	v22 =	vadd.f32 v40, v22;
	v40 =	vld [tilespmem:$0x1FDF0]  }
0x1f7: {  	v9 =	vadd.f32 v20, v9;
	v20 =	vadd.f32 v34, v33;
	v34 =	vld [tilespmem:$0x12F0]  }
0x1f8: {  	v33 =	vadd.f32 v49, v48;
	v48 =	vld [tilespmem:$0x1790]  }
0x1f9: {  	v49 =	vld [tilespmem:$0x1F90]  }
0x1fa: {  	[tilespmem:$0x1FED0] =	vst v6;
	v6 =	vld [tilespmem:$0x20E0]  }
0x1fb: {  	[tilespmem:$0x1FEA0] =	vst v5;
	v5 =	vld [tilespmem:$0x11E0]  }
0x1fc: {  	[tilespmem:$0x1FEF0] =	vst v31;
	v31 =	vld [tilespmem:$0x15F0]  }
0x1fd: {  	[tilespmem:$0x1FE80] =	vst v61;
	v61 =	vld [tilespmem:$0x1280]  }
0x1fe: {  	[tilespmem:$0x1FEE0] =	vst v36;
	v36 =	vld [tilespmem:$0x1680]  }
0x1ff: {  	[tilespmem:$0x1FF20] =	vst v45;
	v45 =	vld [tilespmem:$0x1A80]  }
0x200: {  	[tilespmem:$0x1FF00] =	vst v56;
	v56 =	vld [tilespmem:$0x1E80]  }
0x201: {  	[tilespmem:$0x1FEC0] =	vst v26;
	v26 =	vld [tilespmem:$0x12B0]  }
0x202: {  	v25 =	vadd.f32 v25, v41;
	v41 =	vld [tilespmem:$0x1F80]  }
0x203: {  	v7 =	vadd.f32 v10, v7;
	v9 =	vadd.f32 v21, v9;
	v21 =	vld [tilespmem:$0x1ED0]  }
0x204: {  	v22 =	vadd.f32 v50, v22;
	v50 =	vadd.f32 v53, v52;
	v53 =	vld [tilespmem:$0x1FE00]  }
0x205: {  	v7 =	vadd.f32 v46, v7;
	v46 =	vadd.f32 v43, v42;
	v42 =	vld [tilespmem:$0x2180]  }
0x206: {  	v52 =	vadd.f32 v58, v57;
	v57 =	vld [tilespmem:$0x1FE20]  }
0x207: {  	v58 =	vld [tilespmem:$0x1FE30]  }
0x208: {  	v43 =	vld [tilespmem:$0x1380]  }
0x209: {  	v63 =	vadd.f32 v63, v62;
	v62 =	vld [tilespmem:$0x1FEF0]  }
0x20a: {  	v18 =	vadd.f32 v30, v18;
	v10 =	vadd.f32 v19, v11;
	v11 =	vld [tilespmem:$0x2150]  }
0x20b: {  	v19 =	vld [tilespmem:$0x1AD0]  }
0x20c: {  	v18 =	vadd.f32 v39, v18;
	v39 =	vld [tilespmem:$0x1AF0]  }
0x20d: {  	v30 =	vadd.f32 v44, v46;
	v44 =	vld [tilespmem:$0x1780]  }
0x20e: {  	v20 =	vadd.f32 v35, v20;
	v35 =	vadd.f32 v54, v50;
	v54 =	vld [tilespmem:$0x1FE80]  }
0x20f: {  	v50 =	vld [tilespmem:$0x21A0]  }
0x210: {  	v20 =	vadd.f32 v40, v20;
	v40 =	vld [tilespmem:$0x1EF0]  }
0x211: {  	[tilespmem:$0x1FF10] =	vst v61;
	v61 =	vld [tilespmem:$0x2110]  }
0x212: {  	[tilespmem:$0x1FF50] =	vst v36;
	v36 =	vld [tilespmem:$0x1290]  }
0x213: {  	[tilespmem:$0x1FF70] =	vst v45;
	v45 =	vld [tilespmem:$0x1690]  }
0x214: {  	[tilespmem:$0x1FFB0] =	vst v56;
	v56 =	vld [tilespmem:$0x1A90]  }
0x215: {  	v5 =	vadd.f32 v5, v6;
	v6 =	vld [tilespmem:$0x2190]  }
0x216: {  	v2 =	vadd.f32 v31, v2;
	v31 =	vld [tilespmem:$0x1B90]  }
0x217: {  	[tilespmem:$0x1FF30] =	vst v61;
	v61 =	vld [tilespmem:$0x1E90]  }
0x218: {  	v30 =	vadd.f32 v53, v30;
	v53 =	vld [tilespmem:$0x1FE70]  }
0x219: {  	v35 =	vadd.f32 v58, v35;
	v58 =	vld [tilespmem:$0x1FEB0]  }
0x21a: {  	v30 =	vadd.f32 v57, v30;
	v57 =	vld [tilespmem:$0x1FEA0]  }
0x21b: {  	[tilespmem:$0x1FF40] =	vst v36;
	v36 =	vld [tilespmem:$0x16A0]  }
0x21c: {  	[tilespmem:$0x1FFD0] =	vst v61;
	v61 =	vld [tilespmem:$0x1AA0]  }
0x21d: {  	v25 =	vadd.f32 v54, v25;
	v54 =	vld [tilespmem:$0x17A0]  }
0x21e: {  	[tilespmem:$0x1FF90] =	vst v56;
	v56 =	vld [tilespmem:$0x2120]  }
0x21f: {  	[tilespmem:$0x1FF60] =	vst v45;
	v45 =	vld [tilespmem:$0x12A0]  }
0x220: {  	[tilespmem:$0x1FF80] =	vst v36;
	v36 =	vld [tilespmem:$0x1EA0]  }
0x221: {  	[tilespmem:$0x1FFC0] =	vst v61;
	v61 =	vld [tilespmem:$0x16B0]  }
0x222: {  	v46 =	vadd.f32 v53, v63;
	v63 =	vld [tilespmem:$0x1FF00]  }
0x223: {  	v25 =	vadd.f32 v57, v25;
	v57 =	vld [tilespmem:$0x1FF10]  }
0x224: {  	[tilespmem:$0x2080] =	vst v30;
	v30 =	vld [tilespmem:$0x1BD0]  }
0x225: {  	[tilespmem:$0x1FFF0] =	vst v36;
	v36 =	vld [tilespmem:$0x2130]  }
0x226: {  	[tilespmem:$0x1FFA0] =	vst v61;
	v61 =	vld [tilespmem:$0x1AB0]  }
0x227: {  	v45 =	vadd.f32 v45, v56;
	v56 =	vld [tilespmem:$0x1FF80]  }
0x228: {  	v5 =	vadd.f32 v51, v5;
	v51 =	vadd.f32 v57, v63;
	v63 =	vld [tilespmem:$0x1FF70]  }
0x229: {  	v57 =	vld [tilespmem:$0x1FF90]  }
0x22a: {  	v26 =	vadd.f32 v26, v36;
	v36 =	vld [tilespmem:$0x1FA0]  }
0x22b: {  	[tilespmem:$0x1FFE0] =	vst v61;
	v61 =	vadd.f32 v13, v12;
	v12 =	vld [tilespmem:$0x12C0]  }
0x22c: {  	v13 =	vld [tilespmem:$0x16C0]  }
0x22d: {  	v4 =	vadd.f32 v14, v61;
	v61 =	vld [tilespmem:$0x1FE50]  }
0x22e: {  	v14 =	vld [tilespmem:$0x1AC0]  }
0x22f: {  	v4 =	vadd.f32 v15, v4;
	v15 =	vld [tilespmem:$0x12D0]  }
0x230: {  	v8 =	vadd.f32 v12, v8;
	v12 =	vld [tilespmem:$0x1FB0]  }
0x231: {  	v4 =	vadd.f32 v16, v4;
	v16 =	vadd.f32 v24, v23;
	v23 =	vld [tilespmem:$0x2160]  }
0x232: {  	v35 =	vadd.f32 v61, v35;
	v61 =	vld [tilespmem:$0x1FEE0]  }
0x233: {  	v16 =	vadd.f32 v55, v16;
	v55 =	vld [tilespmem:$0x1FE10]  }
0x234: {  	v24 =	vld [tilespmem:$0x12E0]  }
0x235: {  	v16 =	vadd.f32 v38, v16;
	v38 =	vadd.f32 v59, v52;
	v59 =	vld [tilespmem:$0x1FE40]  }
0x236: {  	v52 =	vld [tilespmem:$0x1FE60]  }
0x237: {  	v38 =	vadd.f32 v60, v38;
	v60 =	vld [tilespmem:$0x1FED0]  }
0x238: {  	v2 =	vadd.f32 v61, v2;
	v61 =	vld [tilespmem:$0x1FF50];
	v33 =	vadd.f32 v55, v33  }
0x239: {  	v55 =	vld [tilespmem:$0x1FE90]  }
0x23a: {  	v33 =	vadd.f32 v59, v33;
	v59 =	vld [tilespmem:$0x1FEC0]  }
0x23b: {  	v38 =	vadd.f32 v52, v38;
	v52 =	vld [tilespmem:$0x13A0]  }
0x23c: {  	v25 =	vadd.f32 v60, v25;
	v60 =	vld [tilespmem:$0x1FF40]  }
0x23d: {  	v51 =	vadd.f32 v61, v51;
	v61 =	vld [tilespmem:$0x1FFD0]  }
0x23e: {  	[tilespmem:$0x20B0] =	vst v38;
	v38 =	vld [tilespmem:$0x21E0];
	v46 =	vadd.f32 v55, v46  }
0x23f: {  	v55 =	vld [tilespmem:$0x1BA0]  }
0x240: {  	v46 =	vadd.f32 v58, v46;
	v58 =	vld [tilespmem:$0x1FF20]  }
0x241: {  	v5 =	vadd.f32 v59, v5;
	v59 =	vld [tilespmem:$0x1FF30]  }
0x242: {  	[tilespmem:$0x2000] =	vst v10;
	v10 =	vadd.f32 v63, v51;
	v51 =	vld [tilespmem:$0x21B0]  }
0x243: {  	v5 =	vadd.f32 v62, v5;
	v62 =	vld [tilespmem:$0x1FF60]  }
0x244: {  	v3 =	vadd.f32 v3, v6;
	v63 =	vld [tilespmem:$0x1FFF0]  }
0x245: {  	v8 =	vadd.f32 v13, v8;
	v2 =	vadd.f32 v58, v2;
	v58 =	vld [tilespmem:$0x1FFA0]  }
0x246: {  	v45 =	vadd.f32 v56, v45;
	v53 =	vadd.f32 v60, v59;
	v59 =	vld [tilespmem:$0x1FFB0]  }
0x247: {  	v8 =	vadd.f32 v14, v8;
	[tilespmem:$0x20A0] =	vst v35;
	v35 =	vadd.f32 v48, v3;
	v60 =	vld [tilespmem:$0x1FFC0]  }
0x248: {  	[tilespmem:$0x2090] =	vst v33;
	v33 =	vadd.f32 v52, v50;
	v50 =	vld [tilespmem:$0x17F0];
	v53 =	vadd.f32 v62, v53  }
0x249: {  	[tilespmem:$0x2010] =	vst v7;
	v56 =	vadd.f32 v15, v11;
	v0 =	vadd.f32 v0, v8;
	v62 =	vld [tilespmem:$0x1FFE0]  }
0x24a: {  	v52 =	vld [tilespmem:$0x1BE0];
	[tilespmem:$0x20F0] =	vst v2;
	v2 =	vadd.f32 v31, v35;
	v7 =	vadd.f32 v57, v53  }
0x24b: {  	[tilespmem:$0x2020] =	vst v4;
	v53 =	vld [tilespmem:$0x13B0];
	v26 =	vadd.f32 v58, v26;
	v4 =	vadd.f32 v59, v10  }
0x24c: {  	v57 =	vld [tilespmem:$0x21C0];
	v10 =	vadd.f32 v60, v45;
	v58 =	vadd.f32 v24, v23  }
0x24d: {  	[tilespmem:$0x2030] =	vst v9;
	v45 =	vld [tilespmem:$0x17B0];
	v60 =	vadd.f32 v34, v32;
	v7 =	vadd.f32 v61, v7  }
0x24e: {  	[tilespmem:$0x2070] =	vst v22;
	v59 =	vld [tilespmem:$0x13C0];
	v9 =	vadd.f32 v62, v26;
	v10 =	vadd.f32 v63, v10  }
0x24f: {  	[tilespmem:$0x2040] =	vst v16;
	v24 =	vld [tilespmem:$0x21D0];
	v13 =	vadd.f32 v27, v58;
	v16 =	vadd.f32 v37, v60  }
0x250: {  	[tilespmem:$0x2050] =	vst v18;
	v61 =	vld [tilespmem:$0x17C0];
	v1 =	vadd.f32 v1, v9;
	v9 =	vadd.f32 v17, v56  }
0x251: {  	[tilespmem:$0x2060] =	vst v20;
	v26 =	vld [tilespmem:$0x1BB0];
	v23 =	vadd.f32 v28, v13;
	v16 =	vadd.f32 v39, v16  }
0x252: {  	[tilespmem:$0x2140] =	vst v0;
	v27 =	vld [tilespmem:$0x13D0];
	v28 =	vadd.f32 v43, v42;
	v37 =	vadd.f32 v53, v51  }
0x253: {  	[tilespmem:$0x20D0] =	vst v25;
	v62 =	vld [tilespmem:$0x1BC0];
	v9 =	vadd.f32 v19, v9;
	v8 =	vadd.f32 v29, v23  }
0x254: {  	[tilespmem:$0x20C0] =	vst v46;
	v42 =	vld [tilespmem:$0x13E0];
	v16 =	vadd.f32 v40, v16;
	v32 =	vadd.f32 v44, v28  }
0x255: {  	[tilespmem:$0x20E0] =	vst v5;
	v43 =	vld [tilespmem:$0x21F0];
	v40 =	vadd.f32 v54, v33;
	v3 =	vadd.f32 v45, v37  }
0x256: {  	[tilespmem:$0x2100] =	vst v4;
	v29 =	vld [tilespmem:$0x17D0];
	v45 =	vadd.f32 v49, v2;
	v49 =	vadd.f32 v59, v57  }
0x257: {  	[tilespmem:$0x2110] =	vst v7;
	v44 =	vld [tilespmem:$0x13F0];
	v51 =	vadd.f32 v27, v24;
	v9 =	vadd.f32 v21, v9  }
0x258: {  	[tilespmem:$0x2120] =	vst v10;
	v39 =	vadd.f32 v47, v32;
	v5 =	vadd.f32 v55, v40;
	v47 =	vld [tilespmem:$0x17E0]  }
0x259: {  	v34 =	vld [tilespmem:$0x1FD0];
	[tilespmem:$0x2130] =	vst v1;
	v46 =	vadd.f32 v26, v3;
	v53 =	vadd.f32 v42, v38  }
0x25a: {  	v63 =	vld [tilespmem:$0x1FC0];
	[tilespmem:$0x2160] =	vst v8;
	v4 =	vadd.f32 v41, v39;
	v48 =	vadd.f32 v36, v5  }
0x25b: {  	v54 =	vld [tilespmem:$0x1BF0];
	[tilespmem:$0x2170] =	vst v16;
	v2 =	vadd.f32 v12, v46;
	v5 =	vadd.f32 v61, v49  }
0x25c: {  	v55 =	vld [tilespmem:$0x1FE0];
	[tilespmem:$0x2150] =	vst v9;
	v9 =	vadd.f32 v29, v51;
	v7 =	vadd.f32 v44, v43  }
0x25d: {  	v57 =	vld [tilespmem:$0x1FF0];
	[tilespmem:$0x2190] =	vst v45;
	v56 =	vadd.f32 v62, v5;
	v3 =	vadd.f32 v47, v53  }
0x25e: {  	s28 =	sadd.s32 $0x4000, s28;
	[tilespmem:$0x2180] =	vst v4;
	v58 =	vadd.f32 v30, v9;
	v59 =	vadd.f32 v50, v7  }
0x25f: {  	p0 =	sne.s32 s28, $0x0;
	[tilespmem:$0x21A0] =	vst v48;
	v60 =	vadd.f32 v63, v56;
	v3 =	vadd.f32 v52, v3  }
.Ltmp0:
0x260: {  	[tilespmem:$0x21B0] =	vst v2;
	v1 =	vadd.f32 v34, v58;
	v61 =	vadd.f32 v54, v59;
	(pc) =	sbr.rel @p0 .LBB2_2-.Ltmp0, $4  }
0x261: {  	[tilespmem:$0x21C0] =	vst v60;
	v62 =	vadd.f32 v55, v3  }
0x262: {  	[tilespmem:$0x21D0] =	vst v1;
	v63 =	vadd.f32 v57, v61  }
0x263: {  	[tilespmem:$0x21E0] =	vst v62  }
0x264: {  	[tilespmem:$0x21F0] =	vst v63  }
0x265: {  	s26 =	sadd.s32 $0x1, s26  }
0x266: {  	p0 =	sne.s32 s26, s7  }
.Ltmp1:
0x267: {  	_ = 	snop;
	(pc) =	sbr.rel @p0 .LBB2_1-.Ltmp1, $4  }
0x268: {  	[hbm4b:s6+s1] =	stream.linear.scatter [tilespmem:s24], [sflag:$0x5], $0x200, $0x38;
	[tilespmem:$0x2200] =	vst v63  }
0x269: {  	_ =	swait.ge [sflag:s25], $0x200  }
0x26a: {  	[sflag:s25] =	ssyncset.done $0x0  }
0x26b: {  	[sflag:s25] =	ssyncadd.s32 $0xFFFFFE00  }
0x26c: {  	_ =	sfence.sel $0x180000  }
0x26d: {  	[bflag:$0x0] =	sbarrier.arrive $0xFFFF  }
0x26e: {  	_ =	strace $0x90000047  }
0x26f: {  	s0 =	stileid.u32;
	[bflag:$0x2] =	sbarrier.arrive $0xFFFF  }
0x270: {  	p0 =	sne.s32 s0, $0x0;
	s0 =	rddreg [dreg:$0x3]  }
0x271: {  	s0 =	sadd.s32 @!p0 $0x100000, s0  }
0x272: {  	[sflag:s0] =	ssyncadd.tile.s32 @!p0 $0x1;
	_ =	shalt  }
.Lfunc_end2:
_tile_overlayer_lowered:
.L_overlay_start_2:
0x273: {  	(tag) =	ssettag $0x2  }
0x274: {  	s0 =	rddreg [dreg:$0x0];
	s2 =	stileid.u32  }
0x275: {  	s1 =	rddreg [dreg:$0x1];
	p0 =	sne.s32 s2, $0x0  }
0x276: {  	s3 =	rddreg [dreg:$0x2];
	[bflag:$0x3] =	sbarrier.arrive $0xFFFF;
	s2 =	simm.s32 @!p0 $0x1C05  }
0x277: {  	[timem:s3], [sflag:s2] =	dma.local @!p0 [hbm:s0], s1  }
0x278: {  	s0 =	simm.s32 @!p0 $0x5  }
0x279: {  	_ =	swait.ge @!p0 [sflag:s0], s1  }
0x27a: {  	s1 =	ssub.s32 @!p0 $0x0, s1;
	[sflag:s0] =	ssyncset.done @!p0 $0x0  }
0x27b: {  	[sflag:s0] =	ssyncadd.s32 @!p0 s1  }
0x27c: {  	[bflag:$0x3] =	sbarrier.arrive $0xFFFF  }
0x27d: {  	_ =	shalt  }

</sc_bundles>
